<compile_context>
chip_gen: v7x
topology: tpu7x:2x2x1
jax: 0.10.2.dev20260603
libtpu: 0.0.44.dev20260713+nightly
codegen_flags: <defaults>
</compile_context>

<pallas_src>
import functools

import jax
import jax.numpy as jnp
from jax import lax
from jax.experimental import pallas as pl
from jax.experimental.pallas import tpu as pltpu
from jax.experimental.pallas import tpu_sc as plsc

N = 10000
E = 320000
IN_DIM = 128
HID_DIM = 128
OUT_DIM = 64

NC = 2
NS = 16
NW = NC * NS
CH = 128
ROWS_PER_SUB = 632
NPAD = NS * ROWS_PER_SUB
STEPS = 80
EPW = STEPS * CH
EPAD = EPW * NW
IBLK = 8
NIB = STEPS // IBLK


def _vmesh():
    return plsc.VectorSubcoreMesh(core_axis_name="c", subcore_axis_name="s")


def _make_edge_agg(D):
    @functools.partial(
        pl.kernel,
        out_type=jax.ShapeDtypeStruct((NC, NPAD, D), jnp.float32),
        mesh=_vmesh(),
        scratch_types=[
            pltpu.VMEM((IBLK, CH), jnp.int32),
            pltpu.VMEM((IBLK, CH), jnp.int32),
            pltpu.VMEM((IBLK, CH), jnp.int32),
            pltpu.VMEM((IBLK, CH), jnp.int32),
            pltpu.VMEM((CH, D), jnp.float32),
            pltpu.VMEM((CH, D), jnp.float32),
            pltpu.VMEM_SHARED((NPAD, D), jnp.float32),
            pltpu.SemaphoreType.DMA,
            pltpu.SemaphoreType.DMA,
            pltpu.SemaphoreType.DMA,
            pltpu.SemaphoreType.DMA,
        ],
    )
    def agg(h_hbm, src_hbm, dst_hbm, zer_hbm, out_hbm,
            ss0, ss1, ds0, ds1, buf0, buf1, acc_sh,
            isem0, isem1, gsem0, gsem1):
        sslot = (ss0, ss1)
        dslot = (ds0, ds1)
        bufs = (buf0, buf1)
        isems = (isem0, isem1)
        gsems = (gsem0, gsem1)
        cid = lax.axis_index("c")
        sid = lax.axis_index("s")
        row0 = sid * ROWS_PER_SUB

        def _idx_load(tbase, j, slot):
            r = pl.multiple_of(tbase + j * IBLK, IBLK)
            pltpu.async_copy(src_hbm.at[pl.ds(r, IBLK)], sslot[slot], isems[slot])
            pltpu.async_copy(dst_hbm.at[pl.ds(r, IBLK)], dslot[slot], isems[slot])

        def _idx_wait(slot):
            pltpu.make_async_copy(src_hbm.at[pl.ds(0, IBLK)], sslot[slot],
                                  isems[slot]).wait()
            pltpu.make_async_copy(dst_hbm.at[pl.ds(0, IBLK)], dslot[slot],
                                  isems[slot]).wait()

        SP = 4
        SW = CH // SP

        def _gather(slot, b, k):
            for h in range(SP):
                pltpu.async_copy(
                    h_hbm.at[sslot[slot].at[k, pl.ds(h * SW, SW)]],
                    bufs[b].at[pl.ds(h * SW, SW)], gsems[b])

        def _gather_wait(b):
            for h in range(SP):
                pltpu.make_async_copy(h_hbm.at[pl.ds(0, SW)],
                                      bufs[b].at[pl.ds(h * SW, SW)],
                                      gsems[b]).wait()

        pltpu.sync_copy(zer_hbm, acc_sh.at[pl.ds(row0, ROWS_PER_SUB)])
        tb = (sid * NC + cid) * STEPS
        _idx_load(tb, 0, 0)
        _idx_load(tb, 1, 1)
        plsc.subcore_barrier()

        @pl.loop(0, NIB // 2)
        def _(i):
            for slot in range(2):
                j = 2 * i + slot
                _idx_wait(slot)
                _gather(slot, 0, 0)
                _gather(slot, 1, 1)

                @pl.loop(0, IBLK // 2)
                def _(m):
                    k = 2 * m
                    for b in range(2):
                        _gather_wait(b)
                        pltpu.sync_copy(bufs[b],
                                        acc_sh.at[dslot[slot].at[k + b]],
                                        add=True)

                        @pl.when(k + 2 + b < IBLK)
                        def _():
                            _gather(slot, b, k + 2 + b)

                @pl.when(j + 2 < NIB)
                def _():
                    _idx_load(tb, j + 2, slot)

        plsc.subcore_barrier()
        pltpu.sync_copy(acc_sh.at[pl.ds(row0, ROWS_PER_SUB)],
                        out_hbm.at[cid].at[pl.ds(row0, ROWS_PER_SUB)])

    return agg


_agg_hid = _make_edge_agg(HID_DIM)


@functools.partial(
    pl.kernel,
    out_type=jax.ShapeDtypeStruct((NC, NPAD, HID_DIM), jnp.float32),
    mesh=_vmesh(),
    scratch_types=[
        pltpu.VMEM((STEPS, CH), jnp.int32),
        pltpu.VMEM((CH, HID_DIM), jnp.float32),
        pltpu.VMEM_SHARED((NPAD, HID_DIM), jnp.float32),
    ],
)
def _deg_kernel(dst_hbm, ones_hbm, zer_hbm, out_hbm, dst_t, ones_v, acc_sh):
    cid = lax.axis_index("c")
    sid = lax.axis_index("s")
    wid = sid * NC + cid
    row0 = sid * ROWS_PER_SUB
    pltpu.sync_copy(dst_hbm.at[pl.ds(wid * STEPS, STEPS)], dst_t)
    pltpu.sync_copy(ones_hbm, ones_v)
    pltpu.sync_copy(zer_hbm, acc_sh.at[pl.ds(row0, ROWS_PER_SUB)])
    plsc.subcore_barrier()

    @pl.loop(0, STEPS)
    def _(step):
        pltpu.sync_copy(ones_v, acc_sh.at[dst_t.at[step]], add=True)

    plsc.subcore_barrier()
    pltpu.sync_copy(acc_sh.at[pl.ds(row0, ROWS_PER_SUB)],
                    out_hbm.at[cid].at[pl.ds(row0, ROWS_PER_SUB)])


def _dot(a, b):
    return lax.dot_general(a, b, (((1,), (0,)), ((), ())),
                           precision=lax.Precision.HIGHEST,
                           preferred_element_type=jnp.float32)


def _mm1_body(x_ref, w_ref, o_ref):
    o_ref[...] = _dot(x_ref[...], w_ref[...])


_mm1 = pl.pallas_call(
    _mm1_body,
    out_shape=jax.ShapeDtypeStruct((NPAD, HID_DIM), jnp.float32),
)


def _prep_body(h_ref, degp_ref, dinv_ref, h1p_ref):
    deg = degp_ref[0, :, 0:1] + degp_ref[1, :, 0:1] + 1.0
    dinv = jnp.broadcast_to(lax.rsqrt(deg), (NPAD, HID_DIM))
    dinv_ref[...] = dinv
    h1p_ref[...] = h_ref[...] * dinv


_prep = pl.pallas_call(
    _prep_body,
    out_shape=(
        jax.ShapeDtypeStruct((NPAD, HID_DIM), jnp.float32),
        jax.ShapeDtypeStruct((NPAD, HID_DIM), jnp.float32),
    ),
)


def _mid_body(acc_ref, h1p_ref, dinv_ref, b1_ref, o_ref):
    z = (acc_ref[0] + acc_ref[1] + h1p_ref[...]) * dinv_ref[...] + b1_ref[...]
    rows = lax.broadcasted_iota(jnp.int32, (NPAD, HID_DIM), 0)
    o_ref[...] = jnp.where(rows < N, jnp.maximum(z, 0.0) * dinv_ref[...], 0.0)


_mid = pl.pallas_call(
    _mid_body,
    out_shape=jax.ShapeDtypeStruct((NPAD, HID_DIM), jnp.float32),
)


def _out_body(acc_ref, u_ref, dinv_ref, b2_ref, w2_ref, o_ref):
    v = (acc_ref[0] + acc_ref[1] + u_ref[...]) * dinv_ref[...]
    o_ref[...] = (_dot(v, w2_ref[...]) + b2_ref[...])[:N]


_outk = pl.pallas_call(
    _out_body,
    out_shape=jax.ShapeDtypeStruct((N, OUT_DIM), jnp.float32),
)


def kernel(x, edge_index, W1, b1, W2, b2):
    src = edge_index[0].astype(jnp.int32)
    dst = edge_index[1].astype(jnp.int32)
    ar = jnp.arange(EPAD - E, dtype=jnp.int32)
    pad_src = N + ar % (NPAD - N)
    pad_dst = ar % N
    src_p = jnp.concatenate([src, pad_src]).reshape(NW * STEPS, CH)
    dst_p = jnp.concatenate([dst, pad_dst]).reshape(NW * STEPS, CH)
    dst_deg = jnp.concatenate(
        [dst, jnp.full((EPAD - E,), N, jnp.int32)]).reshape(NW * STEPS, CH)
    x_pad = jnp.pad(x, ((0, NPAD - N), (0, 0)))

    zer_h = jnp.zeros((ROWS_PER_SUB, HID_DIM), jnp.float32)
    ones_d = jnp.ones((CH, HID_DIM), jnp.float32)

    degp = _deg_kernel(dst_deg, ones_d, zer_h)
    h1 = _mm1(x_pad, W1)
    dinv, h1p = _prep(h1, degp)
    acc1 = _agg_hid(h1p, src_p, dst_p, zer_h)
    u = _mid(acc1, h1p, dinv, b1.reshape(1, HID_DIM))
    acc2 = _agg_hid(u, src_p, dst_p, zer_h)
    return _outk(acc2, u, dinv, b2.reshape(1, OUT_DIM), W2)

# --- scband reference (transcript-rebuilt; emitter-appended) ---
"""Pipeline reference for scband-gcn2017-75222057222853 (READ-ONLY COPY).

The authoritative reference and input builder live on the scoring server;
editing this copy changes nothing except your own understanding.
"""

import jax, jax.numpy as jnp
import numpy as np

N = 10000
E = 320000
IN_DIM = 128
HID_DIM = 128
OUT_DIM = 64


def gcn_conv(x, src, dst, W, b, n):
    # PyG GCNConv: X' = D^{-1/2} (A + I) D^{-1/2} X W + b
    h = x @ W
    loop = jnp.arange(n, dtype=src.dtype)
    s = jnp.concatenate([src, loop])
    d = jnp.concatenate([dst, loop])
    deg = jnp.zeros((n,), dtype=h.dtype).at[d].add(1.0)
    dinv = jnp.where(deg > 0, deg ** -0.5, 0.0)
    norm = dinv[s] * dinv[d]
    msg = h[s] * norm[:, None]
    out = jax.ops.segment_sum(msg, d, num_segments=n)
    return out + b


def setup_inputs(seed: int = 0) -> dict:
    key = jax.random.key(seed)
    k1, k2, k3, k4 = jax.random.split(key, 4)
    x = jax.random.normal(k1, (N, IN_DIM), dtype=jnp.float32)
    edge_index = jax.random.randint(k2, (2, E), 0, N)
    W1 = jax.random.normal(k3, (IN_DIM, HID_DIM), dtype=jnp.float32) * 0.05
    b1 = jnp.zeros((HID_DIM,), dtype=jnp.float32)
    W2 = jax.random.normal(k4, (HID_DIM, OUT_DIM), dtype=jnp.float32) * 0.05
    b2 = jnp.zeros((OUT_DIM,), dtype=jnp.float32)
    return {"x": x, "edge_index": edge_index, "W1": W1, "b1": b1, "W2": W2, "b2": b2}


def reference(x, edge_index, W1, b1, W2, b2):
    # dropout layers are identity in eval/inference mode
    src, dst = edge_index[0], edge_index[1]
    h = gcn_conv(x, src, dst, W1, b1, N)
    h = jax.nn.relu(h)
    out = gcn_conv(h, src, dst, W2, b2, N)
    return out

if __name__ == "__main__":
    import jax
    _d = setup_inputs()
    print(jax.jit(kernel)(*tuple(_d.values())))

</pallas_src>

<mosaic_0001>
#map = affine_map<(d0, d1) -> (0, 0)>
#map1 = affine_map<(d0, d1) -> (0, 0, 0)>
module attributes {stable_mosaic.version = 14 : i64} {
  func.func @_deg_kernel(%arg0: i32, %arg1: i32, %arg2: memref<2560x128xi32, #tpu.memory_space<hbm>>, %arg3: memref<128x128xf32, #tpu.memory_space<hbm>>, %arg4: memref<632x128xf32, #tpu.memory_space<hbm>>, %arg5: memref<2x10112x128xf32, #tpu.memory_space<hbm>>, %arg6: memref<80x128xi32, #tpu.memory_space<vmem>>, %arg7: memref<128x128xf32, #tpu.memory_space<vmem>>, %arg8: memref<10112x128xf32, #tpu.memory_space<vmem_shared>>) attributes {dimension_semantics = [#tpu.dimension_semantics<core_parallel>, #tpu.dimension_semantics<subcore_parallel>], iteration_bounds = array<i64: 2, 16>, scalar_prefetch = 0 : i64, scratch_operands = 3 : i64, tpu.core_type = #tpu.core_type<sc_vector_subcore>, window_params = [{transform_indices = #map}, {transform_indices = #map}, {transform_indices = #map}, {transform_indices = #map1}]} {
    %mul3A = arith.constant 2 : i32
    %mul3A_0 = arith.muli %arg1, %mul3A : i32
    %add3A = arith.addi %mul3A_0, %arg0 : i32
    %mul3A_1 = arith.constant 632 : i32
    %mul3A_2 = arith.muli %arg1, %mul3A_1 : i32
    %mul3A_3 = arith.constant 80 : i32
    %mul3A_4 = arith.muli %add3A, %mul3A_3 : i32
    "tpu.region"() ({
      %run_scoped3A = tpu.sem_alloc : memref<!tpu.dma_semaphore, #tpu.memory_space<semaphore_mem>>
      %dma_start3A = arith.constant 0 : i32
      %dma_start3A_10 = tpu.memref_slice %arg2[%mul3A_4, %dma_start3A] : memref<2560x128xi32, #tpu.memory_space<hbm>> -> memref<80x128xi32, #tpu.memory_space<hbm>>
      %dma_start3A_11 = arith.constant 0 : i32
      %dma_start3A_12 = tpu.memref_slice %arg2[%mul3A_4, %dma_start3A_11] : memref<2560x128xi32, #tpu.memory_space<hbm>> -> memref<80x128xi32, #tpu.memory_space<hbm>>
      tpu.enqueue_dma source(%dma_start3A_12 : memref<80x128xi32, #tpu.memory_space<hbm>>) target(%arg6 : memref<80x128xi32, #tpu.memory_space<vmem>>) target_semaphore(%run_scoped3A : memref<!tpu.dma_semaphore, #tpu.memory_space<semaphore_mem>>)
      %dma_wait3A = arith.constant 0 : i32
      %dma_wait3A_13 = tpu.memref_slice %arg2[%mul3A_4, %dma_wait3A] : memref<2560x128xi32, #tpu.memory_space<hbm>> -> memref<80x128xi32, #tpu.memory_space<hbm>>
      %dma_wait3A_14 = arith.constant 0 : i32
      %dma_wait3A_15 = tpu.memref_slice %arg2[%mul3A_4, %dma_wait3A_14] : memref<2560x128xi32, #tpu.memory_space<hbm>> -> memref<80x128xi32, #tpu.memory_space<hbm>>
      tpu.wait_dma2 semaphore(%run_scoped3A : memref<!tpu.dma_semaphore, #tpu.memory_space<semaphore_mem>>) src(%dma_wait3A_15 : memref<80x128xi32, #tpu.memory_space<hbm>>) dst(%arg6 : memref<80x128xi32, #tpu.memory_space<vmem>>)
      tpu.yield
    }) : () -> ()
    "tpu.region"() ({
      %run_scoped3A = tpu.sem_alloc : memref<!tpu.dma_semaphore, #tpu.memory_space<semaphore_mem>>
      tpu.enqueue_dma source(%arg3 : memref<128x128xf32, #tpu.memory_space<hbm>>) target(%arg7 : memref<128x128xf32, #tpu.memory_space<vmem>>) target_semaphore(%run_scoped3A : memref<!tpu.dma_semaphore, #tpu.memory_space<semaphore_mem>>)
      tpu.wait_dma2 semaphore(%run_scoped3A : memref<!tpu.dma_semaphore, #tpu.memory_space<semaphore_mem>>) src(%arg3 : memref<128x128xf32, #tpu.memory_space<hbm>>) dst(%arg7 : memref<128x128xf32, #tpu.memory_space<vmem>>)
      tpu.yield
    }) : () -> ()
    "tpu.region"() ({
      %run_scoped3A = tpu.sem_alloc : memref<!tpu.dma_semaphore, #tpu.memory_space<semaphore_mem>>
      %dma_start3A = arith.constant 0 : i32
      %dma_start3A_10 = tpu.memref_slice %arg8[%mul3A_2, %dma_start3A] : memref<10112x128xf32, #tpu.memory_space<vmem_shared>> -> memref<632x128xf32, #tpu.memory_space<vmem_shared>>
      tpu.enqueue_dma source(%arg4 : memref<632x128xf32, #tpu.memory_space<hbm>>) target(%dma_start3A_10 : memref<632x128xf32, #tpu.memory_space<vmem_shared>>) target_semaphore(%run_scoped3A : memref<!tpu.dma_semaphore, #tpu.memory_space<semaphore_mem>>)
      %dma_wait3A = arith.constant 0 : i32
      %dma_wait3A_11 = tpu.memref_slice %arg8[%mul3A_2, %dma_wait3A] : memref<10112x128xf32, #tpu.memory_space<vmem_shared>> -> memref<632x128xf32, #tpu.memory_space<vmem_shared>>
      tpu.wait_dma2 semaphore(%run_scoped3A : memref<!tpu.dma_semaphore, #tpu.memory_space<semaphore_mem>>) src(%arg4 : memref<632x128xf32, #tpu.memory_space<hbm>>) dst(%dma_wait3A_11 : memref<632x128xf32, #tpu.memory_space<vmem_shared>>)
      tpu.yield
    }) : () -> ()
    %barrier3A = arith.constant 0 : index
    tpu.barrier barrier_id(%barrier3A)
    %scan3A = arith.constant 0 : i32
    %scan3A_5 = arith.constant 80 : i32
    %scan3A_6 = arith.addi %scan3A, %scan3A_5 : i32
    %scan3A_7 = arith.constant 1 : i32
    scf.for %scan3A_10 = %scan3A to %scan3A_6 step %scan3A_7  : i32 {
      %mul3A_11 = arith.constant 1 : i32
      %mul3A_12 = arith.muli %scan3A_10, %mul3A_11 : i32
      %add3A_13 = arith.constant 0 : i32
      %add3A_14 = arith.addi %add3A_13, %mul3A_12 : i32
      "tpu.region"() ({
        %run_scoped3A = tpu.sem_alloc : memref<!tpu.dma_semaphore, #tpu.memory_space<semaphore_mem>>
        %dma_start3A = arith.constant 0 : i32
        %dma_start3A_15 = tpu.memref_slice %arg6[%add3A_14, %dma_start3A] : memref<80x128xi32, #tpu.memory_space<vmem>> -> memref<1x128xi32, #tpu.memory_space<vmem>>
        %dma_start3A_16 = tpu.memref_squeeze %dma_start3A_15 : memref<1x128xi32, #tpu.memory_space<vmem>> -> memref<128xi32, #tpu.memory_space<vmem>>
        %dma_start3A_17 = arith.constant 0 : i32
        %dma_start3A_18 = arith.constant 0 : i32
        %dma_start3A_19 = tpu.memref_slice %arg8[%dma_start3A_17, %dma_start3A_18] : memref<10112x128xf32, #tpu.memory_space<vmem_shared>> -> memref<10112x128xf32, #tpu.memory_space<vmem_shared>>
        tpu.enqueue_indirect_dma source(%arg7 : memref<128x128xf32, #tpu.memory_space<vmem>>) target(%dma_start3A_19 : memref<10112x128xf32, #tpu.memory_space<vmem_shared>>) offsets(%dma_start3A_16 : memref<128xi32, #tpu.memory_space<vmem>>) semaphore(%run_scoped3A : memref<!tpu.dma_semaphore, #tpu.memory_space<semaphore_mem>>) {add = true}
        %dma_wait3A = arith.constant 0 : i32
        %dma_wait3A_20 = tpu.memref_slice %arg6[%add3A_14, %dma_wait3A] : memref<80x128xi32, #tpu.memory_space<vmem>> -> memref<1x128xi32, #tpu.memory_space<vmem>>
        %dma_wait3A_21 = tpu.memref_squeeze %dma_wait3A_20 : memref<1x128xi32, #tpu.memory_space<vmem>> -> memref<128xi32, #tpu.memory_space<vmem>>
        %dma_wait3A_22 = arith.constant 0 : i32
        %dma_wait3A_23 = arith.constant 0 : i32
        %dma_wait3A_24 = tpu.memref_slice %arg8[%dma_wait3A_22, %dma_wait3A_23] : memref<10112x128xf32, #tpu.memory_space<vmem_shared>> -> memref<10112x128xf32, #tpu.memory_space<vmem_shared>>
        tpu.wait_indirect_dma semaphore(%run_scoped3A : memref<!tpu.dma_semaphore, #tpu.memory_space<semaphore_mem>>) src(%arg7 : memref<128x128xf32, #tpu.memory_space<vmem>>) dst(%dma_wait3A_24 : memref<10112x128xf32, #tpu.memory_space<vmem_shared>>)
        tpu.yield
      }) : () -> ()
    }
    %scan3A_8 = arith.constant 80 : i32
    %barrier3A_9 = arith.constant 0 : index
    tpu.barrier barrier_id(%barrier3A_9)
    "tpu.region"() ({
      %run_scoped3A = tpu.sem_alloc : memref<!tpu.dma_semaphore, #tpu.memory_space<semaphore_mem>>
      %dma_start3A = arith.constant 0 : i32
      %dma_start3A_10 = arith.constant 0 : i32
      %dma_start3A_11 = tpu.memref_slice %arg5[%arg0, %dma_start3A, %dma_start3A_10] : memref<2x10112x128xf32, #tpu.memory_space<hbm>> -> memref<1x10112x128xf32, #tpu.memory_space<hbm>>
      %dma_start3A_12 = tpu.memref_squeeze %dma_start3A_11 : memref<1x10112x128xf32, #tpu.memory_space<hbm>> -> memref<10112x128xf32, #tpu.memory_space<hbm>>
      %dma_start3A_13 = arith.constant 0 : i32
      %dma_start3A_14 = tpu.memref_slice %dma_start3A_12[%mul3A_2, %dma_start3A_13] : memref<10112x128xf32, #tpu.memory_space<hbm>> -> memref<632x128xf32, #tpu.memory_space<hbm>>
      %dma_start3A_15 = arith.constant 0 : i32
      %dma_start3A_16 = tpu.memref_slice %arg8[%mul3A_2, %dma_start3A_15] : memref<10112x128xf32, #tpu.memory_space<vmem_shared>> -> memref<632x128xf32, #tpu.memory_space<vmem_shared>>
      tpu.enqueue_dma source(%dma_start3A_16 : memref<632x128xf32, #tpu.memory_space<vmem_shared>>) target(%dma_start3A_14 : memref<632x128xf32, #tpu.memory_space<hbm>>) target_semaphore(%run_scoped3A : memref<!tpu.dma_semaphore, #tpu.memory_space<semaphore_mem>>)
      %dma_wait3A = arith.constant 0 : i32
      %dma_wait3A_17 = arith.constant 0 : i32
      %dma_wait3A_18 = tpu.memref_slice %arg5[%arg0, %dma_wait3A, %dma_wait3A_17] : memref<2x10112x128xf32, #tpu.memory_space<hbm>> -> memref<1x10112x128xf32, #tpu.memory_space<hbm>>
      %dma_wait3A_19 = tpu.memref_squeeze %dma_wait3A_18 : memref<1x10112x128xf32, #tpu.memory_space<hbm>> -> memref<10112x128xf32, #tpu.memory_space<hbm>>
      %dma_wait3A_20 = arith.constant 0 : i32
      %dma_wait3A_21 = tpu.memref_slice %dma_wait3A_19[%mul3A_2, %dma_wait3A_20] : memref<10112x128xf32, #tpu.memory_space<hbm>> -> memref<632x128xf32, #tpu.memory_space<hbm>>
      %dma_wait3A_22 = arith.constant 0 : i32
      %dma_wait3A_23 = tpu.memref_slice %arg8[%mul3A_2, %dma_wait3A_22] : memref<10112x128xf32, #tpu.memory_space<vmem_shared>> -> memref<632x128xf32, #tpu.memory_space<vmem_shared>>
      tpu.wait_dma2 semaphore(%run_scoped3A : memref<!tpu.dma_semaphore, #tpu.memory_space<semaphore_mem>>) src(%dma_wait3A_23 : memref<632x128xf32, #tpu.memory_space<vmem_shared>>) dst(%dma_wait3A_21 : memref<632x128xf32, #tpu.memory_space<hbm>>)
      tpu.yield
    }) : () -> ()
    return
  }
}

#map = affine_map<(d0, d1) -> (0, 0)>
#map1 = affine_map<(d0, d1) -> (0, 0, 0)>
module attributes {stable_mosaic.version = 14 : i64} {
  func.func @agg(%arg0: i32, %arg1: i32, %arg2: memref<10112x128xf32, #tpu.memory_space<hbm>>, %arg3: memref<2560x128xi32, #tpu.memory_space<hbm>>, %arg4: memref<2560x128xi32, #tpu.memory_space<hbm>>, %arg5: memref<632x128xf32, #tpu.memory_space<hbm>>, %arg6: memref<2x10112x128xf32, #tpu.memory_space<hbm>>, %arg7: memref<8x128xi32, #tpu.memory_space<vmem>>, %arg8: memref<8x128xi32, #tpu.memory_space<vmem>>, %arg9: memref<8x128xi32, #tpu.memory_space<vmem>>, %arg10: memref<8x128xi32, #tpu.memory_space<vmem>>, %arg11: memref<128x128xf32, #tpu.memory_space<vmem>>, %arg12: memref<128x128xf32, #tpu.memory_space<vmem>>, %arg13: memref<10112x128xf32, #tpu.memory_space<vmem_shared>>, %arg14: memref<!tpu.dma_semaphore, #tpu.memory_space<semaphore_mem>>, %arg15: memref<!tpu.dma_semaphore, #tpu.memory_space<semaphore_mem>>, %arg16: memref<!tpu.dma_semaphore, #tpu.memory_space<semaphore_mem>>, %arg17: memref<!tpu.dma_semaphore, #tpu.memory_space<semaphore_mem>>) attributes {dimension_semantics = [#tpu.dimension_semantics<core_parallel>, #tpu.dimension_semantics<subcore_parallel>], iteration_bounds = array<i64: 2, 16>, scalar_prefetch = 0 : i64, scratch_operands = 11 : i64, tpu.core_type = #tpu.core_type<sc_vector_subcore>, window_params = [{transform_indices = #map}, {transform_indices = #map}, {transform_indices = #map}, {transform_indices = #map}, {transform_indices = #map1}]} {
    %mul3A = arith.constant 632 : i32
    %mul3A_0 = arith.muli %arg1, %mul3A : i32
    "tpu.region"() ({
      %run_scoped3A = tpu.sem_alloc : memref<!tpu.dma_semaphore, #tpu.memory_space<semaphore_mem>>
      %dma_start3A_30 = arith.constant 0 : i32
      %dma_start3A_31 = tpu.memref_slice %arg13[%mul3A_0, %dma_start3A_30] : memref<10112x128xf32, #tpu.memory_space<vmem_shared>> -> memref<632x128xf32, #tpu.memory_space<vmem_shared>>
      tpu.enqueue_dma source(%arg5 : memref<632x128xf32, #tpu.memory_space<hbm>>) target(%dma_start3A_31 : memref<632x128xf32, #tpu.memory_space<vmem_shared>>) target_semaphore(%run_scoped3A : memref<!tpu.dma_semaphore, #tpu.memory_space<semaphore_mem>>)
      %dma_wait3A = arith.constant 0 : i32
      %dma_wait3A_32 = tpu.memref_slice %arg13[%mul3A_0, %dma_wait3A] : memref<10112x128xf32, #tpu.memory_space<vmem_shared>> -> memref<632x128xf32, #tpu.memory_space<vmem_shared>>
      tpu.wait_dma2 semaphore(%run_scoped3A : memref<!tpu.dma_semaphore, #tpu.memory_space<semaphore_mem>>) src(%arg5 : memref<632x128xf32, #tpu.memory_space<hbm>>) dst(%dma_wait3A_32 : memref<632x128xf32, #tpu.memory_space<vmem_shared>>)
      tpu.yield
    }) : () -> ()
    %mul3A_1 = arith.constant 2 : i32
    %mul3A_2 = arith.muli %arg1, %mul3A_1 : i32
    %add3A = arith.addi %mul3A_2, %arg0 : i32
    %mul3A_3 = arith.constant 80 : i32
    %mul3A_4 = arith.muli %add3A, %mul3A_3 : i32
    %add3A_5 = arith.constant 0 : i32
    %add3A_6 = arith.addi %mul3A_4, %add3A_5 : i32
    %multiple_of3A = tpu.assume_multiple %add3A_6, 8 : i32
    %dma_start3A = arith.constant 0 : i32
    %dma_start3A_7 = tpu.memref_slice %arg3[%multiple_of3A, %dma_start3A] : memref<2560x128xi32, #tpu.memory_space<hbm>> -> memref<8x128xi32, #tpu.memory_space<hbm>>
    %dma_start3A_8 = arith.constant 0 : i32
    %dma_start3A_9 = tpu.memref_slice %arg3[%multiple_of3A, %dma_start3A_8] : memref<2560x128xi32, #tpu.memory_space<hbm>> -> memref<8x128xi32, #tpu.memory_space<hbm>>
    tpu.enqueue_dma source(%dma_start3A_9 : memref<8x128xi32, #tpu.memory_space<hbm>>) target(%arg7 : memref<8x128xi32, #tpu.memory_space<vmem>>) target_semaphore(%arg14 : memref<!tpu.dma_semaphore, #tpu.memory_space<semaphore_mem>>)
    %dma_start3A_10 = arith.constant 0 : i32
    %dma_start3A_11 = tpu.memref_slice %arg4[%multiple_of3A, %dma_start3A_10] : memref<2560x128xi32, #tpu.memory_space<hbm>> -> memref<8x128xi32, #tpu.memory_space<hbm>>
    %dma_start3A_12 = arith.constant 0 : i32
    %dma_start3A_13 = tpu.memref_slice %arg4[%multiple_of3A, %dma_start3A_12] : memref<2560x128xi32, #tpu.memory_space<hbm>> -> memref<8x128xi32, #tpu.memory_space<hbm>>
    tpu.enqueue_dma source(%dma_start3A_13 : memref<8x128xi32, #tpu.memory_space<hbm>>) target(%arg9 : memref<8x128xi32, #tpu.memory_space<vmem>>) target_semaphore(%arg14 : memref<!tpu.dma_semaphore, #tpu.memory_space<semaphore_mem>>)
    %add3A_14 = arith.constant 8 : i32
    %add3A_15 = arith.addi %mul3A_4, %add3A_14 : i32
    %multiple_of3A_16 = tpu.assume_multiple %add3A_15, 8 : i32
    %dma_start3A_17 = arith.constant 0 : i32
    %dma_start3A_18 = tpu.memref_slice %arg3[%multiple_of3A_16, %dma_start3A_17] : memref<2560x128xi32, #tpu.memory_space<hbm>> -> memref<8x128xi32, #tpu.memory_space<hbm>>
    %dma_start3A_19 = arith.constant 0 : i32
    %dma_start3A_20 = tpu.memref_slice %arg3[%multiple_of3A_16, %dma_start3A_19] : memref<2560x128xi32, #tpu.memory_space<hbm>> -> memref<8x128xi32, #tpu.memory_space<hbm>>
    tpu.enqueue_dma source(%dma_start3A_20 : memref<8x128xi32, #tpu.memory_space<hbm>>) target(%arg8 : memref<8x128xi32, #tpu.memory_space<vmem>>) target_semaphore(%arg15 : memref<!tpu.dma_semaphore, #tpu.memory_space<semaphore_mem>>)
    %dma_start3A_21 = arith.constant 0 : i32
    %dma_start3A_22 = tpu.memref_slice %arg4[%multiple_of3A_16, %dma_start3A_21] : memref<2560x128xi32, #tpu.memory_space<hbm>> -> memref<8x128xi32, #tpu.memory_space<hbm>>
    %dma_start3A_23 = arith.constant 0 : i32
    %dma_start3A_24 = tpu.memref_slice %arg4[%multiple_of3A_16, %dma_start3A_23] : memref<2560x128xi32, #tpu.memory_space<hbm>> -> memref<8x128xi32, #tpu.memory_space<hbm>>
    tpu.enqueue_dma source(%dma_start3A_24 : memref<8x128xi32, #tpu.memory_space<hbm>>) target(%arg10 : memref<8x128xi32, #tpu.memory_space<vmem>>) target_semaphore(%arg15 : memref<!tpu.dma_semaphore, #tpu.memory_space<semaphore_mem>>)
    %barrier3A = arith.constant 0 : index
    tpu.barrier barrier_id(%barrier3A)
    %scan3A = arith.constant 0 : i32
    %scan3A_25 = arith.constant 5 : i32
    %scan3A_26 = arith.addi %scan3A, %scan3A_25 : i32
    %scan3A_27 = arith.constant 1 : i32
    scf.for %scan3A_30 = %scan3A to %scan3A_26 step %scan3A_27  : i32 {
      %mul3A_31 = arith.constant 1 : i32
      %mul3A_32 = arith.muli %scan3A_30, %mul3A_31 : i32
      %add3A_33 = arith.constant 0 : i32
      %add3A_34 = arith.addi %add3A_33, %mul3A_32 : i32
      %mul3A_35 = arith.constant 2 : i32
      %mul3A_36 = arith.muli %mul3A_35, %add3A_34 : i32
      %add3A_37 = arith.constant 0 : i32
      %add3A_38 = arith.addi %mul3A_36, %add3A_37 : i32
      %dma_wait3A = arith.constant 0 : i32
      %dma_wait3A_39 = arith.constant 0 : i32
      %dma_wait3A_40 = tpu.memref_slice %arg3[%dma_wait3A, %dma_wait3A_39] : memref<2560x128xi32, #tpu.memory_space<hbm>> -> memref<8x128xi32, #tpu.memory_space<hbm>>
      %dma_wait3A_41 = arith.constant 0 : i32
      %dma_wait3A_42 = arith.constant 0 : i32
      %dma_wait3A_43 = tpu.memref_slice %arg3[%dma_wait3A_41, %dma_wait3A_42] : memref<2560x128xi32, #tpu.memory_space<hbm>> -> memref<8x128xi32, #tpu.memory_space<hbm>>
      tpu.wait_dma2 semaphore(%arg14 : memref<!tpu.dma_semaphore, #tpu.memory_space<semaphore_mem>>) src(%dma_wait3A_43 : memref<8x128xi32, #tpu.memory_space<hbm>>) dst(%arg7 : memref<8x128xi32, #tpu.memory_space<vmem>>)
      %dma_wait3A_44 = arith.constant 0 : i32
      %dma_wait3A_45 = arith.constant 0 : i32
      %dma_wait3A_46 = tpu.memref_slice %arg4[%dma_wait3A_44, %dma_wait3A_45] : memref<2560x128xi32, #tpu.memory_space<hbm>> -> memref<8x128xi32, #tpu.memory_space<hbm>>
      %dma_wait3A_47 = arith.constant 0 : i32
      %dma_wait3A_48 = arith.constant 0 : i32
      %dma_wait3A_49 = tpu.memref_slice %arg4[%dma_wait3A_47, %dma_wait3A_48] : memref<2560x128xi32, #tpu.memory_space<hbm>> -> memref<8x128xi32, #tpu.memory_space<hbm>>
      tpu.wait_dma2 semaphore(%arg14 : memref<!tpu.dma_semaphore, #tpu.memory_space<semaphore_mem>>) src(%dma_wait3A_49 : memref<8x128xi32, #tpu.memory_space<hbm>>) dst(%arg9 : memref<8x128xi32, #tpu.memory_space<vmem>>)
      %dma_start3A_50 = arith.constant 0 : i32
      %dma_start3A_51 = arith.constant 0 : i32
      %dma_start3A_52 = arith.constant 0 : i32
      %dma_start3A_53 = tpu.memref_slice %arg11[%dma_start3A_51, %dma_start3A_52] : memref<128x128xf32, #tpu.memory_space<vmem>> -> memref<32x128xf32, #tpu.memory_space<vmem>>
      %dma_start3A_54 = arith.constant 0 : i32
      %dma_start3A_55 = tpu.memref_slice %arg7[%dma_start3A_50, %dma_start3A_54] : memref<8x128xi32, #tpu.memory_space<vmem>> -> memref<1x32xi32, #tpu.memory_space<vmem>>
      %dma_start3A_56 = tpu.memref_squeeze %dma_start3A_55 : memref<1x32xi32, #tpu.memory_space<vmem>> -> memref<32xi32, #tpu.memory_space<vmem>>
      %dma_start3A_57 = arith.constant 0 : i32
      %dma_start3A_58 = arith.constant 0 : i32
      %dma_start3A_59 = tpu.memref_slice %arg2[%dma_start3A_57, %dma_start3A_58] : memref<10112x128xf32, #tpu.memory_space<hbm>> -> memref<10112x128xf32, #tpu.memory_space<hbm>>
      tpu.enqueue_indirect_dma source(%dma_start3A_59 : memref<10112x128xf32, #tpu.memory_space<hbm>>) target(%dma_start3A_53 : memref<32x128xf32, #tpu.memory_space<vmem>>) offsets(%dma_start3A_56 : memref<32xi32, #tpu.memory_space<vmem>>) semaphore(%arg16 : memref<!tpu.dma_semaphore, #tpu.memory_space<semaphore_mem>>)
      %dma_start3A_60 = arith.constant 0 : i32
      %dma_start3A_61 = arith.constant 32 : i32
      %dma_start3A_62 = arith.constant 0 : i32
      %dma_start3A_63 = tpu.memref_slice %arg11[%dma_start3A_61, %dma_start3A_62] : memref<128x128xf32, #tpu.memory_space<vmem>> -> memref<32x128xf32, #tpu.memory_space<vmem>>
      %dma_start3A_64 = arith.constant 32 : i32
      %dma_start3A_65 = tpu.memref_slice %arg7[%dma_start3A_60, %dma_start3A_64] : memref<8x128xi32, #tpu.memory_space<vmem>> -> memref<1x32xi32, #tpu.memory_space<vmem>>
      %dma_start3A_66 = tpu.memref_squeeze %dma_start3A_65 : memref<1x32xi32, #tpu.memory_space<vmem>> -> memref<32xi32, #tpu.memory_space<vmem>>
      %dma_start3A_67 = arith.constant 0 : i32
      %dma_start3A_68 = arith.constant 0 : i32
      %dma_start3A_69 = tpu.memref_slice %arg2[%dma_start3A_67, %dma_start3A_68] : memref<10112x128xf32, #tpu.memory_space<hbm>> -> memref<10112x128xf32, #tpu.memory_space<hbm>>
      tpu.enqueue_indirect_dma source(%dma_start3A_69 : memref<10112x128xf32, #tpu.memory_space<hbm>>) target(%dma_start3A_63 : memref<32x128xf32, #tpu.memory_space<vmem>>) offsets(%dma_start3A_66 : memref<32xi32, #tpu.memory_space<vmem>>) semaphore(%arg16 : memref<!tpu.dma_semaphore, #tpu.memory_space<semaphore_mem>>)
      %dma_start3A_70 = arith.constant 0 : i32
      %dma_start3A_71 = arith.constant 64 : i32
      %dma_start3A_72 = arith.constant 0 : i32
      %dma_start3A_73 = tpu.memref_slice %arg11[%dma_start3A_71, %dma_start3A_72] : memref<128x128xf32, #tpu.memory_space<vmem>> -> memref<32x128xf32, #tpu.memory_space<vmem>>
      %dma_start3A_74 = arith.constant 64 : i32
      %dma_start3A_75 = tpu.memref_slice %arg7[%dma_start3A_70, %dma_start3A_74] : memref<8x128xi32, #tpu.memory_space<vmem>> -> memref<1x32xi32, #tpu.memory_space<vmem>>
      %dma_start3A_76 = tpu.memref_squeeze %dma_start3A_75 : memref<1x32xi32, #tpu.memory_space<vmem>> -> memref<32xi32, #tpu.memory_space<vmem>>
      %dma_start3A_77 = arith.constant 0 : i32
      %dma_start3A_78 = arith.constant 0 : i32
      %dma_start3A_79 = tpu.memref_slice %arg2[%dma_start3A_77, %dma_start3A_78] : memref<10112x128xf32, #tpu.memory_space<hbm>> -> memref<10112x128xf32, #tpu.memory_space<hbm>>
      tpu.enqueue_indirect_dma source(%dma_start3A_79 : memref<10112x128xf32, #tpu.memory_space<hbm>>) target(%dma_start3A_73 : memref<32x128xf32, #tpu.memory_space<vmem>>) offsets(%dma_start3A_76 : memref<32xi32, #tpu.memory_space<vmem>>) semaphore(%arg16 : memref<!tpu.dma_semaphore, #tpu.memory_space<semaphore_mem>>)
      %dma_start3A_80 = arith.constant 0 : i32
      %dma_start3A_81 = arith.constant 96 : i32
      %dma_start3A_82 = arith.constant 0 : i32
      %dma_start3A_83 = tpu.memref_slice %arg11[%dma_start3A_81, %dma_start3A_82] : memref<128x128xf32, #tpu.memory_space<vmem>> -> memref<32x128xf32, #tpu.memory_space<vmem>>
      %dma_start3A_84 = arith.constant 96 : i32
      %dma_start3A_85 = tpu.memref_slice %arg7[%dma_start3A_80, %dma_start3A_84] : memref<8x128xi32, #tpu.memory_space<vmem>> -> memref<1x32xi32, #tpu.memory_space<vmem>>
      %dma_start3A_86 = tpu.memref_squeeze %dma_start3A_85 : memref<1x32xi32, #tpu.memory_space<vmem>> -> memref<32xi32, #tpu.memory_space<vmem>>
      %dma_start3A_87 = arith.constant 0 : i32
      %dma_start3A_88 = arith.constant 0 : i32
      %dma_start3A_89 = tpu.memref_slice %arg2[%dma_start3A_87, %dma_start3A_88] : memref<10112x128xf32, #tpu.memory_space<hbm>> -> memref<10112x128xf32, #tpu.memory_space<hbm>>
      tpu.enqueue_indirect_dma source(%dma_start3A_89 : memref<10112x128xf32, #tpu.memory_space<hbm>>) target(%dma_start3A_83 : memref<32x128xf32, #tpu.memory_space<vmem>>) offsets(%dma_start3A_86 : memref<32xi32, #tpu.memory_space<vmem>>) semaphore(%arg16 : memref<!tpu.dma_semaphore, #tpu.memory_space<semaphore_mem>>)
      %dma_start3A_90 = arith.constant 1 : i32
      %dma_start3A_91 = arith.constant 0 : i32
      %dma_start3A_92 = arith.constant 0 : i32
      %dma_start3A_93 = tpu.memref_slice %arg12[%dma_start3A_91, %dma_start3A_92] : memref<128x128xf32, #tpu.memory_space<vmem>> -> memref<32x128xf32, #tpu.memory_space<vmem>>
      %dma_start3A_94 = arith.constant 0 : i32
      %dma_start3A_95 = tpu.memref_slice %arg7[%dma_start3A_90, %dma_start3A_94] : memref<8x128xi32, #tpu.memory_space<vmem>> -> memref<1x32xi32, #tpu.memory_space<vmem>>
      %dma_start3A_96 = tpu.memref_squeeze %dma_start3A_95 : memref<1x32xi32, #tpu.memory_space<vmem>> -> memref<32xi32, #tpu.memory_space<vmem>>
      %dma_start3A_97 = arith.constant 0 : i32
      %dma_start3A_98 = arith.constant 0 : i32
      %dma_start3A_99 = tpu.memref_slice %arg2[%dma_start3A_97, %dma_start3A_98] : memref<10112x128xf32, #tpu.memory_space<hbm>> -> memref<10112x128xf32, #tpu.memory_space<hbm>>
      tpu.enqueue_indirect_dma source(%dma_start3A_99 : memref<10112x128xf32, #tpu.memory_space<hbm>>) target(%dma_start3A_93 : memref<32x128xf32, #tpu.memory_space<vmem>>) offsets(%dma_start3A_96 : memref<32xi32, #tpu.memory_space<vmem>>) semaphore(%arg17 : memref<!tpu.dma_semaphore, #tpu.memory_space<semaphore_mem>>)
      %dma_start3A_100 = arith.constant 1 : i32
      %dma_start3A_101 = arith.constant 32 : i32
      %dma_start3A_102 = arith.constant 0 : i32
      %dma_start3A_103 = tpu.memref_slice %arg12[%dma_start3A_101, %dma_start3A_102] : memref<128x128xf32, #tpu.memory_space<vmem>> -> memref<32x128xf32, #tpu.memory_space<vmem>>
      %dma_start3A_104 = arith.constant 32 : i32
      %dma_start3A_105 = tpu.memref_slice %arg7[%dma_start3A_100, %dma_start3A_104] : memref<8x128xi32, #tpu.memory_space<vmem>> -> memref<1x32xi32, #tpu.memory_space<vmem>>
      %dma_start3A_106 = tpu.memref_squeeze %dma_start3A_105 : memref<1x32xi32, #tpu.memory_space<vmem>> -> memref<32xi32, #tpu.memory_space<vmem>>
      %dma_start3A_107 = arith.constant 0 : i32
      %dma_start3A_108 = arith.constant 0 : i32
      %dma_start3A_109 = tpu.memref_slice %arg2[%dma_start3A_107, %dma_start3A_108] : memref<10112x128xf32, #tpu.memory_space<hbm>> -> memref<10112x128xf32, #tpu.memory_space<hbm>>
      tpu.enqueue_indirect_dma source(%dma_start3A_109 : memref<10112x128xf32, #tpu.memory_space<hbm>>) target(%dma_start3A_103 : memref<32x128xf32, #tpu.memory_space<vmem>>) offsets(%dma_start3A_106 : memref<32xi32, #tpu.memory_space<vmem>>) semaphore(%arg17 : memref<!tpu.dma_semaphore, #tpu.memory_space<semaphore_mem>>)
      %dma_start3A_110 = arith.constant 1 : i32
      %dma_start3A_111 = arith.constant 64 : i32
      %dma_start3A_112 = arith.constant 0 : i32
      %dma_start3A_113 = tpu.memref_slice %arg12[%dma_start3A_111, %dma_start3A_112] : memref<128x128xf32, #tpu.memory_space<vmem>> -> memref<32x128xf32, #tpu.memory_space<vmem>>
      %dma_start3A_114 = arith.constant 64 : i32
      %dma_start3A_115 = tpu.memref_slice %arg7[%dma_start3A_110, %dma_start3A_114] : memref<8x128xi32, #tpu.memory_space<vmem>> -> memref<1x32xi32, #tpu.memory_space<vmem>>
      %dma_start3A_116 = tpu.memref_squeeze %dma_start3A_115 : memref<1x32xi32, #tpu.memory_space<vmem>> -> memref<32xi32, #tpu.memory_space<vmem>>
      %dma_start3A_117 = arith.constant 0 : i32
      %dma_start3A_118 = arith.constant 0 : i32
      %dma_start3A_119 = tpu.memref_slice %arg2[%dma_start3A_117, %dma_start3A_118] : memref<10112x128xf32, #tpu.memory_space<hbm>> -> memref<10112x128xf32, #tpu.memory_space<hbm>>
      tpu.enqueue_indirect_dma source(%dma_start3A_119 : memref<10112x128xf32, #tpu.memory_space<hbm>>) target(%dma_start3A_113 : memref<32x128xf32, #tpu.memory_space<vmem>>) offsets(%dma_start3A_116 : memref<32xi32, #tpu.memory_space<vmem>>) semaphore(%arg17 : memref<!tpu.dma_semaphore, #tpu.memory_space<semaphore_mem>>)
      %dma_start3A_120 = arith.constant 1 : i32
      %dma_start3A_121 = arith.constant 96 : i32
      %dma_start3A_122 = arith.constant 0 : i32
      %dma_start3A_123 = tpu.memref_slice %arg12[%dma_start3A_121, %dma_start3A_122] : memref<128x128xf32, #tpu.memory_space<vmem>> -> memref<32x128xf32, #tpu.memory_space<vmem>>
      %dma_start3A_124 = arith.constant 96 : i32
      %dma_start3A_125 = tpu.memref_slice %arg7[%dma_start3A_120, %dma_start3A_124] : memref<8x128xi32, #tpu.memory_space<vmem>> -> memref<1x32xi32, #tpu.memory_space<vmem>>
      %dma_start3A_126 = tpu.memref_squeeze %dma_start3A_125 : memref<1x32xi32, #tpu.memory_space<vmem>> -> memref<32xi32, #tpu.memory_space<vmem>>
      %dma_start3A_127 = arith.constant 0 : i32
      %dma_start3A_128 = arith.constant 0 : i32
      %dma_start3A_129 = tpu.memref_slice %arg2[%dma_start3A_127, %dma_start3A_128] : memref<10112x128xf32, #tpu.memory_space<hbm>> -> memref<10112x128xf32, #tpu.memory_space<hbm>>
      tpu.enqueue_indirect_dma source(%dma_start3A_129 : memref<10112x128xf32, #tpu.memory_space<hbm>>) target(%dma_start3A_123 : memref<32x128xf32, #tpu.memory_space<vmem>>) offsets(%dma_start3A_126 : memref<32xi32, #tpu.memory_space<vmem>>) semaphore(%arg17 : memref<!tpu.dma_semaphore, #tpu.memory_space<semaphore_mem>>)
      %scan3A_130 = arith.constant 0 : i32
      %scan3A_131 = arith.constant 4 : i32
      %scan3A_132 = arith.addi %scan3A_130, %scan3A_131 : i32
      %scan3A_133 = arith.constant 1 : i32
      scf.for %scan3A_247 = %scan3A_130 to %scan3A_132 step %scan3A_133  : i32 {
        %mul3A_248 = arith.constant 1 : i32
        %mul3A_249 = arith.muli %scan3A_247, %mul3A_248 : i32
        %add3A_250 = arith.constant 0 : i32
        %add3A_251 = arith.addi %add3A_250, %mul3A_249 : i32
        %mul3A_252 = arith.constant 2 : i32
        %mul3A_253 = arith.muli %mul3A_252, %add3A_251 : i32
        %dma_wait3A_254 = arith.constant 0 : i32
        %dma_wait3A_255 = arith.constant 0 : i32
        %dma_wait3A_256 = tpu.memref_slice %arg11[%dma_wait3A_254, %dma_wait3A_255] : memref<128x128xf32, #tpu.memory_space<vmem>> -> memref<32x128xf32, #tpu.memory_space<vmem>>
        %dma_wait3A_257 = arith.constant 0 : i32
        %dma_wait3A_258 = arith.constant 0 : i32
        %dma_wait3A_259 = tpu.memref_slice %arg2[%dma_wait3A_257, %dma_wait3A_258] : memref<10112x128xf32, #tpu.memory_space<hbm>> -> memref<32x128xf32, #tpu.memory_space<hbm>>
        %dma_wait3A_260 = arith.constant 0 : i32
        %dma_wait3A_261 = arith.constant 0 : i32
        %dma_wait3A_262 = tpu.memref_slice %arg11[%dma_wait3A_260, %dma_wait3A_261] : memref<128x128xf32, #tpu.memory_space<vmem>> -> memref<32x128xf32, #tpu.memory_space<vmem>>
        %dma_wait3A_263 = arith.constant 0 : i32
        %dma_wait3A_264 = arith.constant 0 : i32
        %dma_wait3A_265 = tpu.memref_slice %arg2[%dma_wait3A_263, %dma_wait3A_264] : memref<10112x128xf32, #tpu.memory_space<hbm>> -> memref<32x128xf32, #tpu.memory_space<hbm>>
        tpu.wait_dma2 semaphore(%arg16 : memref<!tpu.dma_semaphore, #tpu.memory_space<semaphore_mem>>) src(%dma_wait3A_265 : memref<32x128xf32, #tpu.memory_space<hbm>>) dst(%dma_wait3A_262 : memref<32x128xf32, #tpu.memory_space<vmem>>)
        %dma_wait3A_266 = arith.constant 32 : i32
        %dma_wait3A_267 = arith.constant 0 : i32
        %dma_wait3A_268 = tpu.memref_slice %arg11[%dma_wait3A_266, %dma_wait3A_267] : memref<128x128xf32, #tpu.memory_space<vmem>> -> memref<32x128xf32, #tpu.memory_space<vmem>>
        %dma_wait3A_269 = arith.constant 0 : i32
        %dma_wait3A_270 = arith.constant 0 : i32
        %dma_wait3A_271 = tpu.memref_slice %arg2[%dma_wait3A_269, %dma_wait3A_270] : memref<10112x128xf32, #tpu.memory_space<hbm>> -> memref<32x128xf32, #tpu.memory_space<hbm>>
        %dma_wait3A_272 = arith.constant 32 : i32
        %dma_wait3A_273 = arith.constant 0 : i32
        %dma_wait3A_274 = tpu.memref_slice %arg11[%dma_wait3A_272, %dma_wait3A_273] : memref<128x128xf32, #tpu.memory_space<vmem>> -> memref<32x128xf32, #tpu.memory_space<vmem>>
        %dma_wait3A_275 = arith.constant 0 : i32
        %dma_wait3A_276 = arith.constant 0 : i32
        %dma_wait3A_277 = tpu.memref_slice %arg2[%dma_wait3A_275, %dma_wait3A_276] : memref<10112x128xf32, #tpu.memory_space<hbm>> -> memref<32x128xf32, #tpu.memory_space<hbm>>
        tpu.wait_dma2 semaphore(%arg16 : memref<!tpu.dma_semaphore, #tpu.memory_space<semaphore_mem>>) src(%dma_wait3A_277 : memref<32x128xf32, #tpu.memory_space<hbm>>) dst(%dma_wait3A_274 : memref<32x128xf32, #tpu.memory_space<vmem>>)
        %dma_wait3A_278 = arith.constant 64 : i32
        %dma_wait3A_279 = arith.constant 0 : i32
        %dma_wait3A_280 = tpu.memref_slice %arg11[%dma_wait3A_278, %dma_wait3A_279] : memref<128x128xf32, #tpu.memory_space<vmem>> -> memref<32x128xf32, #tpu.memory_space<vmem>>
        %dma_wait3A_281 = arith.constant 0 : i32
        %dma_wait3A_282 = arith.constant 0 : i32
        %dma_wait3A_283 = tpu.memref_slice %arg2[%dma_wait3A_281, %dma_wait3A_282] : memref<10112x128xf32, #tpu.memory_space<hbm>> -> memref<32x128xf32, #tpu.memory_space<hbm>>
        %dma_wait3A_284 = arith.constant 64 : i32
        %dma_wait3A_285 = arith.constant 0 : i32
        %dma_wait3A_286 = tpu.memref_slice %arg11[%dma_wait3A_284, %dma_wait3A_285] : memref<128x128xf32, #tpu.memory_space<vmem>> -> memref<32x128xf32, #tpu.memory_space<vmem>>
        %dma_wait3A_287 = arith.constant 0 : i32
        %dma_wait3A_288 = arith.constant 0 : i32
        %dma_wait3A_289 = tpu.memref_slice %arg2[%dma_wait3A_287, %dma_wait3A_288] : memref<10112x128xf32, #tpu.memory_space<hbm>> -> memref<32x128xf32, #tpu.memory_space<hbm>>
        tpu.wait_dma2 semaphore(%arg16 : memref<!tpu.dma_semaphore, #tpu.memory_space<semaphore_mem>>) src(%dma_wait3A_289 : memref<32x128xf32, #tpu.memory_space<hbm>>) dst(%dma_wait3A_286 : memref<32x128xf32, #tpu.memory_space<vmem>>)
        %dma_wait3A_290 = arith.constant 96 : i32
        %dma_wait3A_291 = arith.constant 0 : i32
        %dma_wait3A_292 = tpu.memref_slice %arg11[%dma_wait3A_290, %dma_wait3A_291] : memref<128x128xf32, #tpu.memory_space<vmem>> -> memref<32x128xf32, #tpu.memory_space<vmem>>
        %dma_wait3A_293 = arith.constant 0 : i32
        %dma_wait3A_294 = arith.constant 0 : i32
        %dma_wait3A_295 = tpu.memref_slice %arg2[%dma_wait3A_293, %dma_wait3A_294] : memref<10112x128xf32, #tpu.memory_space<hbm>> -> memref<32x128xf32, #tpu.memory_space<hbm>>
        %dma_wait3A_296 = arith.constant 96 : i32
        %dma_wait3A_297 = arith.constant 0 : i32
        %dma_wait3A_298 = tpu.memref_slice %arg11[%dma_wait3A_296, %dma_wait3A_297] : memref<128x128xf32, #tpu.memory_space<vmem>> -> memref<32x128xf32, #tpu.memory_space<vmem>>
        %dma_wait3A_299 = arith.constant 0 : i32
        %dma_wait3A_300 = arith.constant 0 : i32
        %dma_wait3A_301 = tpu.memref_slice %arg2[%dma_wait3A_299, %dma_wait3A_300] : memref<10112x128xf32, #tpu.memory_space<hbm>> -> memref<32x128xf32, #tpu.memory_space<hbm>>
        tpu.wait_dma2 semaphore(%arg16 : memref<!tpu.dma_semaphore, #tpu.memory_space<semaphore_mem>>) src(%dma_wait3A_301 : memref<32x128xf32, #tpu.memory_space<hbm>>) dst(%dma_wait3A_298 : memref<32x128xf32, #tpu.memory_space<vmem>>)
        %add3A_302 = arith.constant 0 : i32
        %add3A_303 = arith.addi %mul3A_253, %add3A_302 : i32
        "tpu.region"() ({
          %run_scoped3A = tpu.sem_alloc : memref<!tpu.dma_semaphore, #tpu.memory_space<semaphore_mem>>
          %dma_start3A_372 = arith.constant 0 : i32
          %dma_start3A_373 = tpu.memref_slice %arg9[%add3A_303, %dma_start3A_372] : memref<8x128xi32, #tpu.memory_space<vmem>> -> memref<1x128xi32, #tpu.memory_space<vmem>>
          %dma_start3A_374 = tpu.memref_squeeze %dma_start3A_373 : memref<1x128xi32, #tpu.memory_space<vmem>> -> memref<128xi32, #tpu.memory_space<vmem>>
          %dma_start3A_375 = arith.constant 0 : i32
          %dma_start3A_376 = arith.constant 0 : i32
          %dma_start3A_377 = tpu.memref_slice %arg13[%dma_start3A_375, %dma_start3A_376] : memref<10112x128xf32, #tpu.memory_space<vmem_shared>> -> memref<10112x128xf32, #tpu.memory_space<vmem_shared>>
          tpu.enqueue_indirect_dma source(%arg11 : memref<128x128xf32, #tpu.memory_space<vmem>>) target(%dma_start3A_377 : memref<10112x128xf32, #tpu.memory_space<vmem_shared>>) offsets(%dma_start3A_374 : memref<128xi32, #tpu.memory_space<vmem>>) semaphore(%run_scoped3A : memref<!tpu.dma_semaphore, #tpu.memory_space<semaphore_mem>>) {add = true}
          %dma_wait3A_378 = arith.constant 0 : i32
          %dma_wait3A_379 = tpu.memref_slice %arg9[%add3A_303, %dma_wait3A_378] : memref<8x128xi32, #tpu.memory_space<vmem>> -> memref<1x128xi32, #tpu.memory_space<vmem>>
          %dma_wait3A_380 = tpu.memref_squeeze %dma_wait3A_379 : memref<1x128xi32, #tpu.memory_space<vmem>> -> memref<128xi32, #tpu.memory_space<vmem>>
          %dma_wait3A_381 = arith.constant 0 : i32
          %dma_wait3A_382 = arith.constant 0 : i32
          %dma_wait3A_383 = tpu.memref_slice %arg13[%dma_wait3A_381, %dma_wait3A_382] : memref<10112x128xf32, #tpu.memory_space<vmem_shared>> -> memref<10112x128xf32, #tpu.memory_space<vmem_shared>>
          tpu.wait_indirect_dma semaphore(%run_scoped3A : memref<!tpu.dma_semaphore, #tpu.memory_space<semaphore_mem>>) src(%arg11 : memref<128x128xf32, #tpu.memory_space<vmem>>) dst(%dma_wait3A_383 : memref<10112x128xf32, #tpu.memory_space<vmem_shared>>)
          tpu.yield
        }) : () -> ()
        %add3A_304 = arith.constant 2 : i32
        %add3A_305 = arith.addi %mul3A_253, %add3A_304 : i32
        %add3A_306 = arith.constant 0 : i32
        %add3A_307 = arith.addi %add3A_305, %add3A_306 : i32
        %lt3A_308 = arith.constant 8 : i32
        %lt3A_309 = arith.cmpi slt, %add3A_307, %lt3A_308 : i32
        %convert_element_type3A_310 = arith.extui %lt3A_309 : i1 to i32
        %cond3A_311 = arith.constant 0 : i32
        %cond3A_312 = arith.cmpi ne, %convert_element_type3A_310, %cond3A_311 : i32
        scf.if %cond3A_312 {
          %add3A_372 = arith.constant 2 : i32
          %add3A_373 = arith.addi %mul3A_253, %add3A_372 : i32
          %add3A_374 = arith.constant 0 : i32
          %add3A_375 = arith.addi %add3A_373, %add3A_374 : i32
          %dma_start3A_376 = arith.constant 0 : i32
          %dma_start3A_377 = arith.constant 0 : i32
          %dma_start3A_378 = tpu.memref_slice %arg11[%dma_start3A_376, %dma_start3A_377] : memref<128x128xf32, #tpu.memory_space<vmem>> -> memref<32x128xf32, #tpu.memory_space<vmem>>
          %dma_start3A_379 = arith.constant 0 : i32
          %dma_start3A_380 = tpu.memref_slice %arg7[%add3A_375, %dma_start3A_379] : memref<8x128xi32, #tpu.memory_space<vmem>> -> memref<1x32xi32, #tpu.memory_space<vmem>>
          %dma_start3A_381 = tpu.memref_squeeze %dma_start3A_380 : memref<1x32xi32, #tpu.memory_space<vmem>> -> memref<32xi32, #tpu.memory_space<vmem>>
          %dma_start3A_382 = arith.constant 0 : i32
          %dma_start3A_383 = arith.constant 0 : i32
          %dma_start3A_384 = tpu.memref_slice %arg2[%dma_start3A_382, %dma_start3A_383] : memref<10112x128xf32, #tpu.memory_space<hbm>> -> memref<10112x128xf32, #tpu.memory_space<hbm>>
          tpu.enqueue_indirect_dma source(%dma_start3A_384 : memref<10112x128xf32, #tpu.memory_space<hbm>>) target(%dma_start3A_378 : memref<32x128xf32, #tpu.memory_space<vmem>>) offsets(%dma_start3A_381 : memref<32xi32, #tpu.memory_space<vmem>>) semaphore(%arg16 : memref<!tpu.dma_semaphore, #tpu.memory_space<semaphore_mem>>)
          %dma_start3A_385 = arith.constant 32 : i32
          %dma_start3A_386 = arith.constant 0 : i32
          %dma_start3A_387 = tpu.memref_slice %arg11[%dma_start3A_385, %dma_start3A_386] : memref<128x128xf32, #tpu.memory_space<vmem>> -> memref<32x128xf32, #tpu.memory_space<vmem>>
          %dma_start3A_388 = arith.constant 32 : i32
          %dma_start3A_389 = tpu.memref_slice %arg7[%add3A_375, %dma_start3A_388] : memref<8x128xi32, #tpu.memory_space<vmem>> -> memref<1x32xi32, #tpu.memory_space<vmem>>
          %dma_start3A_390 = tpu.memref_squeeze %dma_start3A_389 : memref<1x32xi32, #tpu.memory_space<vmem>> -> memref<32xi32, #tpu.memory_space<vmem>>
          %dma_start3A_391 = arith.constant 0 : i32
          %dma_start3A_392 = arith.constant 0 : i32
          %dma_start3A_393 = tpu.memref_slice %arg2[%dma_start3A_391, %dma_start3A_392] : memref<10112x128xf32, #tpu.memory_space<hbm>> -> memref<10112x128xf32, #tpu.memory_space<hbm>>
          tpu.enqueue_indirect_dma source(%dma_start3A_393 : memref<10112x128xf32, #tpu.memory_space<hbm>>) target(%dma_start3A_387 : memref<32x128xf32, #tpu.memory_space<vmem>>) offsets(%dma_start3A_390 : memref<32xi32, #tpu.memory_space<vmem>>) semaphore(%arg16 : memref<!tpu.dma_semaphore, #tpu.memory_space<semaphore_mem>>)
          %dma_start3A_394 = arith.constant 64 : i32
          %dma_start3A_395 = arith.constant 0 : i32
          %dma_start3A_396 = tpu.memref_slice %arg11[%dma_start3A_394, %dma_start3A_395] : memref<128x128xf32, #tpu.memory_space<vmem>> -> memref<32x128xf32, #tpu.memory_space<vmem>>
          %dma_start3A_397 = arith.constant 64 : i32
          %dma_start3A_398 = tpu.memref_slice %arg7[%add3A_375, %dma_start3A_397] : memref<8x128xi32, #tpu.memory_space<vmem>> -> memref<1x32xi32, #tpu.memory_space<vmem>>
          %dma_start3A_399 = tpu.memref_squeeze %dma_start3A_398 : memref<1x32xi32, #tpu.memory_space<vmem>> -> memref<32xi32, #tpu.memory_space<vmem>>
          %dma_start3A_400 = arith.constant 0 : i32
          %dma_start3A_401 = arith.constant 0 : i32
          %dma_start3A_402 = tpu.memref_slice %arg2[%dma_start3A_400, %dma_start3A_401] : memref<10112x128xf32, #tpu.memory_space<hbm>> -> memref<10112x128xf32, #tpu.memory_space<hbm>>
          tpu.enqueue_indirect_dma source(%dma_start3A_402 : memref<10112x128xf32, #tpu.memory_space<hbm>>) target(%dma_start3A_396 : memref<32x128xf32, #tpu.memory_space<vmem>>) offsets(%dma_start3A_399 : memref<32xi32, #tpu.memory_space<vmem>>) semaphore(%arg16 : memref<!tpu.dma_semaphore, #tpu.memory_space<semaphore_mem>>)
          %dma_start3A_403 = arith.constant 96 : i32
          %dma_start3A_404 = arith.constant 0 : i32
          %dma_start3A_405 = tpu.memref_slice %arg11[%dma_start3A_403, %dma_start3A_404] : memref<128x128xf32, #tpu.memory_space<vmem>> -> memref<32x128xf32, #tpu.memory_space<vmem>>
          %dma_start3A_406 = arith.constant 96 : i32
          %dma_start3A_407 = tpu.memref_slice %arg7[%add3A_375, %dma_start3A_406] : memref<8x128xi32, #tpu.memory_space<vmem>> -> memref<1x32xi32, #tpu.memory_space<vmem>>
          %dma_start3A_408 = tpu.memref_squeeze %dma_start3A_407 : memref<1x32xi32, #tpu.memory_space<vmem>> -> memref<32xi32, #tpu.memory_space<vmem>>
          %dma_start3A_409 = arith.constant 0 : i32
          %dma_start3A_410 = arith.constant 0 : i32
          %dma_start3A_411 = tpu.memref_slice %arg2[%dma_start3A_409, %dma_start3A_410] : memref<10112x128xf32, #tpu.memory_space<hbm>> -> memref<10112x128xf32, #tpu.memory_space<hbm>>
          tpu.enqueue_indirect_dma source(%dma_start3A_411 : memref<10112x128xf32, #tpu.memory_space<hbm>>) target(%dma_start3A_405 : memref<32x128xf32, #tpu.memory_space<vmem>>) offsets(%dma_start3A_408 : memref<32xi32, #tpu.memory_space<vmem>>) semaphore(%arg16 : memref<!tpu.dma_semaphore, #tpu.memory_space<semaphore_mem>>)
        } else {
        }
        %dma_wait3A_313 = arith.constant 0 : i32
        %dma_wait3A_314 = arith.constant 0 : i32
        %dma_wait3A_315 = tpu.memref_slice %arg12[%dma_wait3A_313, %dma_wait3A_314] : memref<128x128xf32, #tpu.memory_space<vmem>> -> memref<32x128xf32, #tpu.memory_space<vmem>>
        %dma_wait3A_316 = arith.constant 0 : i32
        %dma_wait3A_317 = arith.constant 0 : i32
        %dma_wait3A_318 = tpu.memref_slice %arg2[%dma_wait3A_316, %dma_wait3A_317] : memref<10112x128xf32, #tpu.memory_space<hbm>> -> memref<32x128xf32, #tpu.memory_space<hbm>>
        %dma_wait3A_319 = arith.constant 0 : i32
        %dma_wait3A_320 = arith.constant 0 : i32
        %dma_wait3A_321 = tpu.memref_slice %arg12[%dma_wait3A_319, %dma_wait3A_320] : memref<128x128xf32, #tpu.memory_space<vmem>> -> memref<32x128xf32, #tpu.memory_space<vmem>>
        %dma_wait3A_322 = arith.constant 0 : i32
        %dma_wait3A_323 = arith.constant 0 : i32
        %dma_wait3A_324 = tpu.memref_slice %arg2[%dma_wait3A_322, %dma_wait3A_323] : memref<10112x128xf32, #tpu.memory_space<hbm>> -> memref<32x128xf32, #tpu.memory_space<hbm>>
        tpu.wait_dma2 semaphore(%arg17 : memref<!tpu.dma_semaphore, #tpu.memory_space<semaphore_mem>>) src(%dma_wait3A_324 : memref<32x128xf32, #tpu.memory_space<hbm>>) dst(%dma_wait3A_321 : memref<32x128xf32, #tpu.memory_space<vmem>>)
        %dma_wait3A_325 = arith.constant 32 : i32
        %dma_wait3A_326 = arith.constant 0 : i32
        %dma_wait3A_327 = tpu.memref_slice %arg12[%dma_wait3A_325, %dma_wait3A_326] : memref<128x128xf32, #tpu.memory_space<vmem>> -> memref<32x128xf32, #tpu.memory_space<vmem>>
        %dma_wait3A_328 = arith.constant 0 : i32
        %dma_wait3A_329 = arith.constant 0 : i32
        %dma_wait3A_330 = tpu.memref_slice %arg2[%dma_wait3A_328, %dma_wait3A_329] : memref<10112x128xf32, #tpu.memory_space<hbm>> -> memref<32x128xf32, #tpu.memory_space<hbm>>
        %dma_wait3A_331 = arith.constant 32 : i32
        %dma_wait3A_332 = arith.constant 0 : i32
        %dma_wait3A_333 = tpu.memref_slice %arg12[%dma_wait3A_331, %dma_wait3A_332] : memref<128x128xf32, #tpu.memory_space<vmem>> -> memref<32x128xf32, #tpu.memory_space<vmem>>
        %dma_wait3A_334 = arith.constant 0 : i32
        %dma_wait3A_335 = arith.constant 0 : i32
        %dma_wait3A_336 = tpu.memref_slice %arg2[%dma_wait3A_334, %dma_wait3A_335] : memref<10112x128xf32, #tpu.memory_space<hbm>> -> memref<32x128xf32, #tpu.memory_space<hbm>>
        tpu.wait_dma2 semaphore(%arg17 : memref<!tpu.dma_semaphore, #tpu.memory_space<semaphore_mem>>) src(%dma_wait3A_336 : memref<32x128xf32, #tpu.memory_space<hbm>>) dst(%dma_wait3A_333 : memref<32x128xf32, #tpu.memory_space<vmem>>)
        %dma_wait3A_337 = arith.constant 64 : i32
        %dma_wait3A_338 = arith.constant 0 : i32
        %dma_wait3A_339 = tpu.memref_slice %arg12[%dma_wait3A_337, %dma_wait3A_338] : memref<128x128xf32, #tpu.memory_space<vmem>> -> memref<32x128xf32, #tpu.memory_space<vmem>>
        %dma_wait3A_340 = arith.constant 0 : i32
        %dma_wait3A_341 = arith.constant 0 : i32
        %dma_wait3A_342 = tpu.memref_slice %arg2[%dma_wait3A_340, %dma_wait3A_341] : memref<10112x128xf32, #tpu.memory_space<hbm>> -> memref<32x128xf32, #tpu.memory_space<hbm>>
        %dma_wait3A_343 = arith.constant 64 : i32
        %dma_wait3A_344 = arith.constant 0 : i32
        %dma_wait3A_345 = tpu.memref_slice %arg12[%dma_wait3A_343, %dma_wait3A_344] : memref<128x128xf32, #tpu.memory_space<vmem>> -> memref<32x128xf32, #tpu.memory_space<vmem>>
        %dma_wait3A_346 = arith.constant 0 : i32
        %dma_wait3A_347 = arith.constant 0 : i32
        %dma_wait3A_348 = tpu.memref_slice %arg2[%dma_wait3A_346, %dma_wait3A_347] : memref<10112x128xf32, #tpu.memory_space<hbm>> -> memref<32x128xf32, #tpu.memory_space<hbm>>
        tpu.wait_dma2 semaphore(%arg17 : memref<!tpu.dma_semaphore, #tpu.memory_space<semaphore_mem>>) src(%dma_wait3A_348 : memref<32x128xf32, #tpu.memory_space<hbm>>) dst(%dma_wait3A_345 : memref<32x128xf32, #tpu.memory_space<vmem>>)
        %dma_wait3A_349 = arith.constant 96 : i32
        %dma_wait3A_350 = arith.constant 0 : i32
        %dma_wait3A_351 = tpu.memref_slice %arg12[%dma_wait3A_349, %dma_wait3A_350] : memref<128x128xf32, #tpu.memory_space<vmem>> -> memref<32x128xf32, #tpu.memory_space<vmem>>
        %dma_wait3A_352 = arith.constant 0 : i32
        %dma_wait3A_353 = arith.constant 0 : i32
        %dma_wait3A_354 = tpu.memref_slice %arg2[%dma_wait3A_352, %dma_wait3A_353] : memref<10112x128xf32, #tpu.memory_space<hbm>> -> memref<32x128xf32, #tpu.memory_space<hbm>>
        %dma_wait3A_355 = arith.constant 96 : i32
        %dma_wait3A_356 = arith.constant 0 : i32
        %dma_wait3A_357 = tpu.memref_slice %arg12[%dma_wait3A_355, %dma_wait3A_356] : memref<128x128xf32, #tpu.memory_space<vmem>> -> memref<32x128xf32, #tpu.memory_space<vmem>>
        %dma_wait3A_358 = arith.constant 0 : i32
        %dma_wait3A_359 = arith.constant 0 : i32
        %dma_wait3A_360 = tpu.memref_slice %arg2[%dma_wait3A_358, %dma_wait3A_359] : memref<10112x128xf32, #tpu.memory_space<hbm>> -> memref<32x128xf32, #tpu.memory_space<hbm>>
        tpu.wait_dma2 semaphore(%arg17 : memref<!tpu.dma_semaphore, #tpu.memory_space<semaphore_mem>>) src(%dma_wait3A_360 : memref<32x128xf32, #tpu.memory_space<hbm>>) dst(%dma_wait3A_357 : memref<32x128xf32, #tpu.memory_space<vmem>>)
        %add3A_361 = arith.constant 1 : i32
        %add3A_362 = arith.addi %mul3A_253, %add3A_361 : i32
        "tpu.region"() ({
          %run_scoped3A = tpu.sem_alloc : memref<!tpu.dma_semaphore, #tpu.memory_space<semaphore_mem>>
          %dma_start3A_372 = arith.constant 0 : i32
          %dma_start3A_373 = tpu.memref_slice %arg9[%add3A_362, %dma_start3A_372] : memref<8x128xi32, #tpu.memory_space<vmem>> -> memref<1x128xi32, #tpu.memory_space<vmem>>
          %dma_start3A_374 = tpu.memref_squeeze %dma_start3A_373 : memref<1x128xi32, #tpu.memory_space<vmem>> -> memref<128xi32, #tpu.memory_space<vmem>>
          %dma_start3A_375 = arith.constant 0 : i32
          %dma_start3A_376 = arith.constant 0 : i32
          %dma_start3A_377 = tpu.memref_slice %arg13[%dma_start3A_375, %dma_start3A_376] : memref<10112x128xf32, #tpu.memory_space<vmem_shared>> -> memref<10112x128xf32, #tpu.memory_space<vmem_shared>>
          tpu.enqueue_indirect_dma source(%arg12 : memref<128x128xf32, #tpu.memory_space<vmem>>) target(%dma_start3A_377 : memref<10112x128xf32, #tpu.memory_space<vmem_shared>>) offsets(%dma_start3A_374 : memref<128xi32, #tpu.memory_space<vmem>>) semaphore(%run_scoped3A : memref<!tpu.dma_semaphore, #tpu.memory_space<semaphore_mem>>) {add = true}
          %dma_wait3A_378 = arith.constant 0 : i32
          %dma_wait3A_379 = tpu.memref_slice %arg9[%add3A_362, %dma_wait3A_378] : memref<8x128xi32, #tpu.memory_space<vmem>> -> memref<1x128xi32, #tpu.memory_space<vmem>>
          %dma_wait3A_380 = tpu.memref_squeeze %dma_wait3A_379 : memref<1x128xi32, #tpu.memory_space<vmem>> -> memref<128xi32, #tpu.memory_space<vmem>>
          %dma_wait3A_381 = arith.constant 0 : i32
          %dma_wait3A_382 = arith.constant 0 : i32
          %dma_wait3A_383 = tpu.memref_slice %arg13[%dma_wait3A_381, %dma_wait3A_382] : memref<10112x128xf32, #tpu.memory_space<vmem_shared>> -> memref<10112x128xf32, #tpu.memory_space<vmem_shared>>
          tpu.wait_indirect_dma semaphore(%run_scoped3A : memref<!tpu.dma_semaphore, #tpu.memory_space<semaphore_mem>>) src(%arg12 : memref<128x128xf32, #tpu.memory_space<vmem>>) dst(%dma_wait3A_383 : memref<10112x128xf32, #tpu.memory_space<vmem_shared>>)
          tpu.yield
        }) : () -> ()
        %add3A_363 = arith.constant 2 : i32
        %add3A_364 = arith.addi %mul3A_253, %add3A_363 : i32
        %add3A_365 = arith.constant 1 : i32
        %add3A_366 = arith.addi %add3A_364, %add3A_365 : i32
        %lt3A_367 = arith.constant 8 : i32
        %lt3A_368 = arith.cmpi slt, %add3A_366, %lt3A_367 : i32
        %convert_element_type3A_369 = arith.extui %lt3A_368 : i1 to i32
        %cond3A_370 = arith.constant 0 : i32
        %cond3A_371 = arith.cmpi ne, %convert_element_type3A_369, %cond3A_370 : i32
        scf.if %cond3A_371 {
          %add3A_372 = arith.constant 2 : i32
          %add3A_373 = arith.addi %mul3A_253, %add3A_372 : i32
          %add3A_374 = arith.constant 1 : i32
          %add3A_375 = arith.addi %add3A_373, %add3A_374 : i32
          %dma_start3A_376 = arith.constant 0 : i32
          %dma_start3A_377 = arith.constant 0 : i32
          %dma_start3A_378 = tpu.memref_slice %arg12[%dma_start3A_376, %dma_start3A_377] : memref<128x128xf32, #tpu.memory_space<vmem>> -> memref<32x128xf32, #tpu.memory_space<vmem>>
          %dma_start3A_379 = arith.constant 0 : i32
          %dma_start3A_380 = tpu.memref_slice %arg7[%add3A_375, %dma_start3A_379] : memref<8x128xi32, #tpu.memory_space<vmem>> -> memref<1x32xi32, #tpu.memory_space<vmem>>
          %dma_start3A_381 = tpu.memref_squeeze %dma_start3A_380 : memref<1x32xi32, #tpu.memory_space<vmem>> -> memref<32xi32, #tpu.memory_space<vmem>>
          %dma_start3A_382 = arith.constant 0 : i32
          %dma_start3A_383 = arith.constant 0 : i32
          %dma_start3A_384 = tpu.memref_slice %arg2[%dma_start3A_382, %dma_start3A_383] : memref<10112x128xf32, #tpu.memory_space<hbm>> -> memref<10112x128xf32, #tpu.memory_space<hbm>>
          tpu.enqueue_indirect_dma source(%dma_start3A_384 : memref<10112x128xf32, #tpu.memory_space<hbm>>) target(%dma_start3A_378 : memref<32x128xf32, #tpu.memory_space<vmem>>) offsets(%dma_start3A_381 : memref<32xi32, #tpu.memory_space<vmem>>) semaphore(%arg17 : memref<!tpu.dma_semaphore, #tpu.memory_space<semaphore_mem>>)
          %dma_start3A_385 = arith.constant 32 : i32
          %dma_start3A_386 = arith.constant 0 : i32
          %dma_start3A_387 = tpu.memref_slice %arg12[%dma_start3A_385, %dma_start3A_386] : memref<128x128xf32, #tpu.memory_space<vmem>> -> memref<32x128xf32, #tpu.memory_space<vmem>>
          %dma_start3A_388 = arith.constant 32 : i32
          %dma_start3A_389 = tpu.memref_slice %arg7[%add3A_375, %dma_start3A_388] : memref<8x128xi32, #tpu.memory_space<vmem>> -> memref<1x32xi32, #tpu.memory_space<vmem>>
          %dma_start3A_390 = tpu.memref_squeeze %dma_start3A_389 : memref<1x32xi32, #tpu.memory_space<vmem>> -> memref<32xi32, #tpu.memory_space<vmem>>
          %dma_start3A_391 = arith.constant 0 : i32
          %dma_start3A_392 = arith.constant 0 : i32
          %dma_start3A_393 = tpu.memref_slice %arg2[%dma_start3A_391, %dma_start3A_392] : memref<10112x128xf32, #tpu.memory_space<hbm>> -> memref<10112x128xf32, #tpu.memory_space<hbm>>
          tpu.enqueue_indirect_dma source(%dma_start3A_393 : memref<10112x128xf32, #tpu.memory_space<hbm>>) target(%dma_start3A_387 : memref<32x128xf32, #tpu.memory_space<vmem>>) offsets(%dma_start3A_390 : memref<32xi32, #tpu.memory_space<vmem>>) semaphore(%arg17 : memref<!tpu.dma_semaphore, #tpu.memory_space<semaphore_mem>>)
          %dma_start3A_394 = arith.constant 64 : i32
          %dma_start3A_395 = arith.constant 0 : i32
          %dma_start3A_396 = tpu.memref_slice %arg12[%dma_start3A_394, %dma_start3A_395] : memref<128x128xf32, #tpu.memory_space<vmem>> -> memref<32x128xf32, #tpu.memory_space<vmem>>
          %dma_start3A_397 = arith.constant 64 : i32
          %dma_start3A_398 = tpu.memref_slice %arg7[%add3A_375, %dma_start3A_397] : memref<8x128xi32, #tpu.memory_space<vmem>> -> memref<1x32xi32, #tpu.memory_space<vmem>>
          %dma_start3A_399 = tpu.memref_squeeze %dma_start3A_398 : memref<1x32xi32, #tpu.memory_space<vmem>> -> memref<32xi32, #tpu.memory_space<vmem>>
          %dma_start3A_400 = arith.constant 0 : i32
          %dma_start3A_401 = arith.constant 0 : i32
          %dma_start3A_402 = tpu.memref_slice %arg2[%dma_start3A_400, %dma_start3A_401] : memref<10112x128xf32, #tpu.memory_space<hbm>> -> memref<10112x128xf32, #tpu.memory_space<hbm>>
          tpu.enqueue_indirect_dma source(%dma_start3A_402 : memref<10112x128xf32, #tpu.memory_space<hbm>>) target(%dma_start3A_396 : memref<32x128xf32, #tpu.memory_space<vmem>>) offsets(%dma_start3A_399 : memref<32xi32, #tpu.memory_space<vmem>>) semaphore(%arg17 : memref<!tpu.dma_semaphore, #tpu.memory_space<semaphore_mem>>)
          %dma_start3A_403 = arith.constant 96 : i32
          %dma_start3A_404 = arith.constant 0 : i32
          %dma_start3A_405 = tpu.memref_slice %arg12[%dma_start3A_403, %dma_start3A_404] : memref<128x128xf32, #tpu.memory_space<vmem>> -> memref<32x128xf32, #tpu.memory_space<vmem>>
          %dma_start3A_406 = arith.constant 96 : i32
          %dma_start3A_407 = tpu.memref_slice %arg7[%add3A_375, %dma_start3A_406] : memref<8x128xi32, #tpu.memory_space<vmem>> -> memref<1x32xi32, #tpu.memory_space<vmem>>
          %dma_start3A_408 = tpu.memref_squeeze %dma_start3A_407 : memref<1x32xi32, #tpu.memory_space<vmem>> -> memref<32xi32, #tpu.memory_space<vmem>>
          %dma_start3A_409 = arith.constant 0 : i32
          %dma_start3A_410 = arith.constant 0 : i32
          %dma_start3A_411 = tpu.memref_slice %arg2[%dma_start3A_409, %dma_start3A_410] : memref<10112x128xf32, #tpu.memory_space<hbm>> -> memref<10112x128xf32, #tpu.memory_space<hbm>>
          tpu.enqueue_indirect_dma source(%dma_start3A_411 : memref<10112x128xf32, #tpu.memory_space<hbm>>) target(%dma_start3A_405 : memref<32x128xf32, #tpu.memory_space<vmem>>) offsets(%dma_start3A_408 : memref<32xi32, #tpu.memory_space<vmem>>) semaphore(%arg17 : memref<!tpu.dma_semaphore, #tpu.memory_space<semaphore_mem>>)
        } else {
        }
      }
      %scan3A_134 = arith.constant 4 : i32
      %add3A_135 = arith.constant 2 : i32
      %add3A_136 = arith.addi %add3A_38, %add3A_135 : i32
      %lt3A = arith.constant 10 : i32
      %lt3A_137 = arith.cmpi slt, %add3A_136, %lt3A : i32
      %convert_element_type3A = arith.extui %lt3A_137 : i1 to i32
      %cond3A = arith.constant 0 : i32
      %cond3A_138 = arith.cmpi ne, %convert_element_type3A, %cond3A : i32
      scf.if %cond3A_138 {
        %add3A_247 = arith.constant 2 : i32
        %add3A_248 = arith.addi %add3A_38, %add3A_247 : i32
        %mul3A_249 = arith.constant 8 : i32
        %mul3A_250 = arith.muli %add3A_248, %mul3A_249 : i32
        %add3A_251 = arith.addi %mul3A_4, %mul3A_250 : i32
        %multiple_of3A_252 = tpu.assume_multiple %add3A_251, 8 : i32
        %dma_start3A_253 = arith.constant 0 : i32
        %dma_start3A_254 = tpu.memref_slice %arg3[%multiple_of3A_252, %dma_start3A_253] : memref<2560x128xi32, #tpu.memory_space<hbm>> -> memref<8x128xi32, #tpu.memory_space<hbm>>
        %dma_start3A_255 = arith.constant 0 : i32
        %dma_start3A_256 = tpu.memref_slice %arg3[%multiple_of3A_252, %dma_start3A_255] : memref<2560x128xi32, #tpu.memory_space<hbm>> -> memref<8x128xi32, #tpu.memory_space<hbm>>
        tpu.enqueue_dma source(%dma_start3A_256 : memref<8x128xi32, #tpu.memory_space<hbm>>) target(%arg7 : memref<8x128xi32, #tpu.memory_space<vmem>>) target_semaphore(%arg14 : memref<!tpu.dma_semaphore, #tpu.memory_space<semaphore_mem>>)
        %dma_start3A_257 = arith.constant 0 : i32
        %dma_start3A_258 = tpu.memref_slice %arg4[%multiple_of3A_252, %dma_start3A_257] : memref<2560x128xi32, #tpu.memory_space<hbm>> -> memref<8x128xi32, #tpu.memory_space<hbm>>
        %dma_start3A_259 = arith.constant 0 : i32
        %dma_start3A_260 = tpu.memref_slice %arg4[%multiple_of3A_252, %dma_start3A_259] : memref<2560x128xi32, #tpu.memory_space<hbm>> -> memref<8x128xi32, #tpu.memory_space<hbm>>
        tpu.enqueue_dma source(%dma_start3A_260 : memref<8x128xi32, #tpu.memory_space<hbm>>) target(%arg9 : memref<8x128xi32, #tpu.memory_space<vmem>>) target_semaphore(%arg14 : memref<!tpu.dma_semaphore, #tpu.memory_space<semaphore_mem>>)
      } else {
      }
      %mul3A_139 = arith.constant 2 : i32
      %mul3A_140 = arith.muli %mul3A_139, %add3A_34 : i32
      %add3A_141 = arith.constant 1 : i32
      %add3A_142 = arith.addi %mul3A_140, %add3A_141 : i32
      %dma_wait3A_143 = arith.constant 0 : i32
      %dma_wait3A_144 = arith.constant 0 : i32
      %dma_wait3A_145 = tpu.memref_slice %arg3[%dma_wait3A_143, %dma_wait3A_144] : memref<2560x128xi32, #tpu.memory_space<hbm>> -> memref<8x128xi32, #tpu.memory_space<hbm>>
      %dma_wait3A_146 = arith.constant 0 : i32
      %dma_wait3A_147 = arith.constant 0 : i32
      %dma_wait3A_148 = tpu.memref_slice %arg3[%dma_wait3A_146, %dma_wait3A_147] : memref<2560x128xi32, #tpu.memory_space<hbm>> -> memref<8x128xi32, #tpu.memory_space<hbm>>
      tpu.wait_dma2 semaphore(%arg15 : memref<!tpu.dma_semaphore, #tpu.memory_space<semaphore_mem>>) src(%dma_wait3A_148 : memref<8x128xi32, #tpu.memory_space<hbm>>) dst(%arg8 : memref<8x128xi32, #tpu.memory_space<vmem>>)
      %dma_wait3A_149 = arith.constant 0 : i32
      %dma_wait3A_150 = arith.constant 0 : i32
      %dma_wait3A_151 = tpu.memref_slice %arg4[%dma_wait3A_149, %dma_wait3A_150] : memref<2560x128xi32, #tpu.memory_space<hbm>> -> memref<8x128xi32, #tpu.memory_space<hbm>>
      %dma_wait3A_152 = arith.constant 0 : i32
      %dma_wait3A_153 = arith.constant 0 : i32
      %dma_wait3A_154 = tpu.memref_slice %arg4[%dma_wait3A_152, %dma_wait3A_153] : memref<2560x128xi32, #tpu.memory_space<hbm>> -> memref<8x128xi32, #tpu.memory_space<hbm>>
      tpu.wait_dma2 semaphore(%arg15 : memref<!tpu.dma_semaphore, #tpu.memory_space<semaphore_mem>>) src(%dma_wait3A_154 : memref<8x128xi32, #tpu.memory_space<hbm>>) dst(%arg10 : memref<8x128xi32, #tpu.memory_space<vmem>>)
      %dma_start3A_155 = arith.constant 0 : i32
      %dma_start3A_156 = arith.constant 0 : i32
      %dma_start3A_157 = arith.constant 0 : i32
      %dma_start3A_158 = tpu.memref_slice %arg11[%dma_start3A_156, %dma_start3A_157] : memref<128x128xf32, #tpu.memory_space<vmem>> -> memref<32x128xf32, #tpu.memory_space<vmem>>
      %dma_start3A_159 = arith.constant 0 : i32
      %dma_start3A_160 = tpu.memref_slice %arg8[%dma_start3A_155, %dma_start3A_159] : memref<8x128xi32, #tpu.memory_space<vmem>> -> memref<1x32xi32, #tpu.memory_space<vmem>>
      %dma_start3A_161 = tpu.memref_squeeze %dma_start3A_160 : memref<1x32xi32, #tpu.memory_space<vmem>> -> memref<32xi32, #tpu.memory_space<vmem>>
      %dma_start3A_162 = arith.constant 0 : i32
      %dma_start3A_163 = arith.constant 0 : i32
      %dma_start3A_164 = tpu.memref_slice %arg2[%dma_start3A_162, %dma_start3A_163] : memref<10112x128xf32, #tpu.memory_space<hbm>> -> memref<10112x128xf32, #tpu.memory_space<hbm>>
      tpu.enqueue_indirect_dma source(%dma_start3A_164 : memref<10112x128xf32, #tpu.memory_space<hbm>>) target(%dma_start3A_158 : memref<32x128xf32, #tpu.memory_space<vmem>>) offsets(%dma_start3A_161 : memref<32xi32, #tpu.memory_space<vmem>>) semaphore(%arg16 : memref<!tpu.dma_semaphore, #tpu.memory_space<semaphore_mem>>)
      %dma_start3A_165 = arith.constant 0 : i32
      %dma_start3A_166 = arith.constant 32 : i32
      %dma_start3A_167 = arith.constant 0 : i32
      %dma_start3A_168 = tpu.memref_slice %arg11[%dma_start3A_166, %dma_start3A_167] : memref<128x128xf32, #tpu.memory_space<vmem>> -> memref<32x128xf32, #tpu.memory_space<vmem>>
      %dma_start3A_169 = arith.constant 32 : i32
      %dma_start3A_170 = tpu.memref_slice %arg8[%dma_start3A_165, %dma_start3A_169] : memref<8x128xi32, #tpu.memory_space<vmem>> -> memref<1x32xi32, #tpu.memory_space<vmem>>
      %dma_start3A_171 = tpu.memref_squeeze %dma_start3A_170 : memref<1x32xi32, #tpu.memory_space<vmem>> -> memref<32xi32, #tpu.memory_space<vmem>>
      %dma_start3A_172 = arith.constant 0 : i32
      %dma_start3A_173 = arith.constant 0 : i32
      %dma_start3A_174 = tpu.memref_slice %arg2[%dma_start3A_172, %dma_start3A_173] : memref<10112x128xf32, #tpu.memory_space<hbm>> -> memref<10112x128xf32, #tpu.memory_space<hbm>>
      tpu.enqueue_indirect_dma source(%dma_start3A_174 : memref<10112x128xf32, #tpu.memory_space<hbm>>) target(%dma_start3A_168 : memref<32x128xf32, #tpu.memory_space<vmem>>) offsets(%dma_start3A_171 : memref<32xi32, #tpu.memory_space<vmem>>) semaphore(%arg16 : memref<!tpu.dma_semaphore, #tpu.memory_space<semaphore_mem>>)
      %dma_start3A_175 = arith.constant 0 : i32
      %dma_start3A_176 = arith.constant 64 : i32
      %dma_start3A_177 = arith.constant 0 : i32
      %dma_start3A_178 = tpu.memref_slice %arg11[%dma_start3A_176, %dma_start3A_177] : memref<128x128xf32, #tpu.memory_space<vmem>> -> memref<32x128xf32, #tpu.memory_space<vmem>>
      %dma_start3A_179 = arith.constant 64 : i32
      %dma_start3A_180 = tpu.memref_slice %arg8[%dma_start3A_175, %dma_start3A_179] : memref<8x128xi32, #tpu.memory_space<vmem>> -> memref<1x32xi32, #tpu.memory_space<vmem>>
      %dma_start3A_181 = tpu.memref_squeeze %dma_start3A_180 : memref<1x32xi32, #tpu.memory_space<vmem>> -> memref<32xi32, #tpu.memory_space<vmem>>
      %dma_start3A_182 = arith.constant 0 : i32
      %dma_start3A_183 = arith.constant 0 : i32
      %dma_start3A_184 = tpu.memref_slice %arg2[%dma_start3A_182, %dma_start3A_183] : memref<10112x128xf32, #tpu.memory_space<hbm>> -> memref<10112x128xf32, #tpu.memory_space<hbm>>
      tpu.enqueue_indirect_dma source(%dma_start3A_184 : memref<10112x128xf32, #tpu.memory_space<hbm>>) target(%dma_start3A_178 : memref<32x128xf32, #tpu.memory_space<vmem>>) offsets(%dma_start3A_181 : memref<32xi32, #tpu.memory_space<vmem>>) semaphore(%arg16 : memref<!tpu.dma_semaphore, #tpu.memory_space<semaphore_mem>>)
      %dma_start3A_185 = arith.constant 0 : i32
      %dma_start3A_186 = arith.constant 96 : i32
      %dma_start3A_187 = arith.constant 0 : i32
      %dma_start3A_188 = tpu.memref_slice %arg11[%dma_start3A_186, %dma_start3A_187] : memref<128x128xf32, #tpu.memory_space<vmem>> -> memref<32x128xf32, #tpu.memory_space<vmem>>
      %dma_start3A_189 = arith.constant 96 : i32
      %dma_start3A_190 = tpu.memref_slice %arg8[%dma_start3A_185, %dma_start3A_189] : memref<8x128xi32, #tpu.memory_space<vmem>> -> memref<1x32xi32, #tpu.memory_space<vmem>>
      %dma_start3A_191 = tpu.memref_squeeze %dma_start3A_190 : memref<1x32xi32, #tpu.memory_space<vmem>> -> memref<32xi32, #tpu.memory_space<vmem>>
      %dma_start3A_192 = arith.constant 0 : i32
      %dma_start3A_193 = arith.constant 0 : i32
      %dma_start3A_194 = tpu.memref_slice %arg2[%dma_start3A_192, %dma_start3A_193] : memref<10112x128xf32, #tpu.memory_space<hbm>> -> memref<10112x128xf32, #tpu.memory_space<hbm>>
      tpu.enqueue_indirect_dma source(%dma_start3A_194 : memref<10112x128xf32, #tpu.memory_space<hbm>>) target(%dma_start3A_188 : memref<32x128xf32, #tpu.memory_space<vmem>>) offsets(%dma_start3A_191 : memref<32xi32, #tpu.memory_space<vmem>>) semaphore(%arg16 : memref<!tpu.dma_semaphore, #tpu.memory_space<semaphore_mem>>)
      %dma_start3A_195 = arith.constant 1 : i32
      %dma_start3A_196 = arith.constant 0 : i32
      %dma_start3A_197 = arith.constant 0 : i32
      %dma_start3A_198 = tpu.memref_slice %arg12[%dma_start3A_196, %dma_start3A_197] : memref<128x128xf32, #tpu.memory_space<vmem>> -> memref<32x128xf32, #tpu.memory_space<vmem>>
      %dma_start3A_199 = arith.constant 0 : i32
      %dma_start3A_200 = tpu.memref_slice %arg8[%dma_start3A_195, %dma_start3A_199] : memref<8x128xi32, #tpu.memory_space<vmem>> -> memref<1x32xi32, #tpu.memory_space<vmem>>
      %dma_start3A_201 = tpu.memref_squeeze %dma_start3A_200 : memref<1x32xi32, #tpu.memory_space<vmem>> -> memref<32xi32, #tpu.memory_space<vmem>>
      %dma_start3A_202 = arith.constant 0 : i32
      %dma_start3A_203 = arith.constant 0 : i32
      %dma_start3A_204 = tpu.memref_slice %arg2[%dma_start3A_202, %dma_start3A_203] : memref<10112x128xf32, #tpu.memory_space<hbm>> -> memref<10112x128xf32, #tpu.memory_space<hbm>>
      tpu.enqueue_indirect_dma source(%dma_start3A_204 : memref<10112x128xf32, #tpu.memory_space<hbm>>) target(%dma_start3A_198 : memref<32x128xf32, #tpu.memory_space<vmem>>) offsets(%dma_start3A_201 : memref<32xi32, #tpu.memory_space<vmem>>) semaphore(%arg17 : memref<!tpu.dma_semaphore, #tpu.memory_space<semaphore_mem>>)
      %dma_start3A_205 = arith.constant 1 : i32
      %dma_start3A_206 = arith.constant 32 : i32
      %dma_start3A_207 = arith.constant 0 : i32
      %dma_start3A_208 = tpu.memref_slice %arg12[%dma_start3A_206, %dma_start3A_207] : memref<128x128xf32, #tpu.memory_space<vmem>> -> memref<32x128xf32, #tpu.memory_space<vmem>>
      %dma_start3A_209 = arith.constant 32 : i32
      %dma_start3A_210 = tpu.memref_slice %arg8[%dma_start3A_205, %dma_start3A_209] : memref<8x128xi32, #tpu.memory_space<vmem>> -> memref<1x32xi32, #tpu.memory_space<vmem>>
      %dma_start3A_211 = tpu.memref_squeeze %dma_start3A_210 : memref<1x32xi32, #tpu.memory_space<vmem>> -> memref<32xi32, #tpu.memory_space<vmem>>
      %dma_start3A_212 = arith.constant 0 : i32
      %dma_start3A_213 = arith.constant 0 : i32
      %dma_start3A_214 = tpu.memref_slice %arg2[%dma_start3A_212, %dma_start3A_213] : memref<10112x128xf32, #tpu.memory_space<hbm>> -> memref<10112x128xf32, #tpu.memory_space<hbm>>
      tpu.enqueue_indirect_dma source(%dma_start3A_214 : memref<10112x128xf32, #tpu.memory_space<hbm>>) target(%dma_start3A_208 : memref<32x128xf32, #tpu.memory_space<vmem>>) offsets(%dma_start3A_211 : memref<32xi32, #tpu.memory_space<vmem>>) semaphore(%arg17 : memref<!tpu.dma_semaphore, #tpu.memory_space<semaphore_mem>>)
      %dma_start3A_215 = arith.constant 1 : i32
      %dma_start3A_216 = arith.constant 64 : i32
      %dma_start3A_217 = arith.constant 0 : i32
      %dma_start3A_218 = tpu.memref_slice %arg12[%dma_start3A_216, %dma_start3A_217] : memref<128x128xf32, #tpu.memory_space<vmem>> -> memref<32x128xf32, #tpu.memory_space<vmem>>
      %dma_start3A_219 = arith.constant 64 : i32
      %dma_start3A_220 = tpu.memref_slice %arg8[%dma_start3A_215, %dma_start3A_219] : memref<8x128xi32, #tpu.memory_space<vmem>> -> memref<1x32xi32, #tpu.memory_space<vmem>>
      %dma_start3A_221 = tpu.memref_squeeze %dma_start3A_220 : memref<1x32xi32, #tpu.memory_space<vmem>> -> memref<32xi32, #tpu.memory_space<vmem>>
      %dma_start3A_222 = arith.constant 0 : i32
      %dma_start3A_223 = arith.constant 0 : i32
      %dma_start3A_224 = tpu.memref_slice %arg2[%dma_start3A_222, %dma_start3A_223] : memref<10112x128xf32, #tpu.memory_space<hbm>> -> memref<10112x128xf32, #tpu.memory_space<hbm>>
      tpu.enqueue_indirect_dma source(%dma_start3A_224 : memref<10112x128xf32, #tpu.memory_space<hbm>>) target(%dma_start3A_218 : memref<32x128xf32, #tpu.memory_space<vmem>>) offsets(%dma_start3A_221 : memref<32xi32, #tpu.memory_space<vmem>>) semaphore(%arg17 : memref<!tpu.dma_semaphore, #tpu.memory_space<semaphore_mem>>)
      %dma_start3A_225 = arith.constant 1 : i32
      %dma_start3A_226 = arith.constant 96 : i32
      %dma_start3A_227 = arith.constant 0 : i32
      %dma_start3A_228 = tpu.memref_slice %arg12[%dma_start3A_226, %dma_start3A_227] : memref<128x128xf32, #tpu.memory_space<vmem>> -> memref<32x128xf32, #tpu.memory_space<vmem>>
      %dma_start3A_229 = arith.constant 96 : i32
      %dma_start3A_230 = tpu.memref_slice %arg8[%dma_start3A_225, %dma_start3A_229] : memref<8x128xi32, #tpu.memory_space<vmem>> -> memref<1x32xi32, #tpu.memory_space<vmem>>
      %dma_start3A_231 = tpu.memref_squeeze %dma_start3A_230 : memref<1x32xi32, #tpu.memory_space<vmem>> -> memref<32xi32, #tpu.memory_space<vmem>>
      %dma_start3A_232 = arith.constant 0 : i32
      %dma_start3A_233 = arith.constant 0 : i32
      %dma_start3A_234 = tpu.memref_slice %arg2[%dma_start3A_232, %dma_start3A_233] : memref<10112x128xf32, #tpu.memory_space<hbm>> -> memref<10112x128xf32, #tpu.memory_space<hbm>>
      tpu.enqueue_indirect_dma source(%dma_start3A_234 : memref<10112x128xf32, #tpu.memory_space<hbm>>) target(%dma_start3A_228 : memref<32x128xf32, #tpu.memory_space<vmem>>) offsets(%dma_start3A_231 : memref<32xi32, #tpu.memory_space<vmem>>) semaphore(%arg17 : memref<!tpu.dma_semaphore, #tpu.memory_space<semaphore_mem>>)
      %scan3A_235 = arith.constant 0 : i32
      %scan3A_236 = arith.constant 4 : i32
      %scan3A_237 = arith.addi %scan3A_235, %scan3A_236 : i32
      %scan3A_238 = arith.constant 1 : i32
      scf.for %scan3A_247 = %scan3A_235 to %scan3A_237 step %scan3A_238  : i32 {
        %mul3A_248 = arith.constant 1 : i32
        %mul3A_249 = arith.muli %scan3A_247, %mul3A_248 : i32
        %add3A_250 = arith.constant 0 : i32
        %add3A_251 = arith.addi %add3A_250, %mul3A_249 : i32
        %mul3A_252 = arith.constant 2 : i32
        %mul3A_253 = arith.muli %mul3A_252, %add3A_251 : i32
        %dma_wait3A_254 = arith.constant 0 : i32
        %dma_wait3A_255 = arith.constant 0 : i32
        %dma_wait3A_256 = tpu.memref_slice %arg11[%dma_wait3A_254, %dma_wait3A_255] : memref<128x128xf32, #tpu.memory_space<vmem>> -> memref<32x128xf32, #tpu.memory_space<vmem>>
        %dma_wait3A_257 = arith.constant 0 : i32
        %dma_wait3A_258 = arith.constant 0 : i32
        %dma_wait3A_259 = tpu.memref_slice %arg2[%dma_wait3A_257, %dma_wait3A_258] : memref<10112x128xf32, #tpu.memory_space<hbm>> -> memref<32x128xf32, #tpu.memory_space<hbm>>
        %dma_wait3A_260 = arith.constant 0 : i32
        %dma_wait3A_261 = arith.constant 0 : i32
        %dma_wait3A_262 = tpu.memref_slice %arg11[%dma_wait3A_260, %dma_wait3A_261] : memref<128x128xf32, #tpu.memory_space<vmem>> -> memref<32x128xf32, #tpu.memory_space<vmem>>
        %dma_wait3A_263 = arith.constant 0 : i32
        %dma_wait3A_264 = arith.constant 0 : i32
        %dma_wait3A_265 = tpu.memref_slice %arg2[%dma_wait3A_263, %dma_wait3A_264] : memref<10112x128xf32, #tpu.memory_space<hbm>> -> memref<32x128xf32, #tpu.memory_space<hbm>>
        tpu.wait_dma2 semaphore(%arg16 : memref<!tpu.dma_semaphore, #tpu.memory_space<semaphore_mem>>) src(%dma_wait3A_265 : memref<32x128xf32, #tpu.memory_space<hbm>>) dst(%dma_wait3A_262 : memref<32x128xf32, #tpu.memory_space<vmem>>)
        %dma_wait3A_266 = arith.constant 32 : i32
        %dma_wait3A_267 = arith.constant 0 : i32
        %dma_wait3A_268 = tpu.memref_slice %arg11[%dma_wait3A_266, %dma_wait3A_267] : memref<128x128xf32, #tpu.memory_space<vmem>> -> memref<32x128xf32, #tpu.memory_space<vmem>>
        %dma_wait3A_269 = arith.constant 0 : i32
        %dma_wait3A_270 = arith.constant 0 : i32
        %dma_wait3A_271 = tpu.memref_slice %arg2[%dma_wait3A_269, %dma_wait3A_270] : memref<10112x128xf32, #tpu.memory_space<hbm>> -> memref<32x128xf32, #tpu.memory_space<hbm>>
        %dma_wait3A_272 = arith.constant 32 : i32
        %dma_wait3A_273 = arith.constant 0 : i32
        %dma_wait3A_274 = tpu.memref_slice %arg11[%dma_wait3A_272, %dma_wait3A_273] : memref<128x128xf32, #tpu.memory_space<vmem>> -> memref<32x128xf32, #tpu.memory_space<vmem>>
        %dma_wait3A_275 = arith.constant 0 : i32
        %dma_wait3A_276 = arith.constant 0 : i32
        %dma_wait3A_277 = tpu.memref_slice %arg2[%dma_wait3A_275, %dma_wait3A_276] : memref<10112x128xf32, #tpu.memory_space<hbm>> -> memref<32x128xf32, #tpu.memory_space<hbm>>
        tpu.wait_dma2 semaphore(%arg16 : memref<!tpu.dma_semaphore, #tpu.memory_space<semaphore_mem>>) src(%dma_wait3A_277 : memref<32x128xf32, #tpu.memory_space<hbm>>) dst(%dma_wait3A_274 : memref<32x128xf32, #tpu.memory_space<vmem>>)
        %dma_wait3A_278 = arith.constant 64 : i32
        %dma_wait3A_279 = arith.constant 0 : i32
        %dma_wait3A_280 = tpu.memref_slice %arg11[%dma_wait3A_278, %dma_wait3A_279] : memref<128x128xf32, #tpu.memory_space<vmem>> -> memref<32x128xf32, #tpu.memory_space<vmem>>
        %dma_wait3A_281 = arith.constant 0 : i32
        %dma_wait3A_282 = arith.constant 0 : i32
        %dma_wait3A_283 = tpu.memref_slice %arg2[%dma_wait3A_281, %dma_wait3A_282] : memref<10112x128xf32, #tpu.memory_space<hbm>> -> memref<32x128xf32, #tpu.memory_space<hbm>>
        %dma_wait3A_284 = arith.constant 64 : i32
        %dma_wait3A_285 = arith.constant 0 : i32
        %dma_wait3A_286 = tpu.memref_slice %arg11[%dma_wait3A_284, %dma_wait3A_285] : memref<128x128xf32, #tpu.memory_space<vmem>> -> memref<32x128xf32, #tpu.memory_space<vmem>>
        %dma_wait3A_287 = arith.constant 0 : i32
        %dma_wait3A_288 = arith.constant 0 : i32
        %dma_wait3A_289 = tpu.memref_slice %arg2[%dma_wait3A_287, %dma_wait3A_288] : memref<10112x128xf32, #tpu.memory_space<hbm>> -> memref<32x128xf32, #tpu.memory_space<hbm>>
        tpu.wait_dma2 semaphore(%arg16 : memref<!tpu.dma_semaphore, #tpu.memory_space<semaphore_mem>>) src(%dma_wait3A_289 : memref<32x128xf32, #tpu.memory_space<hbm>>) dst(%dma_wait3A_286 : memref<32x128xf32, #tpu.memory_space<vmem>>)
        %dma_wait3A_290 = arith.constant 96 : i32
        %dma_wait3A_291 = arith.constant 0 : i32
        %dma_wait3A_292 = tpu.memref_slice %arg11[%dma_wait3A_290, %dma_wait3A_291] : memref<128x128xf32, #tpu.memory_space<vmem>> -> memref<32x128xf32, #tpu.memory_space<vmem>>
        %dma_wait3A_293 = arith.constant 0 : i32
        %dma_wait3A_294 = arith.constant 0 : i32
        %dma_wait3A_295 = tpu.memref_slice %arg2[%dma_wait3A_293, %dma_wait3A_294] : memref<10112x128xf32, #tpu.memory_space<hbm>> -> memref<32x128xf32, #tpu.memory_space<hbm>>
        %dma_wait3A_296 = arith.constant 96 : i32
        %dma_wait3A_297 = arith.constant 0 : i32
        %dma_wait3A_298 = tpu.memref_slice %arg11[%dma_wait3A_296, %dma_wait3A_297] : memref<128x128xf32, #tpu.memory_space<vmem>> -> memref<32x128xf32, #tpu.memory_space<vmem>>
        %dma_wait3A_299 = arith.constant 0 : i32
        %dma_wait3A_300 = arith.constant 0 : i32
        %dma_wait3A_301 = tpu.memref_slice %arg2[%dma_wait3A_299, %dma_wait3A_300] : memref<10112x128xf32, #tpu.memory_space<hbm>> -> memref<32x128xf32, #tpu.memory_space<hbm>>
        tpu.wait_dma2 semaphore(%arg16 : memref<!tpu.dma_semaphore, #tpu.memory_space<semaphore_mem>>) src(%dma_wait3A_301 : memref<32x128xf32, #tpu.memory_space<hbm>>) dst(%dma_wait3A_298 : memref<32x128xf32, #tpu.memory_space<vmem>>)
        %add3A_302 = arith.constant 0 : i32
        %add3A_303 = arith.addi %mul3A_253, %add3A_302 : i32
        "tpu.region"() ({
          %run_scoped3A = tpu.sem_alloc : memref<!tpu.dma_semaphore, #tpu.memory_space<semaphore_mem>>
          %dma_start3A_372 = arith.constant 0 : i32
          %dma_start3A_373 = tpu.memref_slice %arg10[%add3A_303, %dma_start3A_372] : memref<8x128xi32, #tpu.memory_space<vmem>> -> memref<1x128xi32, #tpu.memory_space<vmem>>
          %dma_start3A_374 = tpu.memref_squeeze %dma_start3A_373 : memref<1x128xi32, #tpu.memory_space<vmem>> -> memref<128xi32, #tpu.memory_space<vmem>>
          %dma_start3A_375 = arith.constant 0 : i32
          %dma_start3A_376 = arith.constant 0 : i32
          %dma_start3A_377 = tpu.memref_slice %arg13[%dma_start3A_375, %dma_start3A_376] : memref<10112x128xf32, #tpu.memory_space<vmem_shared>> -> memref<10112x128xf32, #tpu.memory_space<vmem_shared>>
          tpu.enqueue_indirect_dma source(%arg11 : memref<128x128xf32, #tpu.memory_space<vmem>>) target(%dma_start3A_377 : memref<10112x128xf32, #tpu.memory_space<vmem_shared>>) offsets(%dma_start3A_374 : memref<128xi32, #tpu.memory_space<vmem>>) semaphore(%run_scoped3A : memref<!tpu.dma_semaphore, #tpu.memory_space<semaphore_mem>>) {add = true}
          %dma_wait3A_378 = arith.constant 0 : i32
          %dma_wait3A_379 = tpu.memref_slice %arg10[%add3A_303, %dma_wait3A_378] : memref<8x128xi32, #tpu.memory_space<vmem>> -> memref<1x128xi32, #tpu.memory_space<vmem>>
          %dma_wait3A_380 = tpu.memref_squeeze %dma_wait3A_379 : memref<1x128xi32, #tpu.memory_space<vmem>> -> memref<128xi32, #tpu.memory_space<vmem>>
          %dma_wait3A_381 = arith.constant 0 : i32
          %dma_wait3A_382 = arith.constant 0 : i32
          %dma_wait3A_383 = tpu.memref_slice %arg13[%dma_wait3A_381, %dma_wait3A_382] : memref<10112x128xf32, #tpu.memory_space<vmem_shared>> -> memref<10112x128xf32, #tpu.memory_space<vmem_shared>>
          tpu.wait_indirect_dma semaphore(%run_scoped3A : memref<!tpu.dma_semaphore, #tpu.memory_space<semaphore_mem>>) src(%arg11 : memref<128x128xf32, #tpu.memory_space<vmem>>) dst(%dma_wait3A_383 : memref<10112x128xf32, #tpu.memory_space<vmem_shared>>)
          tpu.yield
        }) : () -> ()
        %add3A_304 = arith.constant 2 : i32
        %add3A_305 = arith.addi %mul3A_253, %add3A_304 : i32
        %add3A_306 = arith.constant 0 : i32
        %add3A_307 = arith.addi %add3A_305, %add3A_306 : i32
        %lt3A_308 = arith.constant 8 : i32
        %lt3A_309 = arith.cmpi slt, %add3A_307, %lt3A_308 : i32
        %convert_element_type3A_310 = arith.extui %lt3A_309 : i1 to i32
        %cond3A_311 = arith.constant 0 : i32
        %cond3A_312 = arith.cmpi ne, %convert_element_type3A_310, %cond3A_311 : i32
        scf.if %cond3A_312 {
          %add3A_372 = arith.constant 2 : i32
          %add3A_373 = arith.addi %mul3A_253, %add3A_372 : i32
          %add3A_374 = arith.constant 0 : i32
          %add3A_375 = arith.addi %add3A_373, %add3A_374 : i32
          %dma_start3A_376 = arith.constant 0 : i32
          %dma_start3A_377 = arith.constant 0 : i32
          %dma_start3A_378 = tpu.memref_slice %arg11[%dma_start3A_376, %dma_start3A_377] : memref<128x128xf32, #tpu.memory_space<vmem>> -> memref<32x128xf32, #tpu.memory_space<vmem>>
          %dma_start3A_379 = arith.constant 0 : i32
          %dma_start3A_380 = tpu.memref_slice %arg8[%add3A_375, %dma_start3A_379] : memref<8x128xi32, #tpu.memory_space<vmem>> -> memref<1x32xi32, #tpu.memory_space<vmem>>
          %dma_start3A_381 = tpu.memref_squeeze %dma_start3A_380 : memref<1x32xi32, #tpu.memory_space<vmem>> -> memref<32xi32, #tpu.memory_space<vmem>>
          %dma_start3A_382 = arith.constant 0 : i32
          %dma_start3A_383 = arith.constant 0 : i32
          %dma_start3A_384 = tpu.memref_slice %arg2[%dma_start3A_382, %dma_start3A_383] : memref<10112x128xf32, #tpu.memory_space<hbm>> -> memref<10112x128xf32, #tpu.memory_space<hbm>>
          tpu.enqueue_indirect_dma source(%dma_start3A_384 : memref<10112x128xf32, #tpu.memory_space<hbm>>) target(%dma_start3A_378 : memref<32x128xf32, #tpu.memory_space<vmem>>) offsets(%dma_start3A_381 : memref<32xi32, #tpu.memory_space<vmem>>) semaphore(%arg16 : memref<!tpu.dma_semaphore, #tpu.memory_space<semaphore_mem>>)
          %dma_start3A_385 = arith.constant 32 : i32
          %dma_start3A_386 = arith.constant 0 : i32
          %dma_start3A_387 = tpu.memref_slice %arg11[%dma_start3A_385, %dma_start3A_386] : memref<128x128xf32, #tpu.memory_space<vmem>> -> memref<32x128xf32, #tpu.memory_space<vmem>>
          %dma_start3A_388 = arith.constant 32 : i32
          %dma_start3A_389 = tpu.memref_slice %arg8[%add3A_375, %dma_start3A_388] : memref<8x128xi32, #tpu.memory_space<vmem>> -> memref<1x32xi32, #tpu.memory_space<vmem>>
          %dma_start3A_390 = tpu.memref_squeeze %dma_start3A_389 : memref<1x32xi32, #tpu.memory_space<vmem>> -> memref<32xi32, #tpu.memory_space<vmem>>
          %dma_start3A_391 = arith.constant 0 : i32
          %dma_start3A_392 = arith.constant 0 : i32
          %dma_start3A_393 = tpu.memref_slice %arg2[%dma_start3A_391, %dma_start3A_392] : memref<10112x128xf32, #tpu.memory_space<hbm>> -> memref<10112x128xf32, #tpu.memory_space<hbm>>
          tpu.enqueue_indirect_dma source(%dma_start3A_393 : memref<10112x128xf32, #tpu.memory_space<hbm>>) target(%dma_start3A_387 : memref<32x128xf32, #tpu.memory_space<vmem>>) offsets(%dma_start3A_390 : memref<32xi32, #tpu.memory_space<vmem>>) semaphore(%arg16 : memref<!tpu.dma_semaphore, #tpu.memory_space<semaphore_mem>>)
          %dma_start3A_394 = arith.constant 64 : i32
          %dma_start3A_395 = arith.constant 0 : i32
          %dma_start3A_396 = tpu.memref_slice %arg11[%dma_start3A_394, %dma_start3A_395] : memref<128x128xf32, #tpu.memory_space<vmem>> -> memref<32x128xf32, #tpu.memory_space<vmem>>
          %dma_start3A_397 = arith.constant 64 : i32
          %dma_start3A_398 = tpu.memref_slice %arg8[%add3A_375, %dma_start3A_397] : memref<8x128xi32, #tpu.memory_space<vmem>> -> memref<1x32xi32, #tpu.memory_space<vmem>>
          %dma_start3A_399 = tpu.memref_squeeze %dma_start3A_398 : memref<1x32xi32, #tpu.memory_space<vmem>> -> memref<32xi32, #tpu.memory_space<vmem>>
          %dma_start3A_400 = arith.constant 0 : i32
          %dma_start3A_401 = arith.constant 0 : i32
          %dma_start3A_402 = tpu.memref_slice %arg2[%dma_start3A_400, %dma_start3A_401] : memref<10112x128xf32, #tpu.memory_space<hbm>> -> memref<10112x128xf32, #tpu.memory_space<hbm>>
          tpu.enqueue_indirect_dma source(%dma_start3A_402 : memref<10112x128xf32, #tpu.memory_space<hbm>>) target(%dma_start3A_396 : memref<32x128xf32, #tpu.memory_space<vmem>>) offsets(%dma_start3A_399 : memref<32xi32, #tpu.memory_space<vmem>>) semaphore(%arg16 : memref<!tpu.dma_semaphore, #tpu.memory_space<semaphore_mem>>)
          %dma_start3A_403 = arith.constant 96 : i32
          %dma_start3A_404 = arith.constant 0 : i32
          %dma_start3A_405 = tpu.memref_slice %arg11[%dma_start3A_403, %dma_start3A_404] : memref<128x128xf32, #tpu.memory_space<vmem>> -> memref<32x128xf32, #tpu.memory_space<vmem>>
          %dma_start3A_406 = arith.constant 96 : i32
          %dma_start3A_407 = tpu.memref_slice %arg8[%add3A_375, %dma_start3A_406] : memref<8x128xi32, #tpu.memory_space<vmem>> -> memref<1x32xi32, #tpu.memory_space<vmem>>
          %dma_start3A_408 = tpu.memref_squeeze %dma_start3A_407 : memref<1x32xi32, #tpu.memory_space<vmem>> -> memref<32xi32, #tpu.memory_space<vmem>>
          %dma_start3A_409 = arith.constant 0 : i32
          %dma_start3A_410 = arith.constant 0 : i32
          %dma_start3A_411 = tpu.memref_slice %arg2[%dma_start3A_409, %dma_start3A_410] : memref<10112x128xf32, #tpu.memory_space<hbm>> -> memref<10112x128xf32, #tpu.memory_space<hbm>>
          tpu.enqueue_indirect_dma source(%dma_start3A_411 : memref<10112x128xf32, #tpu.memory_space<hbm>>) target(%dma_start3A_405 : memref<32x128xf32, #tpu.memory_space<vmem>>) offsets(%dma_start3A_408 : memref<32xi32, #tpu.memory_space<vmem>>) semaphore(%arg16 : memref<!tpu.dma_semaphore, #tpu.memory_space<semaphore_mem>>)
        } else {
        }
        %dma_wait3A_313 = arith.constant 0 : i32
        %dma_wait3A_314 = arith.constant 0 : i32
        %dma_wait3A_315 = tpu.memref_slice %arg12[%dma_wait3A_313, %dma_wait3A_314] : memref<128x128xf32, #tpu.memory_space<vmem>> -> memref<32x128xf32, #tpu.memory_space<vmem>>
        %dma_wait3A_316 = arith.constant 0 : i32
        %dma_wait3A_317 = arith.constant 0 : i32
        %dma_wait3A_318 = tpu.memref_slice %arg2[%dma_wait3A_316, %dma_wait3A_317] : memref<10112x128xf32, #tpu.memory_space<hbm>> -> memref<32x128xf32, #tpu.memory_space<hbm>>
        %dma_wait3A_319 = arith.constant 0 : i32
        %dma_wait3A_320 = arith.constant 0 : i32
        %dma_wait3A_321 = tpu.memref_slice %arg12[%dma_wait3A_319, %dma_wait3A_320] : memref<128x128xf32, #tpu.memory_space<vmem>> -> memref<32x128xf32, #tpu.memory_space<vmem>>
        %dma_wait3A_322 = arith.constant 0 : i32
        %dma_wait3A_323 = arith.constant 0 : i32
        %dma_wait3A_324 = tpu.memref_slice %arg2[%dma_wait3A_322, %dma_wait3A_323] : memref<10112x128xf32, #tpu.memory_space<hbm>> -> memref<32x128xf32, #tpu.memory_space<hbm>>
        tpu.wait_dma2 semaphore(%arg17 : memref<!tpu.dma_semaphore, #tpu.memory_space<semaphore_mem>>) src(%dma_wait3A_324 : memref<32x128xf32, #tpu.memory_space<hbm>>) dst(%dma_wait3A_321 : memref<32x128xf32, #tpu.memory_space<vmem>>)
        %dma_wait3A_325 = arith.constant 32 : i32
        %dma_wait3A_326 = arith.constant 0 : i32
        %dma_wait3A_327 = tpu.memref_slice %arg12[%dma_wait3A_325, %dma_wait3A_326] : memref<128x128xf32, #tpu.memory_space<vmem>> -> memref<32x128xf32, #tpu.memory_space<vmem>>
        %dma_wait3A_328 = arith.constant 0 : i32
        %dma_wait3A_329 = arith.constant 0 : i32
        %dma_wait3A_330 = tpu.memref_slice %arg2[%dma_wait3A_328, %dma_wait3A_329] : memref<10112x128xf32, #tpu.memory_space<hbm>> -> memref<32x128xf32, #tpu.memory_space<hbm>>
        %dma_wait3A_331 = arith.constant 32 : i32
        %dma_wait3A_332 = arith.constant 0 : i32
        %dma_wait3A_333 = tpu.memref_slice %arg12[%dma_wait3A_331, %dma_wait3A_332] : memref<128x128xf32, #tpu.memory_space<vmem>> -> memref<32x128xf32, #tpu.memory_space<vmem>>
        %dma_wait3A_334 = arith.constant 0 : i32
        %dma_wait3A_335 = arith.constant 0 : i32
        %dma_wait3A_336 = tpu.memref_slice %arg2[%dma_wait3A_334, %dma_wait3A_335] : memref<10112x128xf32, #tpu.memory_space<hbm>> -> memref<32x128xf32, #tpu.memory_space<hbm>>
        tpu.wait_dma2 semaphore(%arg17 : memref<!tpu.dma_semaphore, #tpu.memory_space<semaphore_mem>>) src(%dma_wait3A_336 : memref<32x128xf32, #tpu.memory_space<hbm>>) dst(%dma_wait3A_333 : memref<32x128xf32, #tpu.memory_space<vmem>>)
        %dma_wait3A_337 = arith.constant 64 : i32
        %dma_wait3A_338 = arith.constant 0 : i32
        %dma_wait3A_339 = tpu.memref_slice %arg12[%dma_wait3A_337, %dma_wait3A_338] : memref<128x128xf32, #tpu.memory_space<vmem>> -> memref<32x128xf32, #tpu.memory_space<vmem>>
        %dma_wait3A_340 = arith.constant 0 : i32
        %dma_wait3A_341 = arith.constant 0 : i32
        %dma_wait3A_342 = tpu.memref_slice %arg2[%dma_wait3A_340, %dma_wait3A_341] : memref<10112x128xf32, #tpu.memory_space<hbm>> -> memref<32x128xf32, #tpu.memory_space<hbm>>
        %dma_wait3A_343 = arith.constant 64 : i32
        %dma_wait3A_344 = arith.constant 0 : i32
        %dma_wait3A_345 = tpu.memref_slice %arg12[%dma_wait3A_343, %dma_wait3A_344] : memref<128x128xf32, #tpu.memory_space<vmem>> -> memref<32x128xf32, #tpu.memory_space<vmem>>
        %dma_wait3A_346 = arith.constant 0 : i32
        %dma_wait3A_347 = arith.constant 0 : i32
        %dma_wait3A_348 = tpu.memref_slice %arg2[%dma_wait3A_346, %dma_wait3A_347] : memref<10112x128xf32, #tpu.memory_space<hbm>> -> memref<32x128xf32, #tpu.memory_space<hbm>>
        tpu.wait_dma2 semaphore(%arg17 : memref<!tpu.dma_semaphore, #tpu.memory_space<semaphore_mem>>) src(%dma_wait3A_348 : memref<32x128xf32, #tpu.memory_space<hbm>>) dst(%dma_wait3A_345 : memref<32x128xf32, #tpu.memory_space<vmem>>)
        %dma_wait3A_349 = arith.constant 96 : i32
        %dma_wait3A_350 = arith.constant 0 : i32
        %dma_wait3A_351 = tpu.memref_slice %arg12[%dma_wait3A_349, %dma_wait3A_350] : memref<128x128xf32, #tpu.memory_space<vmem>> -> memref<32x128xf32, #tpu.memory_space<vmem>>
        %dma_wait3A_352 = arith.constant 0 : i32
        %dma_wait3A_353 = arith.constant 0 : i32
        %dma_wait3A_354 = tpu.memref_slice %arg2[%dma_wait3A_352, %dma_wait3A_353] : memref<10112x128xf32, #tpu.memory_space<hbm>> -> memref<32x128xf32, #tpu.memory_space<hbm>>
        %dma_wait3A_355 = arith.constant 96 : i32
        %dma_wait3A_356 = arith.constant 0 : i32
        %dma_wait3A_357 = tpu.memref_slice %arg12[%dma_wait3A_355, %dma_wait3A_356] : memref<128x128xf32, #tpu.memory_space<vmem>> -> memref<32x128xf32, #tpu.memory_space<vmem>>
        %dma_wait3A_358 = arith.constant 0 : i32
        %dma_wait3A_359 = arith.constant 0 : i32
        %dma_wait3A_360 = tpu.memref_slice %arg2[%dma_wait3A_358, %dma_wait3A_359] : memref<10112x128xf32, #tpu.memory_space<hbm>> -> memref<32x128xf32, #tpu.memory_space<hbm>>
        tpu.wait_dma2 semaphore(%arg17 : memref<!tpu.dma_semaphore, #tpu.memory_space<semaphore_mem>>) src(%dma_wait3A_360 : memref<32x128xf32, #tpu.memory_space<hbm>>) dst(%dma_wait3A_357 : memref<32x128xf32, #tpu.memory_space<vmem>>)
        %add3A_361 = arith.constant 1 : i32
        %add3A_362 = arith.addi %mul3A_253, %add3A_361 : i32
        "tpu.region"() ({
          %run_scoped3A = tpu.sem_alloc : memref<!tpu.dma_semaphore, #tpu.memory_space<semaphore_mem>>
          %dma_start3A_372 = arith.constant 0 : i32
          %dma_start3A_373 = tpu.memref_slice %arg10[%add3A_362, %dma_start3A_372] : memref<8x128xi32, #tpu.memory_space<vmem>> -> memref<1x128xi32, #tpu.memory_space<vmem>>
          %dma_start3A_374 = tpu.memref_squeeze %dma_start3A_373 : memref<1x128xi32, #tpu.memory_space<vmem>> -> memref<128xi32, #tpu.memory_space<vmem>>
          %dma_start3A_375 = arith.constant 0 : i32
          %dma_start3A_376 = arith.constant 0 : i32
          %dma_start3A_377 = tpu.memref_slice %arg13[%dma_start3A_375, %dma_start3A_376] : memref<10112x128xf32, #tpu.memory_space<vmem_shared>> -> memref<10112x128xf32, #tpu.memory_space<vmem_shared>>
          tpu.enqueue_indirect_dma source(%arg12 : memref<128x128xf32, #tpu.memory_space<vmem>>) target(%dma_start3A_377 : memref<10112x128xf32, #tpu.memory_space<vmem_shared>>) offsets(%dma_start3A_374 : memref<128xi32, #tpu.memory_space<vmem>>) semaphore(%run_scoped3A : memref<!tpu.dma_semaphore, #tpu.memory_space<semaphore_mem>>) {add = true}
          %dma_wait3A_378 = arith.constant 0 : i32
          %dma_wait3A_379 = tpu.memref_slice %arg10[%add3A_362, %dma_wait3A_378] : memref<8x128xi32, #tpu.memory_space<vmem>> -> memref<1x128xi32, #tpu.memory_space<vmem>>
          %dma_wait3A_380 = tpu.memref_squeeze %dma_wait3A_379 : memref<1x128xi32, #tpu.memory_space<vmem>> -> memref<128xi32, #tpu.memory_space<vmem>>
          %dma_wait3A_381 = arith.constant 0 : i32
          %dma_wait3A_382 = arith.constant 0 : i32
          %dma_wait3A_383 = tpu.memref_slice %arg13[%dma_wait3A_381, %dma_wait3A_382] : memref<10112x128xf32, #tpu.memory_space<vmem_shared>> -> memref<10112x128xf32, #tpu.memory_space<vmem_shared>>
          tpu.wait_indirect_dma semaphore(%run_scoped3A : memref<!tpu.dma_semaphore, #tpu.memory_space<semaphore_mem>>) src(%arg12 : memref<128x128xf32, #tpu.memory_space<vmem>>) dst(%dma_wait3A_383 : memref<10112x128xf32, #tpu.memory_space<vmem_shared>>)
          tpu.yield
        }) : () -> ()
        %add3A_363 = arith.constant 2 : i32
        %add3A_364 = arith.addi %mul3A_253, %add3A_363 : i32
        %add3A_365 = arith.constant 1 : i32
        %add3A_366 = arith.addi %add3A_364, %add3A_365 : i32
        %lt3A_367 = arith.constant 8 : i32
        %lt3A_368 = arith.cmpi slt, %add3A_366, %lt3A_367 : i32
        %convert_element_type3A_369 = arith.extui %lt3A_368 : i1 to i32
        %cond3A_370 = arith.constant 0 : i32
        %cond3A_371 = arith.cmpi ne, %convert_element_type3A_369, %cond3A_370 : i32
        scf.if %cond3A_371 {
          %add3A_372 = arith.constant 2 : i32
          %add3A_373 = arith.addi %mul3A_253, %add3A_372 : i32
          %add3A_374 = arith.constant 1 : i32
          %add3A_375 = arith.addi %add3A_373, %add3A_374 : i32
          %dma_start3A_376 = arith.constant 0 : i32
          %dma_start3A_377 = arith.constant 0 : i32
          %dma_start3A_378 = tpu.memref_slice %arg12[%dma_start3A_376, %dma_start3A_377] : memref<128x128xf32, #tpu.memory_space<vmem>> -> memref<32x128xf32, #tpu.memory_space<vmem>>
          %dma_start3A_379 = arith.constant 0 : i32
          %dma_start3A_380 = tpu.memref_slice %arg8[%add3A_375, %dma_start3A_379] : memref<8x128xi32, #tpu.memory_space<vmem>> -> memref<1x32xi32, #tpu.memory_space<vmem>>
          %dma_start3A_381 = tpu.memref_squeeze %dma_start3A_380 : memref<1x32xi32, #tpu.memory_space<vmem>> -> memref<32xi32, #tpu.memory_space<vmem>>
          %dma_start3A_382 = arith.constant 0 : i32
          %dma_start3A_383 = arith.constant 0 : i32
          %dma_start3A_384 = tpu.memref_slice %arg2[%dma_start3A_382, %dma_start3A_383] : memref<10112x128xf32, #tpu.memory_space<hbm>> -> memref<10112x128xf32, #tpu.memory_space<hbm>>
          tpu.enqueue_indirect_dma source(%dma_start3A_384 : memref<10112x128xf32, #tpu.memory_space<hbm>>) target(%dma_start3A_378 : memref<32x128xf32, #tpu.memory_space<vmem>>) offsets(%dma_start3A_381 : memref<32xi32, #tpu.memory_space<vmem>>) semaphore(%arg17 : memref<!tpu.dma_semaphore, #tpu.memory_space<semaphore_mem>>)
          %dma_start3A_385 = arith.constant 32 : i32
          %dma_start3A_386 = arith.constant 0 : i32
          %dma_start3A_387 = tpu.memref_slice %arg12[%dma_start3A_385, %dma_start3A_386] : memref<128x128xf32, #tpu.memory_space<vmem>> -> memref<32x128xf32, #tpu.memory_space<vmem>>
          %dma_start3A_388 = arith.constant 32 : i32
          %dma_start3A_389 = tpu.memref_slice %arg8[%add3A_375, %dma_start3A_388] : memref<8x128xi32, #tpu.memory_space<vmem>> -> memref<1x32xi32, #tpu.memory_space<vmem>>
          %dma_start3A_390 = tpu.memref_squeeze %dma_start3A_389 : memref<1x32xi32, #tpu.memory_space<vmem>> -> memref<32xi32, #tpu.memory_space<vmem>>
          %dma_start3A_391 = arith.constant 0 : i32
          %dma_start3A_392 = arith.constant 0 : i32
          %dma_start3A_393 = tpu.memref_slice %arg2[%dma_start3A_391, %dma_start3A_392] : memref<10112x128xf32, #tpu.memory_space<hbm>> -> memref<10112x128xf32, #tpu.memory_space<hbm>>
          tpu.enqueue_indirect_dma source(%dma_start3A_393 : memref<10112x128xf32, #tpu.memory_space<hbm>>) target(%dma_start3A_387 : memref<32x128xf32, #tpu.memory_space<vmem>>) offsets(%dma_start3A_390 : memref<32xi32, #tpu.memory_space<vmem>>) semaphore(%arg17 : memref<!tpu.dma_semaphore, #tpu.memory_space<semaphore_mem>>)
          %dma_start3A_394 = arith.constant 64 : i32
          %dma_start3A_395 = arith.constant 0 : i32
          %dma_start3A_396 = tpu.memref_slice %arg12[%dma_start3A_394, %dma_start3A_395] : memref<128x128xf32, #tpu.memory_space<vmem>> -> memref<32x128xf32, #tpu.memory_space<vmem>>
          %dma_start3A_397 = arith.constant 64 : i32
          %dma_start3A_398 = tpu.memref_slice %arg8[%add3A_375, %dma_start3A_397] : memref<8x128xi32, #tpu.memory_space<vmem>> -> memref<1x32xi32, #tpu.memory_space<vmem>>
          %dma_start3A_399 = tpu.memref_squeeze %dma_start3A_398 : memref<1x32xi32, #tpu.memory_space<vmem>> -> memref<32xi32, #tpu.memory_space<vmem>>
          %dma_start3A_400 = arith.constant 0 : i32
          %dma_start3A_401 = arith.constant 0 : i32
          %dma_start3A_402 = tpu.memref_slice %arg2[%dma_start3A_400, %dma_start3A_401] : memref<10112x128xf32, #tpu.memory_space<hbm>> -> memref<10112x128xf32, #tpu.memory_space<hbm>>
          tpu.enqueue_indirect_dma source(%dma_start3A_402 : memref<10112x128xf32, #tpu.memory_space<hbm>>) target(%dma_start3A_396 : memref<32x128xf32, #tpu.memory_space<vmem>>) offsets(%dma_start3A_399 : memref<32xi32, #tpu.memory_space<vmem>>) semaphore(%arg17 : memref<!tpu.dma_semaphore, #tpu.memory_space<semaphore_mem>>)
          %dma_start3A_403 = arith.constant 96 : i32
          %dma_start3A_404 = arith.constant 0 : i32
          %dma_start3A_405 = tpu.memref_slice %arg12[%dma_start3A_403, %dma_start3A_404] : memref<128x128xf32, #tpu.memory_space<vmem>> -> memref<32x128xf32, #tpu.memory_space<vmem>>
          %dma_start3A_406 = arith.constant 96 : i32
          %dma_start3A_407 = tpu.memref_slice %arg8[%add3A_375, %dma_start3A_406] : memref<8x128xi32, #tpu.memory_space<vmem>> -> memref<1x32xi32, #tpu.memory_space<vmem>>
          %dma_start3A_408 = tpu.memref_squeeze %dma_start3A_407 : memref<1x32xi32, #tpu.memory_space<vmem>> -> memref<32xi32, #tpu.memory_space<vmem>>
          %dma_start3A_409 = arith.constant 0 : i32
          %dma_start3A_410 = arith.constant 0 : i32
          %dma_start3A_411 = tpu.memref_slice %arg2[%dma_start3A_409, %dma_start3A_410] : memref<10112x128xf32, #tpu.memory_space<hbm>> -> memref<10112x128xf32, #tpu.memory_space<hbm>>
          tpu.enqueue_indirect_dma source(%dma_start3A_411 : memref<10112x128xf32, #tpu.memory_space<hbm>>) target(%dma_start3A_405 : memref<32x128xf32, #tpu.memory_space<vmem>>) offsets(%dma_start3A_408 : memref<32xi32, #tpu.memory_space<vmem>>) semaphore(%arg17 : memref<!tpu.dma_semaphore, #tpu.memory_space<semaphore_mem>>)
        } else {
        }
      }
      %scan3A_239 = arith.constant 4 : i32
      %add3A_240 = arith.constant 2 : i32
      %add3A_241 = arith.addi %add3A_142, %add3A_240 : i32
      %lt3A_242 = arith.constant 10 : i32
      %lt3A_243 = arith.cmpi slt, %add3A_241, %lt3A_242 : i32
      %convert_element_type3A_244 = arith.extui %lt3A_243 : i1 to i32
      %cond3A_245 = arith.constant 0 : i32
      %cond3A_246 = arith.cmpi ne, %convert_element_type3A_244, %cond3A_245 : i32
      scf.if %cond3A_246 {
        %add3A_247 = arith.constant 2 : i32
        %add3A_248 = arith.addi %add3A_142, %add3A_247 : i32
        %mul3A_249 = arith.constant 8 : i32
        %mul3A_250 = arith.muli %add3A_248, %mul3A_249 : i32
        %add3A_251 = arith.addi %mul3A_4, %mul3A_250 : i32
        %multiple_of3A_252 = tpu.assume_multiple %add3A_251, 8 : i32
        %dma_start3A_253 = arith.constant 0 : i32
        %dma_start3A_254 = tpu.memref_slice %arg3[%multiple_of3A_252, %dma_start3A_253] : memref<2560x128xi32, #tpu.memory_space<hbm>> -> memref<8x128xi32, #tpu.memory_space<hbm>>
        %dma_start3A_255 = arith.constant 0 : i32
        %dma_start3A_256 = tpu.memref_slice %arg3[%multiple_of3A_252, %dma_start3A_255] : memref<2560x128xi32, #tpu.memory_space<hbm>> -> memref<8x128xi32, #tpu.memory_space<hbm>>
        tpu.enqueue_dma source(%dma_start3A_256 : memref<8x128xi32, #tpu.memory_space<hbm>>) target(%arg8 : memref<8x128xi32, #tpu.memory_space<vmem>>) target_semaphore(%arg15 : memref<!tpu.dma_semaphore, #tpu.memory_space<semaphore_mem>>)
        %dma_start3A_257 = arith.constant 0 : i32
        %dma_start3A_258 = tpu.memref_slice %arg4[%multiple_of3A_252, %dma_start3A_257] : memref<2560x128xi32, #tpu.memory_space<hbm>> -> memref<8x128xi32, #tpu.memory_space<hbm>>
        %dma_start3A_259 = arith.constant 0 : i32
        %dma_start3A_260 = tpu.memref_slice %arg4[%multiple_of3A_252, %dma_start3A_259] : memref<2560x128xi32, #tpu.memory_space<hbm>> -> memref<8x128xi32, #tpu.memory_space<hbm>>
        tpu.enqueue_dma source(%dma_start3A_260 : memref<8x128xi32, #tpu.memory_space<hbm>>) target(%arg10 : memref<8x128xi32, #tpu.memory_space<vmem>>) target_semaphore(%arg15 : memref<!tpu.dma_semaphore, #tpu.memory_space<semaphore_mem>>)
      } else {
      }
    }
    %scan3A_28 = arith.constant 5 : i32
    %barrier3A_29 = arith.constant 0 : index
    tpu.barrier barrier_id(%barrier3A_29)
    "tpu.region"() ({
      %run_scoped3A = tpu.sem_alloc : memref<!tpu.dma_semaphore, #tpu.memory_space<semaphore_mem>>
      %dma_start3A_30 = arith.constant 0 : i32
      %dma_start3A_31 = arith.constant 0 : i32
      %dma_start3A_32 = tpu.memref_slice %arg6[%arg0, %dma_start3A_30, %dma_start3A_31] : memref<2x10112x128xf32, #tpu.memory_space<hbm>> -> memref<1x10112x128xf32, #tpu.memory_space<hbm>>
      %dma_start3A_33 = tpu.memref_squeeze %dma_start3A_32 : memref<1x10112x128xf32, #tpu.memory_space<hbm>> -> memref<10112x128xf32, #tpu.memory_space<hbm>>
      %dma_start3A_34 = arith.constant 0 : i32
      %dma_start3A_35 = tpu.memref_slice %dma_start3A_33[%mul3A_0, %dma_start3A_34] : memref<10112x128xf32, #tpu.memory_space<hbm>> -> memref<632x128xf32, #tpu.memory_space<hbm>>
      %dma_start3A_36 = arith.constant 0 : i32
      %dma_start3A_37 = tpu.memref_slice %arg13[%mul3A_0, %dma_start3A_36] : memref<10112x128xf32, #tpu.memory_space<vmem_shared>> -> memref<632x128xf32, #tpu.memory_space<vmem_shared>>
      tpu.enqueue_dma source(%dma_start3A_37 : memref<632x128xf32, #tpu.memory_space<vmem_shared>>) target(%dma_start3A_35 : memref<632x128xf32, #tpu.memory_space<hbm>>) target_semaphore(%run_scoped3A : memref<!tpu.dma_semaphore, #tpu.memory_space<semaphore_mem>>)
      %dma_wait3A = arith.constant 0 : i32
      %dma_wait3A_38 = arith.constant 0 : i32
      %dma_wait3A_39 = tpu.memref_slice %arg6[%arg0, %dma_wait3A, %dma_wait3A_38] : memref<2x10112x128xf32, #tpu.memory_space<hbm>> -> memref<1x10112x128xf32, #tpu.memory_space<hbm>>
      %dma_wait3A_40 = tpu.memref_squeeze %dma_wait3A_39 : memref<1x10112x128xf32, #tpu.memory_space<hbm>> -> memref<10112x128xf32, #tpu.memory_space<hbm>>
      %dma_wait3A_41 = arith.constant 0 : i32
      %dma_wait3A_42 = tpu.memref_slice %dma_wait3A_40[%mul3A_0, %dma_wait3A_41] : memref<10112x128xf32, #tpu.memory_space<hbm>> -> memref<632x128xf32, #tpu.memory_space<hbm>>
      %dma_wait3A_43 = arith.constant 0 : i32
      %dma_wait3A_44 = tpu.memref_slice %arg13[%mul3A_0, %dma_wait3A_43] : memref<10112x128xf32, #tpu.memory_space<vmem_shared>> -> memref<632x128xf32, #tpu.memory_space<vmem_shared>>
      tpu.wait_dma2 semaphore(%run_scoped3A : memref<!tpu.dma_semaphore, #tpu.memory_space<semaphore_mem>>) src(%dma_wait3A_44 : memref<632x128xf32, #tpu.memory_space<vmem_shared>>) dst(%dma_wait3A_42 : memref<632x128xf32, #tpu.memory_space<hbm>>)
      tpu.yield
    }) : () -> ()
    return
  }
}

#map = affine_map<(d0, d1) -> (0, 0)>
#map1 = affine_map<(d0, d1) -> (0, 0, 0)>
module attributes {stable_mosaic.version = 14 : i64} {
  func.func @agg(%arg0: i32, %arg1: i32, %arg2: memref<10112x128xf32, #tpu.memory_space<hbm>>, %arg3: memref<2560x128xi32, #tpu.memory_space<hbm>>, %arg4: memref<2560x128xi32, #tpu.memory_space<hbm>>, %arg5: memref<632x128xf32, #tpu.memory_space<hbm>>, %arg6: memref<2x10112x128xf32, #tpu.memory_space<hbm>>, %arg7: memref<8x128xi32, #tpu.memory_space<vmem>>, %arg8: memref<8x128xi32, #tpu.memory_space<vmem>>, %arg9: memref<8x128xi32, #tpu.memory_space<vmem>>, %arg10: memref<8x128xi32, #tpu.memory_space<vmem>>, %arg11: memref<128x128xf32, #tpu.memory_space<vmem>>, %arg12: memref<128x128xf32, #tpu.memory_space<vmem>>, %arg13: memref<10112x128xf32, #tpu.memory_space<vmem_shared>>, %arg14: memref<!tpu.dma_semaphore, #tpu.memory_space<semaphore_mem>>, %arg15: memref<!tpu.dma_semaphore, #tpu.memory_space<semaphore_mem>>, %arg16: memref<!tpu.dma_semaphore, #tpu.memory_space<semaphore_mem>>, %arg17: memref<!tpu.dma_semaphore, #tpu.memory_space<semaphore_mem>>) attributes {dimension_semantics = [#tpu.dimension_semantics<core_parallel>, #tpu.dimension_semantics<subcore_parallel>], iteration_bounds = array<i64: 2, 16>, scalar_prefetch = 0 : i64, scratch_operands = 11 : i64, tpu.core_type = #tpu.core_type<sc_vector_subcore>, window_params = [{transform_indices = #map}, {transform_indices = #map}, {transform_indices = #map}, {transform_indices = #map}, {transform_indices = #map1}]} {
    %mul3A = arith.constant 632 : i32
    %mul3A_0 = arith.muli %arg1, %mul3A : i32
    "tpu.region"() ({
      %run_scoped3A = tpu.sem_alloc : memref<!tpu.dma_semaphore, #tpu.memory_space<semaphore_mem>>
      %dma_start3A_30 = arith.constant 0 : i32
      %dma_start3A_31 = tpu.memref_slice %arg13[%mul3A_0, %dma_start3A_30] : memref<10112x128xf32, #tpu.memory_space<vmem_shared>> -> memref<632x128xf32, #tpu.memory_space<vmem_shared>>
      tpu.enqueue_dma source(%arg5 : memref<632x128xf32, #tpu.memory_space<hbm>>) target(%dma_start3A_31 : memref<632x128xf32, #tpu.memory_space<vmem_shared>>) target_semaphore(%run_scoped3A : memref<!tpu.dma_semaphore, #tpu.memory_space<semaphore_mem>>)
      %dma_wait3A = arith.constant 0 : i32
      %dma_wait3A_32 = tpu.memref_slice %arg13[%mul3A_0, %dma_wait3A] : memref<10112x128xf32, #tpu.memory_space<vmem_shared>> -> memref<632x128xf32, #tpu.memory_space<vmem_shared>>
      tpu.wait_dma2 semaphore(%run_scoped3A : memref<!tpu.dma_semaphore, #tpu.memory_space<semaphore_mem>>) src(%arg5 : memref<632x128xf32, #tpu.memory_space<hbm>>) dst(%dma_wait3A_32 : memref<632x128xf32, #tpu.memory_space<vmem_shared>>)
      tpu.yield
    }) : () -> ()
    %mul3A_1 = arith.constant 2 : i32
    %mul3A_2 = arith.muli %arg1, %mul3A_1 : i32
    %add3A = arith.addi %mul3A_2, %arg0 : i32
    %mul3A_3 = arith.constant 80 : i32
    %mul3A_4 = arith.muli %add3A, %mul3A_3 : i32
    %add3A_5 = arith.constant 0 : i32
    %add3A_6 = arith.addi %mul3A_4, %add3A_5 : i32
    %multiple_of3A = tpu.assume_multiple %add3A_6, 8 : i32
    %dma_start3A = arith.constant 0 : i32
    %dma_start3A_7 = tpu.memref_slice %arg3[%multiple_of3A, %dma_start3A] : memref<2560x128xi32, #tpu.memory_space<hbm>> -> memref<8x128xi32, #tpu.memory_space<hbm>>
    %dma_start3A_8 = arith.constant 0 : i32
    %dma_start3A_9 = tpu.memref_slice %arg3[%multiple_of3A, %dma_start3A_8] : memref<2560x128xi32, #tpu.memory_space<hbm>> -> memref<8x128xi32, #tpu.memory_space<hbm>>
    tpu.enqueue_dma source(%dma_start3A_9 : memref<8x128xi32, #tpu.memory_space<hbm>>) target(%arg7 : memref<8x128xi32, #tpu.memory_space<vmem>>) target_semaphore(%arg14 : memref<!tpu.dma_semaphore, #tpu.memory_space<semaphore_mem>>)
    %dma_start3A_10 = arith.constant 0 : i32
    %dma_start3A_11 = tpu.memref_slice %arg4[%multiple_of3A, %dma_start3A_10] : memref<2560x128xi32, #tpu.memory_space<hbm>> -> memref<8x128xi32, #tpu.memory_space<hbm>>
    %dma_start3A_12 = arith.constant 0 : i32
    %dma_start3A_13 = tpu.memref_slice %arg4[%multiple_of3A, %dma_start3A_12] : memref<2560x128xi32, #tpu.memory_space<hbm>> -> memref<8x128xi32, #tpu.memory_space<hbm>>
    tpu.enqueue_dma source(%dma_start3A_13 : memref<8x128xi32, #tpu.memory_space<hbm>>) target(%arg9 : memref<8x128xi32, #tpu.memory_space<vmem>>) target_semaphore(%arg14 : memref<!tpu.dma_semaphore, #tpu.memory_space<semaphore_mem>>)
    %add3A_14 = arith.constant 8 : i32
    %add3A_15 = arith.addi %mul3A_4, %add3A_14 : i32
    %multiple_of3A_16 = tpu.assume_multiple %add3A_15, 8 : i32
    %dma_start3A_17 = arith.constant 0 : i32
    %dma_start3A_18 = tpu.memref_slice %arg3[%multiple_of3A_16, %dma_start3A_17] : memref<2560x128xi32, #tpu.memory_space<hbm>> -> memref<8x128xi32, #tpu.memory_space<hbm>>
    %dma_start3A_19 = arith.constant 0 : i32
    %dma_start3A_20 = tpu.memref_slice %arg3[%multiple_of3A_16, %dma_start3A_19] : memref<2560x128xi32, #tpu.memory_space<hbm>> -> memref<8x128xi32, #tpu.memory_space<hbm>>
    tpu.enqueue_dma source(%dma_start3A_20 : memref<8x128xi32, #tpu.memory_space<hbm>>) target(%arg8 : memref<8x128xi32, #tpu.memory_space<vmem>>) target_semaphore(%arg15 : memref<!tpu.dma_semaphore, #tpu.memory_space<semaphore_mem>>)
    %dma_start3A_21 = arith.constant 0 : i32
    %dma_start3A_22 = tpu.memref_slice %arg4[%multiple_of3A_16, %dma_start3A_21] : memref<2560x128xi32, #tpu.memory_space<hbm>> -> memref<8x128xi32, #tpu.memory_space<hbm>>
    %dma_start3A_23 = arith.constant 0 : i32
    %dma_start3A_24 = tpu.memref_slice %arg4[%multiple_of3A_16, %dma_start3A_23] : memref<2560x128xi32, #tpu.memory_space<hbm>> -> memref<8x128xi32, #tpu.memory_space<hbm>>
    tpu.enqueue_dma source(%dma_start3A_24 : memref<8x128xi32, #tpu.memory_space<hbm>>) target(%arg10 : memref<8x128xi32, #tpu.memory_space<vmem>>) target_semaphore(%arg15 : memref<!tpu.dma_semaphore, #tpu.memory_space<semaphore_mem>>)
    %barrier3A = arith.constant 0 : index
    tpu.barrier barrier_id(%barrier3A)
    %scan3A = arith.constant 0 : i32
    %scan3A_25 = arith.constant 5 : i32
    %scan3A_26 = arith.addi %scan3A, %scan3A_25 : i32
    %scan3A_27 = arith.constant 1 : i32
    scf.for %scan3A_30 = %scan3A to %scan3A_26 step %scan3A_27  : i32 {
      %mul3A_31 = arith.constant 1 : i32
      %mul3A_32 = arith.muli %scan3A_30, %mul3A_31 : i32
      %add3A_33 = arith.constant 0 : i32
      %add3A_34 = arith.addi %add3A_33, %mul3A_32 : i32
      %mul3A_35 = arith.constant 2 : i32
      %mul3A_36 = arith.muli %mul3A_35, %add3A_34 : i32
      %add3A_37 = arith.constant 0 : i32
      %add3A_38 = arith.addi %mul3A_36, %add3A_37 : i32
      %dma_wait3A = arith.constant 0 : i32
      %dma_wait3A_39 = arith.constant 0 : i32
      %dma_wait3A_40 = tpu.memref_slice %arg3[%dma_wait3A, %dma_wait3A_39] : memref<2560x128xi32, #tpu.memory_space<hbm>> -> memref<8x128xi32, #tpu.memory_space<hbm>>
      %dma_wait3A_41 = arith.constant 0 : i32
      %dma_wait3A_42 = arith.constant 0 : i32
      %dma_wait3A_43 = tpu.memref_slice %arg3[%dma_wait3A_41, %dma_wait3A_42] : memref<2560x128xi32, #tpu.memory_space<hbm>> -> memref<8x128xi32, #tpu.memory_space<hbm>>
      tpu.wait_dma2 semaphore(%arg14 : memref<!tpu.dma_semaphore, #tpu.memory_space<semaphore_mem>>) src(%dma_wait3A_43 : memref<8x128xi32, #tpu.memory_space<hbm>>) dst(%arg7 : memref<8x128xi32, #tpu.memory_space<vmem>>)
      %dma_wait3A_44 = arith.constant 0 : i32
      %dma_wait3A_45 = arith.constant 0 : i32
      %dma_wait3A_46 = tpu.memref_slice %arg4[%dma_wait3A_44, %dma_wait3A_45] : memref<2560x128xi32, #tpu.memory_space<hbm>> -> memref<8x128xi32, #tpu.memory_space<hbm>>
      %dma_wait3A_47 = arith.constant 0 : i32
      %dma_wait3A_48 = arith.constant 0 : i32
      %dma_wait3A_49 = tpu.memref_slice %arg4[%dma_wait3A_47, %dma_wait3A_48] : memref<2560x128xi32, #tpu.memory_space<hbm>> -> memref<8x128xi32, #tpu.memory_space<hbm>>
      tpu.wait_dma2 semaphore(%arg14 : memref<!tpu.dma_semaphore, #tpu.memory_space<semaphore_mem>>) src(%dma_wait3A_49 : memref<8x128xi32, #tpu.memory_space<hbm>>) dst(%arg9 : memref<8x128xi32, #tpu.memory_space<vmem>>)
      %dma_start3A_50 = arith.constant 0 : i32
      %dma_start3A_51 = arith.constant 0 : i32
      %dma_start3A_52 = arith.constant 0 : i32
      %dma_start3A_53 = tpu.memref_slice %arg11[%dma_start3A_51, %dma_start3A_52] : memref<128x128xf32, #tpu.memory_space<vmem>> -> memref<32x128xf32, #tpu.memory_space<vmem>>
      %dma_start3A_54 = arith.constant 0 : i32
      %dma_start3A_55 = tpu.memref_slice %arg7[%dma_start3A_50, %dma_start3A_54] : memref<8x128xi32, #tpu.memory_space<vmem>> -> memref<1x32xi32, #tpu.memory_space<vmem>>
      %dma_start3A_56 = tpu.memref_squeeze %dma_start3A_55 : memref<1x32xi32, #tpu.memory_space<vmem>> -> memref<32xi32, #tpu.memory_space<vmem>>
      %dma_start3A_57 = arith.constant 0 : i32
      %dma_start3A_58 = arith.constant 0 : i32
      %dma_start3A_59 = tpu.memref_slice %arg2[%dma_start3A_57, %dma_start3A_58] : memref<10112x128xf32, #tpu.memory_space<hbm>> -> memref<10112x128xf32, #tpu.memory_space<hbm>>
      tpu.enqueue_indirect_dma source(%dma_start3A_59 : memref<10112x128xf32, #tpu.memory_space<hbm>>) target(%dma_start3A_53 : memref<32x128xf32, #tpu.memory_space<vmem>>) offsets(%dma_start3A_56 : memref<32xi32, #tpu.memory_space<vmem>>) semaphore(%arg16 : memref<!tpu.dma_semaphore, #tpu.memory_space<semaphore_mem>>)
      %dma_start3A_60 = arith.constant 0 : i32
      %dma_start3A_61 = arith.constant 32 : i32
      %dma_start3A_62 = arith.constant 0 : i32
      %dma_start3A_63 = tpu.memref_slice %arg11[%dma_start3A_61, %dma_start3A_62] : memref<128x128xf32, #tpu.memory_space<vmem>> -> memref<32x128xf32, #tpu.memory_space<vmem>>
      %dma_start3A_64 = arith.constant 32 : i32
      %dma_start3A_65 = tpu.memref_slice %arg7[%dma_start3A_60, %dma_start3A_64] : memref<8x128xi32, #tpu.memory_space<vmem>> -> memref<1x32xi32, #tpu.memory_space<vmem>>
      %dma_start3A_66 = tpu.memref_squeeze %dma_start3A_65 : memref<1x32xi32, #tpu.memory_space<vmem>> -> memref<32xi32, #tpu.memory_space<vmem>>
      %dma_start3A_67 = arith.constant 0 : i32
      %dma_start3A_68 = arith.constant 0 : i32
      %dma_start3A_69 = tpu.memref_slice %arg2[%dma_start3A_67, %dma_start3A_68] : memref<10112x128xf32, #tpu.memory_space<hbm>> -> memref<10112x128xf32, #tpu.memory_space<hbm>>
      tpu.enqueue_indirect_dma source(%dma_start3A_69 : memref<10112x128xf32, #tpu.memory_space<hbm>>) target(%dma_start3A_63 : memref<32x128xf32, #tpu.memory_space<vmem>>) offsets(%dma_start3A_66 : memref<32xi32, #tpu.memory_space<vmem>>) semaphore(%arg16 : memref<!tpu.dma_semaphore, #tpu.memory_space<semaphore_mem>>)
      %dma_start3A_70 = arith.constant 0 : i32
      %dma_start3A_71 = arith.constant 64 : i32
      %dma_start3A_72 = arith.constant 0 : i32
      %dma_start3A_73 = tpu.memref_slice %arg11[%dma_start3A_71, %dma_start3A_72] : memref<128x128xf32, #tpu.memory_space<vmem>> -> memref<32x128xf32, #tpu.memory_space<vmem>>
      %dma_start3A_74 = arith.constant 64 : i32
      %dma_start3A_75 = tpu.memref_slice %arg7[%dma_start3A_70, %dma_start3A_74] : memref<8x128xi32, #tpu.memory_space<vmem>> -> memref<1x32xi32, #tpu.memory_space<vmem>>
      %dma_start3A_76 = tpu.memref_squeeze %dma_start3A_75 : memref<1x32xi32, #tpu.memory_space<vmem>> -> memref<32xi32, #tpu.memory_space<vmem>>
      %dma_start3A_77 = arith.constant 0 : i32
      %dma_start3A_78 = arith.constant 0 : i32
      %dma_start3A_79 = tpu.memref_slice %arg2[%dma_start3A_77, %dma_start3A_78] : memref<10112x128xf32, #tpu.memory_space<hbm>> -> memref<10112x128xf32, #tpu.memory_space<hbm>>
      tpu.enqueue_indirect_dma source(%dma_start3A_79 : memref<10112x128xf32, #tpu.memory_space<hbm>>) target(%dma_start3A_73 : memref<32x128xf32, #tpu.memory_space<vmem>>) offsets(%dma_start3A_76 : memref<32xi32, #tpu.memory_space<vmem>>) semaphore(%arg16 : memref<!tpu.dma_semaphore, #tpu.memory_space<semaphore_mem>>)
      %dma_start3A_80 = arith.constant 0 : i32
      %dma_start3A_81 = arith.constant 96 : i32
      %dma_start3A_82 = arith.constant 0 : i32
      %dma_start3A_83 = tpu.memref_slice %arg11[%dma_start3A_81, %dma_start3A_82] : memref<128x128xf32, #tpu.memory_space<vmem>> -> memref<32x128xf32, #tpu.memory_space<vmem>>
      %dma_start3A_84 = arith.constant 96 : i32
      %dma_start3A_85 = tpu.memref_slice %arg7[%dma_start3A_80, %dma_start3A_84] : memref<8x128xi32, #tpu.memory_space<vmem>> -> memref<1x32xi32, #tpu.memory_space<vmem>>
      %dma_start3A_86 = tpu.memref_squeeze %dma_start3A_85 : memref<1x32xi32, #tpu.memory_space<vmem>> -> memref<32xi32, #tpu.memory_space<vmem>>
      %dma_start3A_87 = arith.constant 0 : i32
      %dma_start3A_88 = arith.constant 0 : i32
      %dma_start3A_89 = tpu.memref_slice %arg2[%dma_start3A_87, %dma_start3A_88] : memref<10112x128xf32, #tpu.memory_space<hbm>> -> memref<10112x128xf32, #tpu.memory_space<hbm>>
      tpu.enqueue_indirect_dma source(%dma_start3A_89 : memref<10112x128xf32, #tpu.memory_space<hbm>>) target(%dma_start3A_83 : memref<32x128xf32, #tpu.memory_space<vmem>>) offsets(%dma_start3A_86 : memref<32xi32, #tpu.memory_space<vmem>>) semaphore(%arg16 : memref<!tpu.dma_semaphore, #tpu.memory_space<semaphore_mem>>)
      %dma_start3A_90 = arith.constant 1 : i32
      %dma_start3A_91 = arith.constant 0 : i32
      %dma_start3A_92 = arith.constant 0 : i32
      %dma_start3A_93 = tpu.memref_slice %arg12[%dma_start3A_91, %dma_start3A_92] : memref<128x128xf32, #tpu.memory_space<vmem>> -> memref<32x128xf32, #tpu.memory_space<vmem>>
      %dma_start3A_94 = arith.constant 0 : i32
      %dma_start3A_95 = tpu.memref_slice %arg7[%dma_start3A_90, %dma_start3A_94] : memref<8x128xi32, #tpu.memory_space<vmem>> -> memref<1x32xi32, #tpu.memory_space<vmem>>
      %dma_start3A_96 = tpu.memref_squeeze %dma_start3A_95 : memref<1x32xi32, #tpu.memory_space<vmem>> -> memref<32xi32, #tpu.memory_space<vmem>>
      %dma_start3A_97 = arith.constant 0 : i32
      %dma_start3A_98 = arith.constant 0 : i32
      %dma_start3A_99 = tpu.memref_slice %arg2[%dma_start3A_97, %dma_start3A_98] : memref<10112x128xf32, #tpu.memory_space<hbm>> -> memref<10112x128xf32, #tpu.memory_space<hbm>>
      tpu.enqueue_indirect_dma source(%dma_start3A_99 : memref<10112x128xf32, #tpu.memory_space<hbm>>) target(%dma_start3A_93 : memref<32x128xf32, #tpu.memory_space<vmem>>) offsets(%dma_start3A_96 : memref<32xi32, #tpu.memory_space<vmem>>) semaphore(%arg17 : memref<!tpu.dma_semaphore, #tpu.memory_space<semaphore_mem>>)
      %dma_start3A_100 = arith.constant 1 : i32
      %dma_start3A_101 = arith.constant 32 : i32
      %dma_start3A_102 = arith.constant 0 : i32
      %dma_start3A_103 = tpu.memref_slice %arg12[%dma_start3A_101, %dma_start3A_102] : memref<128x128xf32, #tpu.memory_space<vmem>> -> memref<32x128xf32, #tpu.memory_space<vmem>>
      %dma_start3A_104 = arith.constant 32 : i32
      %dma_start3A_105 = tpu.memref_slice %arg7[%dma_start3A_100, %dma_start3A_104] : memref<8x128xi32, #tpu.memory_space<vmem>> -> memref<1x32xi32, #tpu.memory_space<vmem>>
      %dma_start3A_106 = tpu.memref_squeeze %dma_start3A_105 : memref<1x32xi32, #tpu.memory_space<vmem>> -> memref<32xi32, #tpu.memory_space<vmem>>
      %dma_start3A_107 = arith.constant 0 : i32
      %dma_start3A_108 = arith.constant 0 : i32
      %dma_start3A_109 = tpu.memref_slice %arg2[%dma_start3A_107, %dma_start3A_108] : memref<10112x128xf32, #tpu.memory_space<hbm>> -> memref<10112x128xf32, #tpu.memory_space<hbm>>
      tpu.enqueue_indirect_dma source(%dma_start3A_109 : memref<10112x128xf32, #tpu.memory_space<hbm>>) target(%dma_start3A_103 : memref<32x128xf32, #tpu.memory_space<vmem>>) offsets(%dma_start3A_106 : memref<32xi32, #tpu.memory_space<vmem>>) semaphore(%arg17 : memref<!tpu.dma_semaphore, #tpu.memory_space<semaphore_mem>>)
      %dma_start3A_110 = arith.constant 1 : i32
      %dma_start3A_111 = arith.constant 64 : i32
      %dma_start3A_112 = arith.constant 0 : i32
      %dma_start3A_113 = tpu.memref_slice %arg12[%dma_start3A_111, %dma_start3A_112] : memref<128x128xf32, #tpu.memory_space<vmem>> -> memref<32x128xf32, #tpu.memory_space<vmem>>
      %dma_start3A_114 = arith.constant 64 : i32
      %dma_start3A_115 = tpu.memref_slice %arg7[%dma_start3A_110, %dma_start3A_114] : memref<8x128xi32, #tpu.memory_space<vmem>> -> memref<1x32xi32, #tpu.memory_space<vmem>>
      %dma_start3A_116 = tpu.memref_squeeze %dma_start3A_115 : memref<1x32xi32, #tpu.memory_space<vmem>> -> memref<32xi32, #tpu.memory_space<vmem>>
      %dma_start3A_117 = arith.constant 0 : i32
      %dma_start3A_118 = arith.constant 0 : i32
      %dma_start3A_119 = tpu.memref_slice %arg2[%dma_start3A_117, %dma_start3A_118] : memref<10112x128xf32, #tpu.memory_space<hbm>> -> memref<10112x128xf32, #tpu.memory_space<hbm>>
      tpu.enqueue_indirect_dma source(%dma_start3A_119 : memref<10112x128xf32, #tpu.memory_space<hbm>>) target(%dma_start3A_113 : memref<32x128xf32, #tpu.memory_space<vmem>>) offsets(%dma_start3A_116 : memref<32xi32, #tpu.memory_space<vmem>>) semaphore(%arg17 : memref<!tpu.dma_semaphore, #tpu.memory_space<semaphore_mem>>)
      %dma_start3A_120 = arith.constant 1 : i32
      %dma_start3A_121 = arith.constant 96 : i32
      %dma_start3A_122 = arith.constant 0 : i32
      %dma_start3A_123 = tpu.memref_slice %arg12[%dma_start3A_121, %dma_start3A_122] : memref<128x128xf32, #tpu.memory_space<vmem>> -> memref<32x128xf32, #tpu.memory_space<vmem>>
      %dma_start3A_124 = arith.constant 96 : i32
      %dma_start3A_125 = tpu.memref_slice %arg7[%dma_start3A_120, %dma_start3A_124] : memref<8x128xi32, #tpu.memory_space<vmem>> -> memref<1x32xi32, #tpu.memory_space<vmem>>
      %dma_start3A_126 = tpu.memref_squeeze %dma_start3A_125 : memref<1x32xi32, #tpu.memory_space<vmem>> -> memref<32xi32, #tpu.memory_space<vmem>>
      %dma_start3A_127 = arith.constant 0 : i32
      %dma_start3A_128 = arith.constant 0 : i32
      %dma_start3A_129 = tpu.memref_slice %arg2[%dma_start3A_127, %dma_start3A_128] : memref<10112x128xf32, #tpu.memory_space<hbm>> -> memref<10112x128xf32, #tpu.memory_space<hbm>>
      tpu.enqueue_indirect_dma source(%dma_start3A_129 : memref<10112x128xf32, #tpu.memory_space<hbm>>) target(%dma_start3A_123 : memref<32x128xf32, #tpu.memory_space<vmem>>) offsets(%dma_start3A_126 : memref<32xi32, #tpu.memory_space<vmem>>) semaphore(%arg17 : memref<!tpu.dma_semaphore, #tpu.memory_space<semaphore_mem>>)
      %scan3A_130 = arith.constant 0 : i32
      %scan3A_131 = arith.constant 4 : i32
      %scan3A_132 = arith.addi %scan3A_130, %scan3A_131 : i32
      %scan3A_133 = arith.constant 1 : i32
      scf.for %scan3A_247 = %scan3A_130 to %scan3A_132 step %scan3A_133  : i32 {
        %mul3A_248 = arith.constant 1 : i32
        %mul3A_249 = arith.muli %scan3A_247, %mul3A_248 : i32
        %add3A_250 = arith.constant 0 : i32
        %add3A_251 = arith.addi %add3A_250, %mul3A_249 : i32
        %mul3A_252 = arith.constant 2 : i32
        %mul3A_253 = arith.muli %mul3A_252, %add3A_251 : i32
        %dma_wait3A_254 = arith.constant 0 : i32
        %dma_wait3A_255 = arith.constant 0 : i32
        %dma_wait3A_256 = tpu.memref_slice %arg11[%dma_wait3A_254, %dma_wait3A_255] : memref<128x128xf32, #tpu.memory_space<vmem>> -> memref<32x128xf32, #tpu.memory_space<vmem>>
        %dma_wait3A_257 = arith.constant 0 : i32
        %dma_wait3A_258 = arith.constant 0 : i32
        %dma_wait3A_259 = tpu.memref_slice %arg2[%dma_wait3A_257, %dma_wait3A_258] : memref<10112x128xf32, #tpu.memory_space<hbm>> -> memref<32x128xf32, #tpu.memory_space<hbm>>
        %dma_wait3A_260 = arith.constant 0 : i32
        %dma_wait3A_261 = arith.constant 0 : i32
        %dma_wait3A_262 = tpu.memref_slice %arg11[%dma_wait3A_260, %dma_wait3A_261] : memref<128x128xf32, #tpu.memory_space<vmem>> -> memref<32x128xf32, #tpu.memory_space<vmem>>
        %dma_wait3A_263 = arith.constant 0 : i32
        %dma_wait3A_264 = arith.constant 0 : i32
        %dma_wait3A_265 = tpu.memref_slice %arg2[%dma_wait3A_263, %dma_wait3A_264] : memref<10112x128xf32, #tpu.memory_space<hbm>> -> memref<32x128xf32, #tpu.memory_space<hbm>>
        tpu.wait_dma2 semaphore(%arg16 : memref<!tpu.dma_semaphore, #tpu.memory_space<semaphore_mem>>) src(%dma_wait3A_265 : memref<32x128xf32, #tpu.memory_space<hbm>>) dst(%dma_wait3A_262 : memref<32x128xf32, #tpu.memory_space<vmem>>)
        %dma_wait3A_266 = arith.constant 32 : i32
        %dma_wait3A_267 = arith.constant 0 : i32
        %dma_wait3A_268 = tpu.memref_slice %arg11[%dma_wait3A_266, %dma_wait3A_267] : memref<128x128xf32, #tpu.memory_space<vmem>> -> memref<32x128xf32, #tpu.memory_space<vmem>>
        %dma_wait3A_269 = arith.constant 0 : i32
        %dma_wait3A_270 = arith.constant 0 : i32
        %dma_wait3A_271 = tpu.memref_slice %arg2[%dma_wait3A_269, %dma_wait3A_270] : memref<10112x128xf32, #tpu.memory_space<hbm>> -> memref<32x128xf32, #tpu.memory_space<hbm>>
        %dma_wait3A_272 = arith.constant 32 : i32
        %dma_wait3A_273 = arith.constant 0 : i32
        %dma_wait3A_274 = tpu.memref_slice %arg11[%dma_wait3A_272, %dma_wait3A_273] : memref<128x128xf32, #tpu.memory_space<vmem>> -> memref<32x128xf32, #tpu.memory_space<vmem>>
        %dma_wait3A_275 = arith.constant 0 : i32
        %dma_wait3A_276 = arith.constant 0 : i32
        %dma_wait3A_277 = tpu.memref_slice %arg2[%dma_wait3A_275, %dma_wait3A_276] : memref<10112x128xf32, #tpu.memory_space<hbm>> -> memref<32x128xf32, #tpu.memory_space<hbm>>
        tpu.wait_dma2 semaphore(%arg16 : memref<!tpu.dma_semaphore, #tpu.memory_space<semaphore_mem>>) src(%dma_wait3A_277 : memref<32x128xf32, #tpu.memory_space<hbm>>) dst(%dma_wait3A_274 : memref<32x128xf32, #tpu.memory_space<vmem>>)
        %dma_wait3A_278 = arith.constant 64 : i32
        %dma_wait3A_279 = arith.constant 0 : i32
        %dma_wait3A_280 = tpu.memref_slice %arg11[%dma_wait3A_278, %dma_wait3A_279] : memref<128x128xf32, #tpu.memory_space<vmem>> -> memref<32x128xf32, #tpu.memory_space<vmem>>
        %dma_wait3A_281 = arith.constant 0 : i32
        %dma_wait3A_282 = arith.constant 0 : i32
        %dma_wait3A_283 = tpu.memref_slice %arg2[%dma_wait3A_281, %dma_wait3A_282] : memref<10112x128xf32, #tpu.memory_space<hbm>> -> memref<32x128xf32, #tpu.memory_space<hbm>>
        %dma_wait3A_284 = arith.constant 64 : i32
        %dma_wait3A_285 = arith.constant 0 : i32
        %dma_wait3A_286 = tpu.memref_slice %arg11[%dma_wait3A_284, %dma_wait3A_285] : memref<128x128xf32, #tpu.memory_space<vmem>> -> memref<32x128xf32, #tpu.memory_space<vmem>>
        %dma_wait3A_287 = arith.constant 0 : i32
        %dma_wait3A_288 = arith.constant 0 : i32
        %dma_wait3A_289 = tpu.memref_slice %arg2[%dma_wait3A_287, %dma_wait3A_288] : memref<10112x128xf32, #tpu.memory_space<hbm>> -> memref<32x128xf32, #tpu.memory_space<hbm>>
        tpu.wait_dma2 semaphore(%arg16 : memref<!tpu.dma_semaphore, #tpu.memory_space<semaphore_mem>>) src(%dma_wait3A_289 : memref<32x128xf32, #tpu.memory_space<hbm>>) dst(%dma_wait3A_286 : memref<32x128xf32, #tpu.memory_space<vmem>>)
        %dma_wait3A_290 = arith.constant 96 : i32
        %dma_wait3A_291 = arith.constant 0 : i32
        %dma_wait3A_292 = tpu.memref_slice %arg11[%dma_wait3A_290, %dma_wait3A_291] : memref<128x128xf32, #tpu.memory_space<vmem>> -> memref<32x128xf32, #tpu.memory_space<vmem>>
        %dma_wait3A_293 = arith.constant 0 : i32
        %dma_wait3A_294 = arith.constant 0 : i32
        %dma_wait3A_295 = tpu.memref_slice %arg2[%dma_wait3A_293, %dma_wait3A_294] : memref<10112x128xf32, #tpu.memory_space<hbm>> -> memref<32x128xf32, #tpu.memory_space<hbm>>
        %dma_wait3A_296 = arith.constant 96 : i32
        %dma_wait3A_297 = arith.constant 0 : i32
        %dma_wait3A_298 = tpu.memref_slice %arg11[%dma_wait3A_296, %dma_wait3A_297] : memref<128x128xf32, #tpu.memory_space<vmem>> -> memref<32x128xf32, #tpu.memory_space<vmem>>
        %dma_wait3A_299 = arith.constant 0 : i32
        %dma_wait3A_300 = arith.constant 0 : i32
        %dma_wait3A_301 = tpu.memref_slice %arg2[%dma_wait3A_299, %dma_wait3A_300] : memref<10112x128xf32, #tpu.memory_space<hbm>> -> memref<32x128xf32, #tpu.memory_space<hbm>>
        tpu.wait_dma2 semaphore(%arg16 : memref<!tpu.dma_semaphore, #tpu.memory_space<semaphore_mem>>) src(%dma_wait3A_301 : memref<32x128xf32, #tpu.memory_space<hbm>>) dst(%dma_wait3A_298 : memref<32x128xf32, #tpu.memory_space<vmem>>)
        %add3A_302 = arith.constant 0 : i32
        %add3A_303 = arith.addi %mul3A_253, %add3A_302 : i32
        "tpu.region"() ({
          %run_scoped3A = tpu.sem_alloc : memref<!tpu.dma_semaphore, #tpu.memory_space<semaphore_mem>>
          %dma_start3A_372 = arith.constant 0 : i32
          %dma_start3A_373 = tpu.memref_slice %arg9[%add3A_303, %dma_start3A_372] : memref<8x128xi32, #tpu.memory_space<vmem>> -> memref<1x128xi32, #tpu.memory_space<vmem>>
          %dma_start3A_374 = tpu.memref_squeeze %dma_start3A_373 : memref<1x128xi32, #tpu.memory_space<vmem>> -> memref<128xi32, #tpu.memory_space<vmem>>
          %dma_start3A_375 = arith.constant 0 : i32
          %dma_start3A_376 = arith.constant 0 : i32
          %dma_start3A_377 = tpu.memref_slice %arg13[%dma_start3A_375, %dma_start3A_376] : memref<10112x128xf32, #tpu.memory_space<vmem_shared>> -> memref<10112x128xf32, #tpu.memory_space<vmem_shared>>
          tpu.enqueue_indirect_dma source(%arg11 : memref<128x128xf32, #tpu.memory_space<vmem>>) target(%dma_start3A_377 : memref<10112x128xf32, #tpu.memory_space<vmem_shared>>) offsets(%dma_start3A_374 : memref<128xi32, #tpu.memory_space<vmem>>) semaphore(%run_scoped3A : memref<!tpu.dma_semaphore, #tpu.memory_space<semaphore_mem>>) {add = true}
          %dma_wait3A_378 = arith.constant 0 : i32
          %dma_wait3A_379 = tpu.memref_slice %arg9[%add3A_303, %dma_wait3A_378] : memref<8x128xi32, #tpu.memory_space<vmem>> -> memref<1x128xi32, #tpu.memory_space<vmem>>
          %dma_wait3A_380 = tpu.memref_squeeze %dma_wait3A_379 : memref<1x128xi32, #tpu.memory_space<vmem>> -> memref<128xi32, #tpu.memory_space<vmem>>
          %dma_wait3A_381 = arith.constant 0 : i32
          %dma_wait3A_382 = arith.constant 0 : i32
          %dma_wait3A_383 = tpu.memref_slice %arg13[%dma_wait3A_381, %dma_wait3A_382] : memref<10112x128xf32, #tpu.memory_space<vmem_shared>> -> memref<10112x128xf32, #tpu.memory_space<vmem_shared>>
          tpu.wait_indirect_dma semaphore(%run_scoped3A : memref<!tpu.dma_semaphore, #tpu.memory_space<semaphore_mem>>) src(%arg11 : memref<128x128xf32, #tpu.memory_space<vmem>>) dst(%dma_wait3A_383 : memref<10112x128xf32, #tpu.memory_space<vmem_shared>>)
          tpu.yield
        }) : () -> ()
        %add3A_304 = arith.constant 2 : i32
        %add3A_305 = arith.addi %mul3A_253, %add3A_304 : i32
        %add3A_306 = arith.constant 0 : i32
        %add3A_307 = arith.addi %add3A_305, %add3A_306 : i32
        %lt3A_308 = arith.constant 8 : i32
        %lt3A_309 = arith.cmpi slt, %add3A_307, %lt3A_308 : i32
        %convert_element_type3A_310 = arith.extui %lt3A_309 : i1 to i32
        %cond3A_311 = arith.constant 0 : i32
        %cond3A_312 = arith.cmpi ne, %convert_element_type3A_310, %cond3A_311 : i32
        scf.if %cond3A_312 {
          %add3A_372 = arith.constant 2 : i32
          %add3A_373 = arith.addi %mul3A_253, %add3A_372 : i32
          %add3A_374 = arith.constant 0 : i32
          %add3A_375 = arith.addi %add3A_373, %add3A_374 : i32
          %dma_start3A_376 = arith.constant 0 : i32
          %dma_start3A_377 = arith.constant 0 : i32
          %dma_start3A_378 = tpu.memref_slice %arg11[%dma_start3A_376, %dma_start3A_377] : memref<128x128xf32, #tpu.memory_space<vmem>> -> memref<32x128xf32, #tpu.memory_space<vmem>>
          %dma_start3A_379 = arith.constant 0 : i32
          %dma_start3A_380 = tpu.memref_slice %arg7[%add3A_375, %dma_start3A_379] : memref<8x128xi32, #tpu.memory_space<vmem>> -> memref<1x32xi32, #tpu.memory_space<vmem>>
          %dma_start3A_381 = tpu.memref_squeeze %dma_start3A_380 : memref<1x32xi32, #tpu.memory_space<vmem>> -> memref<32xi32, #tpu.memory_space<vmem>>
          %dma_start3A_382 = arith.constant 0 : i32
          %dma_start3A_383 = arith.constant 0 : i32
          %dma_start3A_384 = tpu.memref_slice %arg2[%dma_start3A_382, %dma_start3A_383] : memref<10112x128xf32, #tpu.memory_space<hbm>> -> memref<10112x128xf32, #tpu.memory_space<hbm>>
          tpu.enqueue_indirect_dma source(%dma_start3A_384 : memref<10112x128xf32, #tpu.memory_space<hbm>>) target(%dma_start3A_378 : memref<32x128xf32, #tpu.memory_space<vmem>>) offsets(%dma_start3A_381 : memref<32xi32, #tpu.memory_space<vmem>>) semaphore(%arg16 : memref<!tpu.dma_semaphore, #tpu.memory_space<semaphore_mem>>)
          %dma_start3A_385 = arith.constant 32 : i32
          %dma_start3A_386 = arith.constant 0 : i32
          %dma_start3A_387 = tpu.memref_slice %arg11[%dma_start3A_385, %dma_start3A_386] : memref<128x128xf32, #tpu.memory_space<vmem>> -> memref<32x128xf32, #tpu.memory_space<vmem>>
          %dma_start3A_388 = arith.constant 32 : i32
          %dma_start3A_389 = tpu.memref_slice %arg7[%add3A_375, %dma_start3A_388] : memref<8x128xi32, #tpu.memory_space<vmem>> -> memref<1x32xi32, #tpu.memory_space<vmem>>
          %dma_start3A_390 = tpu.memref_squeeze %dma_start3A_389 : memref<1x32xi32, #tpu.memory_space<vmem>> -> memref<32xi32, #tpu.memory_space<vmem>>
          %dma_start3A_391 = arith.constant 0 : i32
          %dma_start3A_392 = arith.constant 0 : i32
          %dma_start3A_393 = tpu.memref_slice %arg2[%dma_start3A_391, %dma_start3A_392] : memref<10112x128xf32, #tpu.memory_space<hbm>> -> memref<10112x128xf32, #tpu.memory_space<hbm>>
          tpu.enqueue_indirect_dma source(%dma_start3A_393 : memref<10112x128xf32, #tpu.memory_space<hbm>>) target(%dma_start3A_387 : memref<32x128xf32, #tpu.memory_space<vmem>>) offsets(%dma_start3A_390 : memref<32xi32, #tpu.memory_space<vmem>>) semaphore(%arg16 : memref<!tpu.dma_semaphore, #tpu.memory_space<semaphore_mem>>)
          %dma_start3A_394 = arith.constant 64 : i32
          %dma_start3A_395 = arith.constant 0 : i32
          %dma_start3A_396 = tpu.memref_slice %arg11[%dma_start3A_394, %dma_start3A_395] : memref<128x128xf32, #tpu.memory_space<vmem>> -> memref<32x128xf32, #tpu.memory_space<vmem>>
          %dma_start3A_397 = arith.constant 64 : i32
          %dma_start3A_398 = tpu.memref_slice %arg7[%add3A_375, %dma_start3A_397] : memref<8x128xi32, #tpu.memory_space<vmem>> -> memref<1x32xi32, #tpu.memory_space<vmem>>
          %dma_start3A_399 = tpu.memref_squeeze %dma_start3A_398 : memref<1x32xi32, #tpu.memory_space<vmem>> -> memref<32xi32, #tpu.memory_space<vmem>>
          %dma_start3A_400 = arith.constant 0 : i32
          %dma_start3A_401 = arith.constant 0 : i32
          %dma_start3A_402 = tpu.memref_slice %arg2[%dma_start3A_400, %dma_start3A_401] : memref<10112x128xf32, #tpu.memory_space<hbm>> -> memref<10112x128xf32, #tpu.memory_space<hbm>>
          tpu.enqueue_indirect_dma source(%dma_start3A_402 : memref<10112x128xf32, #tpu.memory_space<hbm>>) target(%dma_start3A_396 : memref<32x128xf32, #tpu.memory_space<vmem>>) offsets(%dma_start3A_399 : memref<32xi32, #tpu.memory_space<vmem>>) semaphore(%arg16 : memref<!tpu.dma_semaphore, #tpu.memory_space<semaphore_mem>>)
          %dma_start3A_403 = arith.constant 96 : i32
          %dma_start3A_404 = arith.constant 0 : i32
          %dma_start3A_405 = tpu.memref_slice %arg11[%dma_start3A_403, %dma_start3A_404] : memref<128x128xf32, #tpu.memory_space<vmem>> -> memref<32x128xf32, #tpu.memory_space<vmem>>
          %dma_start3A_406 = arith.constant 96 : i32
          %dma_start3A_407 = tpu.memref_slice %arg7[%add3A_375, %dma_start3A_406] : memref<8x128xi32, #tpu.memory_space<vmem>> -> memref<1x32xi32, #tpu.memory_space<vmem>>
          %dma_start3A_408 = tpu.memref_squeeze %dma_start3A_407 : memref<1x32xi32, #tpu.memory_space<vmem>> -> memref<32xi32, #tpu.memory_space<vmem>>
          %dma_start3A_409 = arith.constant 0 : i32
          %dma_start3A_410 = arith.constant 0 : i32
          %dma_start3A_411 = tpu.memref_slice %arg2[%dma_start3A_409, %dma_start3A_410] : memref<10112x128xf32, #tpu.memory_space<hbm>> -> memref<10112x128xf32, #tpu.memory_space<hbm>>
          tpu.enqueue_indirect_dma source(%dma_start3A_411 : memref<10112x128xf32, #tpu.memory_space<hbm>>) target(%dma_start3A_405 : memref<32x128xf32, #tpu.memory_space<vmem>>) offsets(%dma_start3A_408 : memref<32xi32, #tpu.memory_space<vmem>>) semaphore(%arg16 : memref<!tpu.dma_semaphore, #tpu.memory_space<semaphore_mem>>)
        } else {
        }
        %dma_wait3A_313 = arith.constant 0 : i32
        %dma_wait3A_314 = arith.constant 0 : i32
        %dma_wait3A_315 = tpu.memref_slice %arg12[%dma_wait3A_313, %dma_wait3A_314] : memref<128x128xf32, #tpu.memory_space<vmem>> -> memref<32x128xf32, #tpu.memory_space<vmem>>
        %dma_wait3A_316 = arith.constant 0 : i32
        %dma_wait3A_317 = arith.constant 0 : i32
        %dma_wait3A_318 = tpu.memref_slice %arg2[%dma_wait3A_316, %dma_wait3A_317] : memref<10112x128xf32, #tpu.memory_space<hbm>> -> memref<32x128xf32, #tpu.memory_space<hbm>>
        %dma_wait3A_319 = arith.constant 0 : i32
        %dma_wait3A_320 = arith.constant 0 : i32
        %dma_wait3A_321 = tpu.memref_slice %arg12[%dma_wait3A_319, %dma_wait3A_320] : memref<128x128xf32, #tpu.memory_space<vmem>> -> memref<32x128xf32, #tpu.memory_space<vmem>>
        %dma_wait3A_322 = arith.constant 0 : i32
        %dma_wait3A_323 = arith.constant 0 : i32
        %dma_wait3A_324 = tpu.memref_slice %arg2[%dma_wait3A_322, %dma_wait3A_323] : memref<10112x128xf32, #tpu.memory_space<hbm>> -> memref<32x128xf32, #tpu.memory_space<hbm>>
        tpu.wait_dma2 semaphore(%arg17 : memref<!tpu.dma_semaphore, #tpu.memory_space<semaphore_mem>>) src(%dma_wait3A_324 : memref<32x128xf32, #tpu.memory_space<hbm>>) dst(%dma_wait3A_321 : memref<32x128xf32, #tpu.memory_space<vmem>>)
        %dma_wait3A_325 = arith.constant 32 : i32
        %dma_wait3A_326 = arith.constant 0 : i32
        %dma_wait3A_327 = tpu.memref_slice %arg12[%dma_wait3A_325, %dma_wait3A_326] : memref<128x128xf32, #tpu.memory_space<vmem>> -> memref<32x128xf32, #tpu.memory_space<vmem>>
        %dma_wait3A_328 = arith.constant 0 : i32
        %dma_wait3A_329 = arith.constant 0 : i32
        %dma_wait3A_330 = tpu.memref_slice %arg2[%dma_wait3A_328, %dma_wait3A_329] : memref<10112x128xf32, #tpu.memory_space<hbm>> -> memref<32x128xf32, #tpu.memory_space<hbm>>
        %dma_wait3A_331 = arith.constant 32 : i32
        %dma_wait3A_332 = arith.constant 0 : i32
        %dma_wait3A_333 = tpu.memref_slice %arg12[%dma_wait3A_331, %dma_wait3A_332] : memref<128x128xf32, #tpu.memory_space<vmem>> -> memref<32x128xf32, #tpu.memory_space<vmem>>
        %dma_wait3A_334 = arith.constant 0 : i32
        %dma_wait3A_335 = arith.constant 0 : i32
        %dma_wait3A_336 = tpu.memref_slice %arg2[%dma_wait3A_334, %dma_wait3A_335] : memref<10112x128xf32, #tpu.memory_space<hbm>> -> memref<32x128xf32, #tpu.memory_space<hbm>>
        tpu.wait_dma2 semaphore(%arg17 : memref<!tpu.dma_semaphore, #tpu.memory_space<semaphore_mem>>) src(%dma_wait3A_336 : memref<32x128xf32, #tpu.memory_space<hbm>>) dst(%dma_wait3A_333 : memref<32x128xf32, #tpu.memory_space<vmem>>)
        %dma_wait3A_337 = arith.constant 64 : i32
        %dma_wait3A_338 = arith.constant 0 : i32
        %dma_wait3A_339 = tpu.memref_slice %arg12[%dma_wait3A_337, %dma_wait3A_338] : memref<128x128xf32, #tpu.memory_space<vmem>> -> memref<32x128xf32, #tpu.memory_space<vmem>>
        %dma_wait3A_340 = arith.constant 0 : i32
        %dma_wait3A_341 = arith.constant 0 : i32
        %dma_wait3A_342 = tpu.memref_slice %arg2[%dma_wait3A_340, %dma_wait3A_341] : memref<10112x128xf32, #tpu.memory_space<hbm>> -> memref<32x128xf32, #tpu.memory_space<hbm>>
        %dma_wait3A_343 = arith.constant 64 : i32
        %dma_wait3A_344 = arith.constant 0 : i32
        %dma_wait3A_345 = tpu.memref_slice %arg12[%dma_wait3A_343, %dma_wait3A_344] : memref<128x128xf32, #tpu.memory_space<vmem>> -> memref<32x128xf32, #tpu.memory_space<vmem>>
        %dma_wait3A_346 = arith.constant 0 : i32
        %dma_wait3A_347 = arith.constant 0 : i32
        %dma_wait3A_348 = tpu.memref_slice %arg2[%dma_wait3A_346, %dma_wait3A_347] : memref<10112x128xf32, #tpu.memory_space<hbm>> -> memref<32x128xf32, #tpu.memory_space<hbm>>
        tpu.wait_dma2 semaphore(%arg17 : memref<!tpu.dma_semaphore, #tpu.memory_space<semaphore_mem>>) src(%dma_wait3A_348 : memref<32x128xf32, #tpu.memory_space<hbm>>) dst(%dma_wait3A_345 : memref<32x128xf32, #tpu.memory_space<vmem>>)
        %dma_wait3A_349 = arith.constant 96 : i32
        %dma_wait3A_350 = arith.constant 0 : i32
        %dma_wait3A_351 = tpu.memref_slice %arg12[%dma_wait3A_349, %dma_wait3A_350] : memref<128x128xf32, #tpu.memory_space<vmem>> -> memref<32x128xf32, #tpu.memory_space<vmem>>
        %dma_wait3A_352 = arith.constant 0 : i32
        %dma_wait3A_353 = arith.constant 0 : i32
        %dma_wait3A_354 = tpu.memref_slice %arg2[%dma_wait3A_352, %dma_wait3A_353] : memref<10112x128xf32, #tpu.memory_space<hbm>> -> memref<32x128xf32, #tpu.memory_space<hbm>>
        %dma_wait3A_355 = arith.constant 96 : i32
        %dma_wait3A_356 = arith.constant 0 : i32
        %dma_wait3A_357 = tpu.memref_slice %arg12[%dma_wait3A_355, %dma_wait3A_356] : memref<128x128xf32, #tpu.memory_space<vmem>> -> memref<32x128xf32, #tpu.memory_space<vmem>>
        %dma_wait3A_358 = arith.constant 0 : i32
        %dma_wait3A_359 = arith.constant 0 : i32
        %dma_wait3A_360 = tpu.memref_slice %arg2[%dma_wait3A_358, %dma_wait3A_359] : memref<10112x128xf32, #tpu.memory_space<hbm>> -> memref<32x128xf32, #tpu.memory_space<hbm>>
        tpu.wait_dma2 semaphore(%arg17 : memref<!tpu.dma_semaphore, #tpu.memory_space<semaphore_mem>>) src(%dma_wait3A_360 : memref<32x128xf32, #tpu.memory_space<hbm>>) dst(%dma_wait3A_357 : memref<32x128xf32, #tpu.memory_space<vmem>>)
        %add3A_361 = arith.constant 1 : i32
        %add3A_362 = arith.addi %mul3A_253, %add3A_361 : i32
        "tpu.region"() ({
          %run_scoped3A = tpu.sem_alloc : memref<!tpu.dma_semaphore, #tpu.memory_space<semaphore_mem>>
          %dma_start3A_372 = arith.constant 0 : i32
          %dma_start3A_373 = tpu.memref_slice %arg9[%add3A_362, %dma_start3A_372] : memref<8x128xi32, #tpu.memory_space<vmem>> -> memref<1x128xi32, #tpu.memory_space<vmem>>
          %dma_start3A_374 = tpu.memref_squeeze %dma_start3A_373 : memref<1x128xi32, #tpu.memory_space<vmem>> -> memref<128xi32, #tpu.memory_space<vmem>>
          %dma_start3A_375 = arith.constant 0 : i32
          %dma_start3A_376 = arith.constant 0 : i32
          %dma_start3A_377 = tpu.memref_slice %arg13[%dma_start3A_375, %dma_start3A_376] : memref<10112x128xf32, #tpu.memory_space<vmem_shared>> -> memref<10112x128xf32, #tpu.memory_space<vmem_shared>>
          tpu.enqueue_indirect_dma source(%arg12 : memref<128x128xf32, #tpu.memory_space<vmem>>) target(%dma_start3A_377 : memref<10112x128xf32, #tpu.memory_space<vmem_shared>>) offsets(%dma_start3A_374 : memref<128xi32, #tpu.memory_space<vmem>>) semaphore(%run_scoped3A : memref<!tpu.dma_semaphore, #tpu.memory_space<semaphore_mem>>) {add = true}
          %dma_wait3A_378 = arith.constant 0 : i32
          %dma_wait3A_379 = tpu.memref_slice %arg9[%add3A_362, %dma_wait3A_378] : memref<8x128xi32, #tpu.memory_space<vmem>> -> memref<1x128xi32, #tpu.memory_space<vmem>>
          %dma_wait3A_380 = tpu.memref_squeeze %dma_wait3A_379 : memref<1x128xi32, #tpu.memory_space<vmem>> -> memref<128xi32, #tpu.memory_space<vmem>>
          %dma_wait3A_381 = arith.constant 0 : i32
          %dma_wait3A_382 = arith.constant 0 : i32
          %dma_wait3A_383 = tpu.memref_slice %arg13[%dma_wait3A_381, %dma_wait3A_382] : memref<10112x128xf32, #tpu.memory_space<vmem_shared>> -> memref<10112x128xf32, #tpu.memory_space<vmem_shared>>
          tpu.wait_indirect_dma semaphore(%run_scoped3A : memref<!tpu.dma_semaphore, #tpu.memory_space<semaphore_mem>>) src(%arg12 : memref<128x128xf32, #tpu.memory_space<vmem>>) dst(%dma_wait3A_383 : memref<10112x128xf32, #tpu.memory_space<vmem_shared>>)
          tpu.yield
        }) : () -> ()
        %add3A_363 = arith.constant 2 : i32
        %add3A_364 = arith.addi %mul3A_253, %add3A_363 : i32
        %add3A_365 = arith.constant 1 : i32
        %add3A_366 = arith.addi %add3A_364, %add3A_365 : i32
        %lt3A_367 = arith.constant 8 : i32
        %lt3A_368 = arith.cmpi slt, %add3A_366, %lt3A_367 : i32
        %convert_element_type3A_369 = arith.extui %lt3A_368 : i1 to i32
        %cond3A_370 = arith.constant 0 : i32
        %cond3A_371 = arith.cmpi ne, %convert_element_type3A_369, %cond3A_370 : i32
        scf.if %cond3A_371 {
          %add3A_372 = arith.constant 2 : i32
          %add3A_373 = arith.addi %mul3A_253, %add3A_372 : i32
          %add3A_374 = arith.constant 1 : i32
          %add3A_375 = arith.addi %add3A_373, %add3A_374 : i32
          %dma_start3A_376 = arith.constant 0 : i32
          %dma_start3A_377 = arith.constant 0 : i32
          %dma_start3A_378 = tpu.memref_slice %arg12[%dma_start3A_376, %dma_start3A_377] : memref<128x128xf32, #tpu.memory_space<vmem>> -> memref<32x128xf32, #tpu.memory_space<vmem>>
          %dma_start3A_379 = arith.constant 0 : i32
          %dma_start3A_380 = tpu.memref_slice %arg7[%add3A_375, %dma_start3A_379] : memref<8x128xi32, #tpu.memory_space<vmem>> -> memref<1x32xi32, #tpu.memory_space<vmem>>
          %dma_start3A_381 = tpu.memref_squeeze %dma_start3A_380 : memref<1x32xi32, #tpu.memory_space<vmem>> -> memref<32xi32, #tpu.memory_space<vmem>>
          %dma_start3A_382 = arith.constant 0 : i32
          %dma_start3A_383 = arith.constant 0 : i32
          %dma_start3A_384 = tpu.memref_slice %arg2[%dma_start3A_382, %dma_start3A_383] : memref<10112x128xf32, #tpu.memory_space<hbm>> -> memref<10112x128xf32, #tpu.memory_space<hbm>>
          tpu.enqueue_indirect_dma source(%dma_start3A_384 : memref<10112x128xf32, #tpu.memory_space<hbm>>) target(%dma_start3A_378 : memref<32x128xf32, #tpu.memory_space<vmem>>) offsets(%dma_start3A_381 : memref<32xi32, #tpu.memory_space<vmem>>) semaphore(%arg17 : memref<!tpu.dma_semaphore, #tpu.memory_space<semaphore_mem>>)
          %dma_start3A_385 = arith.constant 32 : i32
          %dma_start3A_386 = arith.constant 0 : i32
          %dma_start3A_387 = tpu.memref_slice %arg12[%dma_start3A_385, %dma_start3A_386] : memref<128x128xf32, #tpu.memory_space<vmem>> -> memref<32x128xf32, #tpu.memory_space<vmem>>
          %dma_start3A_388 = arith.constant 32 : i32
          %dma_start3A_389 = tpu.memref_slice %arg7[%add3A_375, %dma_start3A_388] : memref<8x128xi32, #tpu.memory_space<vmem>> -> memref<1x32xi32, #tpu.memory_space<vmem>>
          %dma_start3A_390 = tpu.memref_squeeze %dma_start3A_389 : memref<1x32xi32, #tpu.memory_space<vmem>> -> memref<32xi32, #tpu.memory_space<vmem>>
          %dma_start3A_391 = arith.constant 0 : i32
          %dma_start3A_392 = arith.constant 0 : i32
          %dma_start3A_393 = tpu.memref_slice %arg2[%dma_start3A_391, %dma_start3A_392] : memref<10112x128xf32, #tpu.memory_space<hbm>> -> memref<10112x128xf32, #tpu.memory_space<hbm>>
          tpu.enqueue_indirect_dma source(%dma_start3A_393 : memref<10112x128xf32, #tpu.memory_space<hbm>>) target(%dma_start3A_387 : memref<32x128xf32, #tpu.memory_space<vmem>>) offsets(%dma_start3A_390 : memref<32xi32, #tpu.memory_space<vmem>>) semaphore(%arg17 : memref<!tpu.dma_semaphore, #tpu.memory_space<semaphore_mem>>)
          %dma_start3A_394 = arith.constant 64 : i32
          %dma_start3A_395 = arith.constant 0 : i32
          %dma_start3A_396 = tpu.memref_slice %arg12[%dma_start3A_394, %dma_start3A_395] : memref<128x128xf32, #tpu.memory_space<vmem>> -> memref<32x128xf32, #tpu.memory_space<vmem>>
          %dma_start3A_397 = arith.constant 64 : i32
          %dma_start3A_398 = tpu.memref_slice %arg7[%add3A_375, %dma_start3A_397] : memref<8x128xi32, #tpu.memory_space<vmem>> -> memref<1x32xi32, #tpu.memory_space<vmem>>
          %dma_start3A_399 = tpu.memref_squeeze %dma_start3A_398 : memref<1x32xi32, #tpu.memory_space<vmem>> -> memref<32xi32, #tpu.memory_space<vmem>>
          %dma_start3A_400 = arith.constant 0 : i32
          %dma_start3A_401 = arith.constant 0 : i32
          %dma_start3A_402 = tpu.memref_slice %arg2[%dma_start3A_400, %dma_start3A_401] : memref<10112x128xf32, #tpu.memory_space<hbm>> -> memref<10112x128xf32, #tpu.memory_space<hbm>>
          tpu.enqueue_indirect_dma source(%dma_start3A_402 : memref<10112x128xf32, #tpu.memory_space<hbm>>) target(%dma_start3A_396 : memref<32x128xf32, #tpu.memory_space<vmem>>) offsets(%dma_start3A_399 : memref<32xi32, #tpu.memory_space<vmem>>) semaphore(%arg17 : memref<!tpu.dma_semaphore, #tpu.memory_space<semaphore_mem>>)
          %dma_start3A_403 = arith.constant 96 : i32
          %dma_start3A_404 = arith.constant 0 : i32
          %dma_start3A_405 = tpu.memref_slice %arg12[%dma_start3A_403, %dma_start3A_404] : memref<128x128xf32, #tpu.memory_space<vmem>> -> memref<32x128xf32, #tpu.memory_space<vmem>>
          %dma_start3A_406 = arith.constant 96 : i32
          %dma_start3A_407 = tpu.memref_slice %arg7[%add3A_375, %dma_start3A_406] : memref<8x128xi32, #tpu.memory_space<vmem>> -> memref<1x32xi32, #tpu.memory_space<vmem>>
          %dma_start3A_408 = tpu.memref_squeeze %dma_start3A_407 : memref<1x32xi32, #tpu.memory_space<vmem>> -> memref<32xi32, #tpu.memory_space<vmem>>
          %dma_start3A_409 = arith.constant 0 : i32
          %dma_start3A_410 = arith.constant 0 : i32
          %dma_start3A_411 = tpu.memref_slice %arg2[%dma_start3A_409, %dma_start3A_410] : memref<10112x128xf32, #tpu.memory_space<hbm>> -> memref<10112x128xf32, #tpu.memory_space<hbm>>
          tpu.enqueue_indirect_dma source(%dma_start3A_411 : memref<10112x128xf32, #tpu.memory_space<hbm>>) target(%dma_start3A_405 : memref<32x128xf32, #tpu.memory_space<vmem>>) offsets(%dma_start3A_408 : memref<32xi32, #tpu.memory_space<vmem>>) semaphore(%arg17 : memref<!tpu.dma_semaphore, #tpu.memory_space<semaphore_mem>>)
        } else {
        }
      }
      %scan3A_134 = arith.constant 4 : i32
      %add3A_135 = arith.constant 2 : i32
      %add3A_136 = arith.addi %add3A_38, %add3A_135 : i32
      %lt3A = arith.constant 10 : i32
      %lt3A_137 = arith.cmpi slt, %add3A_136, %lt3A : i32
      %convert_element_type3A = arith.extui %lt3A_137 : i1 to i32
      %cond3A = arith.constant 0 : i32
      %cond3A_138 = arith.cmpi ne, %convert_element_type3A, %cond3A : i32
      scf.if %cond3A_138 {
        %add3A_247 = arith.constant 2 : i32
        %add3A_248 = arith.addi %add3A_38, %add3A_247 : i32
        %mul3A_249 = arith.constant 8 : i32
        %mul3A_250 = arith.muli %add3A_248, %mul3A_249 : i32
        %add3A_251 = arith.addi %mul3A_4, %mul3A_250 : i32
        %multiple_of3A_252 = tpu.assume_multiple %add3A_251, 8 : i32
        %dma_start3A_253 = arith.constant 0 : i32
        %dma_start3A_254 = tpu.memref_slice %arg3[%multiple_of3A_252, %dma_start3A_253] : memref<2560x128xi32, #tpu.memory_space<hbm>> -> memref<8x128xi32, #tpu.memory_space<hbm>>
        %dma_start3A_255 = arith.constant 0 : i32
        %dma_start3A_256 = tpu.memref_slice %arg3[%multiple_of3A_252, %dma_start3A_255] : memref<2560x128xi32, #tpu.memory_space<hbm>> -> memref<8x128xi32, #tpu.memory_space<hbm>>
        tpu.enqueue_dma source(%dma_start3A_256 : memref<8x128xi32, #tpu.memory_space<hbm>>) target(%arg7 : memref<8x128xi32, #tpu.memory_space<vmem>>) target_semaphore(%arg14 : memref<!tpu.dma_semaphore, #tpu.memory_space<semaphore_mem>>)
        %dma_start3A_257 = arith.constant 0 : i32
        %dma_start3A_258 = tpu.memref_slice %arg4[%multiple_of3A_252, %dma_start3A_257] : memref<2560x128xi32, #tpu.memory_space<hbm>> -> memref<8x128xi32, #tpu.memory_space<hbm>>
        %dma_start3A_259 = arith.constant 0 : i32
        %dma_start3A_260 = tpu.memref_slice %arg4[%multiple_of3A_252, %dma_start3A_259] : memref<2560x128xi32, #tpu.memory_space<hbm>> -> memref<8x128xi32, #tpu.memory_space<hbm>>
        tpu.enqueue_dma source(%dma_start3A_260 : memref<8x128xi32, #tpu.memory_space<hbm>>) target(%arg9 : memref<8x128xi32, #tpu.memory_space<vmem>>) target_semaphore(%arg14 : memref<!tpu.dma_semaphore, #tpu.memory_space<semaphore_mem>>)
      } else {
      }
      %mul3A_139 = arith.constant 2 : i32
      %mul3A_140 = arith.muli %mul3A_139, %add3A_34 : i32
      %add3A_141 = arith.constant 1 : i32
      %add3A_142 = arith.addi %mul3A_140, %add3A_141 : i32
      %dma_wait3A_143 = arith.constant 0 : i32
      %dma_wait3A_144 = arith.constant 0 : i32
      %dma_wait3A_145 = tpu.memref_slice %arg3[%dma_wait3A_143, %dma_wait3A_144] : memref<2560x128xi32, #tpu.memory_space<hbm>> -> memref<8x128xi32, #tpu.memory_space<hbm>>
      %dma_wait3A_146 = arith.constant 0 : i32
      %dma_wait3A_147 = arith.constant 0 : i32
      %dma_wait3A_148 = tpu.memref_slice %arg3[%dma_wait3A_146, %dma_wait3A_147] : memref<2560x128xi32, #tpu.memory_space<hbm>> -> memref<8x128xi32, #tpu.memory_space<hbm>>
      tpu.wait_dma2 semaphore(%arg15 : memref<!tpu.dma_semaphore, #tpu.memory_space<semaphore_mem>>) src(%dma_wait3A_148 : memref<8x128xi32, #tpu.memory_space<hbm>>) dst(%arg8 : memref<8x128xi32, #tpu.memory_space<vmem>>)
      %dma_wait3A_149 = arith.constant 0 : i32
      %dma_wait3A_150 = arith.constant 0 : i32
      %dma_wait3A_151 = tpu.memref_slice %arg4[%dma_wait3A_149, %dma_wait3A_150] : memref<2560x128xi32, #tpu.memory_space<hbm>> -> memref<8x128xi32, #tpu.memory_space<hbm>>
      %dma_wait3A_152 = arith.constant 0 : i32
      %dma_wait3A_153 = arith.constant 0 : i32
      %dma_wait3A_154 = tpu.memref_slice %arg4[%dma_wait3A_152, %dma_wait3A_153] : memref<2560x128xi32, #tpu.memory_space<hbm>> -> memref<8x128xi32, #tpu.memory_space<hbm>>
      tpu.wait_dma2 semaphore(%arg15 : memref<!tpu.dma_semaphore, #tpu.memory_space<semaphore_mem>>) src(%dma_wait3A_154 : memref<8x128xi32, #tpu.memory_space<hbm>>) dst(%arg10 : memref<8x128xi32, #tpu.memory_space<vmem>>)
      %dma_start3A_155 = arith.constant 0 : i32
      %dma_start3A_156 = arith.constant 0 : i32
      %dma_start3A_157 = arith.constant 0 : i32
      %dma_start3A_158 = tpu.memref_slice %arg11[%dma_start3A_156, %dma_start3A_157] : memref<128x128xf32, #tpu.memory_space<vmem>> -> memref<32x128xf32, #tpu.memory_space<vmem>>
      %dma_start3A_159 = arith.constant 0 : i32
      %dma_start3A_160 = tpu.memref_slice %arg8[%dma_start3A_155, %dma_start3A_159] : memref<8x128xi32, #tpu.memory_space<vmem>> -> memref<1x32xi32, #tpu.memory_space<vmem>>
      %dma_start3A_161 = tpu.memref_squeeze %dma_start3A_160 : memref<1x32xi32, #tpu.memory_space<vmem>> -> memref<32xi32, #tpu.memory_space<vmem>>
      %dma_start3A_162 = arith.constant 0 : i32
      %dma_start3A_163 = arith.constant 0 : i32
      %dma_start3A_164 = tpu.memref_slice %arg2[%dma_start3A_162, %dma_start3A_163] : memref<10112x128xf32, #tpu.memory_space<hbm>> -> memref<10112x128xf32, #tpu.memory_space<hbm>>
      tpu.enqueue_indirect_dma source(%dma_start3A_164 : memref<10112x128xf32, #tpu.memory_space<hbm>>) target(%dma_start3A_158 : memref<32x128xf32, #tpu.memory_space<vmem>>) offsets(%dma_start3A_161 : memref<32xi32, #tpu.memory_space<vmem>>) semaphore(%arg16 : memref<!tpu.dma_semaphore, #tpu.memory_space<semaphore_mem>>)
      %dma_start3A_165 = arith.constant 0 : i32
      %dma_start3A_166 = arith.constant 32 : i32
      %dma_start3A_167 = arith.constant 0 : i32
      %dma_start3A_168 = tpu.memref_slice %arg11[%dma_start3A_166, %dma_start3A_167] : memref<128x128xf32, #tpu.memory_space<vmem>> -> memref<32x128xf32, #tpu.memory_space<vmem>>
      %dma_start3A_169 = arith.constant 32 : i32
      %dma_start3A_170 = tpu.memref_slice %arg8[%dma_start3A_165, %dma_start3A_169] : memref<8x128xi32, #tpu.memory_space<vmem>> -> memref<1x32xi32, #tpu.memory_space<vmem>>
      %dma_start3A_171 = tpu.memref_squeeze %dma_start3A_170 : memref<1x32xi32, #tpu.memory_space<vmem>> -> memref<32xi32, #tpu.memory_space<vmem>>
      %dma_start3A_172 = arith.constant 0 : i32
      %dma_start3A_173 = arith.constant 0 : i32
      %dma_start3A_174 = tpu.memref_slice %arg2[%dma_start3A_172, %dma_start3A_173] : memref<10112x128xf32, #tpu.memory_space<hbm>> -> memref<10112x128xf32, #tpu.memory_space<hbm>>
      tpu.enqueue_indirect_dma source(%dma_start3A_174 : memref<10112x128xf32, #tpu.memory_space<hbm>>) target(%dma_start3A_168 : memref<32x128xf32, #tpu.memory_space<vmem>>) offsets(%dma_start3A_171 : memref<32xi32, #tpu.memory_space<vmem>>) semaphore(%arg16 : memref<!tpu.dma_semaphore, #tpu.memory_space<semaphore_mem>>)
      %dma_start3A_175 = arith.constant 0 : i32
      %dma_start3A_176 = arith.constant 64 : i32
      %dma_start3A_177 = arith.constant 0 : i32
      %dma_start3A_178 = tpu.memref_slice %arg11[%dma_start3A_176, %dma_start3A_177] : memref<128x128xf32, #tpu.memory_space<vmem>> -> memref<32x128xf32, #tpu.memory_space<vmem>>
      %dma_start3A_179 = arith.constant 64 : i32
      %dma_start3A_180 = tpu.memref_slice %arg8[%dma_start3A_175, %dma_start3A_179] : memref<8x128xi32, #tpu.memory_space<vmem>> -> memref<1x32xi32, #tpu.memory_space<vmem>>
      %dma_start3A_181 = tpu.memref_squeeze %dma_start3A_180 : memref<1x32xi32, #tpu.memory_space<vmem>> -> memref<32xi32, #tpu.memory_space<vmem>>
      %dma_start3A_182 = arith.constant 0 : i32
      %dma_start3A_183 = arith.constant 0 : i32
      %dma_start3A_184 = tpu.memref_slice %arg2[%dma_start3A_182, %dma_start3A_183] : memref<10112x128xf32, #tpu.memory_space<hbm>> -> memref<10112x128xf32, #tpu.memory_space<hbm>>
      tpu.enqueue_indirect_dma source(%dma_start3A_184 : memref<10112x128xf32, #tpu.memory_space<hbm>>) target(%dma_start3A_178 : memref<32x128xf32, #tpu.memory_space<vmem>>) offsets(%dma_start3A_181 : memref<32xi32, #tpu.memory_space<vmem>>) semaphore(%arg16 : memref<!tpu.dma_semaphore, #tpu.memory_space<semaphore_mem>>)
      %dma_start3A_185 = arith.constant 0 : i32
      %dma_start3A_186 = arith.constant 96 : i32
      %dma_start3A_187 = arith.constant 0 : i32
      %dma_start3A_188 = tpu.memref_slice %arg11[%dma_start3A_186, %dma_start3A_187] : memref<128x128xf32, #tpu.memory_space<vmem>> -> memref<32x128xf32, #tpu.memory_space<vmem>>
      %dma_start3A_189 = arith.constant 96 : i32
      %dma_start3A_190 = tpu.memref_slice %arg8[%dma_start3A_185, %dma_start3A_189] : memref<8x128xi32, #tpu.memory_space<vmem>> -> memref<1x32xi32, #tpu.memory_space<vmem>>
      %dma_start3A_191 = tpu.memref_squeeze %dma_start3A_190 : memref<1x32xi32, #tpu.memory_space<vmem>> -> memref<32xi32, #tpu.memory_space<vmem>>
      %dma_start3A_192 = arith.constant 0 : i32
      %dma_start3A_193 = arith.constant 0 : i32
      %dma_start3A_194 = tpu.memref_slice %arg2[%dma_start3A_192, %dma_start3A_193] : memref<10112x128xf32, #tpu.memory_space<hbm>> -> memref<10112x128xf32, #tpu.memory_space<hbm>>
      tpu.enqueue_indirect_dma source(%dma_start3A_194 : memref<10112x128xf32, #tpu.memory_space<hbm>>) target(%dma_start3A_188 : memref<32x128xf32, #tpu.memory_space<vmem>>) offsets(%dma_start3A_191 : memref<32xi32, #tpu.memory_space<vmem>>) semaphore(%arg16 : memref<!tpu.dma_semaphore, #tpu.memory_space<semaphore_mem>>)
      %dma_start3A_195 = arith.constant 1 : i32
      %dma_start3A_196 = arith.constant 0 : i32
      %dma_start3A_197 = arith.constant 0 : i32
      %dma_start3A_198 = tpu.memref_slice %arg12[%dma_start3A_196, %dma_start3A_197] : memref<128x128xf32, #tpu.memory_space<vmem>> -> memref<32x128xf32, #tpu.memory_space<vmem>>
      %dma_start3A_199 = arith.constant 0 : i32
      %dma_start3A_200 = tpu.memref_slice %arg8[%dma_start3A_195, %dma_start3A_199] : memref<8x128xi32, #tpu.memory_space<vmem>> -> memref<1x32xi32, #tpu.memory_space<vmem>>
      %dma_start3A_201 = tpu.memref_squeeze %dma_start3A_200 : memref<1x32xi32, #tpu.memory_space<vmem>> -> memref<32xi32, #tpu.memory_space<vmem>>
      %dma_start3A_202 = arith.constant 0 : i32
      %dma_start3A_203 = arith.constant 0 : i32
      %dma_start3A_204 = tpu.memref_slice %arg2[%dma_start3A_202, %dma_start3A_203] : memref<10112x128xf32, #tpu.memory_space<hbm>> -> memref<10112x128xf32, #tpu.memory_space<hbm>>
      tpu.enqueue_indirect_dma source(%dma_start3A_204 : memref<10112x128xf32, #tpu.memory_space<hbm>>) target(%dma_start3A_198 : memref<32x128xf32, #tpu.memory_space<vmem>>) offsets(%dma_start3A_201 : memref<32xi32, #tpu.memory_space<vmem>>) semaphore(%arg17 : memref<!tpu.dma_semaphore, #tpu.memory_space<semaphore_mem>>)
      %dma_start3A_205 = arith.constant 1 : i32
      %dma_start3A_206 = arith.constant 32 : i32
      %dma_start3A_207 = arith.constant 0 : i32
      %dma_start3A_208 = tpu.memref_slice %arg12[%dma_start3A_206, %dma_start3A_207] : memref<128x128xf32, #tpu.memory_space<vmem>> -> memref<32x128xf32, #tpu.memory_space<vmem>>
      %dma_start3A_209 = arith.constant 32 : i32
      %dma_start3A_210 = tpu.memref_slice %arg8[%dma_start3A_205, %dma_start3A_209] : memref<8x128xi32, #tpu.memory_space<vmem>> -> memref<1x32xi32, #tpu.memory_space<vmem>>
      %dma_start3A_211 = tpu.memref_squeeze %dma_start3A_210 : memref<1x32xi32, #tpu.memory_space<vmem>> -> memref<32xi32, #tpu.memory_space<vmem>>
      %dma_start3A_212 = arith.constant 0 : i32
      %dma_start3A_213 = arith.constant 0 : i32
      %dma_start3A_214 = tpu.memref_slice %arg2[%dma_start3A_212, %dma_start3A_213] : memref<10112x128xf32, #tpu.memory_space<hbm>> -> memref<10112x128xf32, #tpu.memory_space<hbm>>
      tpu.enqueue_indirect_dma source(%dma_start3A_214 : memref<10112x128xf32, #tpu.memory_space<hbm>>) target(%dma_start3A_208 : memref<32x128xf32, #tpu.memory_space<vmem>>) offsets(%dma_start3A_211 : memref<32xi32, #tpu.memory_space<vmem>>) semaphore(%arg17 : memref<!tpu.dma_semaphore, #tpu.memory_space<semaphore_mem>>)
      %dma_start3A_215 = arith.constant 1 : i32
      %dma_start3A_216 = arith.constant 64 : i32
      %dma_start3A_217 = arith.constant 0 : i32
      %dma_start3A_218 = tpu.memref_slice %arg12[%dma_start3A_216, %dma_start3A_217] : memref<128x128xf32, #tpu.memory_space<vmem>> -> memref<32x128xf32, #tpu.memory_space<vmem>>
      %dma_start3A_219 = arith.constant 64 : i32
      %dma_start3A_220 = tpu.memref_slice %arg8[%dma_start3A_215, %dma_start3A_219] : memref<8x128xi32, #tpu.memory_space<vmem>> -> memref<1x32xi32, #tpu.memory_space<vmem>>
      %dma_start3A_221 = tpu.memref_squeeze %dma_start3A_220 : memref<1x32xi32, #tpu.memory_space<vmem>> -> memref<32xi32, #tpu.memory_space<vmem>>
      %dma_start3A_222 = arith.constant 0 : i32
      %dma_start3A_223 = arith.constant 0 : i32
      %dma_start3A_224 = tpu.memref_slice %arg2[%dma_start3A_222, %dma_start3A_223] : memref<10112x128xf32, #tpu.memory_space<hbm>> -> memref<10112x128xf32, #tpu.memory_space<hbm>>
      tpu.enqueue_indirect_dma source(%dma_start3A_224 : memref<10112x128xf32, #tpu.memory_space<hbm>>) target(%dma_start3A_218 : memref<32x128xf32, #tpu.memory_space<vmem>>) offsets(%dma_start3A_221 : memref<32xi32, #tpu.memory_space<vmem>>) semaphore(%arg17 : memref<!tpu.dma_semaphore, #tpu.memory_space<semaphore_mem>>)
      %dma_start3A_225 = arith.constant 1 : i32
      %dma_start3A_226 = arith.constant 96 : i32
      %dma_start3A_227 = arith.constant 0 : i32
      %dma_start3A_228 = tpu.memref_slice %arg12[%dma_start3A_226, %dma_start3A_227] : memref<128x128xf32, #tpu.memory_space<vmem>> -> memref<32x128xf32, #tpu.memory_space<vmem>>
      %dma_start3A_229 = arith.constant 96 : i32
      %dma_start3A_230 = tpu.memref_slice %arg8[%dma_start3A_225, %dma_start3A_229] : memref<8x128xi32, #tpu.memory_space<vmem>> -> memref<1x32xi32, #tpu.memory_space<vmem>>
      %dma_start3A_231 = tpu.memref_squeeze %dma_start3A_230 : memref<1x32xi32, #tpu.memory_space<vmem>> -> memref<32xi32, #tpu.memory_space<vmem>>
      %dma_start3A_232 = arith.constant 0 : i32
      %dma_start3A_233 = arith.constant 0 : i32
      %dma_start3A_234 = tpu.memref_slice %arg2[%dma_start3A_232, %dma_start3A_233] : memref<10112x128xf32, #tpu.memory_space<hbm>> -> memref<10112x128xf32, #tpu.memory_space<hbm>>
      tpu.enqueue_indirect_dma source(%dma_start3A_234 : memref<10112x128xf32, #tpu.memory_space<hbm>>) target(%dma_start3A_228 : memref<32x128xf32, #tpu.memory_space<vmem>>) offsets(%dma_start3A_231 : memref<32xi32, #tpu.memory_space<vmem>>) semaphore(%arg17 : memref<!tpu.dma_semaphore, #tpu.memory_space<semaphore_mem>>)
      %scan3A_235 = arith.constant 0 : i32
      %scan3A_236 = arith.constant 4 : i32
      %scan3A_237 = arith.addi %scan3A_235, %scan3A_236 : i32
      %scan3A_238 = arith.constant 1 : i32
      scf.for %scan3A_247 = %scan3A_235 to %scan3A_237 step %scan3A_238  : i32 {
        %mul3A_248 = arith.constant 1 : i32
        %mul3A_249 = arith.muli %scan3A_247, %mul3A_248 : i32
        %add3A_250 = arith.constant 0 : i32
        %add3A_251 = arith.addi %add3A_250, %mul3A_249 : i32
        %mul3A_252 = arith.constant 2 : i32
        %mul3A_253 = arith.muli %mul3A_252, %add3A_251 : i32
        %dma_wait3A_254 = arith.constant 0 : i32
        %dma_wait3A_255 = arith.constant 0 : i32
        %dma_wait3A_256 = tpu.memref_slice %arg11[%dma_wait3A_254, %dma_wait3A_255] : memref<128x128xf32, #tpu.memory_space<vmem>> -> memref<32x128xf32, #tpu.memory_space<vmem>>
        %dma_wait3A_257 = arith.constant 0 : i32
        %dma_wait3A_258 = arith.constant 0 : i32
        %dma_wait3A_259 = tpu.memref_slice %arg2[%dma_wait3A_257, %dma_wait3A_258] : memref<10112x128xf32, #tpu.memory_space<hbm>> -> memref<32x128xf32, #tpu.memory_space<hbm>>
        %dma_wait3A_260 = arith.constant 0 : i32
        %dma_wait3A_261 = arith.constant 0 : i32
        %dma_wait3A_262 = tpu.memref_slice %arg11[%dma_wait3A_260, %dma_wait3A_261] : memref<128x128xf32, #tpu.memory_space<vmem>> -> memref<32x128xf32, #tpu.memory_space<vmem>>
        %dma_wait3A_263 = arith.constant 0 : i32
        %dma_wait3A_264 = arith.constant 0 : i32
        %dma_wait3A_265 = tpu.memref_slice %arg2[%dma_wait3A_263, %dma_wait3A_264] : memref<10112x128xf32, #tpu.memory_space<hbm>> -> memref<32x128xf32, #tpu.memory_space<hbm>>
        tpu.wait_dma2 semaphore(%arg16 : memref<!tpu.dma_semaphore, #tpu.memory_space<semaphore_mem>>) src(%dma_wait3A_265 : memref<32x128xf32, #tpu.memory_space<hbm>>) dst(%dma_wait3A_262 : memref<32x128xf32, #tpu.memory_space<vmem>>)
        %dma_wait3A_266 = arith.constant 32 : i32
        %dma_wait3A_267 = arith.constant 0 : i32
        %dma_wait3A_268 = tpu.memref_slice %arg11[%dma_wait3A_266, %dma_wait3A_267] : memref<128x128xf32, #tpu.memory_space<vmem>> -> memref<32x128xf32, #tpu.memory_space<vmem>>
        %dma_wait3A_269 = arith.constant 0 : i32
        %dma_wait3A_270 = arith.constant 0 : i32
        %dma_wait3A_271 = tpu.memref_slice %arg2[%dma_wait3A_269, %dma_wait3A_270] : memref<10112x128xf32, #tpu.memory_space<hbm>> -> memref<32x128xf32, #tpu.memory_space<hbm>>
        %dma_wait3A_272 = arith.constant 32 : i32
        %dma_wait3A_273 = arith.constant 0 : i32
        %dma_wait3A_274 = tpu.memref_slice %arg11[%dma_wait3A_272, %dma_wait3A_273] : memref<128x128xf32, #tpu.memory_space<vmem>> -> memref<32x128xf32, #tpu.memory_space<vmem>>
        %dma_wait3A_275 = arith.constant 0 : i32
        %dma_wait3A_276 = arith.constant 0 : i32
        %dma_wait3A_277 = tpu.memref_slice %arg2[%dma_wait3A_275, %dma_wait3A_276] : memref<10112x128xf32, #tpu.memory_space<hbm>> -> memref<32x128xf32, #tpu.memory_space<hbm>>
        tpu.wait_dma2 semaphore(%arg16 : memref<!tpu.dma_semaphore, #tpu.memory_space<semaphore_mem>>) src(%dma_wait3A_277 : memref<32x128xf32, #tpu.memory_space<hbm>>) dst(%dma_wait3A_274 : memref<32x128xf32, #tpu.memory_space<vmem>>)
        %dma_wait3A_278 = arith.constant 64 : i32
        %dma_wait3A_279 = arith.constant 0 : i32
        %dma_wait3A_280 = tpu.memref_slice %arg11[%dma_wait3A_278, %dma_wait3A_279] : memref<128x128xf32, #tpu.memory_space<vmem>> -> memref<32x128xf32, #tpu.memory_space<vmem>>
        %dma_wait3A_281 = arith.constant 0 : i32
        %dma_wait3A_282 = arith.constant 0 : i32
        %dma_wait3A_283 = tpu.memref_slice %arg2[%dma_wait3A_281, %dma_wait3A_282] : memref<10112x128xf32, #tpu.memory_space<hbm>> -> memref<32x128xf32, #tpu.memory_space<hbm>>
        %dma_wait3A_284 = arith.constant 64 : i32
        %dma_wait3A_285 = arith.constant 0 : i32
        %dma_wait3A_286 = tpu.memref_slice %arg11[%dma_wait3A_284, %dma_wait3A_285] : memref<128x128xf32, #tpu.memory_space<vmem>> -> memref<32x128xf32, #tpu.memory_space<vmem>>
        %dma_wait3A_287 = arith.constant 0 : i32
        %dma_wait3A_288 = arith.constant 0 : i32
        %dma_wait3A_289 = tpu.memref_slice %arg2[%dma_wait3A_287, %dma_wait3A_288] : memref<10112x128xf32, #tpu.memory_space<hbm>> -> memref<32x128xf32, #tpu.memory_space<hbm>>
        tpu.wait_dma2 semaphore(%arg16 : memref<!tpu.dma_semaphore, #tpu.memory_space<semaphore_mem>>) src(%dma_wait3A_289 : memref<32x128xf32, #tpu.memory_space<hbm>>) dst(%dma_wait3A_286 : memref<32x128xf32, #tpu.memory_space<vmem>>)
        %dma_wait3A_290 = arith.constant 96 : i32
        %dma_wait3A_291 = arith.constant 0 : i32
        %dma_wait3A_292 = tpu.memref_slice %arg11[%dma_wait3A_290, %dma_wait3A_291] : memref<128x128xf32, #tpu.memory_space<vmem>> -> memref<32x128xf32, #tpu.memory_space<vmem>>
        %dma_wait3A_293 = arith.constant 0 : i32
        %dma_wait3A_294 = arith.constant 0 : i32
        %dma_wait3A_295 = tpu.memref_slice %arg2[%dma_wait3A_293, %dma_wait3A_294] : memref<10112x128xf32, #tpu.memory_space<hbm>> -> memref<32x128xf32, #tpu.memory_space<hbm>>
        %dma_wait3A_296 = arith.constant 96 : i32
        %dma_wait3A_297 = arith.constant 0 : i32
        %dma_wait3A_298 = tpu.memref_slice %arg11[%dma_wait3A_296, %dma_wait3A_297] : memref<128x128xf32, #tpu.memory_space<vmem>> -> memref<32x128xf32, #tpu.memory_space<vmem>>
        %dma_wait3A_299 = arith.constant 0 : i32
        %dma_wait3A_300 = arith.constant 0 : i32
        %dma_wait3A_301 = tpu.memref_slice %arg2[%dma_wait3A_299, %dma_wait3A_300] : memref<10112x128xf32, #tpu.memory_space<hbm>> -> memref<32x128xf32, #tpu.memory_space<hbm>>
        tpu.wait_dma2 semaphore(%arg16 : memref<!tpu.dma_semaphore, #tpu.memory_space<semaphore_mem>>) src(%dma_wait3A_301 : memref<32x128xf32, #tpu.memory_space<hbm>>) dst(%dma_wait3A_298 : memref<32x128xf32, #tpu.memory_space<vmem>>)
        %add3A_302 = arith.constant 0 : i32
        %add3A_303 = arith.addi %mul3A_253, %add3A_302 : i32
        "tpu.region"() ({
          %run_scoped3A = tpu.sem_alloc : memref<!tpu.dma_semaphore, #tpu.memory_space<semaphore_mem>>
          %dma_start3A_372 = arith.constant 0 : i32
          %dma_start3A_373 = tpu.memref_slice %arg10[%add3A_303, %dma_start3A_372] : memref<8x128xi32, #tpu.memory_space<vmem>> -> memref<1x128xi32, #tpu.memory_space<vmem>>
          %dma_start3A_374 = tpu.memref_squeeze %dma_start3A_373 : memref<1x128xi32, #tpu.memory_space<vmem>> -> memref<128xi32, #tpu.memory_space<vmem>>
          %dma_start3A_375 = arith.constant 0 : i32
          %dma_start3A_376 = arith.constant 0 : i32
          %dma_start3A_377 = tpu.memref_slice %arg13[%dma_start3A_375, %dma_start3A_376] : memref<10112x128xf32, #tpu.memory_space<vmem_shared>> -> memref<10112x128xf32, #tpu.memory_space<vmem_shared>>
          tpu.enqueue_indirect_dma source(%arg11 : memref<128x128xf32, #tpu.memory_space<vmem>>) target(%dma_start3A_377 : memref<10112x128xf32, #tpu.memory_space<vmem_shared>>) offsets(%dma_start3A_374 : memref<128xi32, #tpu.memory_space<vmem>>) semaphore(%run_scoped3A : memref<!tpu.dma_semaphore, #tpu.memory_space<semaphore_mem>>) {add = true}
          %dma_wait3A_378 = arith.constant 0 : i32
          %dma_wait3A_379 = tpu.memref_slice %arg10[%add3A_303, %dma_wait3A_378] : memref<8x128xi32, #tpu.memory_space<vmem>> -> memref<1x128xi32, #tpu.memory_space<vmem>>
          %dma_wait3A_380 = tpu.memref_squeeze %dma_wait3A_379 : memref<1x128xi32, #tpu.memory_space<vmem>> -> memref<128xi32, #tpu.memory_space<vmem>>
          %dma_wait3A_381 = arith.constant 0 : i32
          %dma_wait3A_382 = arith.constant 0 : i32
          %dma_wait3A_383 = tpu.memref_slice %arg13[%dma_wait3A_381, %dma_wait3A_382] : memref<10112x128xf32, #tpu.memory_space<vmem_shared>> -> memref<10112x128xf32, #tpu.memory_space<vmem_shared>>
          tpu.wait_indirect_dma semaphore(%run_scoped3A : memref<!tpu.dma_semaphore, #tpu.memory_space<semaphore_mem>>) src(%arg11 : memref<128x128xf32, #tpu.memory_space<vmem>>) dst(%dma_wait3A_383 : memref<10112x128xf32, #tpu.memory_space<vmem_shared>>)
          tpu.yield
        }) : () -> ()
        %add3A_304 = arith.constant 2 : i32
        %add3A_305 = arith.addi %mul3A_253, %add3A_304 : i32
        %add3A_306 = arith.constant 0 : i32
        %add3A_307 = arith.addi %add3A_305, %add3A_306 : i32
        %lt3A_308 = arith.constant 8 : i32
        %lt3A_309 = arith.cmpi slt, %add3A_307, %lt3A_308 : i32
        %convert_element_type3A_310 = arith.extui %lt3A_309 : i1 to i32
        %cond3A_311 = arith.constant 0 : i32
        %cond3A_312 = arith.cmpi ne, %convert_element_type3A_310, %cond3A_311 : i32
        scf.if %cond3A_312 {
          %add3A_372 = arith.constant 2 : i32
          %add3A_373 = arith.addi %mul3A_253, %add3A_372 : i32
          %add3A_374 = arith.constant 0 : i32
          %add3A_375 = arith.addi %add3A_373, %add3A_374 : i32
          %dma_start3A_376 = arith.constant 0 : i32
          %dma_start3A_377 = arith.constant 0 : i32
          %dma_start3A_378 = tpu.memref_slice %arg11[%dma_start3A_376, %dma_start3A_377] : memref<128x128xf32, #tpu.memory_space<vmem>> -> memref<32x128xf32, #tpu.memory_space<vmem>>
          %dma_start3A_379 = arith.constant 0 : i32
          %dma_start3A_380 = tpu.memref_slice %arg8[%add3A_375, %dma_start3A_379] : memref<8x128xi32, #tpu.memory_space<vmem>> -> memref<1x32xi32, #tpu.memory_space<vmem>>
          %dma_start3A_381 = tpu.memref_squeeze %dma_start3A_380 : memref<1x32xi32, #tpu.memory_space<vmem>> -> memref<32xi32, #tpu.memory_space<vmem>>
          %dma_start3A_382 = arith.constant 0 : i32
          %dma_start3A_383 = arith.constant 0 : i32
          %dma_start3A_384 = tpu.memref_slice %arg2[%dma_start3A_382, %dma_start3A_383] : memref<10112x128xf32, #tpu.memory_space<hbm>> -> memref<10112x128xf32, #tpu.memory_space<hbm>>
          tpu.enqueue_indirect_dma source(%dma_start3A_384 : memref<10112x128xf32, #tpu.memory_space<hbm>>) target(%dma_start3A_378 : memref<32x128xf32, #tpu.memory_space<vmem>>) offsets(%dma_start3A_381 : memref<32xi32, #tpu.memory_space<vmem>>) semaphore(%arg16 : memref<!tpu.dma_semaphore, #tpu.memory_space<semaphore_mem>>)
          %dma_start3A_385 = arith.constant 32 : i32
          %dma_start3A_386 = arith.constant 0 : i32
          %dma_start3A_387 = tpu.memref_slice %arg11[%dma_start3A_385, %dma_start3A_386] : memref<128x128xf32, #tpu.memory_space<vmem>> -> memref<32x128xf32, #tpu.memory_space<vmem>>
          %dma_start3A_388 = arith.constant 32 : i32
          %dma_start3A_389 = tpu.memref_slice %arg8[%add3A_375, %dma_start3A_388] : memref<8x128xi32, #tpu.memory_space<vmem>> -> memref<1x32xi32, #tpu.memory_space<vmem>>
          %dma_start3A_390 = tpu.memref_squeeze %dma_start3A_389 : memref<1x32xi32, #tpu.memory_space<vmem>> -> memref<32xi32, #tpu.memory_space<vmem>>
          %dma_start3A_391 = arith.constant 0 : i32
          %dma_start3A_392 = arith.constant 0 : i32
          %dma_start3A_393 = tpu.memref_slice %arg2[%dma_start3A_391, %dma_start3A_392] : memref<10112x128xf32, #tpu.memory_space<hbm>> -> memref<10112x128xf32, #tpu.memory_space<hbm>>
          tpu.enqueue_indirect_dma source(%dma_start3A_393 : memref<10112x128xf32, #tpu.memory_space<hbm>>) target(%dma_start3A_387 : memref<32x128xf32, #tpu.memory_space<vmem>>) offsets(%dma_start3A_390 : memref<32xi32, #tpu.memory_space<vmem>>) semaphore(%arg16 : memref<!tpu.dma_semaphore, #tpu.memory_space<semaphore_mem>>)
          %dma_start3A_394 = arith.constant 64 : i32
          %dma_start3A_395 = arith.constant 0 : i32
          %dma_start3A_396 = tpu.memref_slice %arg11[%dma_start3A_394, %dma_start3A_395] : memref<128x128xf32, #tpu.memory_space<vmem>> -> memref<32x128xf32, #tpu.memory_space<vmem>>
          %dma_start3A_397 = arith.constant 64 : i32
          %dma_start3A_398 = tpu.memref_slice %arg8[%add3A_375, %dma_start3A_397] : memref<8x128xi32, #tpu.memory_space<vmem>> -> memref<1x32xi32, #tpu.memory_space<vmem>>
          %dma_start3A_399 = tpu.memref_squeeze %dma_start3A_398 : memref<1x32xi32, #tpu.memory_space<vmem>> -> memref<32xi32, #tpu.memory_space<vmem>>
          %dma_start3A_400 = arith.constant 0 : i32
          %dma_start3A_401 = arith.constant 0 : i32
          %dma_start3A_402 = tpu.memref_slice %arg2[%dma_start3A_400, %dma_start3A_401] : memref<10112x128xf32, #tpu.memory_space<hbm>> -> memref<10112x128xf32, #tpu.memory_space<hbm>>
          tpu.enqueue_indirect_dma source(%dma_start3A_402 : memref<10112x128xf32, #tpu.memory_space<hbm>>) target(%dma_start3A_396 : memref<32x128xf32, #tpu.memory_space<vmem>>) offsets(%dma_start3A_399 : memref<32xi32, #tpu.memory_space<vmem>>) semaphore(%arg16 : memref<!tpu.dma_semaphore, #tpu.memory_space<semaphore_mem>>)
          %dma_start3A_403 = arith.constant 96 : i32
          %dma_start3A_404 = arith.constant 0 : i32
          %dma_start3A_405 = tpu.memref_slice %arg11[%dma_start3A_403, %dma_start3A_404] : memref<128x128xf32, #tpu.memory_space<vmem>> -> memref<32x128xf32, #tpu.memory_space<vmem>>
          %dma_start3A_406 = arith.constant 96 : i32
          %dma_start3A_407 = tpu.memref_slice %arg8[%add3A_375, %dma_start3A_406] : memref<8x128xi32, #tpu.memory_space<vmem>> -> memref<1x32xi32, #tpu.memory_space<vmem>>
          %dma_start3A_408 = tpu.memref_squeeze %dma_start3A_407 : memref<1x32xi32, #tpu.memory_space<vmem>> -> memref<32xi32, #tpu.memory_space<vmem>>
          %dma_start3A_409 = arith.constant 0 : i32
          %dma_start3A_410 = arith.constant 0 : i32
          %dma_start3A_411 = tpu.memref_slice %arg2[%dma_start3A_409, %dma_start3A_410] : memref<10112x128xf32, #tpu.memory_space<hbm>> -> memref<10112x128xf32, #tpu.memory_space<hbm>>
          tpu.enqueue_indirect_dma source(%dma_start3A_411 : memref<10112x128xf32, #tpu.memory_space<hbm>>) target(%dma_start3A_405 : memref<32x128xf32, #tpu.memory_space<vmem>>) offsets(%dma_start3A_408 : memref<32xi32, #tpu.memory_space<vmem>>) semaphore(%arg16 : memref<!tpu.dma_semaphore, #tpu.memory_space<semaphore_mem>>)
        } else {
        }
        %dma_wait3A_313 = arith.constant 0 : i32
        %dma_wait3A_314 = arith.constant 0 : i32
        %dma_wait3A_315 = tpu.memref_slice %arg12[%dma_wait3A_313, %dma_wait3A_314] : memref<128x128xf32, #tpu.memory_space<vmem>> -> memref<32x128xf32, #tpu.memory_space<vmem>>
        %dma_wait3A_316 = arith.constant 0 : i32
        %dma_wait3A_317 = arith.constant 0 : i32
        %dma_wait3A_318 = tpu.memref_slice %arg2[%dma_wait3A_316, %dma_wait3A_317] : memref<10112x128xf32, #tpu.memory_space<hbm>> -> memref<32x128xf32, #tpu.memory_space<hbm>>
        %dma_wait3A_319 = arith.constant 0 : i32
        %dma_wait3A_320 = arith.constant 0 : i32
        %dma_wait3A_321 = tpu.memref_slice %arg12[%dma_wait3A_319, %dma_wait3A_320] : memref<128x128xf32, #tpu.memory_space<vmem>> -> memref<32x128xf32, #tpu.memory_space<vmem>>
        %dma_wait3A_322 = arith.constant 0 : i32
        %dma_wait3A_323 = arith.constant 0 : i32
        %dma_wait3A_324 = tpu.memref_slice %arg2[%dma_wait3A_322, %dma_wait3A_323] : memref<10112x128xf32, #tpu.memory_space<hbm>> -> memref<32x128xf32, #tpu.memory_space<hbm>>
        tpu.wait_dma2 semaphore(%arg17 : memref<!tpu.dma_semaphore, #tpu.memory_space<semaphore_mem>>) src(%dma_wait3A_324 : memref<32x128xf32, #tpu.memory_space<hbm>>) dst(%dma_wait3A_321 : memref<32x128xf32, #tpu.memory_space<vmem>>)
        %dma_wait3A_325 = arith.constant 32 : i32
        %dma_wait3A_326 = arith.constant 0 : i32
        %dma_wait3A_327 = tpu.memref_slice %arg12[%dma_wait3A_325, %dma_wait3A_326] : memref<128x128xf32, #tpu.memory_space<vmem>> -> memref<32x128xf32, #tpu.memory_space<vmem>>
        %dma_wait3A_328 = arith.constant 0 : i32
        %dma_wait3A_329 = arith.constant 0 : i32
        %dma_wait3A_330 = tpu.memref_slice %arg2[%dma_wait3A_328, %dma_wait3A_329] : memref<10112x128xf32, #tpu.memory_space<hbm>> -> memref<32x128xf32, #tpu.memory_space<hbm>>
        %dma_wait3A_331 = arith.constant 32 : i32
        %dma_wait3A_332 = arith.constant 0 : i32
        %dma_wait3A_333 = tpu.memref_slice %arg12[%dma_wait3A_331, %dma_wait3A_332] : memref<128x128xf32, #tpu.memory_space<vmem>> -> memref<32x128xf32, #tpu.memory_space<vmem>>
        %dma_wait3A_334 = arith.constant 0 : i32
        %dma_wait3A_335 = arith.constant 0 : i32
        %dma_wait3A_336 = tpu.memref_slice %arg2[%dma_wait3A_334, %dma_wait3A_335] : memref<10112x128xf32, #tpu.memory_space<hbm>> -> memref<32x128xf32, #tpu.memory_space<hbm>>
        tpu.wait_dma2 semaphore(%arg17 : memref<!tpu.dma_semaphore, #tpu.memory_space<semaphore_mem>>) src(%dma_wait3A_336 : memref<32x128xf32, #tpu.memory_space<hbm>>) dst(%dma_wait3A_333 : memref<32x128xf32, #tpu.memory_space<vmem>>)
        %dma_wait3A_337 = arith.constant 64 : i32
        %dma_wait3A_338 = arith.constant 0 : i32
        %dma_wait3A_339 = tpu.memref_slice %arg12[%dma_wait3A_337, %dma_wait3A_338] : memref<128x128xf32, #tpu.memory_space<vmem>> -> memref<32x128xf32, #tpu.memory_space<vmem>>
        %dma_wait3A_340 = arith.constant 0 : i32
        %dma_wait3A_341 = arith.constant 0 : i32
        %dma_wait3A_342 = tpu.memref_slice %arg2[%dma_wait3A_340, %dma_wait3A_341] : memref<10112x128xf32, #tpu.memory_space<hbm>> -> memref<32x128xf32, #tpu.memory_space<hbm>>
        %dma_wait3A_343 = arith.constant 64 : i32
        %dma_wait3A_344 = arith.constant 0 : i32
        %dma_wait3A_345 = tpu.memref_slice %arg12[%dma_wait3A_343, %dma_wait3A_344] : memref<128x128xf32, #tpu.memory_space<vmem>> -> memref<32x128xf32, #tpu.memory_space<vmem>>
        %dma_wait3A_346 = arith.constant 0 : i32
        %dma_wait3A_347 = arith.constant 0 : i32
        %dma_wait3A_348 = tpu.memref_slice %arg2[%dma_wait3A_346, %dma_wait3A_347] : memref<10112x128xf32, #tpu.memory_space<hbm>> -> memref<32x128xf32, #tpu.memory_space<hbm>>
        tpu.wait_dma2 semaphore(%arg17 : memref<!tpu.dma_semaphore, #tpu.memory_space<semaphore_mem>>) src(%dma_wait3A_348 : memref<32x128xf32, #tpu.memory_space<hbm>>) dst(%dma_wait3A_345 : memref<32x128xf32, #tpu.memory_space<vmem>>)
        %dma_wait3A_349 = arith.constant 96 : i32
        %dma_wait3A_350 = arith.constant 0 : i32
        %dma_wait3A_351 = tpu.memref_slice %arg12[%dma_wait3A_349, %dma_wait3A_350] : memref<128x128xf32, #tpu.memory_space<vmem>> -> memref<32x128xf32, #tpu.memory_space<vmem>>
        %dma_wait3A_352 = arith.constant 0 : i32
        %dma_wait3A_353 = arith.constant 0 : i32
        %dma_wait3A_354 = tpu.memref_slice %arg2[%dma_wait3A_352, %dma_wait3A_353] : memref<10112x128xf32, #tpu.memory_space<hbm>> -> memref<32x128xf32, #tpu.memory_space<hbm>>
        %dma_wait3A_355 = arith.constant 96 : i32
        %dma_wait3A_356 = arith.constant 0 : i32
        %dma_wait3A_357 = tpu.memref_slice %arg12[%dma_wait3A_355, %dma_wait3A_356] : memref<128x128xf32, #tpu.memory_space<vmem>> -> memref<32x128xf32, #tpu.memory_space<vmem>>
        %dma_wait3A_358 = arith.constant 0 : i32
        %dma_wait3A_359 = arith.constant 0 : i32
        %dma_wait3A_360 = tpu.memref_slice %arg2[%dma_wait3A_358, %dma_wait3A_359] : memref<10112x128xf32, #tpu.memory_space<hbm>> -> memref<32x128xf32, #tpu.memory_space<hbm>>
        tpu.wait_dma2 semaphore(%arg17 : memref<!tpu.dma_semaphore, #tpu.memory_space<semaphore_mem>>) src(%dma_wait3A_360 : memref<32x128xf32, #tpu.memory_space<hbm>>) dst(%dma_wait3A_357 : memref<32x128xf32, #tpu.memory_space<vmem>>)
        %add3A_361 = arith.constant 1 : i32
        %add3A_362 = arith.addi %mul3A_253, %add3A_361 : i32
        "tpu.region"() ({
          %run_scoped3A = tpu.sem_alloc : memref<!tpu.dma_semaphore, #tpu.memory_space<semaphore_mem>>
          %dma_start3A_372 = arith.constant 0 : i32
          %dma_start3A_373 = tpu.memref_slice %arg10[%add3A_362, %dma_start3A_372] : memref<8x128xi32, #tpu.memory_space<vmem>> -> memref<1x128xi32, #tpu.memory_space<vmem>>
          %dma_start3A_374 = tpu.memref_squeeze %dma_start3A_373 : memref<1x128xi32, #tpu.memory_space<vmem>> -> memref<128xi32, #tpu.memory_space<vmem>>
          %dma_start3A_375 = arith.constant 0 : i32
          %dma_start3A_376 = arith.constant 0 : i32
          %dma_start3A_377 = tpu.memref_slice %arg13[%dma_start3A_375, %dma_start3A_376] : memref<10112x128xf32, #tpu.memory_space<vmem_shared>> -> memref<10112x128xf32, #tpu.memory_space<vmem_shared>>
          tpu.enqueue_indirect_dma source(%arg12 : memref<128x128xf32, #tpu.memory_space<vmem>>) target(%dma_start3A_377 : memref<10112x128xf32, #tpu.memory_space<vmem_shared>>) offsets(%dma_start3A_374 : memref<128xi32, #tpu.memory_space<vmem>>) semaphore(%run_scoped3A : memref<!tpu.dma_semaphore, #tpu.memory_space<semaphore_mem>>) {add = true}
          %dma_wait3A_378 = arith.constant 0 : i32
          %dma_wait3A_379 = tpu.memref_slice %arg10[%add3A_362, %dma_wait3A_378] : memref<8x128xi32, #tpu.memory_space<vmem>> -> memref<1x128xi32, #tpu.memory_space<vmem>>
          %dma_wait3A_380 = tpu.memref_squeeze %dma_wait3A_379 : memref<1x128xi32, #tpu.memory_space<vmem>> -> memref<128xi32, #tpu.memory_space<vmem>>
          %dma_wait3A_381 = arith.constant 0 : i32
          %dma_wait3A_382 = arith.constant 0 : i32
          %dma_wait3A_383 = tpu.memref_slice %arg13[%dma_wait3A_381, %dma_wait3A_382] : memref<10112x128xf32, #tpu.memory_space<vmem_shared>> -> memref<10112x128xf32, #tpu.memory_space<vmem_shared>>
          tpu.wait_indirect_dma semaphore(%run_scoped3A : memref<!tpu.dma_semaphore, #tpu.memory_space<semaphore_mem>>) src(%arg12 : memref<128x128xf32, #tpu.memory_space<vmem>>) dst(%dma_wait3A_383 : memref<10112x128xf32, #tpu.memory_space<vmem_shared>>)
          tpu.yield
        }) : () -> ()
        %add3A_363 = arith.constant 2 : i32
        %add3A_364 = arith.addi %mul3A_253, %add3A_363 : i32
        %add3A_365 = arith.constant 1 : i32
        %add3A_366 = arith.addi %add3A_364, %add3A_365 : i32
        %lt3A_367 = arith.constant 8 : i32
        %lt3A_368 = arith.cmpi slt, %add3A_366, %lt3A_367 : i32
        %convert_element_type3A_369 = arith.extui %lt3A_368 : i1 to i32
        %cond3A_370 = arith.constant 0 : i32
        %cond3A_371 = arith.cmpi ne, %convert_element_type3A_369, %cond3A_370 : i32
        scf.if %cond3A_371 {
          %add3A_372 = arith.constant 2 : i32
          %add3A_373 = arith.addi %mul3A_253, %add3A_372 : i32
          %add3A_374 = arith.constant 1 : i32
          %add3A_375 = arith.addi %add3A_373, %add3A_374 : i32
          %dma_start3A_376 = arith.constant 0 : i32
          %dma_start3A_377 = arith.constant 0 : i32
          %dma_start3A_378 = tpu.memref_slice %arg12[%dma_start3A_376, %dma_start3A_377] : memref<128x128xf32, #tpu.memory_space<vmem>> -> memref<32x128xf32, #tpu.memory_space<vmem>>
          %dma_start3A_379 = arith.constant 0 : i32
          %dma_start3A_380 = tpu.memref_slice %arg8[%add3A_375, %dma_start3A_379] : memref<8x128xi32, #tpu.memory_space<vmem>> -> memref<1x32xi32, #tpu.memory_space<vmem>>
          %dma_start3A_381 = tpu.memref_squeeze %dma_start3A_380 : memref<1x32xi32, #tpu.memory_space<vmem>> -> memref<32xi32, #tpu.memory_space<vmem>>
          %dma_start3A_382 = arith.constant 0 : i32
          %dma_start3A_383 = arith.constant 0 : i32
          %dma_start3A_384 = tpu.memref_slice %arg2[%dma_start3A_382, %dma_start3A_383] : memref<10112x128xf32, #tpu.memory_space<hbm>> -> memref<10112x128xf32, #tpu.memory_space<hbm>>
          tpu.enqueue_indirect_dma source(%dma_start3A_384 : memref<10112x128xf32, #tpu.memory_space<hbm>>) target(%dma_start3A_378 : memref<32x128xf32, #tpu.memory_space<vmem>>) offsets(%dma_start3A_381 : memref<32xi32, #tpu.memory_space<vmem>>) semaphore(%arg17 : memref<!tpu.dma_semaphore, #tpu.memory_space<semaphore_mem>>)
          %dma_start3A_385 = arith.constant 32 : i32
          %dma_start3A_386 = arith.constant 0 : i32
          %dma_start3A_387 = tpu.memref_slice %arg12[%dma_start3A_385, %dma_start3A_386] : memref<128x128xf32, #tpu.memory_space<vmem>> -> memref<32x128xf32, #tpu.memory_space<vmem>>
          %dma_start3A_388 = arith.constant 32 : i32
          %dma_start3A_389 = tpu.memref_slice %arg8[%add3A_375, %dma_start3A_388] : memref<8x128xi32, #tpu.memory_space<vmem>> -> memref<1x32xi32, #tpu.memory_space<vmem>>
          %dma_start3A_390 = tpu.memref_squeeze %dma_start3A_389 : memref<1x32xi32, #tpu.memory_space<vmem>> -> memref<32xi32, #tpu.memory_space<vmem>>
          %dma_start3A_391 = arith.constant 0 : i32
          %dma_start3A_392 = arith.constant 0 : i32
          %dma_start3A_393 = tpu.memref_slice %arg2[%dma_start3A_391, %dma_start3A_392] : memref<10112x128xf32, #tpu.memory_space<hbm>> -> memref<10112x128xf32, #tpu.memory_space<hbm>>
          tpu.enqueue_indirect_dma source(%dma_start3A_393 : memref<10112x128xf32, #tpu.memory_space<hbm>>) target(%dma_start3A_387 : memref<32x128xf32, #tpu.memory_space<vmem>>) offsets(%dma_start3A_390 : memref<32xi32, #tpu.memory_space<vmem>>) semaphore(%arg17 : memref<!tpu.dma_semaphore, #tpu.memory_space<semaphore_mem>>)
          %dma_start3A_394 = arith.constant 64 : i32
          %dma_start3A_395 = arith.constant 0 : i32
          %dma_start3A_396 = tpu.memref_slice %arg12[%dma_start3A_394, %dma_start3A_395] : memref<128x128xf32, #tpu.memory_space<vmem>> -> memref<32x128xf32, #tpu.memory_space<vmem>>
          %dma_start3A_397 = arith.constant 64 : i32
          %dma_start3A_398 = tpu.memref_slice %arg8[%add3A_375, %dma_start3A_397] : memref<8x128xi32, #tpu.memory_space<vmem>> -> memref<1x32xi32, #tpu.memory_space<vmem>>
          %dma_start3A_399 = tpu.memref_squeeze %dma_start3A_398 : memref<1x32xi32, #tpu.memory_space<vmem>> -> memref<32xi32, #tpu.memory_space<vmem>>
          %dma_start3A_400 = arith.constant 0 : i32
          %dma_start3A_401 = arith.constant 0 : i32
          %dma_start3A_402 = tpu.memref_slice %arg2[%dma_start3A_400, %dma_start3A_401] : memref<10112x128xf32, #tpu.memory_space<hbm>> -> memref<10112x128xf32, #tpu.memory_space<hbm>>
          tpu.enqueue_indirect_dma source(%dma_start3A_402 : memref<10112x128xf32, #tpu.memory_space<hbm>>) target(%dma_start3A_396 : memref<32x128xf32, #tpu.memory_space<vmem>>) offsets(%dma_start3A_399 : memref<32xi32, #tpu.memory_space<vmem>>) semaphore(%arg17 : memref<!tpu.dma_semaphore, #tpu.memory_space<semaphore_mem>>)
          %dma_start3A_403 = arith.constant 96 : i32
          %dma_start3A_404 = arith.constant 0 : i32
          %dma_start3A_405 = tpu.memref_slice %arg12[%dma_start3A_403, %dma_start3A_404] : memref<128x128xf32, #tpu.memory_space<vmem>> -> memref<32x128xf32, #tpu.memory_space<vmem>>
          %dma_start3A_406 = arith.constant 96 : i32
          %dma_start3A_407 = tpu.memref_slice %arg8[%add3A_375, %dma_start3A_406] : memref<8x128xi32, #tpu.memory_space<vmem>> -> memref<1x32xi32, #tpu.memory_space<vmem>>
          %dma_start3A_408 = tpu.memref_squeeze %dma_start3A_407 : memref<1x32xi32, #tpu.memory_space<vmem>> -> memref<32xi32, #tpu.memory_space<vmem>>
          %dma_start3A_409 = arith.constant 0 : i32
          %dma_start3A_410 = arith.constant 0 : i32
          %dma_start3A_411 = tpu.memref_slice %arg2[%dma_start3A_409, %dma_start3A_410] : memref<10112x128xf32, #tpu.memory_space<hbm>> -> memref<10112x128xf32, #tpu.memory_space<hbm>>
          tpu.enqueue_indirect_dma source(%dma_start3A_411 : memref<10112x128xf32, #tpu.memory_space<hbm>>) target(%dma_start3A_405 : memref<32x128xf32, #tpu.memory_space<vmem>>) offsets(%dma_start3A_408 : memref<32xi32, #tpu.memory_space<vmem>>) semaphore(%arg17 : memref<!tpu.dma_semaphore, #tpu.memory_space<semaphore_mem>>)
        } else {
        }
      }
      %scan3A_239 = arith.constant 4 : i32
      %add3A_240 = arith.constant 2 : i32
      %add3A_241 = arith.addi %add3A_142, %add3A_240 : i32
      %lt3A_242 = arith.constant 10 : i32
      %lt3A_243 = arith.cmpi slt, %add3A_241, %lt3A_242 : i32
      %convert_element_type3A_244 = arith.extui %lt3A_243 : i1 to i32
      %cond3A_245 = arith.constant 0 : i32
      %cond3A_246 = arith.cmpi ne, %convert_element_type3A_244, %cond3A_245 : i32
      scf.if %cond3A_246 {
        %add3A_247 = arith.constant 2 : i32
        %add3A_248 = arith.addi %add3A_142, %add3A_247 : i32
        %mul3A_249 = arith.constant 8 : i32
        %mul3A_250 = arith.muli %add3A_248, %mul3A_249 : i32
        %add3A_251 = arith.addi %mul3A_4, %mul3A_250 : i32
        %multiple_of3A_252 = tpu.assume_multiple %add3A_251, 8 : i32
        %dma_start3A_253 = arith.constant 0 : i32
        %dma_start3A_254 = tpu.memref_slice %arg3[%multiple_of3A_252, %dma_start3A_253] : memref<2560x128xi32, #tpu.memory_space<hbm>> -> memref<8x128xi32, #tpu.memory_space<hbm>>
        %dma_start3A_255 = arith.constant 0 : i32
        %dma_start3A_256 = tpu.memref_slice %arg3[%multiple_of3A_252, %dma_start3A_255] : memref<2560x128xi32, #tpu.memory_space<hbm>> -> memref<8x128xi32, #tpu.memory_space<hbm>>
        tpu.enqueue_dma source(%dma_start3A_256 : memref<8x128xi32, #tpu.memory_space<hbm>>) target(%arg8 : memref<8x128xi32, #tpu.memory_space<vmem>>) target_semaphore(%arg15 : memref<!tpu.dma_semaphore, #tpu.memory_space<semaphore_mem>>)
        %dma_start3A_257 = arith.constant 0 : i32
        %dma_start3A_258 = tpu.memref_slice %arg4[%multiple_of3A_252, %dma_start3A_257] : memref<2560x128xi32, #tpu.memory_space<hbm>> -> memref<8x128xi32, #tpu.memory_space<hbm>>
        %dma_start3A_259 = arith.constant 0 : i32
        %dma_start3A_260 = tpu.memref_slice %arg4[%multiple_of3A_252, %dma_start3A_259] : memref<2560x128xi32, #tpu.memory_space<hbm>> -> memref<8x128xi32, #tpu.memory_space<hbm>>
        tpu.enqueue_dma source(%dma_start3A_260 : memref<8x128xi32, #tpu.memory_space<hbm>>) target(%arg10 : memref<8x128xi32, #tpu.memory_space<vmem>>) target_semaphore(%arg15 : memref<!tpu.dma_semaphore, #tpu.memory_space<semaphore_mem>>)
      } else {
      }
    }
    %scan3A_28 = arith.constant 5 : i32
    %barrier3A_29 = arith.constant 0 : index
    tpu.barrier barrier_id(%barrier3A_29)
    "tpu.region"() ({
      %run_scoped3A = tpu.sem_alloc : memref<!tpu.dma_semaphore, #tpu.memory_space<semaphore_mem>>
      %dma_start3A_30 = arith.constant 0 : i32
      %dma_start3A_31 = arith.constant 0 : i32
      %dma_start3A_32 = tpu.memref_slice %arg6[%arg0, %dma_start3A_30, %dma_start3A_31] : memref<2x10112x128xf32, #tpu.memory_space<hbm>> -> memref<1x10112x128xf32, #tpu.memory_space<hbm>>
      %dma_start3A_33 = tpu.memref_squeeze %dma_start3A_32 : memref<1x10112x128xf32, #tpu.memory_space<hbm>> -> memref<10112x128xf32, #tpu.memory_space<hbm>>
      %dma_start3A_34 = arith.constant 0 : i32
      %dma_start3A_35 = tpu.memref_slice %dma_start3A_33[%mul3A_0, %dma_start3A_34] : memref<10112x128xf32, #tpu.memory_space<hbm>> -> memref<632x128xf32, #tpu.memory_space<hbm>>
      %dma_start3A_36 = arith.constant 0 : i32
      %dma_start3A_37 = tpu.memref_slice %arg13[%mul3A_0, %dma_start3A_36] : memref<10112x128xf32, #tpu.memory_space<vmem_shared>> -> memref<632x128xf32, #tpu.memory_space<vmem_shared>>
      tpu.enqueue_dma source(%dma_start3A_37 : memref<632x128xf32, #tpu.memory_space<vmem_shared>>) target(%dma_start3A_35 : memref<632x128xf32, #tpu.memory_space<hbm>>) target_semaphore(%run_scoped3A : memref<!tpu.dma_semaphore, #tpu.memory_space<semaphore_mem>>)
      %dma_wait3A = arith.constant 0 : i32
      %dma_wait3A_38 = arith.constant 0 : i32
      %dma_wait3A_39 = tpu.memref_slice %arg6[%arg0, %dma_wait3A, %dma_wait3A_38] : memref<2x10112x128xf32, #tpu.memory_space<hbm>> -> memref<1x10112x128xf32, #tpu.memory_space<hbm>>
      %dma_wait3A_40 = tpu.memref_squeeze %dma_wait3A_39 : memref<1x10112x128xf32, #tpu.memory_space<hbm>> -> memref<10112x128xf32, #tpu.memory_space<hbm>>
      %dma_wait3A_41 = arith.constant 0 : i32
      %dma_wait3A_42 = tpu.memref_slice %dma_wait3A_40[%mul3A_0, %dma_wait3A_41] : memref<10112x128xf32, #tpu.memory_space<hbm>> -> memref<632x128xf32, #tpu.memory_space<hbm>>
      %dma_wait3A_43 = arith.constant 0 : i32
      %dma_wait3A_44 = tpu.memref_slice %arg13[%mul3A_0, %dma_wait3A_43] : memref<10112x128xf32, #tpu.memory_space<vmem_shared>> -> memref<632x128xf32, #tpu.memory_space<vmem_shared>>
      tpu.wait_dma2 semaphore(%run_scoped3A : memref<!tpu.dma_semaphore, #tpu.memory_space<semaphore_mem>>) src(%dma_wait3A_44 : memref<632x128xf32, #tpu.memory_space<vmem_shared>>) dst(%dma_wait3A_42 : memref<632x128xf32, #tpu.memory_space<hbm>>)
      tpu.yield
    }) : () -> ()
    return
  }
}

module attributes {stable_mosaic.version = 14 : i64} {
  func.func @_mm1_body(%arg0: memref<10112x128xf32, #tpu.memory_space<vmem>>, %arg1: memref<128x128xf32, #tpu.memory_space<vmem>>, %arg2: memref<10112x128xf32, #tpu.memory_space<vmem>>) attributes {dimension_semantics = [], scalar_prefetch = 0 : i64, scratch_operands = 0 : i64, tpu.core_type = #tpu.core_type<tc>} {
    %get3A = arith.constant 0 : index
    %get3A_0 = arith.constant 0 : index
    %get3A_1 = vector.load %arg0[%get3A, %get3A_0] : memref<10112x128xf32, #tpu.memory_space<vmem>>, vector<10112x128xf32>
    %get3A_2 = arith.constant 0 : index
    %get3A_3 = arith.constant 0 : index
    %get3A_4 = vector.load %arg1[%get3A_2, %get3A_3] : memref<128x128xf32, #tpu.memory_space<vmem>>, vector<128x128xf32>
    %dot_general3A = arith.constant dense<0.000000e+00> : vector<10112x128xf32>
    %dot_general3A_5 = tpu.matmul %get3A_1, %get3A_4, %dot_general3A {dimension_numbers = #tpu.dot_dimension_numbers<[1], [0], [0], [1], [0, 0, 1, 1], [], []>, precision = #tpu.contract_precision<fp32>, transpose_lhs_hint = false} : vector<10112x128xf32>, vector<128x128xf32>, vector<10112x128xf32> -> vector<10112x128xf32>
    %swap3A = arith.constant 0 : index
    %swap3A_6 = arith.constant 0 : index
    %swap3A_7 = vector.load %arg2[%swap3A, %swap3A_6] : memref<10112x128xf32, #tpu.memory_space<vmem>>, vector<10112x128xf32>
    tpu.vector_store %arg2[%swap3A, %swap3A_6], %dot_general3A_5 {strides = array<i32>} : memref<10112x128xf32, #tpu.memory_space<vmem>>, vector<10112x128xf32>,
    return
  }
}

module attributes {stable_mosaic.version = 14 : i64} {
  func.func @_mid_body(%arg0: memref<2x10112x128xf32, #tpu.memory_space<vmem>>, %arg1: memref<10112x128xf32, #tpu.memory_space<vmem>>, %arg2: memref<10112x128xf32, #tpu.memory_space<vmem>>, %arg3: memref<1x128xf32, #tpu.memory_space<vmem>>, %arg4: memref<10112x128xf32, #tpu.memory_space<vmem>>) attributes {dimension_semantics = [], scalar_prefetch = 0 : i64, scratch_operands = 0 : i64, tpu.core_type = #tpu.core_type<tc>} {
    %get3A = arith.constant 0 : index
    %get3A_0 = arith.constant 0 : index
    %get3A_1 = arith.constant 0 : index
    %get3A_2 = vector.load %arg0[%get3A, %get3A_0, %get3A_1] : memref<2x10112x128xf32, #tpu.memory_space<vmem>>, vector<1x10112x128xf32>
    %get3A_3 = vector.shape_cast %get3A_2 : vector<1x10112x128xf32> to vector<10112x128xf32>
    %get3A_4 = arith.constant 1 : index
    %get3A_5 = arith.constant 0 : index
    %get3A_6 = arith.constant 0 : index
    %get3A_7 = vector.load %arg0[%get3A_4, %get3A_5, %get3A_6] : memref<2x10112x128xf32, #tpu.memory_space<vmem>>, vector<1x10112x128xf32>
    %get3A_8 = vector.shape_cast %get3A_7 : vector<1x10112x128xf32> to vector<10112x128xf32>
    %add3A = arith.addf %get3A_3, %get3A_8 : vector<10112x128xf32>
    %get3A_9 = arith.constant 0 : index
    %get3A_10 = arith.constant 0 : index
    %get3A_11 = vector.load %arg1[%get3A_9, %get3A_10] : memref<10112x128xf32, #tpu.memory_space<vmem>>, vector<10112x128xf32>
    %add3A_12 = arith.addf %add3A, %get3A_11 : vector<10112x128xf32>
    %get3A_13 = arith.constant 0 : index
    %get3A_14 = arith.constant 0 : index
    %get3A_15 = vector.load %arg2[%get3A_13, %get3A_14] : memref<10112x128xf32, #tpu.memory_space<vmem>>, vector<10112x128xf32>
    %mul3A = arith.mulf %add3A_12, %get3A_15 : vector<10112x128xf32>
    %get3A_16 = arith.constant 0 : index
    %get3A_17 = arith.constant 0 : index
    %get3A_18 = vector.load %arg3[%get3A_16, %get3A_17] : memref<1x128xf32, #tpu.memory_space<vmem>>, vector<1x128xf32>
    %add3A_19 = vector.broadcast %get3A_18 : vector<1x128xf32> to vector<10112x128xf32>
    %add3A_20 = arith.addf %mul3A, %add3A_19 : vector<10112x128xf32>
    %iota3A = tpu.iota {dimensions = array<i32: 0>} : vector<10112x128xi32>
    %lt3A = arith.constant 10000 : i32
    %lt3A_21 = vector.broadcast %lt3A : i32 to vector<10112x128xi32>
    %lt3A_22 = arith.cmpi slt, %iota3A, %lt3A_21 : vector<10112x128xi32>
    %max3A = arith.constant 0.000000e+00 : f32
    %max3A_23 = vector.broadcast %max3A : f32 to vector<10112x128xf32>
    %max3A_24 = arith.maximumf %add3A_20, %max3A_23 : vector<10112x128xf32>
    %get3A_25 = arith.constant 0 : index
    %get3A_26 = arith.constant 0 : index
    %get3A_27 = vector.load %arg2[%get3A_25, %get3A_26] : memref<10112x128xf32, #tpu.memory_space<vmem>>, vector<10112x128xf32>
    %mul3A_28 = arith.mulf %max3A_24, %get3A_27 : vector<10112x128xf32>
    %jit3A = arith.constant 0.000000e+00 : f32
    %broadcast_in_dim3A = vector.broadcast %jit3A : f32 to vector<10112x128xf32>
    %select_n3A = arith.select %lt3A_22, %mul3A_28, %broadcast_in_dim3A : vector<10112x128xi1>, vector<10112x128xf32>
    %swap3A = arith.constant 0 : index
    %swap3A_29 = arith.constant 0 : index
    %swap3A_30 = vector.load %arg4[%swap3A, %swap3A_29] : memref<10112x128xf32, #tpu.memory_space<vmem>>, vector<10112x128xf32>
    tpu.vector_store %arg4[%swap3A, %swap3A_29], %select_n3A {strides = array<i32>} : memref<10112x128xf32, #tpu.memory_space<vmem>>, vector<10112x128xf32>,
    return
  }
}

module attributes {stable_mosaic.version = 14 : i64} {
  func.func @_prep_body(%arg0: memref<10112x128xf32, #tpu.memory_space<vmem>>, %arg1: memref<2x10112x128xf32, #tpu.memory_space<vmem>>, %arg2: memref<10112x128xf32, #tpu.memory_space<vmem>>, %arg3: memref<10112x128xf32, #tpu.memory_space<vmem>>) attributes {dimension_semantics = [], scalar_prefetch = 0 : i64, scratch_operands = 0 : i64, tpu.core_type = #tpu.core_type<tc>} {
    %get3A = arith.constant 0 : index
    %get3A_0 = arith.constant 0 : index
    %get3A_1 = arith.constant 0 : index
    %get3A_2 = vector.load %arg1[%get3A, %get3A_0, %get3A_1] : memref<2x10112x128xf32, #tpu.memory_space<vmem>>, vector<1x10112x1xf32>
    %get3A_3 = vector.shape_cast %get3A_2 : vector<1x10112x1xf32> to vector<10112x1xf32>
    %get3A_4 = arith.constant 1 : index
    %get3A_5 = arith.constant 0 : index
    %get3A_6 = arith.constant 0 : index
    %get3A_7 = vector.load %arg1[%get3A_4, %get3A_5, %get3A_6] : memref<2x10112x128xf32, #tpu.memory_space<vmem>>, vector<1x10112x1xf32>
    %get3A_8 = vector.shape_cast %get3A_7 : vector<1x10112x1xf32> to vector<10112x1xf32>
    %add3A = arith.addf %get3A_3, %get3A_8 : vector<10112x1xf32>
    %add3A_9 = arith.constant 1.000000e+00 : f32
    %add3A_10 = vector.broadcast %add3A_9 : f32 to vector<10112x1xf32>
    %add3A_11 = arith.addf %add3A, %add3A_10 : vector<10112x1xf32>
    %rsqrt3A = math.rsqrt %add3A_11 : vector<10112x1xf32>
    %broadcast_in_dim3A = vector.shape_cast %rsqrt3A : vector<10112x1xf32> to vector<10112x1xf32>
    %broadcast_in_dim3A_12 = vector.broadcast %broadcast_in_dim3A : vector<10112x1xf32> to vector<10112x128xf32>
    %swap3A = arith.constant 0 : index
    %swap3A_13 = arith.constant 0 : index
    %swap3A_14 = vector.load %arg2[%swap3A, %swap3A_13] : memref<10112x128xf32, #tpu.memory_space<vmem>>, vector<10112x128xf32>
    tpu.vector_store %arg2[%swap3A, %swap3A_13], %broadcast_in_dim3A_12 {strides = array<i32>} : memref<10112x128xf32, #tpu.memory_space<vmem>>, vector<10112x128xf32>,
    %get3A_15 = arith.constant 0 : index
    %get3A_16 = arith.constant 0 : index
    %get3A_17 = vector.load %arg0[%get3A_15, %get3A_16] : memref<10112x128xf32, #tpu.memory_space<vmem>>, vector<10112x128xf32>
    %mul3A = arith.mulf %get3A_17, %broadcast_in_dim3A_12 : vector<10112x128xf32>
    %swap3A_18 = arith.constant 0 : index
    %swap3A_19 = arith.constant 0 : index
    %swap3A_20 = vector.load %arg3[%swap3A_18, %swap3A_19] : memref<10112x128xf32, #tpu.memory_space<vmem>>, vector<10112x128xf32>
    tpu.vector_store %arg3[%swap3A_18, %swap3A_19], %mul3A {strides = array<i32>} : memref<10112x128xf32, #tpu.memory_space<vmem>>, vector<10112x128xf32>,
    return
  }
}

module attributes {stable_mosaic.version = 14 : i64} {
  func.func @_out_body(%arg0: memref<2x10112x128xf32, #tpu.memory_space<vmem>>, %arg1: memref<10112x128xf32, #tpu.memory_space<vmem>>, %arg2: memref<10112x128xf32, #tpu.memory_space<vmem>>, %arg3: memref<1x64xf32, #tpu.memory_space<vmem>>, %arg4: memref<128x64xf32, #tpu.memory_space<vmem>>, %arg5: memref<10000x64xf32, #tpu.memory_space<vmem>>) attributes {dimension_semantics = [], scalar_prefetch = 0 : i64, scratch_operands = 0 : i64, tpu.core_type = #tpu.core_type<tc>} {
    %get3A = arith.constant 0 : index
    %get3A_0 = arith.constant 0 : index
    %get3A_1 = arith.constant 0 : index
    %get3A_2 = vector.load %arg0[%get3A, %get3A_0, %get3A_1] : memref<2x10112x128xf32, #tpu.memory_space<vmem>>, vector<1x10112x128xf32>
    %get3A_3 = vector.shape_cast %get3A_2 : vector<1x10112x128xf32> to vector<10112x128xf32>
    %get3A_4 = arith.constant 1 : index
    %get3A_5 = arith.constant 0 : index
    %get3A_6 = arith.constant 0 : index
    %get3A_7 = vector.load %arg0[%get3A_4, %get3A_5, %get3A_6] : memref<2x10112x128xf32, #tpu.memory_space<vmem>>, vector<1x10112x128xf32>
    %get3A_8 = vector.shape_cast %get3A_7 : vector<1x10112x128xf32> to vector<10112x128xf32>
    %add3A = arith.addf %get3A_3, %get3A_8 : vector<10112x128xf32>
    %get3A_9 = arith.constant 0 : index
    %get3A_10 = arith.constant 0 : index
    %get3A_11 = vector.load %arg1[%get3A_9, %get3A_10] : memref<10112x128xf32, #tpu.memory_space<vmem>>, vector<10112x128xf32>
    %add3A_12 = arith.addf %add3A, %get3A_11 : vector<10112x128xf32>
    %get3A_13 = arith.constant 0 : index
    %get3A_14 = arith.constant 0 : index
    %get3A_15 = vector.load %arg2[%get3A_13, %get3A_14] : memref<10112x128xf32, #tpu.memory_space<vmem>>, vector<10112x128xf32>
    %mul3A = arith.mulf %add3A_12, %get3A_15 : vector<10112x128xf32>
    %get3A_16 = arith.constant 0 : index
    %get3A_17 = arith.constant 0 : index
    %get3A_18 = vector.load %arg4[%get3A_16, %get3A_17] : memref<128x64xf32, #tpu.memory_space<vmem>>, vector<128x64xf32>
    %dot_general3A = arith.constant dense<0.000000e+00> : vector<10112x64xf32>
    %dot_general3A_19 = tpu.matmul %mul3A, %get3A_18, %dot_general3A {dimension_numbers = #tpu.dot_dimension_numbers<[1], [0], [0], [1], [0, 0, 1, 1], [], []>, precision = #tpu.contract_precision<fp32>, transpose_lhs_hint = false} : vector<10112x128xf32>, vector<128x64xf32>, vector<10112x64xf32> -> vector<10112x64xf32>
    %get3A_20 = arith.constant 0 : index
    %get3A_21 = arith.constant 0 : index
    %get3A_22 = vector.load %arg3[%get3A_20, %get3A_21] : memref<1x64xf32, #tpu.memory_space<vmem>>, vector<1x64xf32>
    %add3A_23 = vector.broadcast %get3A_22 : vector<1x64xf32> to vector<10112x64xf32>
    %add3A_24 = arith.addf %dot_general3A_19, %add3A_23 : vector<10112x64xf32>
    %slice3A = vector.extract_strided_slice %add3A_24 {offsets = [0, 0], sizes = [10000, 64], strides = [1, 1]} : vector<10112x64xf32> to vector<10000x64xf32>
    %swap3A = arith.constant 0 : index
    %swap3A_25 = arith.constant 0 : index
    %swap3A_26 = vector.load %arg5[%swap3A, %swap3A_25] : memref<10000x64xf32, #tpu.memory_space<vmem>>, vector<10000x64xf32>
    tpu.vector_store %arg5[%swap3A, %swap3A_25], %slice3A {strides = array<i32>} : memref<10000x64xf32, #tpu.memory_space<vmem>>, vector<10000x64xf32>,
    return
  }
}

</mosaic_0001>

<sc_bundles>
// kernel: kernel.12.cloned.1.call-start
scs
__scs_entry_jumppad:
0x0: {  	(pc) =	sbr.rel $0x88, $3  }
0x1: {  	(tag) =	ssettag $0x0;
	lr =	simm.s32 $0x1  }
0x2: {  	[smem:$0x3F9B] =	sst lr;
	_ =	strace $0xD0000000  }
0x3: {  	_ = 	snop  }
0x4: {  	_ = 	snop  }
0x5: {  	_ = 	snop  }
0x6: {  	_ = 	snop  }
0x7: {  	_ = 	snop  }
__scs_overlays_trampoline_lowered:
0x8: {  	[smem:$0x3FAA] =	sst s0  }
0x9: {  	[smem:$0x3FAB] =	sst s1  }
0xa: {  	[smem:$0x3FAC] =	sst s2  }
0xb: {  	[smem:$0x3FAD] =	sst s3  }
0xc: {  	[smem:$0x3FAE] =	sst s4  }
0xd: {  	[smem:$0x3FAF] =	sst s5  }
0xe: {  	[smem:$0x3FB0] =	sst s6  }
0xf: {  	[smem:$0x3FB1] =	sst s7  }
0x10: {  	[smem:$0x3FB2] =	sst s8  }
0x11: {  	[smem:$0x3FB3] =	sst s9;
	s0 =	simm.s32 @!p0 $0x0  }
0x12: {  	s1 =	sld [smem:$0x3F99];
	s0 =	simm.s32 @p0 $0x1  }
0x13: {  	[smem:$0x3FB4] =	sst s0;
	s0 =	simm.s32 @!p1 $0x0  }
0x14: {  	s2 =	sld [smem:$0x3F98];
	s0 =	simm.s32 @p1 $0x1  }
0x15: {  	[smem:$0x3FB5] =	sst s0;
	s0 =	simm.s32 @!p2 $0x0  }
0x16: {  	s3 =	sld [smem:$0x3FDB];
	s0 =	simm.s32 @p2 $0x1  }
0x17: {  	s4 =	simm.s32 $0x1BF5;
	[smem:$0x3FB7] =	sst s0  }
0x18: {  	s0 =	sld [smem:$0x3F9A];
	_ =	swait.ge [sflag:s4], $0x0  }
0x19: {  	s7 =	sld [smem:$0x3F9B]  }
0x1a: {  	s8 =	sadd.s32 $0xFFFFE003, lr  }
0x1b: {  	s9 =	sadd.s32 $0xFFFFFEF7, lr;
	s5 =	simm.s32 $0xFFFFFFFF;
	p2 =	slt.u32 s8, $0xFFFFF086  }
0x1c: {  	p1 =	slt.u32 s9, $0xF7A;
	s5 =	simm.s32 @!p2 $0x0  }
0x1d: {  	s5 =	simm.s32 @p1 $0x1;
	p0 =	seq.s32 s7, s2  }
0x1e: {  	s7 =	smul.u32 @!p0 $0xF7A, s2;
	p2 =	seq.s32 @!p0 s5, $0x0  }
0x1f: {  	s9 =	smul.u32 $0xF7A, s1;
	s8 =	simm.s32 @!p0 $0x1BF5;
	p2 =	por !p2, p0  }
0x20: {  	[sflag:s8] =	ssyncset.s32 @!p0 $0xFFFFF086;
	s6 =	sadd.s32 @!p0 s3, s7;
	s7 =	simm.s32 @!p0 $0x108  }
0x21: {  	s3 =	sadd.s32 s3, s9;
	s6 =	sadd.s32 @!p0 $0x88, s6;
	s7 =	simm.s32 @p2 $0x1082  }
0x22: {  	[simem:s7], [sflag:s8] =	dma.local @!p0 [hbm:s6], $0xF7A  }
0x23: {  	s9 =	sor.u32 $0xD0000000, s2;
	s6 =	simm.s32 $0x108;
	_ =	swait.ge @!p0 [sflag:s8], $0x0  }
0x24: {  	s3 =	sadd.s32 $0x88, s3;
	s6 =	simm.s32 @!p1 $0x1082;
	[sflag:s4] =	ssyncset.s32 $0xFFFFF086  }
0x25: {  	[simem:s6], [sflag:s4] =	dma.local [hbm:s3], $0xF7A  }
0x26: {  	[smem:$0x3F9B] =	sst s1;
	(tag) =	ssettag s2;
	_ =	strace s9  }
0x27: {  	s1 =	sld [smem:$0x3FAB]  }
0x28: {  	s2 =	sld [smem:$0x3FAC]  }
0x29: {  	s4 =	sld [smem:$0x3FAE]  }
0x2a: {  	p0 =	seq.s32 s5, $0x0;
	s5 =	sld [smem:$0x3FAF]  }
0x2b: {  	s6 =	sld [smem:$0x3FB0]  }
0x2c: {  	s7 =	sld [smem:$0x3FB1]  }
0x2d: {  	s3 =	simm.s32 $0x108;
	s8 =	sld [smem:$0x3FB2]  }
0x2e: {  	s3 =	simm.s32 @!p0 $0x1082;
	s9 =	sld [smem:$0x3FB3]  }
0x2f: {  	lr =	sadd.s32 s0, s3;
	s0 =	sld [smem:$0x3FAA]  }
0x30: {  	s3 =	sld [smem:$0x3FAD]  }
0x31: {  	[smem:$0x3FB6] =	sst s10  }
0x32: {  	s10 =	sld [smem:$0x3FB4];
	_ =	sdelay $0x3  }
0x33: {  	p0 =	seq.s32 s10, $0x1;
	s10 =	sld [smem:$0x3FB6];
	_ =	sdelay $0x3  }
0x34: {  	[smem:$0x3FB6] =	sst s10  }
0x35: {  	s10 =	sld [smem:$0x3FB5];
	_ =	sdelay $0x3  }
0x36: {  	p1 =	seq.s32 s10, $0x1;
	s10 =	sld [smem:$0x3FB6];
	_ =	sdelay $0x3  }
0x37: {  	[smem:$0x3FB6] =	sst s10  }
0x38: {  	s10 =	sld [smem:$0x3FB7]  }
0x39: {  	_ = 	snop;
	(pc) =	sbr.ind lr, $3  }
0x3a: {  	_ = 	snop  }
0x3b: {  	_ = 	snop  }
0x3c: {  	p2 =	seq.s32 s10, $0x1;
	s10 =	sld [smem:$0x3FB6]  }
0x3d: {  	_ =	shalt  }
0x3e: {  	_ =	shalt  }
0x3f: {  	_ =	shalt  }
0x40: {  	_ =	shalt  }
0x41: {  	_ =	shalt  }
0x42: {  	_ =	shalt  }
0x43: {  	_ =	shalt  }
0x44: {  	_ =	shalt  }
0x45: {  	_ =	shalt  }
0x46: {  	_ =	shalt  }
0x47: {  	_ =	shalt  }
0x48: {  	_ =	shalt  }
0x49: {  	_ =	shalt  }
0x4a: {  	_ =	shalt  }
0x4b: {  	_ =	shalt  }
0x4c: {  	_ =	shalt  }
0x4d: {  	_ =	shalt  }
0x4e: {  	_ =	shalt  }
0x4f: {  	_ =	shalt  }
0x50: {  	_ =	shalt  }
0x51: {  	_ =	shalt  }
0x52: {  	_ =	shalt  }
0x53: {  	_ =	shalt  }
0x54: {  	_ =	shalt  }
0x55: {  	_ =	shalt  }
0x56: {  	_ =	shalt  }
0x57: {  	_ =	shalt  }
0x58: {  	_ =	shalt  }
0x59: {  	_ =	shalt  }
0x5a: {  	_ =	shalt  }
0x5b: {  	_ =	shalt  }
0x5c: {  	_ =	shalt  }
0x5d: {  	_ =	shalt  }
0x5e: {  	_ =	shalt  }
0x5f: {  	_ =	shalt  }
0x60: {  	_ =	shalt  }
0x61: {  	_ =	shalt  }
0x62: {  	_ =	shalt  }
0x63: {  	_ =	shalt  }
0x64: {  	_ =	shalt  }
0x65: {  	_ =	shalt  }
0x66: {  	_ =	shalt  }
0x67: {  	_ =	shalt  }
0x68: {  	_ =	shalt  }
0x69: {  	_ =	shalt  }
0x6a: {  	_ =	shalt  }
0x6b: {  	_ =	shalt  }
0x6c: {  	_ =	shalt  }
0x6d: {  	_ =	shalt  }
0x6e: {  	_ =	shalt  }
0x6f: {  	_ =	shalt  }
0x70: {  	_ =	shalt  }
0x71: {  	_ =	shalt  }
0x72: {  	_ =	shalt  }
0x73: {  	_ =	shalt  }
0x74: {  	_ =	shalt  }
0x75: {  	_ =	shalt  }
0x76: {  	_ =	shalt  }
0x77: {  	_ =	shalt  }
0x78: {  	_ =	shalt  }
0x79: {  	_ =	shalt  }
0x7a: {  	_ =	shalt  }
0x7b: {  	_ =	shalt  }
0x7c: {  	_ =	shalt  }
0x7d: {  	_ =	shalt  }
0x7e: {  	_ =	shalt  }
0x7f: {  	_ =	shalt  }
0x80: {  	_ =	shalt  }
0x81: {  	_ =	shalt  }
0x82: {  	_ =	shalt  }
0x83: {  	_ =	shalt  }
0x84: {  	_ =	shalt  }
0x85: {  	_ =	shalt  }
0x86: {  	_ =	shalt  }
0x87: {  	_ =	shalt  }
.Lfunc_end0:
.L_simem_size_0:
called_computation.1_lowered:
.L_overlay_start_0:
0x88: {  	s2 =	sld [smem:$0x3FD9]  }
0x89: {  	s3 =	sld [smem:$0x3FFE];
	_ =	sdelay $0x1  }
0x8a: {  	s1 =	srdreg.scid  }
0x8b: {  	s0 =	sand.u32 $0x1, s1  }
0x8c: {  	s17 =	sshll.u32 s0, $0xA;
	s2 =	sadd.s32 s3, s2  }
0x8d: {  	s2 =	sadd.s32 s2, s17  }
0x8e: {  	[smem:$0x3FC2] =	sst s2  }
0x8f: {  	_ = 	snop  }
0x90: {  	s2 =	sld [smem:$0x3FD0];
	(tm) =	ssettm $0x1  }
0x91: {  	s18 =	sld [smem:$0x3FFB];
	_ =	sdelay $0x3  }
0x92: {  	_ =	strace s18  }
0x93: {  	s3 =	sld [smem:$0x3FFC];
	_ =	sdelay $0x3  }
0x94: {  	_ =	strace s3  }
0x95: {  	s3 =	sld [smem:$0x3FFD];
	_ =	sdelay $0x3  }
0x96: {  	_ =	strace s3  }
0x97: {  	_ =	strace $0x8FFFFFFF  }
0x98: {  	s19 =	sld [smem:$0x3FDB];
	_ =	sdelay $0x1  }
0x99: {  	s4 =	simm.s32 $_scs_section_size  }
0x9a: {  	s5 =	simm.s32 $_size__tile_overlayer_lowered;
	s6 =	simm.s32 $_tile_overlayer_lowered  }
0x9b: {  	s22 =	simm.s32 $0x1BFF;
	s21 =	sshll.u32 s6, $0x1;
	s3 =	sadd.s32 s4, s19  }
0x9c: {  	s7 =	simm.s32 $0x0;
	s20 =	sshll.u32 s5, $0x1;
	s5 =	sadd.s32 s21, s3  }
0x9d: {  	[timem:s7], [sflag:s22] =	dma.local [hbm:s5], s20  }
0x9e: {  	_ =	swait.ge [sflag:s22], s20  }
0x9f: {  	s4 =	ssub.s32 $0x0, s20;
	[sflag:s22] =	ssyncset.done $0x0  }
0xa0: {  	[sflag:s22] =	ssyncadd.s32 s4;
	_ =	sdelay $0x1  }
0xa1: {  	s23 =	simm.s32 $0x1B8B  }
0xa2: {  	_ =	swait.ge [sflag:s23], $0x1  }
0xa3: {  	[sflag:s23] =	ssyncset.done $0x0  }
0xa4: {  	s25 =	simm.s32 $0x1B8E;
	s24 =	sld [smem:$0x3FFE];
	[sflag:s23] =	ssyncadd.s32 $0xFFFFFFFF  }
0xa5: {  	s26 =	simm.s32 $execute0_lowered;
	[smem:$0x3FD2] =	sst s25  }
0xa6: {  	s5 =	sshll.u32 s26, $0x1;
	_ =	strace $0x80000049;
	[dreg:$0x1] =	wrdreg $0xFFFFFFFF  }
0xa7: {  	s28 =	simm.s32 $_size_execute0_lowered;
	s3 =	sadd.s32 s3, s5;
	[dreg:$0x0] =	wrdreg $0x0  }
0xa8: {  	s5 =	sshll.u32 s28, $0x1;
	[dreg:$0x2] =	wrdreg s3  }
0xa9: {  	[dreg:$0x3] =	wrdreg s5  }
0xaa: {  	[dreg:$0x4] =	wrdreg $0xC0  }
0xab: {  	_ =	task [dreg:s7], $0x5FFFF  }
0xac: {  	[dreg:$0x1] =	wrdreg $0xFFFFFFFF  }
0xad: {  	[dreg:$0x0] =	wrdreg $0x60  }
0xae: {  	[dreg:$0x2] =	wrdreg s24  }
0xaf: {  	[dreg:$0x3] =	wrdreg s2  }
0xb0: {  	[dreg:$0x4] =	wrdreg $0x90000  }
0xb1: {  	[dreg:$0x5] =	wrdreg $0x9  }
0xb2: {  	_ =	task.clear_ibuf [dreg:s7], $0x6FFFF;
	_ =	strace $0x90000049  }
0xb3: {  	s29 =	simm.s32 $0x9;
	_ =	strace $0x8000004B  }
0xb4: {  	_ =	swait.ge [sflag:s29], $0x1  }
0xb5: {  	[sflag:s29] =	ssyncadd.s32 $0xFFFFFFFF  }
0xb6: {  	_ =	strace $0x9000004B  }
0xb7: {  	_ =	sfence  }
0xb8: {  	s30 =	sld [smem:$0x0];
	_ =	sdelay $0x2  }
0xb9: {  	s31 =	sshll.u32 s1, $0xD;
	s1 =	sshrl.u32 s1, $0x2  }
0xba: {  	s3 =	sand.u32 $0x4000, s31;
	s1 =	sadd.s32 s1, s30  }
0xbb: {  	s0 =	sor.u32 s3, s0;
	s1 =	sshll.u32 s1, $0x11  }
0xbc: {  	s0 =	sor.u32 s1, s0  }
0xbd: {  	s0 =	sadd.s32 $0x8F2B, s0  }
0xbe: {  	[sflag:s0] =	ssyncadd.remote.s32 $0x1  }
0xbf: {  	_ =	sfence.sel $0xFFFF  }
0xc0: {  	[dreg:$0x0] =	wrdreg $0xFFFFFFFF;
	(pc) =	sbr.abs _section_cstart, $3  }
0xc1: {  	[dreg:$0x1] =	wrdreg $0xFFFFFFFF  }
0xc2: {  	_ =	task.clear_ibuf [dreg:s7], $0x2FFFF;
	_ =	strace $0x9FFFFFFF  }
0xc3: {  	(tm) =	ssettm $0x7FFFFFFF  }
tec
execute0_lowered:
.L_overlay_start_1:
0x0: {  	(tag) =	ssettag $0x1  }
0x1: {  	s0 =	rddreg [dreg:$0x0]  }
0x2: {  	s4 =	rddreg [dreg:$0x1]  }
0x3: {  	s1 =	rddreg [dreg:$0x2]  }
0x4: {  	s2 =	simm.s32 $0x0;
	s5 =	srdreg.scid;
	s13 =	stileid.u32  }
0x5: {  	s17 =	simm.s32 $0x5;
	s19 =	simm.s32 $0x400;
	s28 =	simm.s32 $0x3000  }
0x6: {  	s30 =	simm.s32 $0x4000;
	s31 =	simm.s32 $0x80;
	s29 =	simm.s32 $0x4  }
0x7: {  	[smem:$0x7FF] =	sst s2;
	s3 =	sadd.s32 $0x18E00, s0;
	s10 =	smul.u32 $0x4F000, s13  }
0x8: {  	s6 =	sadd.s32 $0xC600, s0;
	s7 =	sadd.s32 $0x16600, s0;
	s16 =	smul.u32 $0x2780, s13  }
0x9: {  	s5 =	sand.u32 $0x1, s5;
	s11 =	sshll.u32 s13, $0x1;
	s24 =	smul.u32 $0xA00, s13  }
0xa: {  	s15 =	sshll.u32 s13, $0x6;
	_ =	strace $0x8000004A;
	s25 =	smul.u32 $0x27800, s5  }
0xb: {  	[dreg:$0x4] =	wrdreg s7;
	s8 =	ssub.s32 $0x2, s5;
	s23 =	smul.u32 $0xA, s5  }
0xc: {  	s12 =	sor.u32 s5, s11;
	s18 =	sor.u32 $0x1C05, s15;
	s5 =	smul.u32 $0x500, s5  }
0xd: {  	s9 =	sshrl.u32 s8, $0x1;
	s14 =	sshrl.u32 s10, $0x2;
	s10 =	simm.s32 $0x8000  }
0xe: {  	[dreg:$0x5] =	wrdreg s18;
	s26 =	ssub.s32 s8, s9;
	s8 =	smul.u32 $0x500, s12  }
0xf: {  	s0 =	sadd.s32 s25, s0;
	s9 =	sadd.s32 s14, s1;
	s12 =	smul.u32 $0x14, s13  }
0x10: {  	s0 =	sadd.s32 $0x40600, s0;
	s7 =	smax.u32 s26, $0x1;
	s26 =	sadd.s32 s24, s4  }
0x11: {  	s20 =	sadd.s32 s6, s8;
	s21 =	sor.u32 $0x80, s8;
	s8 =	sadd.s32 s4, s8  }
0x12: {  	[dreg:$0xa] =	wrdreg s7;
	s25 =	sadd.s32 s23, s12;
	s23 =	simm.s32 $0x1000  }
0x13: {  	s0 =	sadd.s32 s16, s0;
	s16 =	simm.s32 $0xF80;
	[dreg:$0x6] =	wrdreg s20  }
0x14: {  	[dreg:$0x7] =	wrdreg s8;
	s22 =	sadd.s32 s6, s21;
	s11 =	sadd.s32 s4, s21  }
0x15: {  	s7 =	sshll.u32 s25, $0x7;
	s8 =	sadd.s32 s5, s26;
	s20 =	simm.s32 $0xC00  }
0x16: {  	s21 =	simm.s32 $0x1;
	[dreg:$0xc] =	wrdreg s0;
	s25 =	simm.s32 $0x2000  }
0x17: {  	s0 =	simm.s32 $0x5000;
	s26 =	simm.s32 $0x0;
	[dreg:$0x8] =	wrdreg s22  }
0x18: {  	[dreg:$0x9] =	wrdreg s11;
	s11 =	sadd.s32 s24, s6;
	s7 =	sadd.s32 $0x100, s7  }
.Ltmp0:
0x19: {  	s12 =	sadd.s32 $0x180, s8;
	s22 =	simm.s32 $0x20;
	(pc) =	sbr.rel .LBB2_1-.Ltmp0, $4  }
0x1a: {  	s8 =	simm.s32 $0x7000;
	s24 =	simm.s32 $0x7E0;
	s5 =	sadd.s32 s5, s11  }
0x1b: {  	s14 =	sadd.s32 s7, s6;
	s15 =	sadd.s32 s7, s4;
	s7 =	sshrl.u32 s9, $0x3  }
0x1c: {  	s11 =	simm.s32 $0x3;
	s9 =	simm.s32 $0x2;
	s6 =	simm.s32 $0xF00  }
0x1d: {  	s13 =	sadd.s32 $0x180, s5;
	s5 =	simm.s32 $0x6000;
	[dreg:$0xb] =	wrdreg s7  }
.LBB2_4:
0x1e: {  	[bflag:$0x0] =	sbarrier.arrive $0xFFFF  }
0x1f: {  	s18 =	rddreg [dreg:$0x5]  }
0x20: {  	s7 =	rddreg [dreg:$0xb]  }
0x21: {  	s4 =	rddreg [dreg:$0xc]  }
0x22: {  	[hbm:s4], [sflag:s18] =	dma.local [spmem:s7], $0x2780  }
0x23: {  	_ =	swait.ge [sflag:s17], $0x2780  }
0x24: {  	s26 =	rddreg [dreg:$0xd]  }
0x25: {  	s4 =	rddreg [dreg:$0xa];
	s26 =	sadd.s32 $0x1, s26  }
0x26: {  	p0 =	sne.s32 s26, s4  }
.Ltmp1:
0x27: {  	_ = 	snop;
	(pc) =	sbr.rel @!p0 .LBB2_5-.Ltmp1, $3  }
0x28: {  	_ =	sdelay $0x1  }
0x29: {  	[sflag:s17] =	ssyncset.done $0x0  }
0x2a: {  	[sflag:s17] =	ssyncadd.s32 $0xFFFFD880  }
.LBB2_1:
0x2b: {  	[dreg:$0xd] =	wrdreg s26  }
0x2c: {  	s4 =	rddreg [dreg:$0x4]  }
0x2d: {  	[spmem:s7], [sflag:s18] =	dma.local [hbm:s4], $0x2780  }
0x2e: {  	_ =	swait.ge [sflag:s17], $0x2780  }
0x2f: {  	[sflag:s17] =	ssyncset.done $0x0  }
0x30: {  	s7 =	rddreg [dreg:$0x6];
	[sflag:s17] =	ssyncadd.s32 $0xFFFFD880  }
0x31: {  	[tilespmem:s2], [sflag:$0x1] =	stream.linear.gather [hbm4b:s7+s2], $0x400, $0x38;
	[tilespmem:$0x1CC00] =	vst v63  }
0x32: {  	s26 =	simm.s32 $0x800;
	s18 =	rddreg [dreg:$0x7]  }
0x33: {  	[tilespmem:s26], [sflag:$0x1] =	stream.linear.gather [hbm4b:s18+s2], $0x400, $0x38;
	[tilespmem:$0x1CC00] =	vst v63  }
0x34: {  	s18 =	rddreg [dreg:$0x8]  }
0x35: {  	[tilespmem:s19], [sflag:$0x2] =	stream.linear.gather [hbm4b:s18+s2], $0x400, $0x38;
	[tilespmem:$0x1CC00] =	vst v63  }
0x36: {  	s26 =	rddreg [dreg:$0x9]  }
0x37: {  	[tilespmem:s20], [sflag:$0x2] =	stream.linear.gather [hbm4b:s26+s2], $0x400, $0x38;
	[tilespmem:$0x1CC00] =	vst v63  }
0x38: {  	s26 =	simm.s32 $0x0;
	[bflag:$0x0] =	sbarrier.arrive $0xFFFF  }
.LBB2_2:
0x39: {  	_ =	swait.ge [sflag:s21], $0x400  }
0x3a: {  	[sflag:s21] =	ssyncset.done $0x0  }
0x3b: {  	[sflag:s21] =	ssyncadd.s32 $0xFFFFFC00  }
0x3c: {  	_ =	swait.ge [sflag:s21], $0x400  }
0x3d: {  	[sflag:s21] =	ssyncset.done $0x0  }
0x3e: {  	[sflag:s21] =	ssyncadd.s32 $0xFFFFFC00  }
0x3f: {  	[tilespmem:s23], [sflag:$0x3] =	stream.indirect.gather [hbm4b:s3+s22], $0x80, s2, s22, $0xb8;
	[tilespmem:$0x1CC00] =	vst v63  }
0x40: {  	_ = 	snop  }
0x41: {  	[tilespmem:s25], [sflag:$0x3] =	stream.indirect.gather [hbm4b:s3+s22], $0x80, s22, s22, $0xb8;
	[tilespmem:$0x1CC00] =	vst v63  }
0x42: {  	s4 =	simm.s32 $0x40  }
0x43: {  	[tilespmem:s28], [sflag:$0x3] =	stream.indirect.gather [hbm4b:s3+s22], $0x80, s4, s22, $0xb8;
	[tilespmem:$0x1CC00] =	vst v63  }
0x44: {  	s18 =	simm.s32 $0x60  }
0x45: {  	[tilespmem:s30], [sflag:$0x3] =	stream.indirect.gather [hbm4b:s3+s22], $0x80, s18, s22, $0xb8;
	[tilespmem:$0x1CC00] =	vst v63  }
0x46: {  	_ = 	snop  }
0x47: {  	[tilespmem:s0], [sflag:$0x4] =	stream.indirect.gather [hbm4b:s3+s22], $0x80, s31, s22, $0xb8;
	[tilespmem:$0x1CC00] =	vst v63  }
0x48: {  	s7 =	simm.s32 $0xA0  }
0x49: {  	[tilespmem:s5], [sflag:$0x4] =	stream.indirect.gather [hbm4b:s3+s22], $0x80, s7, s22, $0xb8;
	[tilespmem:$0x1CC00] =	vst v63  }
0x4a: {  	s18 =	simm.s32 $0xC0  }
0x4b: {  	[tilespmem:s8], [sflag:$0x4] =	stream.indirect.gather [hbm4b:s3+s22], $0x80, s18, s22, $0xb8;
	[tilespmem:$0x1CC00] =	vst v63  }
0x4c: {  	s7 =	simm.s32 $0xE0  }
0x4d: {  	[tilespmem:s10], [sflag:$0x4] =	stream.indirect.gather [hbm4b:s3+s22], $0x80, s7, s22, $0xb8;
	[tilespmem:$0x1CC00] =	vst v63  }
0x4e: {  	_ =	swait.ge [sflag:s11], $0x1000  }
0x4f: {  	[sflag:s11] =	ssyncset.done $0x0  }
0x50: {  	[sflag:s11] =	ssyncadd.s32 $0xFFFFF000  }
0x51: {  	_ =	swait.ge [sflag:s11], $0x1000  }
0x52: {  	[sflag:s11] =	ssyncset.done $0x0  }
0x53: {  	[sflag:s11] =	ssyncadd.s32 $0xFFFFF000  }
0x54: {  	_ =	swait.ge [sflag:s11], $0x1000  }
0x55: {  	[sflag:s11] =	ssyncset.done $0x0  }
0x56: {  	[sflag:s11] =	ssyncadd.s32 $0xFFFFF000  }
0x57: {  	_ =	swait.ge [sflag:s11], $0x1000  }
0x58: {  	[sflag:s11] =	ssyncset.done $0x0  }
0x59: {  	s18 =	simm.s32 $0x800;
	[sflag:s11] =	ssyncadd.s32 $0xFFFFF000  }
0x5a: {  	[spmem:s1] =	stream.indirect.scatter.add.f32 [tilespmem:s23], [sflag:$0x5], $0x80, s18, s31, $0xb8;
	[tilespmem:$0x1CC00] =	vst v63  }
0x5b: {  	_ =	swait.ge [sflag:s17], $0x4000  }
0x5c: {  	[sflag:s17] =	ssyncset.done $0x0  }
0x5d: {  	s7 =	simm.s32 $0x100;
	[sflag:s17] =	ssyncadd.s32 $0xFFFFC000  }
0x5e: {  	[tilespmem:s23], [sflag:$0x3] =	stream.indirect.gather [hbm4b:s3+s22], $0x80, s7, s22, $0xb8;
	[tilespmem:$0x1CC00] =	vst v63  }
0x5f: {  	s18 =	simm.s32 $0x120  }
0x60: {  	[tilespmem:s25], [sflag:$0x3] =	stream.indirect.gather [hbm4b:s3+s22], $0x80, s18, s22, $0xb8;
	[tilespmem:$0x1CC00] =	vst v63  }
0x61: {  	s7 =	simm.s32 $0x140  }
0x62: {  	[tilespmem:s28], [sflag:$0x3] =	stream.indirect.gather [hbm4b:s3+s22], $0x80, s7, s22, $0xb8;
	[tilespmem:$0x1CC00] =	vst v63  }
0x63: {  	s18 =	simm.s32 $0x160  }
0x64: {  	[tilespmem:s30], [sflag:$0x3] =	stream.indirect.gather [hbm4b:s3+s22], $0x80, s18, s22, $0xb8;
	[tilespmem:$0x1CC00] =	vst v63  }
0x65: {  	_ =	swait.ge [sflag:s29], $0x1000  }
0x66: {  	[sflag:s29] =	ssyncset.done $0x0  }
0x67: {  	[sflag:s29] =	ssyncadd.s32 $0xFFFFF000  }
0x68: {  	_ =	swait.ge [sflag:s29], $0x1000  }
0x69: {  	[sflag:s29] =	ssyncset.done $0x0  }
0x6a: {  	[sflag:s29] =	ssyncadd.s32 $0xFFFFF000  }
0x6b: {  	_ =	swait.ge [sflag:s29], $0x1000  }
0x6c: {  	[sflag:s29] =	ssyncset.done $0x0  }
0x6d: {  	[sflag:s29] =	ssyncadd.s32 $0xFFFFF000  }
0x6e: {  	_ =	swait.ge [sflag:s29], $0x1000  }
0x6f: {  	[sflag:s29] =	ssyncset.done $0x0  }
0x70: {  	s7 =	simm.s32 $0x880;
	[sflag:s29] =	ssyncadd.s32 $0xFFFFF000  }
0x71: {  	[spmem:s1] =	stream.indirect.scatter.add.f32 [tilespmem:s0], [sflag:$0x5], $0x80, s7, s31, $0xb8;
	[tilespmem:$0x1CC00] =	vst v63  }
0x72: {  	_ =	swait.ge [sflag:s17], $0x4000  }
0x73: {  	[sflag:s17] =	ssyncset.done $0x0  }
0x74: {  	s18 =	simm.s32 $0x180;
	[sflag:s17] =	ssyncadd.s32 $0xFFFFC000  }
0x75: {  	[tilespmem:s0], [sflag:$0x4] =	stream.indirect.gather [hbm4b:s3+s22], $0x80, s18, s22, $0xb8;
	[tilespmem:$0x1CC00] =	vst v63  }
0x76: {  	s7 =	simm.s32 $0x1A0  }
0x77: {  	[tilespmem:s5], [sflag:$0x4] =	stream.indirect.gather [hbm4b:s3+s22], $0x80, s7, s22, $0xb8;
	[tilespmem:$0x1CC00] =	vst v63  }
0x78: {  	s18 =	simm.s32 $0x1C0  }
0x79: {  	[tilespmem:s8], [sflag:$0x4] =	stream.indirect.gather [hbm4b:s3+s22], $0x80, s18, s22, $0xb8;
	[tilespmem:$0x1CC00] =	vst v63  }
0x7a: {  	s7 =	simm.s32 $0x1E0  }
0x7b: {  	[tilespmem:s10], [sflag:$0x4] =	stream.indirect.gather [hbm4b:s3+s22], $0x80, s7, s22, $0xb8;
	[tilespmem:$0x1CC00] =	vst v63  }
0x7c: {  	_ =	swait.ge [sflag:s11], $0x1000  }
0x7d: {  	[sflag:s11] =	ssyncset.done $0x0  }
0x7e: {  	[sflag:s11] =	ssyncadd.s32 $0xFFFFF000  }
0x7f: {  	_ =	swait.ge [sflag:s11], $0x1000  }
0x80: {  	[sflag:s11] =	ssyncset.done $0x0  }
0x81: {  	[sflag:s11] =	ssyncadd.s32 $0xFFFFF000  }
0x82: {  	_ =	swait.ge [sflag:s11], $0x1000  }
0x83: {  	[sflag:s11] =	ssyncset.done $0x0  }
0x84: {  	[sflag:s11] =	ssyncadd.s32 $0xFFFFF000  }
0x85: {  	_ =	swait.ge [sflag:s11], $0x1000  }
0x86: {  	[sflag:s11] =	ssyncset.done $0x0  }
0x87: {  	s18 =	simm.s32 $0x900;
	[sflag:s11] =	ssyncadd.s32 $0xFFFFF000  }
0x88: {  	[spmem:s1] =	stream.indirect.scatter.add.f32 [tilespmem:s23], [sflag:$0x5], $0x80, s18, s31, $0xb8;
	[tilespmem:$0x1CC00] =	vst v63  }
0x89: {  	_ =	swait.ge [sflag:s17], $0x4000  }
0x8a: {  	[sflag:s17] =	ssyncset.done $0x0  }
0x8b: {  	s7 =	simm.s32 $0x200;
	[sflag:s17] =	ssyncadd.s32 $0xFFFFC000  }
0x8c: {  	[tilespmem:s23], [sflag:$0x3] =	stream.indirect.gather [hbm4b:s3+s22], $0x80, s7, s22, $0xb8;
	[tilespmem:$0x1CC00] =	vst v63  }
0x8d: {  	s18 =	simm.s32 $0x220  }
0x8e: {  	[tilespmem:s25], [sflag:$0x3] =	stream.indirect.gather [hbm4b:s3+s22], $0x80, s18, s22, $0xb8;
	[tilespmem:$0x1CC00] =	vst v63  }
0x8f: {  	s7 =	simm.s32 $0x240  }
0x90: {  	[tilespmem:s28], [sflag:$0x3] =	stream.indirect.gather [hbm4b:s3+s22], $0x80, s7, s22, $0xb8;
	[tilespmem:$0x1CC00] =	vst v63  }
0x91: {  	s18 =	simm.s32 $0x260  }
0x92: {  	[tilespmem:s30], [sflag:$0x3] =	stream.indirect.gather [hbm4b:s3+s22], $0x80, s18, s22, $0xb8;
	[tilespmem:$0x1CC00] =	vst v63  }
0x93: {  	_ =	swait.ge [sflag:s29], $0x1000  }
0x94: {  	[sflag:s29] =	ssyncset.done $0x0  }
0x95: {  	[sflag:s29] =	ssyncadd.s32 $0xFFFFF000  }
0x96: {  	_ =	swait.ge [sflag:s29], $0x1000  }
0x97: {  	[sflag:s29] =	ssyncset.done $0x0  }
0x98: {  	[sflag:s29] =	ssyncadd.s32 $0xFFFFF000  }
0x99: {  	_ =	swait.ge [sflag:s29], $0x1000  }
0x9a: {  	[sflag:s29] =	ssyncset.done $0x0  }
0x9b: {  	[sflag:s29] =	ssyncadd.s32 $0xFFFFF000  }
0x9c: {  	_ =	swait.ge [sflag:s29], $0x1000  }
0x9d: {  	[sflag:s29] =	ssyncset.done $0x0  }
0x9e: {  	s7 =	simm.s32 $0x980;
	[sflag:s29] =	ssyncadd.s32 $0xFFFFF000  }
0x9f: {  	[spmem:s1] =	stream.indirect.scatter.add.f32 [tilespmem:s0], [sflag:$0x5], $0x80, s7, s31, $0xb8;
	[tilespmem:$0x1CC00] =	vst v63  }
0xa0: {  	_ =	swait.ge [sflag:s17], $0x4000  }
0xa1: {  	[sflag:s17] =	ssyncset.done $0x0  }
0xa2: {  	s18 =	simm.s32 $0x280;
	[sflag:s17] =	ssyncadd.s32 $0xFFFFC000  }
0xa3: {  	[tilespmem:s0], [sflag:$0x4] =	stream.indirect.gather [hbm4b:s3+s22], $0x80, s18, s22, $0xb8;
	[tilespmem:$0x1CC00] =	vst v63  }
0xa4: {  	s7 =	simm.s32 $0x2A0  }
0xa5: {  	[tilespmem:s5], [sflag:$0x4] =	stream.indirect.gather [hbm4b:s3+s22], $0x80, s7, s22, $0xb8;
	[tilespmem:$0x1CC00] =	vst v63  }
0xa6: {  	s18 =	simm.s32 $0x2C0  }
0xa7: {  	[tilespmem:s8], [sflag:$0x4] =	stream.indirect.gather [hbm4b:s3+s22], $0x80, s18, s22, $0xb8;
	[tilespmem:$0x1CC00] =	vst v63  }
0xa8: {  	s7 =	simm.s32 $0x2E0  }
0xa9: {  	[tilespmem:s10], [sflag:$0x4] =	stream.indirect.gather [hbm4b:s3+s22], $0x80, s7, s22, $0xb8;
	[tilespmem:$0x1CC00] =	vst v63  }
0xaa: {  	_ =	swait.ge [sflag:s11], $0x1000  }
0xab: {  	[sflag:s11] =	ssyncset.done $0x0  }
0xac: {  	[sflag:s11] =	ssyncadd.s32 $0xFFFFF000  }
0xad: {  	_ =	swait.ge [sflag:s11], $0x1000  }
0xae: {  	[sflag:s11] =	ssyncset.done $0x0  }
0xaf: {  	[sflag:s11] =	ssyncadd.s32 $0xFFFFF000  }
0xb0: {  	_ =	swait.ge [sflag:s11], $0x1000  }
0xb1: {  	[sflag:s11] =	ssyncset.done $0x0  }
0xb2: {  	[sflag:s11] =	ssyncadd.s32 $0xFFFFF000  }
0xb3: {  	_ =	swait.ge [sflag:s11], $0x1000  }
0xb4: {  	[sflag:s11] =	ssyncset.done $0x0  }
0xb5: {  	s18 =	simm.s32 $0xA00;
	[sflag:s11] =	ssyncadd.s32 $0xFFFFF000  }
0xb6: {  	[spmem:s1] =	stream.indirect.scatter.add.f32 [tilespmem:s23], [sflag:$0x5], $0x80, s18, s31, $0xb8;
	[tilespmem:$0x1CC00] =	vst v63  }
0xb7: {  	_ =	swait.ge [sflag:s17], $0x4000  }
0xb8: {  	[sflag:s17] =	ssyncset.done $0x0  }
0xb9: {  	s7 =	simm.s32 $0x300;
	[sflag:s17] =	ssyncadd.s32 $0xFFFFC000  }
0xba: {  	[tilespmem:s23], [sflag:$0x3] =	stream.indirect.gather [hbm4b:s3+s22], $0x80, s7, s22, $0xb8;
	[tilespmem:$0x1CC00] =	vst v63  }
0xbb: {  	s18 =	simm.s32 $0x320  }
0xbc: {  	[tilespmem:s25], [sflag:$0x3] =	stream.indirect.gather [hbm4b:s3+s22], $0x80, s18, s22, $0xb8;
	[tilespmem:$0x1CC00] =	vst v63  }
0xbd: {  	s7 =	simm.s32 $0x340  }
0xbe: {  	[tilespmem:s28], [sflag:$0x3] =	stream.indirect.gather [hbm4b:s3+s22], $0x80, s7, s22, $0xb8;
	[tilespmem:$0x1CC00] =	vst v63  }
0xbf: {  	s18 =	simm.s32 $0x360  }
0xc0: {  	[tilespmem:s30], [sflag:$0x3] =	stream.indirect.gather [hbm4b:s3+s22], $0x80, s18, s22, $0xb8;
	[tilespmem:$0x1CC00] =	vst v63  }
0xc1: {  	_ =	swait.ge [sflag:s29], $0x1000  }
0xc2: {  	[sflag:s29] =	ssyncset.done $0x0  }
0xc3: {  	[sflag:s29] =	ssyncadd.s32 $0xFFFFF000  }
0xc4: {  	_ =	swait.ge [sflag:s29], $0x1000  }
0xc5: {  	[sflag:s29] =	ssyncset.done $0x0  }
0xc6: {  	[sflag:s29] =	ssyncadd.s32 $0xFFFFF000  }
0xc7: {  	_ =	swait.ge [sflag:s29], $0x1000  }
0xc8: {  	[sflag:s29] =	ssyncset.done $0x0  }
0xc9: {  	[sflag:s29] =	ssyncadd.s32 $0xFFFFF000  }
0xca: {  	_ =	swait.ge [sflag:s29], $0x1000  }
0xcb: {  	[sflag:s29] =	ssyncset.done $0x0  }
0xcc: {  	s7 =	simm.s32 $0xA80;
	[sflag:s29] =	ssyncadd.s32 $0xFFFFF000  }
0xcd: {  	[spmem:s1] =	stream.indirect.scatter.add.f32 [tilespmem:s0], [sflag:$0x5], $0x80, s7, s31, $0xb8;
	[tilespmem:$0x1CC00] =	vst v63  }
0xce: {  	_ =	swait.ge [sflag:s17], $0x4000  }
0xcf: {  	[sflag:s17] =	ssyncset.done $0x0  }
0xd0: {  	s18 =	simm.s32 $0x380;
	[sflag:s17] =	ssyncadd.s32 $0xFFFFC000  }
0xd1: {  	[tilespmem:s0], [sflag:$0x4] =	stream.indirect.gather [hbm4b:s3+s22], $0x80, s18, s22, $0xb8;
	[tilespmem:$0x1CC00] =	vst v63  }
0xd2: {  	s7 =	simm.s32 $0x3A0  }
0xd3: {  	[tilespmem:s5], [sflag:$0x4] =	stream.indirect.gather [hbm4b:s3+s22], $0x80, s7, s22, $0xb8;
	[tilespmem:$0x1CC00] =	vst v63  }
0xd4: {  	s18 =	simm.s32 $0x3C0  }
0xd5: {  	[tilespmem:s8], [sflag:$0x4] =	stream.indirect.gather [hbm4b:s3+s22], $0x80, s18, s22, $0xb8;
	[tilespmem:$0x1CC00] =	vst v63  }
0xd6: {  	s7 =	simm.s32 $0x3E0  }
0xd7: {  	[tilespmem:s10], [sflag:$0x4] =	stream.indirect.gather [hbm4b:s3+s22], $0x80, s7, s22, $0xb8;
	[tilespmem:$0x1CC00] =	vst v63  }
0xd8: {  	_ =	swait.ge [sflag:s11], $0x1000  }
0xd9: {  	[sflag:s11] =	ssyncset.done $0x0  }
0xda: {  	[sflag:s11] =	ssyncadd.s32 $0xFFFFF000  }
0xdb: {  	_ =	swait.ge [sflag:s11], $0x1000  }
0xdc: {  	[sflag:s11] =	ssyncset.done $0x0  }
0xdd: {  	[sflag:s11] =	ssyncadd.s32 $0xFFFFF000  }
0xde: {  	_ =	swait.ge [sflag:s11], $0x1000  }
0xdf: {  	[sflag:s11] =	ssyncset.done $0x0  }
0xe0: {  	[sflag:s11] =	ssyncadd.s32 $0xFFFFF000  }
0xe1: {  	_ =	swait.ge [sflag:s11], $0x1000  }
0xe2: {  	[sflag:s11] =	ssyncset.done $0x0  }
0xe3: {  	s18 =	simm.s32 $0xB00;
	[sflag:s11] =	ssyncadd.s32 $0xFFFFF000  }
0xe4: {  	[spmem:s1] =	stream.indirect.scatter.add.f32 [tilespmem:s23], [sflag:$0x5], $0x80, s18, s31, $0xb8;
	[tilespmem:$0x1CC00] =	vst v63  }
0xe5: {  	_ =	swait.ge [sflag:s17], $0x4000  }
0xe6: {  	[sflag:s17] =	ssyncset.done $0x0  }
0xe7: {  	[sflag:s17] =	ssyncadd.s32 $0xFFFFC000  }
0xe8: {  	_ =	swait.ge [sflag:s29], $0x1000  }
0xe9: {  	[sflag:s29] =	ssyncset.done $0x0  }
0xea: {  	[sflag:s29] =	ssyncadd.s32 $0xFFFFF000  }
0xeb: {  	_ =	swait.ge [sflag:s29], $0x1000  }
0xec: {  	[sflag:s29] =	ssyncset.done $0x0  }
0xed: {  	[sflag:s29] =	ssyncadd.s32 $0xFFFFF000  }
0xee: {  	_ =	swait.ge [sflag:s29], $0x1000  }
0xef: {  	[sflag:s29] =	ssyncset.done $0x0  }
0xf0: {  	[sflag:s29] =	ssyncadd.s32 $0xFFFFF000  }
0xf1: {  	_ =	swait.ge [sflag:s29], $0x1000  }
0xf2: {  	[sflag:s29] =	ssyncset.done $0x0  }
0xf3: {  	s7 =	simm.s32 $0xB80;
	[sflag:s29] =	ssyncadd.s32 $0xFFFFF000  }
0xf4: {  	[spmem:s1] =	stream.indirect.scatter.add.f32 [tilespmem:s0], [sflag:$0x5], $0x80, s7, s31, $0xb8;
	[tilespmem:$0x1CC00] =	vst v63  }
0xf5: {  	_ =	swait.ge [sflag:s17], $0x4000  }
0xf6: {  	p0 =	seq.s32 s26, $0x400;
	[sflag:s17] =	ssyncset.done $0x0  }
0xf7: {  	s4 =	sadd.s32 @!p0 s26, s14;
	s18 =	simm.s32 @!p0 $0x0;
	[sflag:s17] =	ssyncadd.s32 $0xFFFFC000  }
0xf8: {  	[tilespmem:s18], [sflag:$0x1] =	stream.linear.gather @!p0 [hbm4b:s4+s18], $0x400, $0x38;
	[tilespmem:$0x1CC00] =	vst v63  }
0xf9: {  	s7 =	simm.s32 @!p0 $0x800;
	s4 =	sadd.s32 @!p0 s26, s15  }
0xfa: {  	[tilespmem:s7], [sflag:$0x1] =	stream.linear.gather @!p0 [hbm4b:s4+s18], $0x400, $0x38;
	[tilespmem:$0x1CC00] =	vst v63  }
0xfb: {  	_ =	swait.ge [sflag:s9], $0x400  }
0xfc: {  	[sflag:s9] =	ssyncset.done $0x0  }
0xfd: {  	[sflag:s9] =	ssyncadd.s32 $0xFFFFFC00  }
0xfe: {  	_ =	swait.ge [sflag:s9], $0x400  }
0xff: {  	[sflag:s9] =	ssyncset.done $0x0  }
0x100: {  	[sflag:s9] =	ssyncadd.s32 $0xFFFFFC00  }
0x101: {  	[tilespmem:s23], [sflag:$0x3] =	stream.indirect.gather [hbm4b:s3+s22], $0x80, s19, s22, $0xb8;
	[tilespmem:$0x1CC00] =	vst v63  }
0x102: {  	s18 =	simm.s32 $0x420  }
0x103: {  	[tilespmem:s25], [sflag:$0x3] =	stream.indirect.gather [hbm4b:s3+s22], $0x80, s18, s22, $0xb8;
	[tilespmem:$0x1CC00] =	vst v63  }
0x104: {  	s7 =	simm.s32 $0x440  }
0x105: {  	[tilespmem:s28], [sflag:$0x3] =	stream.indirect.gather [hbm4b:s3+s22], $0x80, s7, s22, $0xb8;
	[tilespmem:$0x1CC00] =	vst v63  }
0x106: {  	s18 =	simm.s32 $0x460  }
0x107: {  	[tilespmem:s30], [sflag:$0x3] =	stream.indirect.gather [hbm4b:s3+s22], $0x80, s18, s22, $0xb8;
	[tilespmem:$0x1CC00] =	vst v63  }
0x108: {  	s7 =	simm.s32 $0x480  }
0x109: {  	[tilespmem:s0], [sflag:$0x4] =	stream.indirect.gather [hbm4b:s3+s22], $0x80, s7, s22, $0xb8;
	[tilespmem:$0x1CC00] =	vst v63  }
0x10a: {  	s18 =	simm.s32 $0x4A0  }
0x10b: {  	[tilespmem:s5], [sflag:$0x4] =	stream.indirect.gather [hbm4b:s3+s22], $0x80, s18, s22, $0xb8;
	[tilespmem:$0x1CC00] =	vst v63  }
0x10c: {  	s7 =	simm.s32 $0x4C0  }
0x10d: {  	[tilespmem:s8], [sflag:$0x4] =	stream.indirect.gather [hbm4b:s3+s22], $0x80, s7, s22, $0xb8;
	[tilespmem:$0x1CC00] =	vst v63  }
0x10e: {  	s18 =	simm.s32 $0x4E0  }
0x10f: {  	[tilespmem:s10], [sflag:$0x4] =	stream.indirect.gather [hbm4b:s3+s22], $0x80, s18, s22, $0xb8;
	[tilespmem:$0x1CC00] =	vst v63  }
0x110: {  	_ =	swait.ge [sflag:s11], $0x1000  }
0x111: {  	[sflag:s11] =	ssyncset.done $0x0  }
0x112: {  	[sflag:s11] =	ssyncadd.s32 $0xFFFFF000  }
0x113: {  	_ =	swait.ge [sflag:s11], $0x1000  }
0x114: {  	[sflag:s11] =	ssyncset.done $0x0  }
0x115: {  	[sflag:s11] =	ssyncadd.s32 $0xFFFFF000  }
0x116: {  	_ =	swait.ge [sflag:s11], $0x1000  }
0x117: {  	[sflag:s11] =	ssyncset.done $0x0  }
0x118: {  	[sflag:s11] =	ssyncadd.s32 $0xFFFFF000  }
0x119: {  	_ =	swait.ge [sflag:s11], $0x1000  }
0x11a: {  	[sflag:s11] =	ssyncset.done $0x0  }
0x11b: {  	[sflag:s11] =	ssyncadd.s32 $0xFFFFF000  }
0x11c: {  	[spmem:s1] =	stream.indirect.scatter.add.f32 [tilespmem:s23], [sflag:$0x5], $0x80, s20, s31, $0xb8;
	[tilespmem:$0x1CC00] =	vst v63  }
0x11d: {  	_ =	swait.ge [sflag:s17], $0x4000  }
0x11e: {  	[sflag:s17] =	ssyncset.done $0x0  }
0x11f: {  	s7 =	simm.s32 $0x500;
	[sflag:s17] =	ssyncadd.s32 $0xFFFFC000  }
0x120: {  	[tilespmem:s23], [sflag:$0x3] =	stream.indirect.gather [hbm4b:s3+s22], $0x80, s7, s22, $0xb8;
	[tilespmem:$0x1CC00] =	vst v63  }
0x121: {  	s18 =	simm.s32 $0x520  }
0x122: {  	[tilespmem:s25], [sflag:$0x3] =	stream.indirect.gather [hbm4b:s3+s22], $0x80, s18, s22, $0xb8;
	[tilespmem:$0x1CC00] =	vst v63  }
0x123: {  	s7 =	simm.s32 $0x540  }
0x124: {  	[tilespmem:s28], [sflag:$0x3] =	stream.indirect.gather [hbm4b:s3+s22], $0x80, s7, s22, $0xb8;
	[tilespmem:$0x1CC00] =	vst v63  }
0x125: {  	s18 =	simm.s32 $0x560  }
0x126: {  	[tilespmem:s30], [sflag:$0x3] =	stream.indirect.gather [hbm4b:s3+s22], $0x80, s18, s22, $0xb8;
	[tilespmem:$0x1CC00] =	vst v63  }
0x127: {  	_ =	swait.ge [sflag:s29], $0x1000  }
0x128: {  	[sflag:s29] =	ssyncset.done $0x0  }
0x129: {  	[sflag:s29] =	ssyncadd.s32 $0xFFFFF000  }
0x12a: {  	_ =	swait.ge [sflag:s29], $0x1000  }
0x12b: {  	[sflag:s29] =	ssyncset.done $0x0  }
0x12c: {  	[sflag:s29] =	ssyncadd.s32 $0xFFFFF000  }
0x12d: {  	_ =	swait.ge [sflag:s29], $0x1000  }
0x12e: {  	[sflag:s29] =	ssyncset.done $0x0  }
0x12f: {  	[sflag:s29] =	ssyncadd.s32 $0xFFFFF000  }
0x130: {  	_ =	swait.ge [sflag:s29], $0x1000  }
0x131: {  	[sflag:s29] =	ssyncset.done $0x0  }
0x132: {  	s7 =	simm.s32 $0xC80;
	[sflag:s29] =	ssyncadd.s32 $0xFFFFF000  }
0x133: {  	[spmem:s1] =	stream.indirect.scatter.add.f32 [tilespmem:s0], [sflag:$0x5], $0x80, s7, s31, $0xb8;
	[tilespmem:$0x1CC00] =	vst v63  }
0x134: {  	_ =	swait.ge [sflag:s17], $0x4000  }
0x135: {  	[sflag:s17] =	ssyncset.done $0x0  }
0x136: {  	s18 =	simm.s32 $0x580;
	[sflag:s17] =	ssyncadd.s32 $0xFFFFC000  }
0x137: {  	[tilespmem:s0], [sflag:$0x4] =	stream.indirect.gather [hbm4b:s3+s22], $0x80, s18, s22, $0xb8;
	[tilespmem:$0x1CC00] =	vst v63  }
0x138: {  	s7 =	simm.s32 $0x5A0  }
0x139: {  	[tilespmem:s5], [sflag:$0x4] =	stream.indirect.gather [hbm4b:s3+s22], $0x80, s7, s22, $0xb8;
	[tilespmem:$0x1CC00] =	vst v63  }
0x13a: {  	s18 =	simm.s32 $0x5C0  }
0x13b: {  	[tilespmem:s8], [sflag:$0x4] =	stream.indirect.gather [hbm4b:s3+s22], $0x80, s18, s22, $0xb8;
	[tilespmem:$0x1CC00] =	vst v63  }
0x13c: {  	s7 =	simm.s32 $0x5E0  }
0x13d: {  	[tilespmem:s10], [sflag:$0x4] =	stream.indirect.gather [hbm4b:s3+s22], $0x80, s7, s22, $0xb8;
	[tilespmem:$0x1CC00] =	vst v63  }
0x13e: {  	_ =	swait.ge [sflag:s11], $0x1000  }
0x13f: {  	[sflag:s11] =	ssyncset.done $0x0  }
0x140: {  	[sflag:s11] =	ssyncadd.s32 $0xFFFFF000  }
0x141: {  	_ =	swait.ge [sflag:s11], $0x1000  }
0x142: {  	[sflag:s11] =	ssyncset.done $0x0  }
0x143: {  	[sflag:s11] =	ssyncadd.s32 $0xFFFFF000  }
0x144: {  	_ =	swait.ge [sflag:s11], $0x1000  }
0x145: {  	[sflag:s11] =	ssyncset.done $0x0  }
0x146: {  	[sflag:s11] =	ssyncadd.s32 $0xFFFFF000  }
0x147: {  	_ =	swait.ge [sflag:s11], $0x1000  }
0x148: {  	[sflag:s11] =	ssyncset.done $0x0  }
0x149: {  	s18 =	simm.s32 $0xD00;
	[sflag:s11] =	ssyncadd.s32 $0xFFFFF000  }
0x14a: {  	[spmem:s1] =	stream.indirect.scatter.add.f32 [tilespmem:s23], [sflag:$0x5], $0x80, s18, s31, $0xb8;
	[tilespmem:$0x1CC00] =	vst v63  }
0x14b: {  	_ =	swait.ge [sflag:s17], $0x4000  }
0x14c: {  	[sflag:s17] =	ssyncset.done $0x0  }
0x14d: {  	s7 =	simm.s32 $0x600;
	[sflag:s17] =	ssyncadd.s32 $0xFFFFC000  }
0x14e: {  	[tilespmem:s23], [sflag:$0x3] =	stream.indirect.gather [hbm4b:s3+s22], $0x80, s7, s22, $0xb8;
	[tilespmem:$0x1CC00] =	vst v63  }
0x14f: {  	s18 =	simm.s32 $0x620  }
0x150: {  	[tilespmem:s25], [sflag:$0x3] =	stream.indirect.gather [hbm4b:s3+s22], $0x80, s18, s22, $0xb8;
	[tilespmem:$0x1CC00] =	vst v63  }
0x151: {  	s7 =	simm.s32 $0x640  }
0x152: {  	[tilespmem:s28], [sflag:$0x3] =	stream.indirect.gather [hbm4b:s3+s22], $0x80, s7, s22, $0xb8;
	[tilespmem:$0x1CC00] =	vst v63  }
0x153: {  	s18 =	simm.s32 $0x660  }
0x154: {  	[tilespmem:s30], [sflag:$0x3] =	stream.indirect.gather [hbm4b:s3+s22], $0x80, s18, s22, $0xb8;
	[tilespmem:$0x1CC00] =	vst v63  }
0x155: {  	_ =	swait.ge [sflag:s29], $0x1000  }
0x156: {  	[sflag:s29] =	ssyncset.done $0x0  }
0x157: {  	[sflag:s29] =	ssyncadd.s32 $0xFFFFF000  }
0x158: {  	_ =	swait.ge [sflag:s29], $0x1000  }
0x159: {  	[sflag:s29] =	ssyncset.done $0x0  }
0x15a: {  	[sflag:s29] =	ssyncadd.s32 $0xFFFFF000  }
0x15b: {  	_ =	swait.ge [sflag:s29], $0x1000  }
0x15c: {  	[sflag:s29] =	ssyncset.done $0x0  }
0x15d: {  	[sflag:s29] =	ssyncadd.s32 $0xFFFFF000  }
0x15e: {  	_ =	swait.ge [sflag:s29], $0x1000  }
0x15f: {  	[sflag:s29] =	ssyncset.done $0x0  }
0x160: {  	s7 =	simm.s32 $0xD80;
	[sflag:s29] =	ssyncadd.s32 $0xFFFFF000  }
0x161: {  	[spmem:s1] =	stream.indirect.scatter.add.f32 [tilespmem:s0], [sflag:$0x5], $0x80, s7, s31, $0xb8;
	[tilespmem:$0x1CC00] =	vst v63  }
0x162: {  	_ =	swait.ge [sflag:s17], $0x4000  }
0x163: {  	[sflag:s17] =	ssyncset.done $0x0  }
0x164: {  	s18 =	simm.s32 $0x680;
	[sflag:s17] =	ssyncadd.s32 $0xFFFFC000  }
0x165: {  	[tilespmem:s0], [sflag:$0x4] =	stream.indirect.gather [hbm4b:s3+s22], $0x80, s18, s22, $0xb8;
	[tilespmem:$0x1CC00] =	vst v63  }
0x166: {  	s7 =	simm.s32 $0x6A0  }
0x167: {  	[tilespmem:s5], [sflag:$0x4] =	stream.indirect.gather [hbm4b:s3+s22], $0x80, s7, s22, $0xb8;
	[tilespmem:$0x1CC00] =	vst v63  }
0x168: {  	s18 =	simm.s32 $0x6C0  }
0x169: {  	[tilespmem:s8], [sflag:$0x4] =	stream.indirect.gather [hbm4b:s3+s22], $0x80, s18, s22, $0xb8;
	[tilespmem:$0x1CC00] =	vst v63  }
0x16a: {  	s7 =	simm.s32 $0x6E0  }
0x16b: {  	[tilespmem:s10], [sflag:$0x4] =	stream.indirect.gather [hbm4b:s3+s22], $0x80, s7, s22, $0xb8;
	[tilespmem:$0x1CC00] =	vst v63  }
0x16c: {  	_ =	swait.ge [sflag:s11], $0x1000  }
0x16d: {  	[sflag:s11] =	ssyncset.done $0x0  }
0x16e: {  	[sflag:s11] =	ssyncadd.s32 $0xFFFFF000  }
0x16f: {  	_ =	swait.ge [sflag:s11], $0x1000  }
0x170: {  	[sflag:s11] =	ssyncset.done $0x0  }
0x171: {  	[sflag:s11] =	ssyncadd.s32 $0xFFFFF000  }
0x172: {  	_ =	swait.ge [sflag:s11], $0x1000  }
0x173: {  	[sflag:s11] =	ssyncset.done $0x0  }
0x174: {  	[sflag:s11] =	ssyncadd.s32 $0xFFFFF000  }
0x175: {  	_ =	swait.ge [sflag:s11], $0x1000  }
0x176: {  	[sflag:s11] =	ssyncset.done $0x0  }
0x177: {  	s18 =	simm.s32 $0xE00;
	[sflag:s11] =	ssyncadd.s32 $0xFFFFF000  }
0x178: {  	[spmem:s1] =	stream.indirect.scatter.add.f32 [tilespmem:s23], [sflag:$0x5], $0x80, s18, s31, $0xb8;
	[tilespmem:$0x1CC00] =	vst v63  }
0x179: {  	_ =	swait.ge [sflag:s17], $0x4000  }
0x17a: {  	[sflag:s17] =	ssyncset.done $0x0  }
0x17b: {  	s7 =	simm.s32 $0x700;
	[sflag:s17] =	ssyncadd.s32 $0xFFFFC000  }
0x17c: {  	[tilespmem:s23], [sflag:$0x3] =	stream.indirect.gather [hbm4b:s3+s22], $0x80, s7, s22, $0xb8;
	[tilespmem:$0x1CC00] =	vst v63  }
0x17d: {  	s18 =	simm.s32 $0x720  }
0x17e: {  	[tilespmem:s25], [sflag:$0x3] =	stream.indirect.gather [hbm4b:s3+s22], $0x80, s18, s22, $0xb8;
	[tilespmem:$0x1CC00] =	vst v63  }
0x17f: {  	s7 =	simm.s32 $0x740  }
0x180: {  	[tilespmem:s28], [sflag:$0x3] =	stream.indirect.gather [hbm4b:s3+s22], $0x80, s7, s22, $0xb8;
	[tilespmem:$0x1CC00] =	vst v63  }
0x181: {  	s18 =	simm.s32 $0x760  }
0x182: {  	[tilespmem:s30], [sflag:$0x3] =	stream.indirect.gather [hbm4b:s3+s22], $0x80, s18, s22, $0xb8;
	[tilespmem:$0x1CC00] =	vst v63  }
0x183: {  	_ =	swait.ge [sflag:s29], $0x1000  }
0x184: {  	[sflag:s29] =	ssyncset.done $0x0  }
0x185: {  	[sflag:s29] =	ssyncadd.s32 $0xFFFFF000  }
0x186: {  	_ =	swait.ge [sflag:s29], $0x1000  }
0x187: {  	[sflag:s29] =	ssyncset.done $0x0  }
0x188: {  	[sflag:s29] =	ssyncadd.s32 $0xFFFFF000  }
0x189: {  	_ =	swait.ge [sflag:s29], $0x1000  }
0x18a: {  	[sflag:s29] =	ssyncset.done $0x0  }
0x18b: {  	[sflag:s29] =	ssyncadd.s32 $0xFFFFF000  }
0x18c: {  	_ =	swait.ge [sflag:s29], $0x1000  }
0x18d: {  	[sflag:s29] =	ssyncset.done $0x0  }
0x18e: {  	s7 =	simm.s32 $0xE80;
	[sflag:s29] =	ssyncadd.s32 $0xFFFFF000  }
0x18f: {  	[spmem:s1] =	stream.indirect.scatter.add.f32 [tilespmem:s0], [sflag:$0x5], $0x80, s7, s31, $0xb8;
	[tilespmem:$0x1CC00] =	vst v63  }
0x190: {  	_ =	swait.ge [sflag:s17], $0x4000  }
0x191: {  	[sflag:s17] =	ssyncset.done $0x0  }
0x192: {  	s18 =	simm.s32 $0x780;
	[sflag:s17] =	ssyncadd.s32 $0xFFFFC000  }
0x193: {  	[tilespmem:s0], [sflag:$0x4] =	stream.indirect.gather [hbm4b:s3+s22], $0x80, s18, s22, $0xb8;
	[tilespmem:$0x1CC00] =	vst v63  }
0x194: {  	s7 =	simm.s32 $0x7A0  }
0x195: {  	[tilespmem:s5], [sflag:$0x4] =	stream.indirect.gather [hbm4b:s3+s22], $0x80, s7, s22, $0xb8;
	[tilespmem:$0x1CC00] =	vst v63  }
0x196: {  	s18 =	simm.s32 $0x7C0  }
0x197: {  	[tilespmem:s8], [sflag:$0x4] =	stream.indirect.gather [hbm4b:s3+s22], $0x80, s18, s22, $0xb8;
	[tilespmem:$0x1CC00] =	vst v63  }
0x198: {  	_ = 	snop  }
0x199: {  	[tilespmem:s10], [sflag:$0x4] =	stream.indirect.gather [hbm4b:s3+s22], $0x80, s24, s22, $0xb8;
	[tilespmem:$0x1CC00] =	vst v63  }
0x19a: {  	_ =	swait.ge [sflag:s11], $0x1000  }
0x19b: {  	[sflag:s11] =	ssyncset.done $0x0  }
0x19c: {  	[sflag:s11] =	ssyncadd.s32 $0xFFFFF000  }
0x19d: {  	_ =	swait.ge [sflag:s11], $0x1000  }
0x19e: {  	[sflag:s11] =	ssyncset.done $0x0  }
0x19f: {  	[sflag:s11] =	ssyncadd.s32 $0xFFFFF000  }
0x1a0: {  	_ =	swait.ge [sflag:s11], $0x1000  }
0x1a1: {  	[sflag:s11] =	ssyncset.done $0x0  }
0x1a2: {  	[sflag:s11] =	ssyncadd.s32 $0xFFFFF000  }
0x1a3: {  	_ =	swait.ge [sflag:s11], $0x1000  }
0x1a4: {  	[sflag:s11] =	ssyncset.done $0x0  }
0x1a5: {  	[sflag:s11] =	ssyncadd.s32 $0xFFFFF000  }
0x1a6: {  	[spmem:s1] =	stream.indirect.scatter.add.f32 [tilespmem:s23], [sflag:$0x5], $0x80, s6, s31, $0xb8;
	[tilespmem:$0x1CC00] =	vst v63  }
0x1a7: {  	_ =	swait.ge [sflag:s17], $0x4000  }
0x1a8: {  	[sflag:s17] =	ssyncset.done $0x0  }
0x1a9: {  	[sflag:s17] =	ssyncadd.s32 $0xFFFFC000  }
0x1aa: {  	_ =	swait.ge [sflag:s29], $0x1000  }
0x1ab: {  	[sflag:s29] =	ssyncset.done $0x0  }
0x1ac: {  	[sflag:s29] =	ssyncadd.s32 $0xFFFFF000  }
0x1ad: {  	_ =	swait.ge [sflag:s29], $0x1000  }
0x1ae: {  	[sflag:s29] =	ssyncset.done $0x0  }
0x1af: {  	[sflag:s29] =	ssyncadd.s32 $0xFFFFF000  }
0x1b0: {  	_ =	swait.ge [sflag:s29], $0x1000  }
0x1b1: {  	[sflag:s29] =	ssyncset.done $0x0  }
0x1b2: {  	[sflag:s29] =	ssyncadd.s32 $0xFFFFF000  }
0x1b3: {  	_ =	swait.ge [sflag:s29], $0x1000  }
0x1b4: {  	[sflag:s29] =	ssyncset.done $0x0  }
.Ltmp2:
0x1b5: {  	[sflag:s29] =	ssyncadd.s32 $0xFFFFF000;
	(pc) =	sbr.rel @p0 .LBB2_4-.Ltmp2, $4  }
0x1b6: {  	[spmem:s1] =	stream.indirect.scatter.add.f32 [tilespmem:s0], [sflag:$0x5], $0x80, s16, s31, $0xb8;
	[tilespmem:$0x1CC00] =	vst v63  }
0x1b7: {  	_ =	swait.ge [sflag:s17], $0x4000  }
0x1b8: {  	[sflag:s17] =	ssyncset.done $0x0  }
0x1b9: {  	[sflag:s17] =	ssyncadd.s32 $0xFFFFC000  }
.Ltmp3:
0x1ba: {  	(pc) =	sbr.rel .LBB2_2-.Ltmp3, $4  }
0x1bb: {  	s4 =	sadd.s32 s26, s13  }
0x1bc: {  	[tilespmem:s19], [sflag:$0x2] =	stream.linear.gather [hbm4b:s4+s2], $0x400, $0x38;
	[tilespmem:$0x1CC00] =	vst v63  }
0x1bd: {  	s18 =	sadd.s32 s26, s12;
	s26 =	sadd.s32 $0x100, s26  }
0x1be: {  	[tilespmem:s20], [sflag:$0x2] =	stream.linear.gather [hbm4b:s18+s2], $0x400, $0x38;
	[tilespmem:$0x1CC00] =	vst v63  }
.LBB2_5:
0x1bf: {  	_ =	sfence.sel $0x180000  }
0x1c0: {  	[bflag:$0x0] =	sbarrier.arrive $0xFFFF  }
0x1c1: {  	_ =	strace $0x9000004A  }
0x1c2: {  	s0 =	stileid.u32;
	[bflag:$0x2] =	sbarrier.arrive $0xFFFF  }
0x1c3: {  	p0 =	sne.s32 s0, $0x0;
	s0 =	rddreg [dreg:$0x3]  }
0x1c4: {  	s0 =	sadd.s32 @!p0 $0x100000, s0  }
0x1c5: {  	[sflag:s0] =	ssyncadd.tile.s32 @!p0 $0x1;
	_ =	shalt  }
.Lfunc_end2:
_tile_overlayer_lowered:
.L_overlay_start_2:
0x1c6: {  	(tag) =	ssettag $0x2  }
0x1c7: {  	s0 =	rddreg [dreg:$0x0];
	s2 =	stileid.u32  }
0x1c8: {  	s1 =	rddreg [dreg:$0x1];
	p0 =	sne.s32 s2, $0x0  }
0x1c9: {  	s3 =	rddreg [dreg:$0x2];
	[bflag:$0x3] =	sbarrier.arrive $0xFFFF;
	s2 =	simm.s32 @!p0 $0x1C05  }
0x1ca: {  	[timem:s3], [sflag:s2] =	dma.local @!p0 [hbm:s0], s1  }
0x1cb: {  	s0 =	simm.s32 @!p0 $0x5  }
0x1cc: {  	_ =	swait.ge @!p0 [sflag:s0], s1  }
0x1cd: {  	s1 =	ssub.s32 @!p0 $0x0, s1;
	[sflag:s0] =	ssyncset.done @!p0 $0x0  }
0x1ce: {  	[sflag:s0] =	ssyncadd.s32 @!p0 s1  }
0x1cf: {  	[bflag:$0x3] =	sbarrier.arrive $0xFFFF  }
0x1d0: {  	_ =	shalt  }

// kernel: kernel.15.cloned.1.call-start
scs
__scs_entry_jumppad:
0x0: {  	(pc) =	sbr.rel $0x88, $3  }
0x1: {  	(tag) =	ssettag $0x0;
	lr =	simm.s32 $0x1  }
0x2: {  	[smem:$0x3F9B] =	sst lr;
	_ =	strace $0xD0000000  }
0x3: {  	_ = 	snop  }
0x4: {  	_ = 	snop  }
0x5: {  	_ = 	snop  }
0x6: {  	_ = 	snop  }
0x7: {  	_ = 	snop  }
__scs_overlays_trampoline_lowered:
0x8: {  	[smem:$0x3FAA] =	sst s0  }
0x9: {  	[smem:$0x3FAB] =	sst s1  }
0xa: {  	[smem:$0x3FAC] =	sst s2  }
0xb: {  	[smem:$0x3FAD] =	sst s3  }
0xc: {  	[smem:$0x3FAE] =	sst s4  }
0xd: {  	[smem:$0x3FAF] =	sst s5  }
0xe: {  	[smem:$0x3FB0] =	sst s6  }
0xf: {  	[smem:$0x3FB1] =	sst s7  }
0x10: {  	[smem:$0x3FB2] =	sst s8  }
0x11: {  	[smem:$0x3FB3] =	sst s9;
	s0 =	simm.s32 @!p0 $0x0  }
0x12: {  	s1 =	sld [smem:$0x3F99];
	s0 =	simm.s32 @p0 $0x1  }
0x13: {  	[smem:$0x3FB4] =	sst s0;
	s0 =	simm.s32 @!p1 $0x0  }
0x14: {  	s2 =	sld [smem:$0x3F98];
	s0 =	simm.s32 @p1 $0x1  }
0x15: {  	[smem:$0x3FB5] =	sst s0;
	s0 =	simm.s32 @!p2 $0x0  }
0x16: {  	s3 =	sld [smem:$0x3FDB];
	s0 =	simm.s32 @p2 $0x1  }
0x17: {  	s4 =	simm.s32 $0x1BF5;
	[smem:$0x3FB7] =	sst s0  }
0x18: {  	s0 =	sld [smem:$0x3F9A];
	_ =	swait.ge [sflag:s4], $0x0  }
0x19: {  	s7 =	sld [smem:$0x3F9B]  }
0x1a: {  	s8 =	sadd.s32 $0xFFFFE003, lr  }
0x1b: {  	s9 =	sadd.s32 $0xFFFFFEF7, lr;
	s5 =	simm.s32 $0xFFFFFFFF;
	p2 =	slt.u32 s8, $0xFFFFF086  }
0x1c: {  	p1 =	slt.u32 s9, $0xF7A;
	s5 =	simm.s32 @!p2 $0x0  }
0x1d: {  	s5 =	simm.s32 @p1 $0x1;
	p0 =	seq.s32 s7, s2  }
0x1e: {  	s7 =	smul.u32 @!p0 $0xF7A, s2;
	p2 =	seq.s32 @!p0 s5, $0x0  }
0x1f: {  	s9 =	smul.u32 $0xF7A, s1;
	s8 =	simm.s32 @!p0 $0x1BF5;
	p2 =	por !p2, p0  }
0x20: {  	[sflag:s8] =	ssyncset.s32 @!p0 $0xFFFFF086;
	s6 =	sadd.s32 @!p0 s3, s7;
	s7 =	simm.s32 @!p0 $0x108  }
0x21: {  	s3 =	sadd.s32 s3, s9;
	s6 =	sadd.s32 @!p0 $0x88, s6;
	s7 =	simm.s32 @p2 $0x1082  }
0x22: {  	[simem:s7], [sflag:s8] =	dma.local @!p0 [hbm:s6], $0xF7A  }
0x23: {  	s9 =	sor.u32 $0xD0000000, s2;
	s6 =	simm.s32 $0x108;
	_ =	swait.ge @!p0 [sflag:s8], $0x0  }
0x24: {  	s3 =	sadd.s32 $0x88, s3;
	s6 =	simm.s32 @!p1 $0x1082;
	[sflag:s4] =	ssyncset.s32 $0xFFFFF086  }
0x25: {  	[simem:s6], [sflag:s4] =	dma.local [hbm:s3], $0xF7A  }
0x26: {  	[smem:$0x3F9B] =	sst s1;
	(tag) =	ssettag s2;
	_ =	strace s9  }
0x27: {  	s1 =	sld [smem:$0x3FAB]  }
0x28: {  	s2 =	sld [smem:$0x3FAC]  }
0x29: {  	s4 =	sld [smem:$0x3FAE]  }
0x2a: {  	p0 =	seq.s32 s5, $0x0;
	s5 =	sld [smem:$0x3FAF]  }
0x2b: {  	s6 =	sld [smem:$0x3FB0]  }
0x2c: {  	s7 =	sld [smem:$0x3FB1]  }
0x2d: {  	s3 =	simm.s32 $0x108;
	s8 =	sld [smem:$0x3FB2]  }
0x2e: {  	s3 =	simm.s32 @!p0 $0x1082;
	s9 =	sld [smem:$0x3FB3]  }
0x2f: {  	lr =	sadd.s32 s0, s3;
	s0 =	sld [smem:$0x3FAA]  }
0x30: {  	s3 =	sld [smem:$0x3FAD]  }
0x31: {  	[smem:$0x3FB6] =	sst s10  }
0x32: {  	s10 =	sld [smem:$0x3FB4];
	_ =	sdelay $0x3  }
0x33: {  	p0 =	seq.s32 s10, $0x1;
	s10 =	sld [smem:$0x3FB6];
	_ =	sdelay $0x3  }
0x34: {  	[smem:$0x3FB6] =	sst s10  }
0x35: {  	s10 =	sld [smem:$0x3FB5];
	_ =	sdelay $0x3  }
0x36: {  	p1 =	seq.s32 s10, $0x1;
	s10 =	sld [smem:$0x3FB6];
	_ =	sdelay $0x3  }
0x37: {  	[smem:$0x3FB6] =	sst s10  }
0x38: {  	s10 =	sld [smem:$0x3FB7]  }
0x39: {  	_ = 	snop;
	(pc) =	sbr.ind lr, $3  }
0x3a: {  	_ = 	snop  }
0x3b: {  	_ = 	snop  }
0x3c: {  	p2 =	seq.s32 s10, $0x1;
	s10 =	sld [smem:$0x3FB6]  }
0x3d: {  	_ =	shalt  }
0x3e: {  	_ =	shalt  }
0x3f: {  	_ =	shalt  }
0x40: {  	_ =	shalt  }
0x41: {  	_ =	shalt  }
0x42: {  	_ =	shalt  }
0x43: {  	_ =	shalt  }
0x44: {  	_ =	shalt  }
0x45: {  	_ =	shalt  }
0x46: {  	_ =	shalt  }
0x47: {  	_ =	shalt  }
0x48: {  	_ =	shalt  }
0x49: {  	_ =	shalt  }
0x4a: {  	_ =	shalt  }
0x4b: {  	_ =	shalt  }
0x4c: {  	_ =	shalt  }
0x4d: {  	_ =	shalt  }
0x4e: {  	_ =	shalt  }
0x4f: {  	_ =	shalt  }
0x50: {  	_ =	shalt  }
0x51: {  	_ =	shalt  }
0x52: {  	_ =	shalt  }
0x53: {  	_ =	shalt  }
0x54: {  	_ =	shalt  }
0x55: {  	_ =	shalt  }
0x56: {  	_ =	shalt  }
0x57: {  	_ =	shalt  }
0x58: {  	_ =	shalt  }
0x59: {  	_ =	shalt  }
0x5a: {  	_ =	shalt  }
0x5b: {  	_ =	shalt  }
0x5c: {  	_ =	shalt  }
0x5d: {  	_ =	shalt  }
0x5e: {  	_ =	shalt  }
0x5f: {  	_ =	shalt  }
0x60: {  	_ =	shalt  }
0x61: {  	_ =	shalt  }
0x62: {  	_ =	shalt  }
0x63: {  	_ =	shalt  }
0x64: {  	_ =	shalt  }
0x65: {  	_ =	shalt  }
0x66: {  	_ =	shalt  }
0x67: {  	_ =	shalt  }
0x68: {  	_ =	shalt  }
0x69: {  	_ =	shalt  }
0x6a: {  	_ =	shalt  }
0x6b: {  	_ =	shalt  }
0x6c: {  	_ =	shalt  }
0x6d: {  	_ =	shalt  }
0x6e: {  	_ =	shalt  }
0x6f: {  	_ =	shalt  }
0x70: {  	_ =	shalt  }
0x71: {  	_ =	shalt  }
0x72: {  	_ =	shalt  }
0x73: {  	_ =	shalt  }
0x74: {  	_ =	shalt  }
0x75: {  	_ =	shalt  }
0x76: {  	_ =	shalt  }
0x77: {  	_ =	shalt  }
0x78: {  	_ =	shalt  }
0x79: {  	_ =	shalt  }
0x7a: {  	_ =	shalt  }
0x7b: {  	_ =	shalt  }
0x7c: {  	_ =	shalt  }
0x7d: {  	_ =	shalt  }
0x7e: {  	_ =	shalt  }
0x7f: {  	_ =	shalt  }
0x80: {  	_ =	shalt  }
0x81: {  	_ =	shalt  }
0x82: {  	_ =	shalt  }
0x83: {  	_ =	shalt  }
0x84: {  	_ =	shalt  }
0x85: {  	_ =	shalt  }
0x86: {  	_ =	shalt  }
0x87: {  	_ =	shalt  }
.Lfunc_end0:
.L_simem_size_0:
called_computation.2_lowered:
.L_overlay_start_0:
0x88: {  	s2 =	sld [smem:$0x3FD9]  }
0x89: {  	s3 =	sld [smem:$0x3FFE];
	_ =	sdelay $0x1  }
0x8a: {  	s1 =	srdreg.scid  }
0x8b: {  	s0 =	sand.u32 $0x1, s1  }
0x8c: {  	s17 =	sshll.u32 s0, $0xA;
	s2 =	sadd.s32 s3, s2  }
0x8d: {  	s2 =	sadd.s32 s2, s17  }
0x8e: {  	[smem:$0x3FC2] =	sst s2  }
0x8f: {  	_ = 	snop  }
0x90: {  	s2 =	sld [smem:$0x3FD0];
	(tm) =	ssettm $0x1  }
0x91: {  	s18 =	sld [smem:$0x3FFB];
	_ =	sdelay $0x3  }
0x92: {  	_ =	strace s18  }
0x93: {  	s3 =	sld [smem:$0x3FFC];
	_ =	sdelay $0x3  }
0x94: {  	_ =	strace s3  }
0x95: {  	s3 =	sld [smem:$0x3FFD];
	_ =	sdelay $0x3  }
0x96: {  	_ =	strace s3  }
0x97: {  	_ =	strace $0x8FFFFFFF  }
0x98: {  	s19 =	sld [smem:$0x3FDB];
	_ =	sdelay $0x1  }
0x99: {  	s4 =	simm.s32 $_scs_section_size  }
0x9a: {  	s5 =	simm.s32 $_size__tile_overlayer_lowered;
	s6 =	simm.s32 $_tile_overlayer_lowered  }
0x9b: {  	s22 =	simm.s32 $0x1BFF;
	s21 =	sshll.u32 s6, $0x1;
	s3 =	sadd.s32 s4, s19  }
0x9c: {  	s7 =	simm.s32 $0x0;
	s20 =	sshll.u32 s5, $0x1;
	s5 =	sadd.s32 s21, s3  }
0x9d: {  	[timem:s7], [sflag:s22] =	dma.local [hbm:s5], s20  }
0x9e: {  	_ =	swait.ge [sflag:s22], s20  }
0x9f: {  	s4 =	ssub.s32 $0x0, s20;
	[sflag:s22] =	ssyncset.done $0x0  }
0xa0: {  	[sflag:s22] =	ssyncadd.s32 s4;
	_ =	sdelay $0x1  }
0xa1: {  	s23 =	simm.s32 $0x1B8B  }
0xa2: {  	_ =	swait.ge [sflag:s23], $0x1  }
0xa3: {  	[sflag:s23] =	ssyncset.done $0x0  }
0xa4: {  	s25 =	simm.s32 $0x1B8E;
	s24 =	sld [smem:$0x3FFE];
	[sflag:s23] =	ssyncadd.s32 $0xFFFFFFFF  }
0xa5: {  	s26 =	simm.s32 $execute0_lowered;
	[smem:$0x3FD2] =	sst s25  }
0xa6: {  	s5 =	sshll.u32 s26, $0x1;
	_ =	strace $0x8000004C;
	[dreg:$0x1] =	wrdreg $0xFFFFFFFF  }
0xa7: {  	s28 =	simm.s32 $_size_execute0_lowered;
	s3 =	sadd.s32 s3, s5;
	[dreg:$0x0] =	wrdreg $0x0  }
0xa8: {  	s5 =	sshll.u32 s28, $0x1;
	[dreg:$0x2] =	wrdreg s3  }
0xa9: {  	[dreg:$0x3] =	wrdreg s5  }
0xaa: {  	[dreg:$0x4] =	wrdreg $0xC0  }
0xab: {  	_ =	task [dreg:s7], $0x5FFFF  }
0xac: {  	[dreg:$0x1] =	wrdreg $0xFFFFFFFF  }
0xad: {  	[dreg:$0x0] =	wrdreg $0x60  }
0xae: {  	[dreg:$0x2] =	wrdreg s24  }
0xaf: {  	[dreg:$0x3] =	wrdreg s2  }
0xb0: {  	[dreg:$0x4] =	wrdreg $0x90000  }
0xb1: {  	[dreg:$0x5] =	wrdreg $0x9  }
0xb2: {  	_ =	task.clear_ibuf [dreg:s7], $0x6FFFF;
	_ =	strace $0x9000004C  }
0xb3: {  	s29 =	simm.s32 $0x9;
	_ =	strace $0x8000004E  }
0xb4: {  	_ =	swait.ge [sflag:s29], $0x1  }
0xb5: {  	[sflag:s29] =	ssyncadd.s32 $0xFFFFFFFF  }
0xb6: {  	_ =	strace $0x9000004E  }
0xb7: {  	_ =	sfence  }
0xb8: {  	s30 =	sld [smem:$0x0];
	_ =	sdelay $0x2  }
0xb9: {  	s31 =	sshll.u32 s1, $0xD;
	s1 =	sshrl.u32 s1, $0x2  }
0xba: {  	s3 =	sand.u32 $0x4000, s31;
	s1 =	sadd.s32 s1, s30  }
0xbb: {  	s0 =	sor.u32 s3, s0;
	s1 =	sshll.u32 s1, $0x11  }
0xbc: {  	s0 =	sor.u32 s1, s0  }
0xbd: {  	s0 =	sadd.s32 $0x8F2B, s0  }
0xbe: {  	[sflag:s0] =	ssyncadd.remote.s32 $0x1  }
0xbf: {  	_ =	sfence.sel $0xFFFF  }
0xc0: {  	[dreg:$0x0] =	wrdreg $0xFFFFFFFF;
	(pc) =	sbr.abs _section_cstart, $3  }
0xc1: {  	[dreg:$0x1] =	wrdreg $0xFFFFFFFF  }
0xc2: {  	_ =	task.clear_ibuf [dreg:s7], $0x2FFFF;
	_ =	strace $0x9FFFFFFF  }
0xc3: {  	(tm) =	ssettm $0x7FFFFFFF  }
tec
execute0_lowered:
.L_overlay_start_1:
0x0: {  	(tag) =	ssettag $0x1  }
0x1: {  	s0 =	rddreg [dreg:$0x0]  }
0x2: {  	s4 =	rddreg [dreg:$0x1]  }
0x3: {  	s1 =	rddreg [dreg:$0x2]  }
0x4: {  	s2 =	simm.s32 $0x0;
	s5 =	srdreg.scid;
	s13 =	stileid.u32  }
0x5: {  	s17 =	simm.s32 $0x5;
	s19 =	simm.s32 $0x400;
	s28 =	simm.s32 $0x3000  }
0x6: {  	s30 =	simm.s32 $0x4000;
	s31 =	simm.s32 $0x80;
	s29 =	simm.s32 $0x4  }
0x7: {  	[smem:$0x7FF] =	sst s2;
	s3 =	sadd.s32 $0x18E00, s0;
	s10 =	smul.u32 $0x4F000, s13  }
0x8: {  	s6 =	sadd.s32 $0xC600, s0;
	s7 =	sadd.s32 $0x16600, s0;
	s16 =	smul.u32 $0x2780, s13  }
0x9: {  	s5 =	sand.u32 $0x1, s5;
	s11 =	sshll.u32 s13, $0x1;
	s24 =	smul.u32 $0xA00, s13  }
0xa: {  	s15 =	sshll.u32 s13, $0x6;
	_ =	strace $0x8000004D;
	s25 =	smul.u32 $0x27800, s5  }
0xb: {  	[dreg:$0x4] =	wrdreg s7;
	s8 =	ssub.s32 $0x2, s5;
	s23 =	smul.u32 $0xA, s5  }
0xc: {  	s12 =	sor.u32 s5, s11;
	s18 =	sor.u32 $0x1C05, s15;
	s5 =	smul.u32 $0x500, s5  }
0xd: {  	s9 =	sshrl.u32 s8, $0x1;
	s14 =	sshrl.u32 s10, $0x2;
	s10 =	simm.s32 $0x8000  }
0xe: {  	[dreg:$0x5] =	wrdreg s18;
	s26 =	ssub.s32 s8, s9;
	s8 =	smul.u32 $0x500, s12  }
0xf: {  	s0 =	sadd.s32 s25, s0;
	s9 =	sadd.s32 s14, s1;
	s12 =	smul.u32 $0x14, s13  }
0x10: {  	s0 =	sadd.s32 $0x40600, s0;
	s7 =	smax.u32 s26, $0x1;
	s26 =	sadd.s32 s24, s4  }
0x11: {  	s20 =	sadd.s32 s6, s8;
	s21 =	sor.u32 $0x80, s8;
	s8 =	sadd.s32 s4, s8  }
0x12: {  	[dreg:$0xa] =	wrdreg s7;
	s25 =	sadd.s32 s23, s12;
	s23 =	simm.s32 $0x1000  }
0x13: {  	s0 =	sadd.s32 s16, s0;
	s16 =	simm.s32 $0xF80;
	[dreg:$0x6] =	wrdreg s20  }
0x14: {  	[dreg:$0x7] =	wrdreg s8;
	s22 =	sadd.s32 s6, s21;
	s11 =	sadd.s32 s4, s21  }
0x15: {  	s7 =	sshll.u32 s25, $0x7;
	s8 =	sadd.s32 s5, s26;
	s20 =	simm.s32 $0xC00  }
0x16: {  	s21 =	simm.s32 $0x1;
	[dreg:$0xc] =	wrdreg s0;
	s25 =	simm.s32 $0x2000  }
0x17: {  	s0 =	simm.s32 $0x5000;
	s26 =	simm.s32 $0x0;
	[dreg:$0x8] =	wrdreg s22  }
0x18: {  	[dreg:$0x9] =	wrdreg s11;
	s11 =	sadd.s32 s24, s6;
	s7 =	sadd.s32 $0x100, s7  }
.Ltmp0:
0x19: {  	s12 =	sadd.s32 $0x180, s8;
	s22 =	simm.s32 $0x20;
	(pc) =	sbr.rel .LBB2_1-.Ltmp0, $4  }
0x1a: {  	s8 =	simm.s32 $0x7000;
	s24 =	simm.s32 $0x7E0;
	s5 =	sadd.s32 s5, s11  }
0x1b: {  	s14 =	sadd.s32 s7, s6;
	s15 =	sadd.s32 s7, s4;
	s7 =	sshrl.u32 s9, $0x3  }
0x1c: {  	s11 =	simm.s32 $0x3;
	s9 =	simm.s32 $0x2;
	s6 =	simm.s32 $0xF00  }
0x1d: {  	s13 =	sadd.s32 $0x180, s5;
	s5 =	simm.s32 $0x6000;
	[dreg:$0xb] =	wrdreg s7  }
.LBB2_4:
0x1e: {  	[bflag:$0x0] =	sbarrier.arrive $0xFFFF  }
0x1f: {  	s18 =	rddreg [dreg:$0x5]  }
0x20: {  	s7 =	rddreg [dreg:$0xb]  }
0x21: {  	s4 =	rddreg [dreg:$0xc]  }
0x22: {  	[hbm:s4], [sflag:s18] =	dma.local [spmem:s7], $0x2780  }
0x23: {  	_ =	swait.ge [sflag:s17], $0x2780  }
0x24: {  	s26 =	rddreg [dreg:$0xd]  }
0x25: {  	s4 =	rddreg [dreg:$0xa];
	s26 =	sadd.s32 $0x1, s26  }
0x26: {  	p0 =	sne.s32 s26, s4  }
.Ltmp1:
0x27: {  	_ = 	snop;
	(pc) =	sbr.rel @!p0 .LBB2_5-.Ltmp1, $3  }
0x28: {  	_ =	sdelay $0x1  }
0x29: {  	[sflag:s17] =	ssyncset.done $0x0  }
0x2a: {  	[sflag:s17] =	ssyncadd.s32 $0xFFFFD880  }
.LBB2_1:
0x2b: {  	[dreg:$0xd] =	wrdreg s26  }
0x2c: {  	s4 =	rddreg [dreg:$0x4]  }
0x2d: {  	[spmem:s7], [sflag:s18] =	dma.local [hbm:s4], $0x2780  }
0x2e: {  	_ =	swait.ge [sflag:s17], $0x2780  }
0x2f: {  	[sflag:s17] =	ssyncset.done $0x0  }
0x30: {  	s7 =	rddreg [dreg:$0x6];
	[sflag:s17] =	ssyncadd.s32 $0xFFFFD880  }
0x31: {  	[tilespmem:s2], [sflag:$0x1] =	stream.linear.gather [hbm4b:s7+s2], $0x400, $0x38;
	[tilespmem:$0x1CC00] =	vst v63  }
0x32: {  	s26 =	simm.s32 $0x800;
	s18 =	rddreg [dreg:$0x7]  }
0x33: {  	[tilespmem:s26], [sflag:$0x1] =	stream.linear.gather [hbm4b:s18+s2], $0x400, $0x38;
	[tilespmem:$0x1CC00] =	vst v63  }
0x34: {  	s18 =	rddreg [dreg:$0x8]  }
0x35: {  	[tilespmem:s19], [sflag:$0x2] =	stream.linear.gather [hbm4b:s18+s2], $0x400, $0x38;
	[tilespmem:$0x1CC00] =	vst v63  }
0x36: {  	s26 =	rddreg [dreg:$0x9]  }
0x37: {  	[tilespmem:s20], [sflag:$0x2] =	stream.linear.gather [hbm4b:s26+s2], $0x400, $0x38;
	[tilespmem:$0x1CC00] =	vst v63  }
0x38: {  	s26 =	simm.s32 $0x0;
	[bflag:$0x0] =	sbarrier.arrive $0xFFFF  }
.LBB2_2:
0x39: {  	_ =	swait.ge [sflag:s21], $0x400  }
0x3a: {  	[sflag:s21] =	ssyncset.done $0x0  }
0x3b: {  	[sflag:s21] =	ssyncadd.s32 $0xFFFFFC00  }
0x3c: {  	_ =	swait.ge [sflag:s21], $0x400  }
0x3d: {  	[sflag:s21] =	ssyncset.done $0x0  }
0x3e: {  	[sflag:s21] =	ssyncadd.s32 $0xFFFFFC00  }
0x3f: {  	[tilespmem:s23], [sflag:$0x3] =	stream.indirect.gather [hbm4b:s3+s22], $0x80, s2, s22, $0xb8;
	[tilespmem:$0x1CC00] =	vst v63  }
0x40: {  	_ = 	snop  }
0x41: {  	[tilespmem:s25], [sflag:$0x3] =	stream.indirect.gather [hbm4b:s3+s22], $0x80, s22, s22, $0xb8;
	[tilespmem:$0x1CC00] =	vst v63  }
0x42: {  	s4 =	simm.s32 $0x40  }
0x43: {  	[tilespmem:s28], [sflag:$0x3] =	stream.indirect.gather [hbm4b:s3+s22], $0x80, s4, s22, $0xb8;
	[tilespmem:$0x1CC00] =	vst v63  }
0x44: {  	s18 =	simm.s32 $0x60  }
0x45: {  	[tilespmem:s30], [sflag:$0x3] =	stream.indirect.gather [hbm4b:s3+s22], $0x80, s18, s22, $0xb8;
	[tilespmem:$0x1CC00] =	vst v63  }
0x46: {  	_ = 	snop  }
0x47: {  	[tilespmem:s0], [sflag:$0x4] =	stream.indirect.gather [hbm4b:s3+s22], $0x80, s31, s22, $0xb8;
	[tilespmem:$0x1CC00] =	vst v63  }
0x48: {  	s7 =	simm.s32 $0xA0  }
0x49: {  	[tilespmem:s5], [sflag:$0x4] =	stream.indirect.gather [hbm4b:s3+s22], $0x80, s7, s22, $0xb8;
	[tilespmem:$0x1CC00] =	vst v63  }
0x4a: {  	s18 =	simm.s32 $0xC0  }
0x4b: {  	[tilespmem:s8], [sflag:$0x4] =	stream.indirect.gather [hbm4b:s3+s22], $0x80, s18, s22, $0xb8;
	[tilespmem:$0x1CC00] =	vst v63  }
0x4c: {  	s7 =	simm.s32 $0xE0  }
0x4d: {  	[tilespmem:s10], [sflag:$0x4] =	stream.indirect.gather [hbm4b:s3+s22], $0x80, s7, s22, $0xb8;
	[tilespmem:$0x1CC00] =	vst v63  }
0x4e: {  	_ =	swait.ge [sflag:s11], $0x1000  }
0x4f: {  	[sflag:s11] =	ssyncset.done $0x0  }
0x50: {  	[sflag:s11] =	ssyncadd.s32 $0xFFFFF000  }
0x51: {  	_ =	swait.ge [sflag:s11], $0x1000  }
0x52: {  	[sflag:s11] =	ssyncset.done $0x0  }
0x53: {  	[sflag:s11] =	ssyncadd.s32 $0xFFFFF000  }
0x54: {  	_ =	swait.ge [sflag:s11], $0x1000  }
0x55: {  	[sflag:s11] =	ssyncset.done $0x0  }
0x56: {  	[sflag:s11] =	ssyncadd.s32 $0xFFFFF000  }
0x57: {  	_ =	swait.ge [sflag:s11], $0x1000  }
0x58: {  	[sflag:s11] =	ssyncset.done $0x0  }
0x59: {  	s18 =	simm.s32 $0x800;
	[sflag:s11] =	ssyncadd.s32 $0xFFFFF000  }
0x5a: {  	[spmem:s1] =	stream.indirect.scatter.add.f32 [tilespmem:s23], [sflag:$0x5], $0x80, s18, s31, $0xb8;
	[tilespmem:$0x1CC00] =	vst v63  }
0x5b: {  	_ =	swait.ge [sflag:s17], $0x4000  }
0x5c: {  	[sflag:s17] =	ssyncset.done $0x0  }
0x5d: {  	s7 =	simm.s32 $0x100;
	[sflag:s17] =	ssyncadd.s32 $0xFFFFC000  }
0x5e: {  	[tilespmem:s23], [sflag:$0x3] =	stream.indirect.gather [hbm4b:s3+s22], $0x80, s7, s22, $0xb8;
	[tilespmem:$0x1CC00] =	vst v63  }
0x5f: {  	s18 =	simm.s32 $0x120  }
0x60: {  	[tilespmem:s25], [sflag:$0x3] =	stream.indirect.gather [hbm4b:s3+s22], $0x80, s18, s22, $0xb8;
	[tilespmem:$0x1CC00] =	vst v63  }
0x61: {  	s7 =	simm.s32 $0x140  }
0x62: {  	[tilespmem:s28], [sflag:$0x3] =	stream.indirect.gather [hbm4b:s3+s22], $0x80, s7, s22, $0xb8;
	[tilespmem:$0x1CC00] =	vst v63  }
0x63: {  	s18 =	simm.s32 $0x160  }
0x64: {  	[tilespmem:s30], [sflag:$0x3] =	stream.indirect.gather [hbm4b:s3+s22], $0x80, s18, s22, $0xb8;
	[tilespmem:$0x1CC00] =	vst v63  }
0x65: {  	_ =	swait.ge [sflag:s29], $0x1000  }
0x66: {  	[sflag:s29] =	ssyncset.done $0x0  }
0x67: {  	[sflag:s29] =	ssyncadd.s32 $0xFFFFF000  }
0x68: {  	_ =	swait.ge [sflag:s29], $0x1000  }
0x69: {  	[sflag:s29] =	ssyncset.done $0x0  }
0x6a: {  	[sflag:s29] =	ssyncadd.s32 $0xFFFFF000  }
0x6b: {  	_ =	swait.ge [sflag:s29], $0x1000  }
0x6c: {  	[sflag:s29] =	ssyncset.done $0x0  }
0x6d: {  	[sflag:s29] =	ssyncadd.s32 $0xFFFFF000  }
0x6e: {  	_ =	swait.ge [sflag:s29], $0x1000  }
0x6f: {  	[sflag:s29] =	ssyncset.done $0x0  }
0x70: {  	s7 =	simm.s32 $0x880;
	[sflag:s29] =	ssyncadd.s32 $0xFFFFF000  }
0x71: {  	[spmem:s1] =	stream.indirect.scatter.add.f32 [tilespmem:s0], [sflag:$0x5], $0x80, s7, s31, $0xb8;
	[tilespmem:$0x1CC00] =	vst v63  }
0x72: {  	_ =	swait.ge [sflag:s17], $0x4000  }
0x73: {  	[sflag:s17] =	ssyncset.done $0x0  }
0x74: {  	s18 =	simm.s32 $0x180;
	[sflag:s17] =	ssyncadd.s32 $0xFFFFC000  }
0x75: {  	[tilespmem:s0], [sflag:$0x4] =	stream.indirect.gather [hbm4b:s3+s22], $0x80, s18, s22, $0xb8;
	[tilespmem:$0x1CC00] =	vst v63  }
0x76: {  	s7 =	simm.s32 $0x1A0  }
0x77: {  	[tilespmem:s5], [sflag:$0x4] =	stream.indirect.gather [hbm4b:s3+s22], $0x80, s7, s22, $0xb8;
	[tilespmem:$0x1CC00] =	vst v63  }
0x78: {  	s18 =	simm.s32 $0x1C0  }
0x79: {  	[tilespmem:s8], [sflag:$0x4] =	stream.indirect.gather [hbm4b:s3+s22], $0x80, s18, s22, $0xb8;
	[tilespmem:$0x1CC00] =	vst v63  }
0x7a: {  	s7 =	simm.s32 $0x1E0  }
0x7b: {  	[tilespmem:s10], [sflag:$0x4] =	stream.indirect.gather [hbm4b:s3+s22], $0x80, s7, s22, $0xb8;
	[tilespmem:$0x1CC00] =	vst v63  }
0x7c: {  	_ =	swait.ge [sflag:s11], $0x1000  }
0x7d: {  	[sflag:s11] =	ssyncset.done $0x0  }
0x7e: {  	[sflag:s11] =	ssyncadd.s32 $0xFFFFF000  }
0x7f: {  	_ =	swait.ge [sflag:s11], $0x1000  }
0x80: {  	[sflag:s11] =	ssyncset.done $0x0  }
0x81: {  	[sflag:s11] =	ssyncadd.s32 $0xFFFFF000  }
0x82: {  	_ =	swait.ge [sflag:s11], $0x1000  }
0x83: {  	[sflag:s11] =	ssyncset.done $0x0  }
0x84: {  	[sflag:s11] =	ssyncadd.s32 $0xFFFFF000  }
0x85: {  	_ =	swait.ge [sflag:s11], $0x1000  }
0x86: {  	[sflag:s11] =	ssyncset.done $0x0  }
0x87: {  	s18 =	simm.s32 $0x900;
	[sflag:s11] =	ssyncadd.s32 $0xFFFFF000  }
0x88: {  	[spmem:s1] =	stream.indirect.scatter.add.f32 [tilespmem:s23], [sflag:$0x5], $0x80, s18, s31, $0xb8;
	[tilespmem:$0x1CC00] =	vst v63  }
0x89: {  	_ =	swait.ge [sflag:s17], $0x4000  }
0x8a: {  	[sflag:s17] =	ssyncset.done $0x0  }
0x8b: {  	s7 =	simm.s32 $0x200;
	[sflag:s17] =	ssyncadd.s32 $0xFFFFC000  }
0x8c: {  	[tilespmem:s23], [sflag:$0x3] =	stream.indirect.gather [hbm4b:s3+s22], $0x80, s7, s22, $0xb8;
	[tilespmem:$0x1CC00] =	vst v63  }
0x8d: {  	s18 =	simm.s32 $0x220  }
0x8e: {  	[tilespmem:s25], [sflag:$0x3] =	stream.indirect.gather [hbm4b:s3+s22], $0x80, s18, s22, $0xb8;
	[tilespmem:$0x1CC00] =	vst v63  }
0x8f: {  	s7 =	simm.s32 $0x240  }
0x90: {  	[tilespmem:s28], [sflag:$0x3] =	stream.indirect.gather [hbm4b:s3+s22], $0x80, s7, s22, $0xb8;
	[tilespmem:$0x1CC00] =	vst v63  }
0x91: {  	s18 =	simm.s32 $0x260  }
0x92: {  	[tilespmem:s30], [sflag:$0x3] =	stream.indirect.gather [hbm4b:s3+s22], $0x80, s18, s22, $0xb8;
	[tilespmem:$0x1CC00] =	vst v63  }
0x93: {  	_ =	swait.ge [sflag:s29], $0x1000  }
0x94: {  	[sflag:s29] =	ssyncset.done $0x0  }
0x95: {  	[sflag:s29] =	ssyncadd.s32 $0xFFFFF000  }
0x96: {  	_ =	swait.ge [sflag:s29], $0x1000  }
0x97: {  	[sflag:s29] =	ssyncset.done $0x0  }
0x98: {  	[sflag:s29] =	ssyncadd.s32 $0xFFFFF000  }
0x99: {  	_ =	swait.ge [sflag:s29], $0x1000  }
0x9a: {  	[sflag:s29] =	ssyncset.done $0x0  }
0x9b: {  	[sflag:s29] =	ssyncadd.s32 $0xFFFFF000  }
0x9c: {  	_ =	swait.ge [sflag:s29], $0x1000  }
0x9d: {  	[sflag:s29] =	ssyncset.done $0x0  }
0x9e: {  	s7 =	simm.s32 $0x980;
	[sflag:s29] =	ssyncadd.s32 $0xFFFFF000  }
0x9f: {  	[spmem:s1] =	stream.indirect.scatter.add.f32 [tilespmem:s0], [sflag:$0x5], $0x80, s7, s31, $0xb8;
	[tilespmem:$0x1CC00] =	vst v63  }
0xa0: {  	_ =	swait.ge [sflag:s17], $0x4000  }
0xa1: {  	[sflag:s17] =	ssyncset.done $0x0  }
0xa2: {  	s18 =	simm.s32 $0x280;
	[sflag:s17] =	ssyncadd.s32 $0xFFFFC000  }
0xa3: {  	[tilespmem:s0], [sflag:$0x4] =	stream.indirect.gather [hbm4b:s3+s22], $0x80, s18, s22, $0xb8;
	[tilespmem:$0x1CC00] =	vst v63  }
0xa4: {  	s7 =	simm.s32 $0x2A0  }
0xa5: {  	[tilespmem:s5], [sflag:$0x4] =	stream.indirect.gather [hbm4b:s3+s22], $0x80, s7, s22, $0xb8;
	[tilespmem:$0x1CC00] =	vst v63  }
0xa6: {  	s18 =	simm.s32 $0x2C0  }
0xa7: {  	[tilespmem:s8], [sflag:$0x4] =	stream.indirect.gather [hbm4b:s3+s22], $0x80, s18, s22, $0xb8;
	[tilespmem:$0x1CC00] =	vst v63  }
0xa8: {  	s7 =	simm.s32 $0x2E0  }
0xa9: {  	[tilespmem:s10], [sflag:$0x4] =	stream.indirect.gather [hbm4b:s3+s22], $0x80, s7, s22, $0xb8;
	[tilespmem:$0x1CC00] =	vst v63  }
0xaa: {  	_ =	swait.ge [sflag:s11], $0x1000  }
0xab: {  	[sflag:s11] =	ssyncset.done $0x0  }
0xac: {  	[sflag:s11] =	ssyncadd.s32 $0xFFFFF000  }
0xad: {  	_ =	swait.ge [sflag:s11], $0x1000  }
0xae: {  	[sflag:s11] =	ssyncset.done $0x0  }
0xaf: {  	[sflag:s11] =	ssyncadd.s32 $0xFFFFF000  }
0xb0: {  	_ =	swait.ge [sflag:s11], $0x1000  }
0xb1: {  	[sflag:s11] =	ssyncset.done $0x0  }
0xb2: {  	[sflag:s11] =	ssyncadd.s32 $0xFFFFF000  }
0xb3: {  	_ =	swait.ge [sflag:s11], $0x1000  }
0xb4: {  	[sflag:s11] =	ssyncset.done $0x0  }
0xb5: {  	s18 =	simm.s32 $0xA00;
	[sflag:s11] =	ssyncadd.s32 $0xFFFFF000  }
0xb6: {  	[spmem:s1] =	stream.indirect.scatter.add.f32 [tilespmem:s23], [sflag:$0x5], $0x80, s18, s31, $0xb8;
	[tilespmem:$0x1CC00] =	vst v63  }
0xb7: {  	_ =	swait.ge [sflag:s17], $0x4000  }
0xb8: {  	[sflag:s17] =	ssyncset.done $0x0  }
0xb9: {  	s7 =	simm.s32 $0x300;
	[sflag:s17] =	ssyncadd.s32 $0xFFFFC000  }
0xba: {  	[tilespmem:s23], [sflag:$0x3] =	stream.indirect.gather [hbm4b:s3+s22], $0x80, s7, s22, $0xb8;
	[tilespmem:$0x1CC00] =	vst v63  }
0xbb: {  	s18 =	simm.s32 $0x320  }
0xbc: {  	[tilespmem:s25], [sflag:$0x3] =	stream.indirect.gather [hbm4b:s3+s22], $0x80, s18, s22, $0xb8;
	[tilespmem:$0x1CC00] =	vst v63  }
0xbd: {  	s7 =	simm.s32 $0x340  }
0xbe: {  	[tilespmem:s28], [sflag:$0x3] =	stream.indirect.gather [hbm4b:s3+s22], $0x80, s7, s22, $0xb8;
	[tilespmem:$0x1CC00] =	vst v63  }
0xbf: {  	s18 =	simm.s32 $0x360  }
0xc0: {  	[tilespmem:s30], [sflag:$0x3] =	stream.indirect.gather [hbm4b:s3+s22], $0x80, s18, s22, $0xb8;
	[tilespmem:$0x1CC00] =	vst v63  }
0xc1: {  	_ =	swait.ge [sflag:s29], $0x1000  }
0xc2: {  	[sflag:s29] =	ssyncset.done $0x0  }
0xc3: {  	[sflag:s29] =	ssyncadd.s32 $0xFFFFF000  }
0xc4: {  	_ =	swait.ge [sflag:s29], $0x1000  }
0xc5: {  	[sflag:s29] =	ssyncset.done $0x0  }
0xc6: {  	[sflag:s29] =	ssyncadd.s32 $0xFFFFF000  }
0xc7: {  	_ =	swait.ge [sflag:s29], $0x1000  }
0xc8: {  	[sflag:s29] =	ssyncset.done $0x0  }
0xc9: {  	[sflag:s29] =	ssyncadd.s32 $0xFFFFF000  }
0xca: {  	_ =	swait.ge [sflag:s29], $0x1000  }
0xcb: {  	[sflag:s29] =	ssyncset.done $0x0  }
0xcc: {  	s7 =	simm.s32 $0xA80;
	[sflag:s29] =	ssyncadd.s32 $0xFFFFF000  }
0xcd: {  	[spmem:s1] =	stream.indirect.scatter.add.f32 [tilespmem:s0], [sflag:$0x5], $0x80, s7, s31, $0xb8;
	[tilespmem:$0x1CC00] =	vst v63  }
0xce: {  	_ =	swait.ge [sflag:s17], $0x4000  }
0xcf: {  	[sflag:s17] =	ssyncset.done $0x0  }
0xd0: {  	s18 =	simm.s32 $0x380;
	[sflag:s17] =	ssyncadd.s32 $0xFFFFC000  }
0xd1: {  	[tilespmem:s0], [sflag:$0x4] =	stream.indirect.gather [hbm4b:s3+s22], $0x80, s18, s22, $0xb8;
	[tilespmem:$0x1CC00] =	vst v63  }
0xd2: {  	s7 =	simm.s32 $0x3A0  }
0xd3: {  	[tilespmem:s5], [sflag:$0x4] =	stream.indirect.gather [hbm4b:s3+s22], $0x80, s7, s22, $0xb8;
	[tilespmem:$0x1CC00] =	vst v63  }
0xd4: {  	s18 =	simm.s32 $0x3C0  }
0xd5: {  	[tilespmem:s8], [sflag:$0x4] =	stream.indirect.gather [hbm4b:s3+s22], $0x80, s18, s22, $0xb8;
	[tilespmem:$0x1CC00] =	vst v63  }
0xd6: {  	s7 =	simm.s32 $0x3E0  }
0xd7: {  	[tilespmem:s10], [sflag:$0x4] =	stream.indirect.gather [hbm4b:s3+s22], $0x80, s7, s22, $0xb8;
	[tilespmem:$0x1CC00] =	vst v63  }
0xd8: {  	_ =	swait.ge [sflag:s11], $0x1000  }
0xd9: {  	[sflag:s11] =	ssyncset.done $0x0  }
0xda: {  	[sflag:s11] =	ssyncadd.s32 $0xFFFFF000  }
0xdb: {  	_ =	swait.ge [sflag:s11], $0x1000  }
0xdc: {  	[sflag:s11] =	ssyncset.done $0x0  }
0xdd: {  	[sflag:s11] =	ssyncadd.s32 $0xFFFFF000  }
0xde: {  	_ =	swait.ge [sflag:s11], $0x1000  }
0xdf: {  	[sflag:s11] =	ssyncset.done $0x0  }
0xe0: {  	[sflag:s11] =	ssyncadd.s32 $0xFFFFF000  }
0xe1: {  	_ =	swait.ge [sflag:s11], $0x1000  }
0xe2: {  	[sflag:s11] =	ssyncset.done $0x0  }
0xe3: {  	s18 =	simm.s32 $0xB00;
	[sflag:s11] =	ssyncadd.s32 $0xFFFFF000  }
0xe4: {  	[spmem:s1] =	stream.indirect.scatter.add.f32 [tilespmem:s23], [sflag:$0x5], $0x80, s18, s31, $0xb8;
	[tilespmem:$0x1CC00] =	vst v63  }
0xe5: {  	_ =	swait.ge [sflag:s17], $0x4000  }
0xe6: {  	[sflag:s17] =	ssyncset.done $0x0  }
0xe7: {  	[sflag:s17] =	ssyncadd.s32 $0xFFFFC000  }
0xe8: {  	_ =	swait.ge [sflag:s29], $0x1000  }
0xe9: {  	[sflag:s29] =	ssyncset.done $0x0  }
0xea: {  	[sflag:s29] =	ssyncadd.s32 $0xFFFFF000  }
0xeb: {  	_ =	swait.ge [sflag:s29], $0x1000  }
0xec: {  	[sflag:s29] =	ssyncset.done $0x0  }
0xed: {  	[sflag:s29] =	ssyncadd.s32 $0xFFFFF000  }
0xee: {  	_ =	swait.ge [sflag:s29], $0x1000  }
0xef: {  	[sflag:s29] =	ssyncset.done $0x0  }
0xf0: {  	[sflag:s29] =	ssyncadd.s32 $0xFFFFF000  }
0xf1: {  	_ =	swait.ge [sflag:s29], $0x1000  }
0xf2: {  	[sflag:s29] =	ssyncset.done $0x0  }
0xf3: {  	s7 =	simm.s32 $0xB80;
	[sflag:s29] =	ssyncadd.s32 $0xFFFFF000  }
0xf4: {  	[spmem:s1] =	stream.indirect.scatter.add.f32 [tilespmem:s0], [sflag:$0x5], $0x80, s7, s31, $0xb8;
	[tilespmem:$0x1CC00] =	vst v63  }
0xf5: {  	_ =	swait.ge [sflag:s17], $0x4000  }
0xf6: {  	p0 =	seq.s32 s26, $0x400;
	[sflag:s17] =	ssyncset.done $0x0  }
0xf7: {  	s4 =	sadd.s32 @!p0 s26, s14;
	s18 =	simm.s32 @!p0 $0x0;
	[sflag:s17] =	ssyncadd.s32 $0xFFFFC000  }
0xf8: {  	[tilespmem:s18], [sflag:$0x1] =	stream.linear.gather @!p0 [hbm4b:s4+s18], $0x400, $0x38;
	[tilespmem:$0x1CC00] =	vst v63  }
0xf9: {  	s7 =	simm.s32 @!p0 $0x800;
	s4 =	sadd.s32 @!p0 s26, s15  }
0xfa: {  	[tilespmem:s7], [sflag:$0x1] =	stream.linear.gather @!p0 [hbm4b:s4+s18], $0x400, $0x38;
	[tilespmem:$0x1CC00] =	vst v63  }
0xfb: {  	_ =	swait.ge [sflag:s9], $0x400  }
0xfc: {  	[sflag:s9] =	ssyncset.done $0x0  }
0xfd: {  	[sflag:s9] =	ssyncadd.s32 $0xFFFFFC00  }
0xfe: {  	_ =	swait.ge [sflag:s9], $0x400  }
0xff: {  	[sflag:s9] =	ssyncset.done $0x0  }
0x100: {  	[sflag:s9] =	ssyncadd.s32 $0xFFFFFC00  }
0x101: {  	[tilespmem:s23], [sflag:$0x3] =	stream.indirect.gather [hbm4b:s3+s22], $0x80, s19, s22, $0xb8;
	[tilespmem:$0x1CC00] =	vst v63  }
0x102: {  	s18 =	simm.s32 $0x420  }
0x103: {  	[tilespmem:s25], [sflag:$0x3] =	stream.indirect.gather [hbm4b:s3+s22], $0x80, s18, s22, $0xb8;
	[tilespmem:$0x1CC00] =	vst v63  }
0x104: {  	s7 =	simm.s32 $0x440  }
0x105: {  	[tilespmem:s28], [sflag:$0x3] =	stream.indirect.gather [hbm4b:s3+s22], $0x80, s7, s22, $0xb8;
	[tilespmem:$0x1CC00] =	vst v63  }
0x106: {  	s18 =	simm.s32 $0x460  }
0x107: {  	[tilespmem:s30], [sflag:$0x3] =	stream.indirect.gather [hbm4b:s3+s22], $0x80, s18, s22, $0xb8;
	[tilespmem:$0x1CC00] =	vst v63  }
0x108: {  	s7 =	simm.s32 $0x480  }
0x109: {  	[tilespmem:s0], [sflag:$0x4] =	stream.indirect.gather [hbm4b:s3+s22], $0x80, s7, s22, $0xb8;
	[tilespmem:$0x1CC00] =	vst v63  }
0x10a: {  	s18 =	simm.s32 $0x4A0  }
0x10b: {  	[tilespmem:s5], [sflag:$0x4] =	stream.indirect.gather [hbm4b:s3+s22], $0x80, s18, s22, $0xb8;
	[tilespmem:$0x1CC00] =	vst v63  }
0x10c: {  	s7 =	simm.s32 $0x4C0  }
0x10d: {  	[tilespmem:s8], [sflag:$0x4] =	stream.indirect.gather [hbm4b:s3+s22], $0x80, s7, s22, $0xb8;
	[tilespmem:$0x1CC00] =	vst v63  }
0x10e: {  	s18 =	simm.s32 $0x4E0  }
0x10f: {  	[tilespmem:s10], [sflag:$0x4] =	stream.indirect.gather [hbm4b:s3+s22], $0x80, s18, s22, $0xb8;
	[tilespmem:$0x1CC00] =	vst v63  }
0x110: {  	_ =	swait.ge [sflag:s11], $0x1000  }
0x111: {  	[sflag:s11] =	ssyncset.done $0x0  }
0x112: {  	[sflag:s11] =	ssyncadd.s32 $0xFFFFF000  }
0x113: {  	_ =	swait.ge [sflag:s11], $0x1000  }
0x114: {  	[sflag:s11] =	ssyncset.done $0x0  }
0x115: {  	[sflag:s11] =	ssyncadd.s32 $0xFFFFF000  }
0x116: {  	_ =	swait.ge [sflag:s11], $0x1000  }
0x117: {  	[sflag:s11] =	ssyncset.done $0x0  }
0x118: {  	[sflag:s11] =	ssyncadd.s32 $0xFFFFF000  }
0x119: {  	_ =	swait.ge [sflag:s11], $0x1000  }
0x11a: {  	[sflag:s11] =	ssyncset.done $0x0  }
0x11b: {  	[sflag:s11] =	ssyncadd.s32 $0xFFFFF000  }
0x11c: {  	[spmem:s1] =	stream.indirect.scatter.add.f32 [tilespmem:s23], [sflag:$0x5], $0x80, s20, s31, $0xb8;
	[tilespmem:$0x1CC00] =	vst v63  }
0x11d: {  	_ =	swait.ge [sflag:s17], $0x4000  }
0x11e: {  	[sflag:s17] =	ssyncset.done $0x0  }
0x11f: {  	s7 =	simm.s32 $0x500;
	[sflag:s17] =	ssyncadd.s32 $0xFFFFC000  }
0x120: {  	[tilespmem:s23], [sflag:$0x3] =	stream.indirect.gather [hbm4b:s3+s22], $0x80, s7, s22, $0xb8;
	[tilespmem:$0x1CC00] =	vst v63  }
0x121: {  	s18 =	simm.s32 $0x520  }
0x122: {  	[tilespmem:s25], [sflag:$0x3] =	stream.indirect.gather [hbm4b:s3+s22], $0x80, s18, s22, $0xb8;
	[tilespmem:$0x1CC00] =	vst v63  }
0x123: {  	s7 =	simm.s32 $0x540  }
0x124: {  	[tilespmem:s28], [sflag:$0x3] =	stream.indirect.gather [hbm4b:s3+s22], $0x80, s7, s22, $0xb8;
	[tilespmem:$0x1CC00] =	vst v63  }
0x125: {  	s18 =	simm.s32 $0x560  }
0x126: {  	[tilespmem:s30], [sflag:$0x3] =	stream.indirect.gather [hbm4b:s3+s22], $0x80, s18, s22, $0xb8;
	[tilespmem:$0x1CC00] =	vst v63  }
0x127: {  	_ =	swait.ge [sflag:s29], $0x1000  }
0x128: {  	[sflag:s29] =	ssyncset.done $0x0  }
0x129: {  	[sflag:s29] =	ssyncadd.s32 $0xFFFFF000  }
0x12a: {  	_ =	swait.ge [sflag:s29], $0x1000  }
0x12b: {  	[sflag:s29] =	ssyncset.done $0x0  }
0x12c: {  	[sflag:s29] =	ssyncadd.s32 $0xFFFFF000  }
0x12d: {  	_ =	swait.ge [sflag:s29], $0x1000  }
0x12e: {  	[sflag:s29] =	ssyncset.done $0x0  }
0x12f: {  	[sflag:s29] =	ssyncadd.s32 $0xFFFFF000  }
0x130: {  	_ =	swait.ge [sflag:s29], $0x1000  }
0x131: {  	[sflag:s29] =	ssyncset.done $0x0  }
0x132: {  	s7 =	simm.s32 $0xC80;
	[sflag:s29] =	ssyncadd.s32 $0xFFFFF000  }
0x133: {  	[spmem:s1] =	stream.indirect.scatter.add.f32 [tilespmem:s0], [sflag:$0x5], $0x80, s7, s31, $0xb8;
	[tilespmem:$0x1CC00] =	vst v63  }
0x134: {  	_ =	swait.ge [sflag:s17], $0x4000  }
0x135: {  	[sflag:s17] =	ssyncset.done $0x0  }
0x136: {  	s18 =	simm.s32 $0x580;
	[sflag:s17] =	ssyncadd.s32 $0xFFFFC000  }
0x137: {  	[tilespmem:s0], [sflag:$0x4] =	stream.indirect.gather [hbm4b:s3+s22], $0x80, s18, s22, $0xb8;
	[tilespmem:$0x1CC00] =	vst v63  }
0x138: {  	s7 =	simm.s32 $0x5A0  }
0x139: {  	[tilespmem:s5], [sflag:$0x4] =	stream.indirect.gather [hbm4b:s3+s22], $0x80, s7, s22, $0xb8;
	[tilespmem:$0x1CC00] =	vst v63  }
0x13a: {  	s18 =	simm.s32 $0x5C0  }
0x13b: {  	[tilespmem:s8], [sflag:$0x4] =	stream.indirect.gather [hbm4b:s3+s22], $0x80, s18, s22, $0xb8;
	[tilespmem:$0x1CC00] =	vst v63  }
0x13c: {  	s7 =	simm.s32 $0x5E0  }
0x13d: {  	[tilespmem:s10], [sflag:$0x4] =	stream.indirect.gather [hbm4b:s3+s22], $0x80, s7, s22, $0xb8;
	[tilespmem:$0x1CC00] =	vst v63  }
0x13e: {  	_ =	swait.ge [sflag:s11], $0x1000  }
0x13f: {  	[sflag:s11] =	ssyncset.done $0x0  }
0x140: {  	[sflag:s11] =	ssyncadd.s32 $0xFFFFF000  }
0x141: {  	_ =	swait.ge [sflag:s11], $0x1000  }
0x142: {  	[sflag:s11] =	ssyncset.done $0x0  }
0x143: {  	[sflag:s11] =	ssyncadd.s32 $0xFFFFF000  }
0x144: {  	_ =	swait.ge [sflag:s11], $0x1000  }
0x145: {  	[sflag:s11] =	ssyncset.done $0x0  }
0x146: {  	[sflag:s11] =	ssyncadd.s32 $0xFFFFF000  }
0x147: {  	_ =	swait.ge [sflag:s11], $0x1000  }
0x148: {  	[sflag:s11] =	ssyncset.done $0x0  }
0x149: {  	s18 =	simm.s32 $0xD00;
	[sflag:s11] =	ssyncadd.s32 $0xFFFFF000  }
0x14a: {  	[spmem:s1] =	stream.indirect.scatter.add.f32 [tilespmem:s23], [sflag:$0x5], $0x80, s18, s31, $0xb8;
	[tilespmem:$0x1CC00] =	vst v63  }
0x14b: {  	_ =	swait.ge [sflag:s17], $0x4000  }
0x14c: {  	[sflag:s17] =	ssyncset.done $0x0  }
0x14d: {  	s7 =	simm.s32 $0x600;
	[sflag:s17] =	ssyncadd.s32 $0xFFFFC000  }
0x14e: {  	[tilespmem:s23], [sflag:$0x3] =	stream.indirect.gather [hbm4b:s3+s22], $0x80, s7, s22, $0xb8;
	[tilespmem:$0x1CC00] =	vst v63  }
0x14f: {  	s18 =	simm.s32 $0x620  }
0x150: {  	[tilespmem:s25], [sflag:$0x3] =	stream.indirect.gather [hbm4b:s3+s22], $0x80, s18, s22, $0xb8;
	[tilespmem:$0x1CC00] =	vst v63  }
0x151: {  	s7 =	simm.s32 $0x640  }
0x152: {  	[tilespmem:s28], [sflag:$0x3] =	stream.indirect.gather [hbm4b:s3+s22], $0x80, s7, s22, $0xb8;
	[tilespmem:$0x1CC00] =	vst v63  }
0x153: {  	s18 =	simm.s32 $0x660  }
0x154: {  	[tilespmem:s30], [sflag:$0x3] =	stream.indirect.gather [hbm4b:s3+s22], $0x80, s18, s22, $0xb8;
	[tilespmem:$0x1CC00] =	vst v63  }
0x155: {  	_ =	swait.ge [sflag:s29], $0x1000  }
0x156: {  	[sflag:s29] =	ssyncset.done $0x0  }
0x157: {  	[sflag:s29] =	ssyncadd.s32 $0xFFFFF000  }
0x158: {  	_ =	swait.ge [sflag:s29], $0x1000  }
0x159: {  	[sflag:s29] =	ssyncset.done $0x0  }
0x15a: {  	[sflag:s29] =	ssyncadd.s32 $0xFFFFF000  }
0x15b: {  	_ =	swait.ge [sflag:s29], $0x1000  }
0x15c: {  	[sflag:s29] =	ssyncset.done $0x0  }
0x15d: {  	[sflag:s29] =	ssyncadd.s32 $0xFFFFF000  }
0x15e: {  	_ =	swait.ge [sflag:s29], $0x1000  }
0x15f: {  	[sflag:s29] =	ssyncset.done $0x0  }
0x160: {  	s7 =	simm.s32 $0xD80;
	[sflag:s29] =	ssyncadd.s32 $0xFFFFF000  }
0x161: {  	[spmem:s1] =	stream.indirect.scatter.add.f32 [tilespmem:s0], [sflag:$0x5], $0x80, s7, s31, $0xb8;
	[tilespmem:$0x1CC00] =	vst v63  }
0x162: {  	_ =	swait.ge [sflag:s17], $0x4000  }
0x163: {  	[sflag:s17] =	ssyncset.done $0x0  }
0x164: {  	s18 =	simm.s32 $0x680;
	[sflag:s17] =	ssyncadd.s32 $0xFFFFC000  }
0x165: {  	[tilespmem:s0], [sflag:$0x4] =	stream.indirect.gather [hbm4b:s3+s22], $0x80, s18, s22, $0xb8;
	[tilespmem:$0x1CC00] =	vst v63  }
0x166: {  	s7 =	simm.s32 $0x6A0  }
0x167: {  	[tilespmem:s5], [sflag:$0x4] =	stream.indirect.gather [hbm4b:s3+s22], $0x80, s7, s22, $0xb8;
	[tilespmem:$0x1CC00] =	vst v63  }
0x168: {  	s18 =	simm.s32 $0x6C0  }
0x169: {  	[tilespmem:s8], [sflag:$0x4] =	stream.indirect.gather [hbm4b:s3+s22], $0x80, s18, s22, $0xb8;
	[tilespmem:$0x1CC00] =	vst v63  }
0x16a: {  	s7 =	simm.s32 $0x6E0  }
0x16b: {  	[tilespmem:s10], [sflag:$0x4] =	stream.indirect.gather [hbm4b:s3+s22], $0x80, s7, s22, $0xb8;
	[tilespmem:$0x1CC00] =	vst v63  }
0x16c: {  	_ =	swait.ge [sflag:s11], $0x1000  }
0x16d: {  	[sflag:s11] =	ssyncset.done $0x0  }
0x16e: {  	[sflag:s11] =	ssyncadd.s32 $0xFFFFF000  }
0x16f: {  	_ =	swait.ge [sflag:s11], $0x1000  }
0x170: {  	[sflag:s11] =	ssyncset.done $0x0  }
0x171: {  	[sflag:s11] =	ssyncadd.s32 $0xFFFFF000  }
0x172: {  	_ =	swait.ge [sflag:s11], $0x1000  }
0x173: {  	[sflag:s11] =	ssyncset.done $0x0  }
0x174: {  	[sflag:s11] =	ssyncadd.s32 $0xFFFFF000  }
0x175: {  	_ =	swait.ge [sflag:s11], $0x1000  }
0x176: {  	[sflag:s11] =	ssyncset.done $0x0  }
0x177: {  	s18 =	simm.s32 $0xE00;
	[sflag:s11] =	ssyncadd.s32 $0xFFFFF000  }
0x178: {  	[spmem:s1] =	stream.indirect.scatter.add.f32 [tilespmem:s23], [sflag:$0x5], $0x80, s18, s31, $0xb8;
	[tilespmem:$0x1CC00] =	vst v63  }
0x179: {  	_ =	swait.ge [sflag:s17], $0x4000  }
0x17a: {  	[sflag:s17] =	ssyncset.done $0x0  }
0x17b: {  	s7 =	simm.s32 $0x700;
	[sflag:s17] =	ssyncadd.s32 $0xFFFFC000  }
0x17c: {  	[tilespmem:s23], [sflag:$0x3] =	stream.indirect.gather [hbm4b:s3+s22], $0x80, s7, s22, $0xb8;
	[tilespmem:$0x1CC00] =	vst v63  }
0x17d: {  	s18 =	simm.s32 $0x720  }
0x17e: {  	[tilespmem:s25], [sflag:$0x3] =	stream.indirect.gather [hbm4b:s3+s22], $0x80, s18, s22, $0xb8;
	[tilespmem:$0x1CC00] =	vst v63  }
0x17f: {  	s7 =	simm.s32 $0x740  }
0x180: {  	[tilespmem:s28], [sflag:$0x3] =	stream.indirect.gather [hbm4b:s3+s22], $0x80, s7, s22, $0xb8;
	[tilespmem:$0x1CC00] =	vst v63  }
0x181: {  	s18 =	simm.s32 $0x760  }
0x182: {  	[tilespmem:s30], [sflag:$0x3] =	stream.indirect.gather [hbm4b:s3+s22], $0x80, s18, s22, $0xb8;
	[tilespmem:$0x1CC00] =	vst v63  }
0x183: {  	_ =	swait.ge [sflag:s29], $0x1000  }
0x184: {  	[sflag:s29] =	ssyncset.done $0x0  }
0x185: {  	[sflag:s29] =	ssyncadd.s32 $0xFFFFF000  }
0x186: {  	_ =	swait.ge [sflag:s29], $0x1000  }
0x187: {  	[sflag:s29] =	ssyncset.done $0x0  }
0x188: {  	[sflag:s29] =	ssyncadd.s32 $0xFFFFF000  }
0x189: {  	_ =	swait.ge [sflag:s29], $0x1000  }
0x18a: {  	[sflag:s29] =	ssyncset.done $0x0  }
0x18b: {  	[sflag:s29] =	ssyncadd.s32 $0xFFFFF000  }
0x18c: {  	_ =	swait.ge [sflag:s29], $0x1000  }
0x18d: {  	[sflag:s29] =	ssyncset.done $0x0  }
0x18e: {  	s7 =	simm.s32 $0xE80;
	[sflag:s29] =	ssyncadd.s32 $0xFFFFF000  }
0x18f: {  	[spmem:s1] =	stream.indirect.scatter.add.f32 [tilespmem:s0], [sflag:$0x5], $0x80, s7, s31, $0xb8;
	[tilespmem:$0x1CC00] =	vst v63  }
0x190: {  	_ =	swait.ge [sflag:s17], $0x4000  }
0x191: {  	[sflag:s17] =	ssyncset.done $0x0  }
0x192: {  	s18 =	simm.s32 $0x780;
	[sflag:s17] =	ssyncadd.s32 $0xFFFFC000  }
0x193: {  	[tilespmem:s0], [sflag:$0x4] =	stream.indirect.gather [hbm4b:s3+s22], $0x80, s18, s22, $0xb8;
	[tilespmem:$0x1CC00] =	vst v63  }
0x194: {  	s7 =	simm.s32 $0x7A0  }
0x195: {  	[tilespmem:s5], [sflag:$0x4] =	stream.indirect.gather [hbm4b:s3+s22], $0x80, s7, s22, $0xb8;
	[tilespmem:$0x1CC00] =	vst v63  }
0x196: {  	s18 =	simm.s32 $0x7C0  }
0x197: {  	[tilespmem:s8], [sflag:$0x4] =	stream.indirect.gather [hbm4b:s3+s22], $0x80, s18, s22, $0xb8;
	[tilespmem:$0x1CC00] =	vst v63  }
0x198: {  	_ = 	snop  }
0x199: {  	[tilespmem:s10], [sflag:$0x4] =	stream.indirect.gather [hbm4b:s3+s22], $0x80, s24, s22, $0xb8;
	[tilespmem:$0x1CC00] =	vst v63  }
0x19a: {  	_ =	swait.ge [sflag:s11], $0x1000  }
0x19b: {  	[sflag:s11] =	ssyncset.done $0x0  }
0x19c: {  	[sflag:s11] =	ssyncadd.s32 $0xFFFFF000  }
0x19d: {  	_ =	swait.ge [sflag:s11], $0x1000  }
0x19e: {  	[sflag:s11] =	ssyncset.done $0x0  }
0x19f: {  	[sflag:s11] =	ssyncadd.s32 $0xFFFFF000  }
0x1a0: {  	_ =	swait.ge [sflag:s11], $0x1000  }
0x1a1: {  	[sflag:s11] =	ssyncset.done $0x0  }
0x1a2: {  	[sflag:s11] =	ssyncadd.s32 $0xFFFFF000  }
0x1a3: {  	_ =	swait.ge [sflag:s11], $0x1000  }
0x1a4: {  	[sflag:s11] =	ssyncset.done $0x0  }
0x1a5: {  	[sflag:s11] =	ssyncadd.s32 $0xFFFFF000  }
0x1a6: {  	[spmem:s1] =	stream.indirect.scatter.add.f32 [tilespmem:s23], [sflag:$0x5], $0x80, s6, s31, $0xb8;
	[tilespmem:$0x1CC00] =	vst v63  }
0x1a7: {  	_ =	swait.ge [sflag:s17], $0x4000  }
0x1a8: {  	[sflag:s17] =	ssyncset.done $0x0  }
0x1a9: {  	[sflag:s17] =	ssyncadd.s32 $0xFFFFC000  }
0x1aa: {  	_ =	swait.ge [sflag:s29], $0x1000  }
0x1ab: {  	[sflag:s29] =	ssyncset.done $0x0  }
0x1ac: {  	[sflag:s29] =	ssyncadd.s32 $0xFFFFF000  }
0x1ad: {  	_ =	swait.ge [sflag:s29], $0x1000  }
0x1ae: {  	[sflag:s29] =	ssyncset.done $0x0  }
0x1af: {  	[sflag:s29] =	ssyncadd.s32 $0xFFFFF000  }
0x1b0: {  	_ =	swait.ge [sflag:s29], $0x1000  }
0x1b1: {  	[sflag:s29] =	ssyncset.done $0x0  }
0x1b2: {  	[sflag:s29] =	ssyncadd.s32 $0xFFFFF000  }
0x1b3: {  	_ =	swait.ge [sflag:s29], $0x1000  }
0x1b4: {  	[sflag:s29] =	ssyncset.done $0x0  }
.Ltmp2:
0x1b5: {  	[sflag:s29] =	ssyncadd.s32 $0xFFFFF000;
	(pc) =	sbr.rel @p0 .LBB2_4-.Ltmp2, $4  }
0x1b6: {  	[spmem:s1] =	stream.indirect.scatter.add.f32 [tilespmem:s0], [sflag:$0x5], $0x80, s16, s31, $0xb8;
	[tilespmem:$0x1CC00] =	vst v63  }
0x1b7: {  	_ =	swait.ge [sflag:s17], $0x4000  }
0x1b8: {  	[sflag:s17] =	ssyncset.done $0x0  }
0x1b9: {  	[sflag:s17] =	ssyncadd.s32 $0xFFFFC000  }
.Ltmp3:
0x1ba: {  	(pc) =	sbr.rel .LBB2_2-.Ltmp3, $4  }
0x1bb: {  	s4 =	sadd.s32 s26, s13  }
0x1bc: {  	[tilespmem:s19], [sflag:$0x2] =	stream.linear.gather [hbm4b:s4+s2], $0x400, $0x38;
	[tilespmem:$0x1CC00] =	vst v63  }
0x1bd: {  	s18 =	sadd.s32 s26, s12;
	s26 =	sadd.s32 $0x100, s26  }
0x1be: {  	[tilespmem:s20], [sflag:$0x2] =	stream.linear.gather [hbm4b:s18+s2], $0x400, $0x38;
	[tilespmem:$0x1CC00] =	vst v63  }
.LBB2_5:
0x1bf: {  	_ =	sfence.sel $0x180000  }
0x1c0: {  	[bflag:$0x0] =	sbarrier.arrive $0xFFFF  }
0x1c1: {  	_ =	strace $0x9000004D  }
0x1c2: {  	s0 =	stileid.u32;
	[bflag:$0x2] =	sbarrier.arrive $0xFFFF  }
0x1c3: {  	p0 =	sne.s32 s0, $0x0;
	s0 =	rddreg [dreg:$0x3]  }
0x1c4: {  	s0 =	sadd.s32 @!p0 $0x100000, s0  }
0x1c5: {  	[sflag:s0] =	ssyncadd.tile.s32 @!p0 $0x1;
	_ =	shalt  }
.Lfunc_end2:
_tile_overlayer_lowered:
.L_overlay_start_2:
0x1c6: {  	(tag) =	ssettag $0x2  }
0x1c7: {  	s0 =	rddreg [dreg:$0x0];
	s2 =	stileid.u32  }
0x1c8: {  	s1 =	rddreg [dreg:$0x1];
	p0 =	sne.s32 s2, $0x0  }
0x1c9: {  	s3 =	rddreg [dreg:$0x2];
	[bflag:$0x3] =	sbarrier.arrive $0xFFFF;
	s2 =	simm.s32 @!p0 $0x1C05  }
0x1ca: {  	[timem:s3], [sflag:s2] =	dma.local @!p0 [hbm:s0], s1  }
0x1cb: {  	s0 =	simm.s32 @!p0 $0x5  }
0x1cc: {  	_ =	swait.ge @!p0 [sflag:s0], s1  }
0x1cd: {  	s1 =	ssub.s32 @!p0 $0x0, s1;
	[sflag:s0] =	ssyncset.done @!p0 $0x0  }
0x1ce: {  	[sflag:s0] =	ssyncadd.s32 @!p0 s1  }
0x1cf: {  	[bflag:$0x3] =	sbarrier.arrive $0xFFFF  }
0x1d0: {  	_ =	shalt  }

// kernel: kernel.9.cloned.1.call-start
scs
__scs_entry_jumppad:
0x0: {  	(pc) =	sbr.rel $0x88, $3  }
0x1: {  	(tag) =	ssettag $0x0;
	lr =	simm.s32 $0x1  }
0x2: {  	[smem:$0x3F9B] =	sst lr;
	_ =	strace $0xD0000000  }
0x3: {  	_ = 	snop  }
0x4: {  	_ = 	snop  }
0x5: {  	_ = 	snop  }
0x6: {  	_ = 	snop  }
0x7: {  	_ = 	snop  }
__scs_overlays_trampoline_lowered:
0x8: {  	[smem:$0x3FAA] =	sst s0  }
0x9: {  	[smem:$0x3FAB] =	sst s1  }
0xa: {  	[smem:$0x3FAC] =	sst s2  }
0xb: {  	[smem:$0x3FAD] =	sst s3  }
0xc: {  	[smem:$0x3FAE] =	sst s4  }
0xd: {  	[smem:$0x3FAF] =	sst s5  }
0xe: {  	[smem:$0x3FB0] =	sst s6  }
0xf: {  	[smem:$0x3FB1] =	sst s7  }
0x10: {  	[smem:$0x3FB2] =	sst s8  }
0x11: {  	[smem:$0x3FB3] =	sst s9;
	s0 =	simm.s32 @!p0 $0x0  }
0x12: {  	s1 =	sld [smem:$0x3F99];
	s0 =	simm.s32 @p0 $0x1  }
0x13: {  	[smem:$0x3FB4] =	sst s0;
	s0 =	simm.s32 @!p1 $0x0  }
0x14: {  	s2 =	sld [smem:$0x3F98];
	s0 =	simm.s32 @p1 $0x1  }
0x15: {  	[smem:$0x3FB5] =	sst s0;
	s0 =	simm.s32 @!p2 $0x0  }
0x16: {  	s3 =	sld [smem:$0x3FDB];
	s0 =	simm.s32 @p2 $0x1  }
0x17: {  	s4 =	simm.s32 $0x1BF5;
	[smem:$0x3FB7] =	sst s0  }
0x18: {  	s0 =	sld [smem:$0x3F9A];
	_ =	swait.ge [sflag:s4], $0x0  }
0x19: {  	s7 =	sld [smem:$0x3F9B]  }
0x1a: {  	s8 =	sadd.s32 $0xFFFFE003, lr  }
0x1b: {  	s9 =	sadd.s32 $0xFFFFFEF7, lr;
	s5 =	simm.s32 $0xFFFFFFFF;
	p2 =	slt.u32 s8, $0xFFFFF086  }
0x1c: {  	p1 =	slt.u32 s9, $0xF7A;
	s5 =	simm.s32 @!p2 $0x0  }
0x1d: {  	s5 =	simm.s32 @p1 $0x1;
	p0 =	seq.s32 s7, s2  }
0x1e: {  	s7 =	smul.u32 @!p0 $0xF7A, s2;
	p2 =	seq.s32 @!p0 s5, $0x0  }
0x1f: {  	s9 =	smul.u32 $0xF7A, s1;
	s8 =	simm.s32 @!p0 $0x1BF5;
	p2 =	por !p2, p0  }
0x20: {  	[sflag:s8] =	ssyncset.s32 @!p0 $0xFFFFF086;
	s6 =	sadd.s32 @!p0 s3, s7;
	s7 =	simm.s32 @!p0 $0x108  }
0x21: {  	s3 =	sadd.s32 s3, s9;
	s6 =	sadd.s32 @!p0 $0x88, s6;
	s7 =	simm.s32 @p2 $0x1082  }
0x22: {  	[simem:s7], [sflag:s8] =	dma.local @!p0 [hbm:s6], $0xF7A  }
0x23: {  	s9 =	sor.u32 $0xD0000000, s2;
	s6 =	simm.s32 $0x108;
	_ =	swait.ge @!p0 [sflag:s8], $0x0  }
0x24: {  	s3 =	sadd.s32 $0x88, s3;
	s6 =	simm.s32 @!p1 $0x1082;
	[sflag:s4] =	ssyncset.s32 $0xFFFFF086  }
0x25: {  	[simem:s6], [sflag:s4] =	dma.local [hbm:s3], $0xF7A  }
0x26: {  	[smem:$0x3F9B] =	sst s1;
	(tag) =	ssettag s2;
	_ =	strace s9  }
0x27: {  	s1 =	sld [smem:$0x3FAB]  }
0x28: {  	s2 =	sld [smem:$0x3FAC]  }
0x29: {  	s4 =	sld [smem:$0x3FAE]  }
0x2a: {  	p0 =	seq.s32 s5, $0x0;
	s5 =	sld [smem:$0x3FAF]  }
0x2b: {  	s6 =	sld [smem:$0x3FB0]  }
0x2c: {  	s7 =	sld [smem:$0x3FB1]  }
0x2d: {  	s3 =	simm.s32 $0x108;
	s8 =	sld [smem:$0x3FB2]  }
0x2e: {  	s3 =	simm.s32 @!p0 $0x1082;
	s9 =	sld [smem:$0x3FB3]  }
0x2f: {  	lr =	sadd.s32 s0, s3;
	s0 =	sld [smem:$0x3FAA]  }
0x30: {  	s3 =	sld [smem:$0x3FAD]  }
0x31: {  	[smem:$0x3FB6] =	sst s10  }
0x32: {  	s10 =	sld [smem:$0x3FB4];
	_ =	sdelay $0x3  }
0x33: {  	p0 =	seq.s32 s10, $0x1;
	s10 =	sld [smem:$0x3FB6];
	_ =	sdelay $0x3  }
0x34: {  	[smem:$0x3FB6] =	sst s10  }
0x35: {  	s10 =	sld [smem:$0x3FB5];
	_ =	sdelay $0x3  }
0x36: {  	p1 =	seq.s32 s10, $0x1;
	s10 =	sld [smem:$0x3FB6];
	_ =	sdelay $0x3  }
0x37: {  	[smem:$0x3FB6] =	sst s10  }
0x38: {  	s10 =	sld [smem:$0x3FB7]  }
0x39: {  	_ = 	snop;
	(pc) =	sbr.ind lr, $3  }
0x3a: {  	_ = 	snop  }
0x3b: {  	_ = 	snop  }
0x3c: {  	p2 =	seq.s32 s10, $0x1;
	s10 =	sld [smem:$0x3FB6]  }
0x3d: {  	_ =	shalt  }
0x3e: {  	_ =	shalt  }
0x3f: {  	_ =	shalt  }
0x40: {  	_ =	shalt  }
0x41: {  	_ =	shalt  }
0x42: {  	_ =	shalt  }
0x43: {  	_ =	shalt  }
0x44: {  	_ =	shalt  }
0x45: {  	_ =	shalt  }
0x46: {  	_ =	shalt  }
0x47: {  	_ =	shalt  }
0x48: {  	_ =	shalt  }
0x49: {  	_ =	shalt  }
0x4a: {  	_ =	shalt  }
0x4b: {  	_ =	shalt  }
0x4c: {  	_ =	shalt  }
0x4d: {  	_ =	shalt  }
0x4e: {  	_ =	shalt  }
0x4f: {  	_ =	shalt  }
0x50: {  	_ =	shalt  }
0x51: {  	_ =	shalt  }
0x52: {  	_ =	shalt  }
0x53: {  	_ =	shalt  }
0x54: {  	_ =	shalt  }
0x55: {  	_ =	shalt  }
0x56: {  	_ =	shalt  }
0x57: {  	_ =	shalt  }
0x58: {  	_ =	shalt  }
0x59: {  	_ =	shalt  }
0x5a: {  	_ =	shalt  }
0x5b: {  	_ =	shalt  }
0x5c: {  	_ =	shalt  }
0x5d: {  	_ =	shalt  }
0x5e: {  	_ =	shalt  }
0x5f: {  	_ =	shalt  }
0x60: {  	_ =	shalt  }
0x61: {  	_ =	shalt  }
0x62: {  	_ =	shalt  }
0x63: {  	_ =	shalt  }
0x64: {  	_ =	shalt  }
0x65: {  	_ =	shalt  }
0x66: {  	_ =	shalt  }
0x67: {  	_ =	shalt  }
0x68: {  	_ =	shalt  }
0x69: {  	_ =	shalt  }
0x6a: {  	_ =	shalt  }
0x6b: {  	_ =	shalt  }
0x6c: {  	_ =	shalt  }
0x6d: {  	_ =	shalt  }
0x6e: {  	_ =	shalt  }
0x6f: {  	_ =	shalt  }
0x70: {  	_ =	shalt  }
0x71: {  	_ =	shalt  }
0x72: {  	_ =	shalt  }
0x73: {  	_ =	shalt  }
0x74: {  	_ =	shalt  }
0x75: {  	_ =	shalt  }
0x76: {  	_ =	shalt  }
0x77: {  	_ =	shalt  }
0x78: {  	_ =	shalt  }
0x79: {  	_ =	shalt  }
0x7a: {  	_ =	shalt  }
0x7b: {  	_ =	shalt  }
0x7c: {  	_ =	shalt  }
0x7d: {  	_ =	shalt  }
0x7e: {  	_ =	shalt  }
0x7f: {  	_ =	shalt  }
0x80: {  	_ =	shalt  }
0x81: {  	_ =	shalt  }
0x82: {  	_ =	shalt  }
0x83: {  	_ =	shalt  }
0x84: {  	_ =	shalt  }
0x85: {  	_ =	shalt  }
0x86: {  	_ =	shalt  }
0x87: {  	_ =	shalt  }
.Lfunc_end0:
.L_simem_size_0:
called_computation_lowered:
.L_overlay_start_0:
0x88: {  	s2 =	sld [smem:$0x3FD9]  }
0x89: {  	s3 =	sld [smem:$0x3FFE];
	_ =	sdelay $0x1  }
0x8a: {  	s1 =	srdreg.scid  }
0x8b: {  	s0 =	sand.u32 $0x1, s1  }
0x8c: {  	s16 =	sshll.u32 s0, $0xA;
	s2 =	sadd.s32 s3, s2  }
0x8d: {  	s2 =	sadd.s32 s2, s16  }
0x8e: {  	[smem:$0x3FC2] =	sst s2  }
0x8f: {  	_ = 	snop  }
0x90: {  	(tm) =	ssettm $0x1  }
0x91: {  	s17 =	sld [smem:$0x3FFB];
	_ =	sdelay $0x3  }
0x92: {  	_ =	strace s17  }
0x93: {  	s2 =	sld [smem:$0x3FFC];
	_ =	sdelay $0x3  }
0x94: {  	_ =	strace s2  }
0x95: {  	s2 =	sld [smem:$0x3FFD];
	_ =	sdelay $0x3  }
0x96: {  	_ =	strace s2  }
0x97: {  	_ =	strace $0x8FFFFFFF  }
0x98: {  	s18 =	sld [smem:$0x3FDB];
	_ =	sdelay $0x1  }
0x99: {  	s19 =	simm.s32 $_scs_section_size  }
0x9a: {  	s4 =	simm.s32 $_size__tile_overlayer_lowered;
	s5 =	simm.s32 $_tile_overlayer_lowered  }
0x9b: {  	s22 =	simm.s32 $0x1BFF;
	s21 =	sshll.u32 s5, $0x1;
	s2 =	sadd.s32 s19, s18  }
0x9c: {  	s6 =	simm.s32 $0x0;
	s20 =	sshll.u32 s4, $0x1;
	s4 =	sadd.s32 s21, s2  }
0x9d: {  	[timem:s6], [sflag:s22] =	dma.local [hbm:s4], s20  }
0x9e: {  	_ =	swait.ge [sflag:s22], s20  }
0x9f: {  	s3 =	ssub.s32 $0x0, s20;
	[sflag:s22] =	ssyncset.done $0x0  }
0xa0: {  	[sflag:s22] =	ssyncadd.s32 s3;
	_ =	sdelay $0x1  }
0xa1: {  	s23 =	simm.s32 $0x1B8B  }
0xa2: {  	_ =	swait.ge [sflag:s23], $0x1  }
0xa3: {  	[sflag:s23] =	ssyncset.done $0x0  }
0xa4: {  	s25 =	simm.s32 $0x1B8E;
	s24 =	sld [smem:$0x3FFE];
	[sflag:s23] =	ssyncadd.s32 $0xFFFFFFFF  }
0xa5: {  	s26 =	simm.s32 $execute0_lowered;
	[smem:$0x3FD2] =	sst s25  }
0xa6: {  	s4 =	sshll.u32 s26, $0x1;
	_ =	strace $0x80000046;
	[dreg:$0x1] =	wrdreg $0xFFFFFFFF  }
0xa7: {  	s28 =	simm.s32 $_size_execute0_lowered;
	s2 =	sadd.s32 s2, s4;
	[dreg:$0x0] =	wrdreg $0x0  }
0xa8: {  	s4 =	sshll.u32 s28, $0x1;
	[dreg:$0x2] =	wrdreg s2  }
0xa9: {  	[dreg:$0x3] =	wrdreg s4  }
0xaa: {  	[dreg:$0x4] =	wrdreg $0xC0  }
0xab: {  	_ =	task [dreg:s6], $0x5FFFF  }
0xac: {  	[dreg:$0x1] =	wrdreg $0xFFFFFFFF  }
0xad: {  	[dreg:$0x0] =	wrdreg $0x60  }
0xae: {  	[dreg:$0x2] =	wrdreg s24  }
0xaf: {  	[dreg:$0x3] =	wrdreg $0x68000  }
0xb0: {  	[dreg:$0x4] =	wrdreg $0x9  }
0xb1: {  	_ =	task.clear_ibuf [dreg:s6], $0x5FFFF;
	_ =	strace $0x90000046  }
0xb2: {  	s29 =	simm.s32 $0x9;
	_ =	strace $0x80000048  }
0xb3: {  	_ =	swait.ge [sflag:s29], $0x1  }
0xb4: {  	[sflag:s29] =	ssyncadd.s32 $0xFFFFFFFF  }
0xb5: {  	_ =	strace $0x90000048  }
0xb6: {  	_ =	sfence  }
0xb7: {  	s30 =	sld [smem:$0x0];
	_ =	sdelay $0x2  }
0xb8: {  	s31 =	sshll.u32 s1, $0xD;
	s1 =	sshrl.u32 s1, $0x2  }
0xb9: {  	s3 =	sand.u32 $0x4000, s31;
	s1 =	sadd.s32 s1, s30  }
0xba: {  	s0 =	sor.u32 s3, s0;
	s1 =	sshll.u32 s1, $0x11  }
0xbb: {  	s0 =	sor.u32 s1, s0  }
0xbc: {  	s0 =	sadd.s32 $0x8F2B, s0  }
0xbd: {  	[sflag:s0] =	ssyncadd.remote.s32 $0x1  }
0xbe: {  	_ =	sfence.sel $0xFFFF  }
0xbf: {  	[dreg:$0x0] =	wrdreg $0xFFFFFFFF;
	(pc) =	sbr.abs _section_cstart, $3  }
0xc0: {  	[dreg:$0x1] =	wrdreg $0xFFFFFFFF  }
0xc1: {  	_ =	task.clear_ibuf [dreg:s6], $0x2FFFF;
	_ =	strace $0x9FFFFFFF  }
0xc2: {  	(tm) =	ssettm $0x7FFFFFFF  }
0xc3: {  	_ =	shalt  }
tec
execute0_lowered:
.L_overlay_start_1:
0x0: {  	(tag) =	ssettag $0x1  }
0x1: {  	s1 =	srdreg.scid;
	s6 =	rddreg [dreg:$0x0]  }
0x2: {  	s0 =	stileid.u32;
	s2 =	rddreg [dreg:$0x1];
	s3 =	simm.s32 $0x0  }
0x3: {  	s12 =	simm.s32 $0x80;
	s5 =	sand.u32 $0x1, s1;
	s1 =	rddreg [dreg:$0x2]  }
0x4: {  	s28 =	sshll.u32 s0, $0x1;
	[smem:$0x7FF] =	sst s3;
	s10 =	smul.u32 $0x4F000, s0  }
0x5: {  	s14 =	smul.u32 $0x2780, s0;
	s31 =	sshll.u32 s0, $0x6;
	s4 =	sor.u32 s5, s28  }
0x6: {  	_ =	strace $0x80000047;
	s8 =	smul.u32 $0x27800, s5;
	s9 =	ssub.s32 $0x2, s5  }
0x7: {  	s5 =	sadd.s32 $0x16600, s6;
	s4 =	smul.u32 $0x500, s4;
	s29 =	sshrl.u32 s9, $0x1  }
0x8: {  	s30 =	sshrl.u32 s10, $0x2;
	s10 =	sor.u32 $0x1C01, s31;
	s8 =	sadd.s32 s8, s6  }
0x9: {  	s9 =	ssub.s32 s9, s29;
	s11 =	sadd.s32 s30, s2;
	s7 =	sadd.s32 s4, s6  }
0xa: {  	s4 =	sadd.s32 $0x18E00, s6;
	s13 =	sadd.s32 $0x19600, s8;
	s8 =	simm.s32 $0x1  }
0xb: {  	s11 =	sshrl.u32 s11, $0x3;
	s6 =	sadd.s32 $0x2600, s7;
	s7 =	smax.u32 s9, $0x1  }
0xc: {  	s9 =	simm.s32 $0x2800;
	s13 =	sadd.s32 s14, s13;
	s14 =	simm.s32 $0x0  }
.LBB2_1:
0xd: {  	[tilespmem:s3], [sflag:$0x1] =	stream.linear.gather [hbm4b:s6+s3], $0x2800, $0x38;
	[tilespmem:$0x1A400] =	vst v63  }
0xe: {  	_ =	swait.ge [sflag:s8], $0x2800  }
0xf: {  	[sflag:s8] =	ssyncset.done $0x0  }
0x10: {  	[sflag:s8] =	ssyncadd.s32 $0xFFFFD800  }
0x11: {  	[tilespmem:s9], [sflag:$0x1] =	stream.linear.gather [hbm4b:s4+s3], $0x4000, $0x38;
	[tilespmem:$0x1A400] =	vst v63  }
0x12: {  	_ =	swait.ge [sflag:s8], $0x4000  }
0x13: {  	[sflag:s8] =	ssyncset.done $0x0  }
0x14: {  	[sflag:s8] =	ssyncadd.s32 $0xFFFFC000  }
0x15: {  	[spmem:s11], [sflag:s10] =	dma.local [hbm:s5], $0x2780  }
0x16: {  	_ =	swait.ge [sflag:s8], $0x2780  }
0x17: {  	[sflag:s8] =	ssyncset.done $0x0  }
0x18: {  	[sflag:s8] =	ssyncadd.s32 $0xFFFFD880  }
0x19: {  	s15 =	simm.s32 $0x0;
	[bflag:$0x0] =	sbarrier.arrive $0xFFFF  }
0x1a: {  	[spmem:s2] =	stream.indirect.scatter.add.f32 [tilespmem:s9], [sflag:$0x1], $0x80, s15, s12, $0xb8;
	[tilespmem:$0x1A400] =	vst v63  }
0x1b: {  	_ =	swait.ge [sflag:s8], $0x4000  }
0x1c: {  	s15 =	simm.s32 $0x200;
	[sflag:s8] =	ssyncset.done $0x0  }
.LBB2_2:
0x1d: {  	s16 =	sshra.s32 s15, $0x2;
	[sflag:s8] =	ssyncadd.s32 $0xFFFFC000;
	p0 =	sne.s32 s15, $0x9E00  }
0x1e: {  	[spmem:s2] =	stream.indirect.scatter.add.f32 [tilespmem:s9], [sflag:$0x1], $0x80, s16, s12, $0xb8;
	[tilespmem:$0x1A400] =	vst v63  }
.Ltmp0:
0x1f: {  	_ = 	snop;
	(pc) =	sbr.rel @p0 .LBB2_2-.Ltmp0, $4  }
0x20: {  	_ = 	snop  }
0x21: {  	s15 =	sadd.s32 $0x200, s15  }
0x22: {  	_ =	swait.ge [sflag:s8], $0x4000  }
0x23: {  	[sflag:s8] =	ssyncset.done $0x0  }
0x24: {  	s14 =	sadd.s32 $0x1, s14  }
0x25: {  	[sflag:s8] =	ssyncadd.s32 $0xFFFFC000;
	p0 =	sne.s32 s14, s7  }
.Ltmp1:
0x26: {  	[bflag:$0x0] =	sbarrier.arrive $0xFFFF;
	(pc) =	sbr.rel @p0 .LBB2_1-.Ltmp1, $4  }
0x27: {  	[hbm:s13], [sflag:s10] =	dma.local [spmem:s11], $0x2780  }
0x28: {  	_ =	swait.ge [sflag:s8], $0x2780  }
0x29: {  	[sflag:s8] =	ssyncset.done $0x0  }
0x2a: {  	[sflag:s8] =	ssyncadd.s32 $0xFFFFD880  }
0x2b: {  	_ =	sfence.sel $0x180000  }
0x2c: {  	[bflag:$0x0] =	sbarrier.arrive $0xFFFF  }
0x2d: {  	p0 =	sne.s32 s0, $0x0;
	_ =	strace $0x90000047  }
0x2e: {  	s0 =	sadd.s32 @!p0 $0x100000, s1;
	[bflag:$0x2] =	sbarrier.arrive $0xFFFF  }
0x2f: {  	[sflag:s0] =	ssyncadd.tile.s32 @!p0 $0x1;
	_ =	shalt  }
.Lfunc_end2:
_tile_overlayer_lowered:
.L_overlay_start_2:
0x30: {  	(tag) =	ssettag $0x2  }
0x31: {  	s0 =	rddreg [dreg:$0x0];
	s2 =	stileid.u32  }
0x32: {  	s1 =	rddreg [dreg:$0x1];
	p0 =	sne.s32 s2, $0x0  }
0x33: {  	s3 =	rddreg [dreg:$0x2];
	[bflag:$0x3] =	sbarrier.arrive $0xFFFF;
	s2 =	simm.s32 @!p0 $0x1C01  }
0x34: {  	[timem:s3], [sflag:s2] =	dma.local @!p0 [hbm:s0], s1  }
0x35: {  	s0 =	simm.s32 @!p0 $0x1  }
0x36: {  	_ =	swait.ge @!p0 [sflag:s0], s1  }
0x37: {  	s1 =	ssub.s32 @!p0 $0x0, s1;
	[sflag:s0] =	ssyncset.done @!p0 $0x0  }
0x38: {  	[sflag:s0] =	ssyncadd.s32 @!p0 s1  }
0x39: {  	[bflag:$0x3] =	sbarrier.arrive $0xFFFF  }
0x3a: {  	_ =	shalt  }

</sc_bundles>
